<compile_context>
chip_gen: v7x
topology: tpu7x:2x2x1
jax: 0.10.2.dev20260603
libtpu: 0.0.44.dev20260713+nightly
codegen_flags: <defaults>
</compile_context>

<pallas_src>
import functools

import jax
import jax.numpy as jnp
from jax import lax
from jax.experimental import pallas as pl
from jax.experimental.pallas import tpu as pltpu
from jax.experimental.pallas import tpu_sc as plsc

_NC = 2
_NS = 16
_NW = _NC * _NS

_RING = 4
_E_CHUNK = 200

_N_GRID = 25


def _sc_edges_body(edges_hbm, out_edges_hbm, eb0, eb1, eb2, eb3,
                   sems_in, sems_out):
    wid = lax.axis_index("s") * _NC + lax.axis_index("c")
    e_rows = edges_hbm.shape[0] // _NW
    e_base = pl.multiple_of(wid * e_rows, 8)
    n_chunks = e_rows // _E_CHUNK
    ebufs = (eb0, eb1, eb2, eb3)

    def in_copy(i):
        return pltpu.make_async_copy(
            edges_hbm.at[pl.ds(e_base + i * _E_CHUNK, _E_CHUNK), :],
            ebufs[i % _RING], sems_in.at[i % _RING])

    def out_copy(i):
        return pltpu.make_async_copy(
            ebufs[i % _RING],
            out_edges_hbm.at[pl.ds(e_base + i * _E_CHUNK, _E_CHUNK), :],
            sems_out.at[i % _RING])

    for i in range(min(_RING, n_chunks)):
        in_copy(i).start()
    for i in range(n_chunks):
        in_copy(i).wait()
        out_copy(i).start()
        if i + _RING < n_chunks:
            out_copy(i).wait()
            in_copy(i + _RING).start()
    for i in range(max(n_chunks - _RING, 0), n_chunks):
        out_copy(i).wait()


def _tc_nodes_body(nodes_ref, out_nodes_ref):
    out_nodes_ref[...] = nodes_ref[...]


def kernel(node_latents_from, node_latents_to, edge_latents, edge_index,
           receivers_count):
    del node_latents_from, edge_index, receivers_count
    n_nodes, d_feat = node_latents_to.shape
    node_rows = n_nodes // _N_GRID

    mesh = plsc.VectorSubcoreMesh(
        core_axis_name="c", subcore_axis_name="s",
        num_cores=_NC, num_subcores=_NS)
    new_edges = functools.partial(
        pl.kernel,
        out_type=jax.ShapeDtypeStruct(edge_latents.shape, edge_latents.dtype),
        mesh=mesh,
        scratch_types=[
            pltpu.VMEM((_E_CHUNK, 16), jnp.float32),
            pltpu.VMEM((_E_CHUNK, 16), jnp.float32),
            pltpu.VMEM((_E_CHUNK, 16), jnp.float32),
            pltpu.VMEM((_E_CHUNK, 16), jnp.float32),
            pltpu.SemaphoreType.DMA((_RING,)),
            pltpu.SemaphoreType.DMA((_RING,)),
        ],
    )(_sc_edges_body)(edge_latents)

    new_nodes = pl.pallas_call(
        _tc_nodes_body,
        grid=(_N_GRID,),
        out_shape=jax.ShapeDtypeStruct(node_latents_to.shape,
                                       node_latents_to.dtype),
        in_specs=[pl.BlockSpec((node_rows, d_feat), lambda i: (i, 0))],
        out_specs=pl.BlockSpec((node_rows, d_feat), lambda i: (i, 0)),
    )(node_latents_to)
    return (new_nodes, new_edges)

# --- scband reference (transcript-rebuilt; emitter-appended) ---
"""Pipeline reference for scband-message-passing-jax-17901423689758 (READ-ONLY COPY).

The authoritative reference and input builder live on the scoring server;
editing this copy changes nothing except your own understanding.
"""

import jax, jax.numpy as jnp
import numpy as np


def setup_inputs(seed: int = 0) -> dict:
    key = jax.random.key(seed)
    k1, k2, k3, k4 = jax.random.split(key, 4)
    n_nodes = 10000
    n_edges = 320000
    d_feat = 128
    d_edge = 16
    node_latents_from = jax.random.normal(k1, (n_nodes, d_feat), dtype=jnp.float32)
    node_latents_to = jax.random.normal(k2, (n_nodes, d_feat), dtype=jnp.float32)
    edge_latents = jax.random.normal(k3, (n_edges, d_edge), dtype=jnp.float32)
    edge_index = jax.random.randint(k4, (2, n_edges), 0, n_nodes, dtype=jnp.int64)
    receivers_count = n_nodes
    return {
        "node_latents_from": node_latents_from,
        "node_latents_to": node_latents_to,
        "edge_latents": edge_latents,
        "edge_index": edge_index,
        "receivers_count": receivers_count,
    }


def reference(node_latents_from, node_latents_to, edge_latents, edge_index, receivers_count):
    # Faithful translation of MessagePassingJax.propagate with the base-class
    # default get_edge_inputs / message / aggregate / update implementations.
    senders = edge_index[0]
    receivers = edge_index[1]
    # gather sender / receiver node latents (memory-bound gathers)
    node_latents_senders = jnp.take(node_latents_from, senders, axis=0)
    node_latents_receivers = jnp.take(node_latents_to, receivers, axis=0)
    # get_edge_inputs: base class ignores gathered node latents, returns edge_latents
    _ = (node_latents_senders, node_latents_receivers)
    edge_inputs = edge_latents
    # message: identity
    new_edge_latents = edge_inputs
    # aggregate: base class identity (ignores receivers, receivers_count)
    aggregated_edge_latents = new_edge_latents
    # update: base class returns node_latents_to unchanged
    _ = aggregated_edge_latents
    new_node_latents = node_latents_to
    return (new_node_latents, edge_latents)

if __name__ == "__main__":
    import jax
    _d = setup_inputs()
    print(jax.jit(kernel)(*tuple(_d.values())))

</pallas_src>

<mosaic_0001>
#map = affine_map<(d0, d1) -> (0, 0)>
module attributes {stable_mosaic.version = 14 : i64} {
  func.func @_sc_edges_body(%arg0: i32, %arg1: i32, %arg2: memref<320000x16xf32, #tpu.memory_space<hbm>>, %arg3: memref<320000x16xf32, #tpu.memory_space<hbm>>, %arg4: memref<200x16xf32, #tpu.memory_space<vmem>>, %arg5: memref<200x16xf32, #tpu.memory_space<vmem>>, %arg6: memref<200x16xf32, #tpu.memory_space<vmem>>, %arg7: memref<200x16xf32, #tpu.memory_space<vmem>>, %arg8: memref<4x!tpu.dma_semaphore, #tpu.memory_space<semaphore_mem>>, %arg9: memref<4x!tpu.dma_semaphore, #tpu.memory_space<semaphore_mem>>) attributes {dimension_semantics = [#tpu.dimension_semantics<core_parallel>, #tpu.dimension_semantics<subcore_parallel>], iteration_bounds = array<i64: 2, 16>, scalar_prefetch = 0 : i64, scratch_operands = 6 : i64, tpu.core_type = #tpu.core_type<sc_vector_subcore>, window_params = [{transform_indices = #map}, {transform_indices = #map}]} {
    %mul3A = arith.constant 2 : i32
    %mul3A_0 = arith.muli %arg1, %mul3A : i32
    %add3A = arith.addi %mul3A_0, %arg0 : i32
    %mul3A_1 = arith.constant 10000 : i32
    %mul3A_2 = arith.muli %add3A, %mul3A_1 : i32
    %multiple_of3A = tpu.assume_multiple %mul3A_2, 8 : i32
    %add3A_3 = arith.constant 0 : i32
    %add3A_4 = arith.addi %multiple_of3A, %add3A_3 : i32
    %dma_start3A = arith.constant 0 : i32
    %dma_start3A_5 = arith.constant 0 : i32
    %dma_start3A_6 = tpu.memref_slice %arg2[%add3A_4, %dma_start3A_5] : memref<320000x16xf32, #tpu.memory_space<hbm>> -> memref<200x16xf32, #tpu.memory_space<hbm>>
    %dma_start3A_7 = tpu.memref_slice %arg8[%dma_start3A] : memref<4x!tpu.dma_semaphore, #tpu.memory_space<semaphore_mem>> -> memref<1x!tpu.dma_semaphore, #tpu.memory_space<semaphore_mem>>
    %dma_start3A_8 = tpu.memref_squeeze %dma_start3A_7 : memref<1x!tpu.dma_semaphore, #tpu.memory_space<semaphore_mem>> -> memref<!tpu.dma_semaphore, #tpu.memory_space<semaphore_mem>>
    %dma_start3A_9 = arith.constant 0 : i32
    %dma_start3A_10 = tpu.memref_slice %arg2[%add3A_4, %dma_start3A_9] : memref<320000x16xf32, #tpu.memory_space<hbm>> -> memref<200x16xf32, #tpu.memory_space<hbm>>
    tpu.enqueue_dma source(%dma_start3A_10 : memref<200x16xf32, #tpu.memory_space<hbm>>) target(%arg4 : memref<200x16xf32, #tpu.memory_space<vmem>>) target_semaphore(%dma_start3A_8 : memref<!tpu.dma_semaphore, #tpu.memory_space<semaphore_mem>>)
    %add3A_11 = arith.constant 200 : i32
    %add3A_12 = arith.addi %multiple_of3A, %add3A_11 : i32
    %dma_start3A_13 = arith.constant 1 : i32
    %dma_start3A_14 = arith.constant 0 : i32
    %dma_start3A_15 = tpu.memref_slice %arg2[%add3A_12, %dma_start3A_14] : memref<320000x16xf32, #tpu.memory_space<hbm>> -> memref<200x16xf32, #tpu.memory_space<hbm>>
    %dma_start3A_16 = tpu.memref_slice %arg8[%dma_start3A_13] : memref<4x!tpu.dma_semaphore, #tpu.memory_space<semaphore_mem>> -> memref<1x!tpu.dma_semaphore, #tpu.memory_space<semaphore_mem>>
    %dma_start3A_17 = tpu.memref_squeeze %dma_start3A_16 : memref<1x!tpu.dma_semaphore, #tpu.memory_space<semaphore_mem>> -> memref<!tpu.dma_semaphore, #tpu.memory_space<semaphore_mem>>
    %dma_start3A_18 = arith.constant 0 : i32
    %dma_start3A_19 = tpu.memref_slice %arg2[%add3A_12, %dma_start3A_18] : memref<320000x16xf32, #tpu.memory_space<hbm>> -> memref<200x16xf32, #tpu.memory_space<hbm>>
    tpu.enqueue_dma source(%dma_start3A_19 : memref<200x16xf32, #tpu.memory_space<hbm>>) target(%arg5 : memref<200x16xf32, #tpu.memory_space<vmem>>) target_semaphore(%dma_start3A_17 : memref<!tpu.dma_semaphore, #tpu.memory_space<semaphore_mem>>)
    %add3A_20 = arith.constant 400 : i32
    %add3A_21 = arith.addi %multiple_of3A, %add3A_20 : i32
    %dma_start3A_22 = arith.constant 2 : i32
    %dma_start3A_23 = arith.constant 0 : i32
    %dma_start3A_24 = tpu.memref_slice %arg2[%add3A_21, %dma_start3A_23] : memref<320000x16xf32, #tpu.memory_space<hbm>> -> memref<200x16xf32, #tpu.memory_space<hbm>>
    %dma_start3A_25 = tpu.memref_slice %arg8[%dma_start3A_22] : memref<4x!tpu.dma_semaphore, #tpu.memory_space<semaphore_mem>> -> memref<1x!tpu.dma_semaphore, #tpu.memory_space<semaphore_mem>>
    %dma_start3A_26 = tpu.memref_squeeze %dma_start3A_25 : memref<1x!tpu.dma_semaphore, #tpu.memory_space<semaphore_mem>> -> memref<!tpu.dma_semaphore, #tpu.memory_space<semaphore_mem>>
    %dma_start3A_27 = arith.constant 0 : i32
    %dma_start3A_28 = tpu.memref_slice %arg2[%add3A_21, %dma_start3A_27] : memref<320000x16xf32, #tpu.memory_space<hbm>> -> memref<200x16xf32, #tpu.memory_space<hbm>>
    tpu.enqueue_dma source(%dma_start3A_28 : memref<200x16xf32, #tpu.memory_space<hbm>>) target(%arg6 : memref<200x16xf32, #tpu.memory_space<vmem>>) target_semaphore(%dma_start3A_26 : memref<!tpu.dma_semaphore, #tpu.memory_space<semaphore_mem>>)
    %add3A_29 = arith.constant 600 : i32
    %add3A_30 = arith.addi %multiple_of3A, %add3A_29 : i32
    %dma_start3A_31 = arith.constant 3 : i32
    %dma_start3A_32 = arith.constant 0 : i32
    %dma_start3A_33 = tpu.memref_slice %arg2[%add3A_30, %dma_start3A_32] : memref<320000x16xf32, #tpu.memory_space<hbm>> -> memref<200x16xf32, #tpu.memory_space<hbm>>
    %dma_start3A_34 = tpu.memref_slice %arg8[%dma_start3A_31] : memref<4x!tpu.dma_semaphore, #tpu.memory_space<semaphore_mem>> -> memref<1x!tpu.dma_semaphore, #tpu.memory_space<semaphore_mem>>
    %dma_start3A_35 = tpu.memref_squeeze %dma_start3A_34 : memref<1x!tpu.dma_semaphore, #tpu.memory_space<semaphore_mem>> -> memref<!tpu.dma_semaphore, #tpu.memory_space<semaphore_mem>>
    %dma_start3A_36 = arith.constant 0 : i32
    %dma_start3A_37 = tpu.memref_slice %arg2[%add3A_30, %dma_start3A_36] : memref<320000x16xf32, #tpu.memory_space<hbm>> -> memref<200x16xf32, #tpu.memory_space<hbm>>
    tpu.enqueue_dma source(%dma_start3A_37 : memref<200x16xf32, #tpu.memory_space<hbm>>) target(%arg7 : memref<200x16xf32, #tpu.memory_space<vmem>>) target_semaphore(%dma_start3A_35 : memref<!tpu.dma_semaphore, #tpu.memory_space<semaphore_mem>>)
    %add3A_38 = arith.constant 0 : i32
    %add3A_39 = arith.addi %multiple_of3A, %add3A_38 : i32
    %dma_wait3A = arith.constant 0 : i32
    %dma_wait3A_40 = arith.constant 0 : i32
    %dma_wait3A_41 = tpu.memref_slice %arg2[%add3A_39, %dma_wait3A_40] : memref<320000x16xf32, #tpu.memory_space<hbm>> -> memref<200x16xf32, #tpu.memory_space<hbm>>
    %dma_wait3A_42 = tpu.memref_slice %arg8[%dma_wait3A] : memref<4x!tpu.dma_semaphore, #tpu.memory_space<semaphore_mem>> -> memref<1x!tpu.dma_semaphore, #tpu.memory_space<semaphore_mem>>
    %dma_wait3A_43 = tpu.memref_squeeze %dma_wait3A_42 : memref<1x!tpu.dma_semaphore, #tpu.memory_space<semaphore_mem>> -> memref<!tpu.dma_semaphore, #tpu.memory_space<semaphore_mem>>
    %dma_wait3A_44 = arith.constant 0 : i32
    %dma_wait3A_45 = tpu.memref_slice %arg2[%add3A_39, %dma_wait3A_44] : memref<320000x16xf32, #tpu.memory_space<hbm>> -> memref<200x16xf32, #tpu.memory_space<hbm>>
    tpu.wait_dma2 semaphore(%dma_wait3A_43 : memref<!tpu.dma_semaphore, #tpu.memory_space<semaphore_mem>>) src(%dma_wait3A_45 : memref<200x16xf32, #tpu.memory_space<hbm>>) dst(%arg4 : memref<200x16xf32, #tpu.memory_space<vmem>>)
    %add3A_46 = arith.constant 0 : i32
    %add3A_47 = arith.addi %multiple_of3A, %add3A_46 : i32
    %dma_start3A_48 = arith.constant 0 : i32
    %dma_start3A_49 = arith.constant 0 : i32
    %dma_start3A_50 = tpu.memref_slice %arg3[%add3A_47, %dma_start3A_49] : memref<320000x16xf32, #tpu.memory_space<hbm>> -> memref<200x16xf32, #tpu.memory_space<hbm>>
    %dma_start3A_51 = tpu.memref_slice %arg9[%dma_start3A_48] : memref<4x!tpu.dma_semaphore, #tpu.memory_space<semaphore_mem>> -> memref<1x!tpu.dma_semaphore, #tpu.memory_space<semaphore_mem>>
    %dma_start3A_52 = tpu.memref_squeeze %dma_start3A_51 : memref<1x!tpu.dma_semaphore, #tpu.memory_space<semaphore_mem>> -> memref<!tpu.dma_semaphore, #tpu.memory_space<semaphore_mem>>
    %dma_start3A_53 = arith.constant 0 : i32
    %dma_start3A_54 = tpu.memref_slice %arg3[%add3A_47, %dma_start3A_53] : memref<320000x16xf32, #tpu.memory_space<hbm>> -> memref<200x16xf32, #tpu.memory_space<hbm>>
    tpu.enqueue_dma source(%arg4 : memref<200x16xf32, #tpu.memory_space<vmem>>) target(%dma_start3A_54 : memref<200x16xf32, #tpu.memory_space<hbm>>) target_semaphore(%dma_start3A_52 : memref<!tpu.dma_semaphore, #tpu.memory_space<semaphore_mem>>)
    %add3A_55 = arith.constant 0 : i32
    %add3A_56 = arith.addi %multiple_of3A, %add3A_55 : i32
    %dma_wait3A_57 = arith.constant 0 : i32
    %dma_wait3A_58 = arith.constant 0 : i32
    %dma_wait3A_59 = tpu.memref_slice %arg3[%add3A_56, %dma_wait3A_58] : memref<320000x16xf32, #tpu.memory_space<hbm>> -> memref<200x16xf32, #tpu.memory_space<hbm>>
    %dma_wait3A_60 = tpu.memref_slice %arg9[%dma_wait3A_57] : memref<4x!tpu.dma_semaphore, #tpu.memory_space<semaphore_mem>> -> memref<1x!tpu.dma_semaphore, #tpu.memory_space<semaphore_mem>>
    %dma_wait3A_61 = tpu.memref_squeeze %dma_wait3A_60 : memref<1x!tpu.dma_semaphore, #tpu.memory_space<semaphore_mem>> -> memref<!tpu.dma_semaphore, #tpu.memory_space<semaphore_mem>>
    %dma_wait3A_62 = arith.constant 0 : i32
    %dma_wait3A_63 = tpu.memref_slice %arg3[%add3A_56, %dma_wait3A_62] : memref<320000x16xf32, #tpu.memory_space<hbm>> -> memref<200x16xf32, #tpu.memory_space<hbm>>
    tpu.wait_dma2 semaphore(%dma_wait3A_61 : memref<!tpu.dma_semaphore, #tpu.memory_space<semaphore_mem>>) src(%arg4 : memref<200x16xf32, #tpu.memory_space<vmem>>) dst(%dma_wait3A_63 : memref<200x16xf32, #tpu.memory_space<hbm>>)
    %add3A_64 = arith.constant 800 : i32
    %add3A_65 = arith.addi %multiple_of3A, %add3A_64 : i32
    %dma_start3A_66 = arith.constant 0 : i32
    %dma_start3A_67 = arith.constant 0 : i32
    %dma_start3A_68 = tpu.memref_slice %arg2[%add3A_65, %dma_start3A_67] : memref<320000x16xf32, #tpu.memory_space<hbm>> -> memref<200x16xf32, #tpu.memory_space<hbm>>
    %dma_start3A_69 = tpu.memref_slice %arg8[%dma_start3A_66] : memref<4x!tpu.dma_semaphore, #tpu.memory_space<semaphore_mem>> -> memref<1x!tpu.dma_semaphore, #tpu.memory_space<semaphore_mem>>
    %dma_start3A_70 = tpu.memref_squeeze %dma_start3A_69 : memref<1x!tpu.dma_semaphore, #tpu.memory_space<semaphore_mem>> -> memref<!tpu.dma_semaphore, #tpu.memory_space<semaphore_mem>>
    %dma_start3A_71 = arith.constant 0 : i32
    %dma_start3A_72 = tpu.memref_slice %arg2[%add3A_65, %dma_start3A_71] : memref<320000x16xf32, #tpu.memory_space<hbm>> -> memref<200x16xf32, #tpu.memory_space<hbm>>
    tpu.enqueue_dma source(%dma_start3A_72 : memref<200x16xf32, #tpu.memory_space<hbm>>) target(%arg4 : memref<200x16xf32, #tpu.memory_space<vmem>>) target_semaphore(%dma_start3A_70 : memref<!tpu.dma_semaphore, #tpu.memory_space<semaphore_mem>>)
    %add3A_73 = arith.constant 200 : i32
    %add3A_74 = arith.addi %multiple_of3A, %add3A_73 : i32
    %dma_wait3A_75 = arith.constant 1 : i32
    %dma_wait3A_76 = arith.constant 0 : i32
    %dma_wait3A_77 = tpu.memref_slice %arg2[%add3A_74, %dma_wait3A_76] : memref<320000x16xf32, #tpu.memory_space<hbm>> -> memref<200x16xf32, #tpu.memory_space<hbm>>
    %dma_wait3A_78 = tpu.memref_slice %arg8[%dma_wait3A_75] : memref<4x!tpu.dma_semaphore, #tpu.memory_space<semaphore_mem>> -> memref<1x!tpu.dma_semaphore, #tpu.memory_space<semaphore_mem>>
    %dma_wait3A_79 = tpu.memref_squeeze %dma_wait3A_78 : memref<1x!tpu.dma_semaphore, #tpu.memory_space<semaphore_mem>> -> memref<!tpu.dma_semaphore, #tpu.memory_space<semaphore_mem>>
    %dma_wait3A_80 = arith.constant 0 : i32
    %dma_wait3A_81 = tpu.memref_slice %arg2[%add3A_74, %dma_wait3A_80] : memref<320000x16xf32, #tpu.memory_space<hbm>> -> memref<200x16xf32, #tpu.memory_space<hbm>>
    tpu.wait_dma2 semaphore(%dma_wait3A_79 : memref<!tpu.dma_semaphore, #tpu.memory_space<semaphore_mem>>) src(%dma_wait3A_81 : memref<200x16xf32, #tpu.memory_space<hbm>>) dst(%arg5 : memref<200x16xf32, #tpu.memory_space<vmem>>)
    %add3A_82 = arith.constant 200 : i32
    %add3A_83 = arith.addi %multiple_of3A, %add3A_82 : i32
    %dma_start3A_84 = arith.constant 1 : i32
    %dma_start3A_85 = arith.constant 0 : i32
    %dma_start3A_86 = tpu.memref_slice %arg3[%add3A_83, %dma_start3A_85] : memref<320000x16xf32, #tpu.memory_space<hbm>> -> memref<200x16xf32, #tpu.memory_space<hbm>>
    %dma_start3A_87 = tpu.memref_slice %arg9[%dma_start3A_84] : memref<4x!tpu.dma_semaphore, #tpu.memory_space<semaphore_mem>> -> memref<1x!tpu.dma_semaphore, #tpu.memory_space<semaphore_mem>>
    %dma_start3A_88 = tpu.memref_squeeze %dma_start3A_87 : memref<1x!tpu.dma_semaphore, #tpu.memory_space<semaphore_mem>> -> memref<!tpu.dma_semaphore, #tpu.memory_space<semaphore_mem>>
    %dma_start3A_89 = arith.constant 0 : i32
    %dma_start3A_90 = tpu.memref_slice %arg3[%add3A_83, %dma_start3A_89] : memref<320000x16xf32, #tpu.memory_space<hbm>> -> memref<200x16xf32, #tpu.memory_space<hbm>>
    tpu.enqueue_dma source(%arg5 : memref<200x16xf32, #tpu.memory_space<vmem>>) target(%dma_start3A_90 : memref<200x16xf32, #tpu.memory_space<hbm>>) target_semaphore(%dma_start3A_88 : memref<!tpu.dma_semaphore, #tpu.memory_space<semaphore_mem>>)
    %add3A_91 = arith.constant 200 : i32
    %add3A_92 = arith.addi %multiple_of3A, %add3A_91 : i32
    %dma_wait3A_93 = arith.constant 1 : i32
    %dma_wait3A_94 = arith.constant 0 : i32
    %dma_wait3A_95 = tpu.memref_slice %arg3[%add3A_92, %dma_wait3A_94] : memref<320000x16xf32, #tpu.memory_space<hbm>> -> memref<200x16xf32, #tpu.memory_space<hbm>>
    %dma_wait3A_96 = tpu.memref_slice %arg9[%dma_wait3A_93] : memref<4x!tpu.dma_semaphore, #tpu.memory_space<semaphore_mem>> -> memref<1x!tpu.dma_semaphore, #tpu.memory_space<semaphore_mem>>
    %dma_wait3A_97 = tpu.memref_squeeze %dma_wait3A_96 : memref<1x!tpu.dma_semaphore, #tpu.memory_space<semaphore_mem>> -> memref<!tpu.dma_semaphore, #tpu.memory_space<semaphore_mem>>
    %dma_wait3A_98 = arith.constant 0 : i32
    %dma_wait3A_99 = tpu.memref_slice %arg3[%add3A_92, %dma_wait3A_98] : memref<320000x16xf32, #tpu.memory_space<hbm>> -> memref<200x16xf32, #tpu.memory_space<hbm>>
    tpu.wait_dma2 semaphore(%dma_wait3A_97 : memref<!tpu.dma_semaphore, #tpu.memory_space<semaphore_mem>>) src(%arg5 : memref<200x16xf32, #tpu.memory_space<vmem>>) dst(%dma_wait3A_99 : memref<200x16xf32, #tpu.memory_space<hbm>>)
    %add3A_100 = arith.constant 1000 : i32
    %add3A_101 = arith.addi %multiple_of3A, %add3A_100 : i32
    %dma_start3A_102 = arith.constant 1 : i32
    %dma_start3A_103 = arith.constant 0 : i32
    %dma_start3A_104 = tpu.memref_slice %arg2[%add3A_101, %dma_start3A_103] : memref<320000x16xf32, #tpu.memory_space<hbm>> -> memref<200x16xf32, #tpu.memory_space<hbm>>
    %dma_start3A_105 = tpu.memref_slice %arg8[%dma_start3A_102] : memref<4x!tpu.dma_semaphore, #tpu.memory_space<semaphore_mem>> -> memref<1x!tpu.dma_semaphore, #tpu.memory_space<semaphore_mem>>
    %dma_start3A_106 = tpu.memref_squeeze %dma_start3A_105 : memref<1x!tpu.dma_semaphore, #tpu.memory_space<semaphore_mem>> -> memref<!tpu.dma_semaphore, #tpu.memory_space<semaphore_mem>>
    %dma_start3A_107 = arith.constant 0 : i32
    %dma_start3A_108 = tpu.memref_slice %arg2[%add3A_101, %dma_start3A_107] : memref<320000x16xf32, #tpu.memory_space<hbm>> -> memref<200x16xf32, #tpu.memory_space<hbm>>
    tpu.enqueue_dma source(%dma_start3A_108 : memref<200x16xf32, #tpu.memory_space<hbm>>) target(%arg5 : memref<200x16xf32, #tpu.memory_space<vmem>>) target_semaphore(%dma_start3A_106 : memref<!tpu.dma_semaphore, #tpu.memory_space<semaphore_mem>>)
    %add3A_109 = arith.constant 400 : i32
    %add3A_110 = arith.addi %multiple_of3A, %add3A_109 : i32
    %dma_wait3A_111 = arith.constant 2 : i32
    %dma_wait3A_112 = arith.constant 0 : i32
    %dma_wait3A_113 = tpu.memref_slice %arg2[%add3A_110, %dma_wait3A_112] : memref<320000x16xf32, #tpu.memory_space<hbm>> -> memref<200x16xf32, #tpu.memory_space<hbm>>
    %dma_wait3A_114 = tpu.memref_slice %arg8[%dma_wait3A_111] : memref<4x!tpu.dma_semaphore, #tpu.memory_space<semaphore_mem>> -> memref<1x!tpu.dma_semaphore, #tpu.memory_space<semaphore_mem>>
    %dma_wait3A_115 = tpu.memref_squeeze %dma_wait3A_114 : memref<1x!tpu.dma_semaphore, #tpu.memory_space<semaphore_mem>> -> memref<!tpu.dma_semaphore, #tpu.memory_space<semaphore_mem>>
    %dma_wait3A_116 = arith.constant 0 : i32
    %dma_wait3A_117 = tpu.memref_slice %arg2[%add3A_110, %dma_wait3A_116] : memref<320000x16xf32, #tpu.memory_space<hbm>> -> memref<200x16xf32, #tpu.memory_space<hbm>>
    tpu.wait_dma2 semaphore(%dma_wait3A_115 : memref<!tpu.dma_semaphore, #tpu.memory_space<semaphore_mem>>) src(%dma_wait3A_117 : memref<200x16xf32, #tpu.memory_space<hbm>>) dst(%arg6 : memref<200x16xf32, #tpu.memory_space<vmem>>)
    %add3A_118 = arith.constant 400 : i32
    %add3A_119 = arith.addi %multiple_of3A, %add3A_118 : i32
    %dma_start3A_120 = arith.constant 2 : i32
    %dma_start3A_121 = arith.constant 0 : i32
    %dma_start3A_122 = tpu.memref_slice %arg3[%add3A_119, %dma_start3A_121] : memref<320000x16xf32, #tpu.memory_space<hbm>> -> memref<200x16xf32, #tpu.memory_space<hbm>>
    %dma_start3A_123 = tpu.memref_slice %arg9[%dma_start3A_120] : memref<4x!tpu.dma_semaphore, #tpu.memory_space<semaphore_mem>> -> memref<1x!tpu.dma_semaphore, #tpu.memory_space<semaphore_mem>>
    %dma_start3A_124 = tpu.memref_squeeze %dma_start3A_123 : memref<1x!tpu.dma_semaphore, #tpu.memory_space<semaphore_mem>> -> memref<!tpu.dma_semaphore, #tpu.memory_space<semaphore_mem>>
    %dma_start3A_125 = arith.constant 0 : i32
    %dma_start3A_126 = tpu.memref_slice %arg3[%add3A_119, %dma_start3A_125] : memref<320000x16xf32, #tpu.memory_space<hbm>> -> memref<200x16xf32, #tpu.memory_space<hbm>>
    tpu.enqueue_dma source(%arg6 : memref<200x16xf32, #tpu.memory_space<vmem>>) target(%dma_start3A_126 : memref<200x16xf32, #tpu.memory_space<hbm>>) target_semaphore(%dma_start3A_124 : memref<!tpu.dma_semaphore, #tpu.memory_space<semaphore_mem>>)
    %add3A_127 = arith.constant 400 : i32
    %add3A_128 = arith.addi %multiple_of3A, %add3A_127 : i32
    %dma_wait3A_129 = arith.constant 2 : i32
    %dma_wait3A_130 = arith.constant 0 : i32
    %dma_wait3A_131 = tpu.memref_slice %arg3[%add3A_128, %dma_wait3A_130] : memref<320000x16xf32, #tpu.memory_space<hbm>> -> memref<200x16xf32, #tpu.memory_space<hbm>>
    %dma_wait3A_132 = tpu.memref_slice %arg9[%dma_wait3A_129] : memref<4x!tpu.dma_semaphore, #tpu.memory_space<semaphore_mem>> -> memref<1x!tpu.dma_semaphore, #tpu.memory_space<semaphore_mem>>
    %dma_wait3A_133 = tpu.memref_squeeze %dma_wait3A_132 : memref<1x!tpu.dma_semaphore, #tpu.memory_space<semaphore_mem>> -> memref<!tpu.dma_semaphore, #tpu.memory_space<semaphore_mem>>
    %dma_wait3A_134 = arith.constant 0 : i32
    %dma_wait3A_135 = tpu.memref_slice %arg3[%add3A_128, %dma_wait3A_134] : memref<320000x16xf32, #tpu.memory_space<hbm>> -> memref<200x16xf32, #tpu.memory_space<hbm>>
    tpu.wait_dma2 semaphore(%dma_wait3A_133 : memref<!tpu.dma_semaphore, #tpu.memory_space<semaphore_mem>>) src(%arg6 : memref<200x16xf32, #tpu.memory_space<vmem>>) dst(%dma_wait3A_135 : memref<200x16xf32, #tpu.memory_space<hbm>>)
    %add3A_136 = arith.constant 1200 : i32
    %add3A_137 = arith.addi %multiple_of3A, %add3A_136 : i32
    %dma_start3A_138 = arith.constant 2 : i32
    %dma_start3A_139 = arith.constant 0 : i32
    %dma_start3A_140 = tpu.memref_slice %arg2[%add3A_137, %dma_start3A_139] : memref<320000x16xf32, #tpu.memory_space<hbm>> -> memref<200x16xf32, #tpu.memory_space<hbm>>
    %dma_start3A_141 = tpu.memref_slice %arg8[%dma_start3A_138] : memref<4x!tpu.dma_semaphore, #tpu.memory_space<semaphore_mem>> -> memref<1x!tpu.dma_semaphore, #tpu.memory_space<semaphore_mem>>
    %dma_start3A_142 = tpu.memref_squeeze %dma_start3A_141 : memref<1x!tpu.dma_semaphore, #tpu.memory_space<semaphore_mem>> -> memref<!tpu.dma_semaphore, #tpu.memory_space<semaphore_mem>>
    %dma_start3A_143 = arith.constant 0 : i32
    %dma_start3A_144 = tpu.memref_slice %arg2[%add3A_137, %dma_start3A_143] : memref<320000x16xf32, #tpu.memory_space<hbm>> -> memref<200x16xf32, #tpu.memory_space<hbm>>
    tpu.enqueue_dma source(%dma_start3A_144 : memref<200x16xf32, #tpu.memory_space<hbm>>) target(%arg6 : memref<200x16xf32, #tpu.memory_space<vmem>>) target_semaphore(%dma_start3A_142 : memref<!tpu.dma_semaphore, #tpu.memory_space<semaphore_mem>>)
    %add3A_145 = arith.constant 600 : i32
    %add3A_146 = arith.addi %multiple_of3A, %add3A_145 : i32
    %dma_wait3A_147 = arith.constant 3 : i32
    %dma_wait3A_148 = arith.constant 0 : i32
    %dma_wait3A_149 = tpu.memref_slice %arg2[%add3A_146, %dma_wait3A_148] : memref<320000x16xf32, #tpu.memory_space<hbm>> -> memref<200x16xf32, #tpu.memory_space<hbm>>
    %dma_wait3A_150 = tpu.memref_slice %arg8[%dma_wait3A_147] : memref<4x!tpu.dma_semaphore, #tpu.memory_space<semaphore_mem>> -> memref<1x!tpu.dma_semaphore, #tpu.memory_space<semaphore_mem>>
    %dma_wait3A_151 = tpu.memref_squeeze %dma_wait3A_150 : memref<1x!tpu.dma_semaphore, #tpu.memory_space<semaphore_mem>> -> memref<!tpu.dma_semaphore, #tpu.memory_space<semaphore_mem>>
    %dma_wait3A_152 = arith.constant 0 : i32
    %dma_wait3A_153 = tpu.memref_slice %arg2[%add3A_146, %dma_wait3A_152] : memref<320000x16xf32, #tpu.memory_space<hbm>> -> memref<200x16xf32, #tpu.memory_space<hbm>>
    tpu.wait_dma2 semaphore(%dma_wait3A_151 : memref<!tpu.dma_semaphore, #tpu.memory_space<semaphore_mem>>) src(%dma_wait3A_153 : memref<200x16xf32, #tpu.memory_space<hbm>>) dst(%arg7 : memref<200x16xf32, #tpu.memory_space<vmem>>)
    %add3A_154 = arith.constant 600 : i32
    %add3A_155 = arith.addi %multiple_of3A, %add3A_154 : i32
    %dma_start3A_156 = arith.constant 3 : i32
    %dma_start3A_157 = arith.constant 0 : i32
    %dma_start3A_158 = tpu.memref_slice %arg3[%add3A_155, %dma_start3A_157] : memref<320000x16xf32, #tpu.memory_space<hbm>> -> memref<200x16xf32, #tpu.memory_space<hbm>>
    %dma_start3A_159 = tpu.memref_slice %arg9[%dma_start3A_156] : memref<4x!tpu.dma_semaphore, #tpu.memory_space<semaphore_mem>> -> memref<1x!tpu.dma_semaphore, #tpu.memory_space<semaphore_mem>>
    %dma_start3A_160 = tpu.memref_squeeze %dma_start3A_159 : memref<1x!tpu.dma_semaphore, #tpu.memory_space<semaphore_mem>> -> memref<!tpu.dma_semaphore, #tpu.memory_space<semaphore_mem>>
    %dma_start3A_161 = arith.constant 0 : i32
    %dma_start3A_162 = tpu.memref_slice %arg3[%add3A_155, %dma_start3A_161] : memref<320000x16xf32, #tpu.memory_space<hbm>> -> memref<200x16xf32, #tpu.memory_space<hbm>>
    tpu.enqueue_dma source(%arg7 : memref<200x16xf32, #tpu.memory_space<vmem>>) target(%dma_start3A_162 : memref<200x16xf32, #tpu.memory_space<hbm>>) target_semaphore(%dma_start3A_160 : memref<!tpu.dma_semaphore, #tpu.memory_space<semaphore_mem>>)
    %add3A_163 = arith.constant 600 : i32
    %add3A_164 = arith.addi %multiple_of3A, %add3A_163 : i32
    %dma_wait3A_165 = arith.constant 3 : i32
    %dma_wait3A_166 = arith.constant 0 : i32
    %dma_wait3A_167 = tpu.memref_slice %arg3[%add3A_164, %dma_wait3A_166] : memref<320000x16xf32, #tpu.memory_space<hbm>> -> memref<200x16xf32, #tpu.memory_space<hbm>>
    %dma_wait3A_168 = tpu.memref_slice %arg9[%dma_wait3A_165] : memref<4x!tpu.dma_semaphore, #tpu.memory_space<semaphore_mem>> -> memref<1x!tpu.dma_semaphore, #tpu.memory_space<semaphore_mem>>
    %dma_wait3A_169 = tpu.memref_squeeze %dma_wait3A_168 : memref<1x!tpu.dma_semaphore, #tpu.memory_space<semaphore_mem>> -> memref<!tpu.dma_semaphore, #tpu.memory_space<semaphore_mem>>
    %dma_wait3A_170 = arith.constant 0 : i32
    %dma_wait3A_171 = tpu.memref_slice %arg3[%add3A_164, %dma_wait3A_170] : memref<320000x16xf32, #tpu.memory_space<hbm>> -> memref<200x16xf32, #tpu.memory_space<hbm>>
    tpu.wait_dma2 semaphore(%dma_wait3A_169 : memref<!tpu.dma_semaphore, #tpu.memory_space<semaphore_mem>>) src(%arg7 : memref<200x16xf32, #tpu.memory_space<vmem>>) dst(%dma_wait3A_171 : memref<200x16xf32, #tpu.memory_space<hbm>>)
    %add3A_172 = arith.constant 1400 : i32
    %add3A_173 = arith.addi %multiple_of3A, %add3A_172 : i32
    %dma_start3A_174 = arith.constant 3 : i32
    %dma_start3A_175 = arith.constant 0 : i32
    %dma_start3A_176 = tpu.memref_slice %arg2[%add3A_173, %dma_start3A_175] : memref<320000x16xf32, #tpu.memory_space<hbm>> -> memref<200x16xf32, #tpu.memory_space<hbm>>
    %dma_start3A_177 = tpu.memref_slice %arg8[%dma_start3A_174] : memref<4x!tpu.dma_semaphore, #tpu.memory_space<semaphore_mem>> -> memref<1x!tpu.dma_semaphore, #tpu.memory_space<semaphore_mem>>
    %dma_start3A_178 = tpu.memref_squeeze %dma_start3A_177 : memref<1x!tpu.dma_semaphore, #tpu.memory_space<semaphore_mem>> -> memref<!tpu.dma_semaphore, #tpu.memory_space<semaphore_mem>>
    %dma_start3A_179 = arith.constant 0 : i32
    %dma_start3A_180 = tpu.memref_slice %arg2[%add3A_173, %dma_start3A_179] : memref<320000x16xf32, #tpu.memory_space<hbm>> -> memref<200x16xf32, #tpu.memory_space<hbm>>
    tpu.enqueue_dma source(%dma_start3A_180 : memref<200x16xf32, #tpu.memory_space<hbm>>) target(%arg7 : memref<200x16xf32, #tpu.memory_space<vmem>>) target_semaphore(%dma_start3A_178 : memref<!tpu.dma_semaphore, #tpu.memory_space<semaphore_mem>>)
    %add3A_181 = arith.constant 800 : i32
    %add3A_182 = arith.addi %multiple_of3A, %add3A_181 : i32
    %dma_wait3A_183 = arith.constant 0 : i32
    %dma_wait3A_184 = arith.constant 0 : i32
    %dma_wait3A_185 = tpu.memref_slice %arg2[%add3A_182, %dma_wait3A_184] : memref<320000x16xf32, #tpu.memory_space<hbm>> -> memref<200x16xf32, #tpu.memory_space<hbm>>
    %dma_wait3A_186 = tpu.memref_slice %arg8[%dma_wait3A_183] : memref<4x!tpu.dma_semaphore, #tpu.memory_space<semaphore_mem>> -> memref<1x!tpu.dma_semaphore, #tpu.memory_space<semaphore_mem>>
    %dma_wait3A_187 = tpu.memref_squeeze %dma_wait3A_186 : memref<1x!tpu.dma_semaphore, #tpu.memory_space<semaphore_mem>> -> memref<!tpu.dma_semaphore, #tpu.memory_space<semaphore_mem>>
    %dma_wait3A_188 = arith.constant 0 : i32
    %dma_wait3A_189 = tpu.memref_slice %arg2[%add3A_182, %dma_wait3A_188] : memref<320000x16xf32, #tpu.memory_space<hbm>> -> memref<200x16xf32, #tpu.memory_space<hbm>>
    tpu.wait_dma2 semaphore(%dma_wait3A_187 : memref<!tpu.dma_semaphore, #tpu.memory_space<semaphore_mem>>) src(%dma_wait3A_189 : memref<200x16xf32, #tpu.memory_space<hbm>>) dst(%arg4 : memref<200x16xf32, #tpu.memory_space<vmem>>)
    %add3A_190 = arith.constant 800 : i32
    %add3A_191 = arith.addi %multiple_of3A, %add3A_190 : i32
    %dma_start3A_192 = arith.constant 0 : i32
    %dma_start3A_193 = arith.constant 0 : i32
    %dma_start3A_194 = tpu.memref_slice %arg3[%add3A_191, %dma_start3A_193] : memref<320000x16xf32, #tpu.memory_space<hbm>> -> memref<200x16xf32, #tpu.memory_space<hbm>>
    %dma_start3A_195 = tpu.memref_slice %arg9[%dma_start3A_192] : memref<4x!tpu.dma_semaphore, #tpu.memory_space<semaphore_mem>> -> memref<1x!tpu.dma_semaphore, #tpu.memory_space<semaphore_mem>>
    %dma_start3A_196 = tpu.memref_squeeze %dma_start3A_195 : memref<1x!tpu.dma_semaphore, #tpu.memory_space<semaphore_mem>> -> memref<!tpu.dma_semaphore, #tpu.memory_space<semaphore_mem>>
    %dma_start3A_197 = arith.constant 0 : i32
    %dma_start3A_198 = tpu.memref_slice %arg3[%add3A_191, %dma_start3A_197] : memref<320000x16xf32, #tpu.memory_space<hbm>> -> memref<200x16xf32, #tpu.memory_space<hbm>>
    tpu.enqueue_dma source(%arg4 : memref<200x16xf32, #tpu.memory_space<vmem>>) target(%dma_start3A_198 : memref<200x16xf32, #tpu.memory_space<hbm>>) target_semaphore(%dma_start3A_196 : memref<!tpu.dma_semaphore, #tpu.memory_space<semaphore_mem>>)
    %add3A_199 = arith.constant 800 : i32
    %add3A_200 = arith.addi %multiple_of3A, %add3A_199 : i32
    %dma_wait3A_201 = arith.constant 0 : i32
    %dma_wait3A_202 = arith.constant 0 : i32
    %dma_wait3A_203 = tpu.memref_slice %arg3[%add3A_200, %dma_wait3A_202] : memref<320000x16xf32, #tpu.memory_space<hbm>> -> memref<200x16xf32, #tpu.memory_space<hbm>>
    %dma_wait3A_204 = tpu.memref_slice %arg9[%dma_wait3A_201] : memref<4x!tpu.dma_semaphore, #tpu.memory_space<semaphore_mem>> -> memref<1x!tpu.dma_semaphore, #tpu.memory_space<semaphore_mem>>
    %dma_wait3A_205 = tpu.memref_squeeze %dma_wait3A_204 : memref<1x!tpu.dma_semaphore, #tpu.memory_space<semaphore_mem>> -> memref<!tpu.dma_semaphore, #tpu.memory_space<semaphore_mem>>
    %dma_wait3A_206 = arith.constant 0 : i32
    %dma_wait3A_207 = tpu.memref_slice %arg3[%add3A_200, %dma_wait3A_206] : memref<320000x16xf32, #tpu.memory_space<hbm>> -> memref<200x16xf32, #tpu.memory_space<hbm>>
    tpu.wait_dma2 semaphore(%dma_wait3A_205 : memref<!tpu.dma_semaphore, #tpu.memory_space<semaphore_mem>>) src(%arg4 : memref<200x16xf32, #tpu.memory_space<vmem>>) dst(%dma_wait3A_207 : memref<200x16xf32, #tpu.memory_space<hbm>>)
    %add3A_208 = arith.constant 1600 : i32
    %add3A_209 = arith.addi %multiple_of3A, %add3A_208 : i32
    %dma_start3A_210 = arith.constant 0 : i32
    %dma_start3A_211 = arith.constant 0 : i32
    %dma_start3A_212 = tpu.memref_slice %arg2[%add3A_209, %dma_start3A_211] : memref<320000x16xf32, #tpu.memory_space<hbm>> -> memref<200x16xf32, #tpu.memory_space<hbm>>
    %dma_start3A_213 = tpu.memref_slice %arg8[%dma_start3A_210] : memref<4x!tpu.dma_semaphore, #tpu.memory_space<semaphore_mem>> -> memref<1x!tpu.dma_semaphore, #tpu.memory_space<semaphore_mem>>
    %dma_start3A_214 = tpu.memref_squeeze %dma_start3A_213 : memref<1x!tpu.dma_semaphore, #tpu.memory_space<semaphore_mem>> -> memref<!tpu.dma_semaphore, #tpu.memory_space<semaphore_mem>>
    %dma_start3A_215 = arith.constant 0 : i32
    %dma_start3A_216 = tpu.memref_slice %arg2[%add3A_209, %dma_start3A_215] : memref<320000x16xf32, #tpu.memory_space<hbm>> -> memref<200x16xf32, #tpu.memory_space<hbm>>
    tpu.enqueue_dma source(%dma_start3A_216 : memref<200x16xf32, #tpu.memory_space<hbm>>) target(%arg4 : memref<200x16xf32, #tpu.memory_space<vmem>>) target_semaphore(%dma_start3A_214 : memref<!tpu.dma_semaphore, #tpu.memory_space<semaphore_mem>>)
    %add3A_217 = arith.constant 1000 : i32
    %add3A_218 = arith.addi %multiple_of3A, %add3A_217 : i32
    %dma_wait3A_219 = arith.constant 1 : i32
    %dma_wait3A_220 = arith.constant 0 : i32
    %dma_wait3A_221 = tpu.memref_slice %arg2[%add3A_218, %dma_wait3A_220] : memref<320000x16xf32, #tpu.memory_space<hbm>> -> memref<200x16xf32, #tpu.memory_space<hbm>>
    %dma_wait3A_222 = tpu.memref_slice %arg8[%dma_wait3A_219] : memref<4x!tpu.dma_semaphore, #tpu.memory_space<semaphore_mem>> -> memref<1x!tpu.dma_semaphore, #tpu.memory_space<semaphore_mem>>
    %dma_wait3A_223 = tpu.memref_squeeze %dma_wait3A_222 : memref<1x!tpu.dma_semaphore, #tpu.memory_space<semaphore_mem>> -> memref<!tpu.dma_semaphore, #tpu.memory_space<semaphore_mem>>
    %dma_wait3A_224 = arith.constant 0 : i32
    %dma_wait3A_225 = tpu.memref_slice %arg2[%add3A_218, %dma_wait3A_224] : memref<320000x16xf32, #tpu.memory_space<hbm>> -> memref<200x16xf32, #tpu.memory_space<hbm>>
    tpu.wait_dma2 semaphore(%dma_wait3A_223 : memref<!tpu.dma_semaphore, #tpu.memory_space<semaphore_mem>>) src(%dma_wait3A_225 : memref<200x16xf32, #tpu.memory_space<hbm>>) dst(%arg5 : memref<200x16xf32, #tpu.memory_space<vmem>>)
    %add3A_226 = arith.constant 1000 : i32
    %add3A_227 = arith.addi %multiple_of3A, %add3A_226 : i32
    %dma_start3A_228 = arith.constant 1 : i32
    %dma_start3A_229 = arith.constant 0 : i32
    %dma_start3A_230 = tpu.memref_slice %arg3[%add3A_227, %dma_start3A_229] : memref<320000x16xf32, #tpu.memory_space<hbm>> -> memref<200x16xf32, #tpu.memory_space<hbm>>
    %dma_start3A_231 = tpu.memref_slice %arg9[%dma_start3A_228] : memref<4x!tpu.dma_semaphore, #tpu.memory_space<semaphore_mem>> -> memref<1x!tpu.dma_semaphore, #tpu.memory_space<semaphore_mem>>
    %dma_start3A_232 = tpu.memref_squeeze %dma_start3A_231 : memref<1x!tpu.dma_semaphore, #tpu.memory_space<semaphore_mem>> -> memref<!tpu.dma_semaphore, #tpu.memory_space<semaphore_mem>>
    %dma_start3A_233 = arith.constant 0 : i32
    %dma_start3A_234 = tpu.memref_slice %arg3[%add3A_227, %dma_start3A_233] : memref<320000x16xf32, #tpu.memory_space<hbm>> -> memref<200x16xf32, #tpu.memory_space<hbm>>
    tpu.enqueue_dma source(%arg5 : memref<200x16xf32, #tpu.memory_space<vmem>>) target(%dma_start3A_234 : memref<200x16xf32, #tpu.memory_space<hbm>>) target_semaphore(%dma_start3A_232 : memref<!tpu.dma_semaphore, #tpu.memory_space<semaphore_mem>>)
    %add3A_235 = arith.constant 1000 : i32
    %add3A_236 = arith.addi %multiple_of3A, %add3A_235 : i32
    %dma_wait3A_237 = arith.constant 1 : i32
    %dma_wait3A_238 = arith.constant 0 : i32
    %dma_wait3A_239 = tpu.memref_slice %arg3[%add3A_236, %dma_wait3A_238] : memref<320000x16xf32, #tpu.memory_space<hbm>> -> memref<200x16xf32, #tpu.memory_space<hbm>>
    %dma_wait3A_240 = tpu.memref_slice %arg9[%dma_wait3A_237] : memref<4x!tpu.dma_semaphore, #tpu.memory_space<semaphore_mem>> -> memref<1x!tpu.dma_semaphore, #tpu.memory_space<semaphore_mem>>
    %dma_wait3A_241 = tpu.memref_squeeze %dma_wait3A_240 : memref<1x!tpu.dma_semaphore, #tpu.memory_space<semaphore_mem>> -> memref<!tpu.dma_semaphore, #tpu.memory_space<semaphore_mem>>
    %dma_wait3A_242 = arith.constant 0 : i32
    %dma_wait3A_243 = tpu.memref_slice %arg3[%add3A_236, %dma_wait3A_242] : memref<320000x16xf32, #tpu.memory_space<hbm>> -> memref<200x16xf32, #tpu.memory_space<hbm>>
    tpu.wait_dma2 semaphore(%dma_wait3A_241 : memref<!tpu.dma_semaphore, #tpu.memory_space<semaphore_mem>>) src(%arg5 : memref<200x16xf32, #tpu.memory_space<vmem>>) dst(%dma_wait3A_243 : memref<200x16xf32, #tpu.memory_space<hbm>>)
    %add3A_244 = arith.constant 1800 : i32
    %add3A_245 = arith.addi %multiple_of3A, %add3A_244 : i32
    %dma_start3A_246 = arith.constant 1 : i32
    %dma_start3A_247 = arith.constant 0 : i32
    %dma_start3A_248 = tpu.memref_slice %arg2[%add3A_245, %dma_start3A_247] : memref<320000x16xf32, #tpu.memory_space<hbm>> -> memref<200x16xf32, #tpu.memory_space<hbm>>
    %dma_start3A_249 = tpu.memref_slice %arg8[%dma_start3A_246] : memref<4x!tpu.dma_semaphore, #tpu.memory_space<semaphore_mem>> -> memref<1x!tpu.dma_semaphore, #tpu.memory_space<semaphore_mem>>
    %dma_start3A_250 = tpu.memref_squeeze %dma_start3A_249 : memref<1x!tpu.dma_semaphore, #tpu.memory_space<semaphore_mem>> -> memref<!tpu.dma_semaphore, #tpu.memory_space<semaphore_mem>>
    %dma_start3A_251 = arith.constant 0 : i32
    %dma_start3A_252 = tpu.memref_slice %arg2[%add3A_245, %dma_start3A_251] : memref<320000x16xf32, #tpu.memory_space<hbm>> -> memref<200x16xf32, #tpu.memory_space<hbm>>
    tpu.enqueue_dma source(%dma_start3A_252 : memref<200x16xf32, #tpu.memory_space<hbm>>) target(%arg5 : memref<200x16xf32, #tpu.memory_space<vmem>>) target_semaphore(%dma_start3A_250 : memref<!tpu.dma_semaphore, #tpu.memory_space<semaphore_mem>>)
    %add3A_253 = arith.constant 1200 : i32
    %add3A_254 = arith.addi %multiple_of3A, %add3A_253 : i32
    %dma_wait3A_255 = arith.constant 2 : i32
    %dma_wait3A_256 = arith.constant 0 : i32
    %dma_wait3A_257 = tpu.memref_slice %arg2[%add3A_254, %dma_wait3A_256] : memref<320000x16xf32, #tpu.memory_space<hbm>> -> memref<200x16xf32, #tpu.memory_space<hbm>>
    %dma_wait3A_258 = tpu.memref_slice %arg8[%dma_wait3A_255] : memref<4x!tpu.dma_semaphore, #tpu.memory_space<semaphore_mem>> -> memref<1x!tpu.dma_semaphore, #tpu.memory_space<semaphore_mem>>
    %dma_wait3A_259 = tpu.memref_squeeze %dma_wait3A_258 : memref<1x!tpu.dma_semaphore, #tpu.memory_space<semaphore_mem>> -> memref<!tpu.dma_semaphore, #tpu.memory_space<semaphore_mem>>
    %dma_wait3A_260 = arith.constant 0 : i32
    %dma_wait3A_261 = tpu.memref_slice %arg2[%add3A_254, %dma_wait3A_260] : memref<320000x16xf32, #tpu.memory_space<hbm>> -> memref<200x16xf32, #tpu.memory_space<hbm>>
    tpu.wait_dma2 semaphore(%dma_wait3A_259 : memref<!tpu.dma_semaphore, #tpu.memory_space<semaphore_mem>>) src(%dma_wait3A_261 : memref<200x16xf32, #tpu.memory_space<hbm>>) dst(%arg6 : memref<200x16xf32, #tpu.memory_space<vmem>>)
    %add3A_262 = arith.constant 1200 : i32
    %add3A_263 = arith.addi %multiple_of3A, %add3A_262 : i32
    %dma_start3A_264 = arith.constant 2 : i32
    %dma_start3A_265 = arith.constant 0 : i32
    %dma_start3A_266 = tpu.memref_slice %arg3[%add3A_263, %dma_start3A_265] : memref<320000x16xf32, #tpu.memory_space<hbm>> -> memref<200x16xf32, #tpu.memory_space<hbm>>
    %dma_start3A_267 = tpu.memref_slice %arg9[%dma_start3A_264] : memref<4x!tpu.dma_semaphore, #tpu.memory_space<semaphore_mem>> -> memref<1x!tpu.dma_semaphore, #tpu.memory_space<semaphore_mem>>
    %dma_start3A_268 = tpu.memref_squeeze %dma_start3A_267 : memref<1x!tpu.dma_semaphore, #tpu.memory_space<semaphore_mem>> -> memref<!tpu.dma_semaphore, #tpu.memory_space<semaphore_mem>>
    %dma_start3A_269 = arith.constant 0 : i32
    %dma_start3A_270 = tpu.memref_slice %arg3[%add3A_263, %dma_start3A_269] : memref<320000x16xf32, #tpu.memory_space<hbm>> -> memref<200x16xf32, #tpu.memory_space<hbm>>
    tpu.enqueue_dma source(%arg6 : memref<200x16xf32, #tpu.memory_space<vmem>>) target(%dma_start3A_270 : memref<200x16xf32, #tpu.memory_space<hbm>>) target_semaphore(%dma_start3A_268 : memref<!tpu.dma_semaphore, #tpu.memory_space<semaphore_mem>>)
    %add3A_271 = arith.constant 1200 : i32
    %add3A_272 = arith.addi %multiple_of3A, %add3A_271 : i32
    %dma_wait3A_273 = arith.constant 2 : i32
    %dma_wait3A_274 = arith.constant 0 : i32
    %dma_wait3A_275 = tpu.memref_slice %arg3[%add3A_272, %dma_wait3A_274] : memref<320000x16xf32, #tpu.memory_space<hbm>> -> memref<200x16xf32, #tpu.memory_space<hbm>>
    %dma_wait3A_276 = tpu.memref_slice %arg9[%dma_wait3A_273] : memref<4x!tpu.dma_semaphore, #tpu.memory_space<semaphore_mem>> -> memref<1x!tpu.dma_semaphore, #tpu.memory_space<semaphore_mem>>
    %dma_wait3A_277 = tpu.memref_squeeze %dma_wait3A_276 : memref<1x!tpu.dma_semaphore, #tpu.memory_space<semaphore_mem>> -> memref<!tpu.dma_semaphore, #tpu.memory_space<semaphore_mem>>
    %dma_wait3A_278 = arith.constant 0 : i32
    %dma_wait3A_279 = tpu.memref_slice %arg3[%add3A_272, %dma_wait3A_278] : memref<320000x16xf32, #tpu.memory_space<hbm>> -> memref<200x16xf32, #tpu.memory_space<hbm>>
    tpu.wait_dma2 semaphore(%dma_wait3A_277 : memref<!tpu.dma_semaphore, #tpu.memory_space<semaphore_mem>>) src(%arg6 : memref<200x16xf32, #tpu.memory_space<vmem>>) dst(%dma_wait3A_279 : memref<200x16xf32, #tpu.memory_space<hbm>>)
    %add3A_280 = arith.constant 2000 : i32
    %add3A_281 = arith.addi %multiple_of3A, %add3A_280 : i32
    %dma_start3A_282 = arith.constant 2 : i32
    %dma_start3A_283 = arith.constant 0 : i32
    %dma_start3A_284 = tpu.memref_slice %arg2[%add3A_281, %dma_start3A_283] : memref<320000x16xf32, #tpu.memory_space<hbm>> -> memref<200x16xf32, #tpu.memory_space<hbm>>
    %dma_start3A_285 = tpu.memref_slice %arg8[%dma_start3A_282] : memref<4x!tpu.dma_semaphore, #tpu.memory_space<semaphore_mem>> -> memref<1x!tpu.dma_semaphore, #tpu.memory_space<semaphore_mem>>
    %dma_start3A_286 = tpu.memref_squeeze %dma_start3A_285 : memref<1x!tpu.dma_semaphore, #tpu.memory_space<semaphore_mem>> -> memref<!tpu.dma_semaphore, #tpu.memory_space<semaphore_mem>>
    %dma_start3A_287 = arith.constant 0 : i32
    %dma_start3A_288 = tpu.memref_slice %arg2[%add3A_281, %dma_start3A_287] : memref<320000x16xf32, #tpu.memory_space<hbm>> -> memref<200x16xf32, #tpu.memory_space<hbm>>
    tpu.enqueue_dma source(%dma_start3A_288 : memref<200x16xf32, #tpu.memory_space<hbm>>) target(%arg6 : memref<200x16xf32, #tpu.memory_space<vmem>>) target_semaphore(%dma_start3A_286 : memref<!tpu.dma_semaphore, #tpu.memory_space<semaphore_mem>>)
    %add3A_289 = arith.constant 1400 : i32
    %add3A_290 = arith.addi %multiple_of3A, %add3A_289 : i32
    %dma_wait3A_291 = arith.constant 3 : i32
    %dma_wait3A_292 = arith.constant 0 : i32
    %dma_wait3A_293 = tpu.memref_slice %arg2[%add3A_290, %dma_wait3A_292] : memref<320000x16xf32, #tpu.memory_space<hbm>> -> memref<200x16xf32, #tpu.memory_space<hbm>>
    %dma_wait3A_294 = tpu.memref_slice %arg8[%dma_wait3A_291] : memref<4x!tpu.dma_semaphore, #tpu.memory_space<semaphore_mem>> -> memref<1x!tpu.dma_semaphore, #tpu.memory_space<semaphore_mem>>
    %dma_wait3A_295 = tpu.memref_squeeze %dma_wait3A_294 : memref<1x!tpu.dma_semaphore, #tpu.memory_space<semaphore_mem>> -> memref<!tpu.dma_semaphore, #tpu.memory_space<semaphore_mem>>
    %dma_wait3A_296 = arith.constant 0 : i32
    %dma_wait3A_297 = tpu.memref_slice %arg2[%add3A_290, %dma_wait3A_296] : memref<320000x16xf32, #tpu.memory_space<hbm>> -> memref<200x16xf32, #tpu.memory_space<hbm>>
    tpu.wait_dma2 semaphore(%dma_wait3A_295 : memref<!tpu.dma_semaphore, #tpu.memory_space<semaphore_mem>>) src(%dma_wait3A_297 : memref<200x16xf32, #tpu.memory_space<hbm>>) dst(%arg7 : memref<200x16xf32, #tpu.memory_space<vmem>>)
    %add3A_298 = arith.constant 1400 : i32
    %add3A_299 = arith.addi %multiple_of3A, %add3A_298 : i32
    %dma_start3A_300 = arith.constant 3 : i32
    %dma_start3A_301 = arith.constant 0 : i32
    %dma_start3A_302 = tpu.memref_slice %arg3[%add3A_299, %dma_start3A_301] : memref<320000x16xf32, #tpu.memory_space<hbm>> -> memref<200x16xf32, #tpu.memory_space<hbm>>
    %dma_start3A_303 = tpu.memref_slice %arg9[%dma_start3A_300] : memref<4x!tpu.dma_semaphore, #tpu.memory_space<semaphore_mem>> -> memref<1x!tpu.dma_semaphore, #tpu.memory_space<semaphore_mem>>
    %dma_start3A_304 = tpu.memref_squeeze %dma_start3A_303 : memref<1x!tpu.dma_semaphore, #tpu.memory_space<semaphore_mem>> -> memref<!tpu.dma_semaphore, #tpu.memory_space<semaphore_mem>>
    %dma_start3A_305 = arith.constant 0 : i32
    %dma_start3A_306 = tpu.memref_slice %arg3[%add3A_299, %dma_start3A_305] : memref<320000x16xf32, #tpu.memory_space<hbm>> -> memref<200x16xf32, #tpu.memory_space<hbm>>
    tpu.enqueue_dma source(%arg7 : memref<200x16xf32, #tpu.memory_space<vmem>>) target(%dma_start3A_306 : memref<200x16xf32, #tpu.memory_space<hbm>>) target_semaphore(%dma_start3A_304 : memref<!tpu.dma_semaphore, #tpu.memory_space<semaphore_mem>>)
    %add3A_307 = arith.constant 1400 : i32
    %add3A_308 = arith.addi %multiple_of3A, %add3A_307 : i32
    %dma_wait3A_309 = arith.constant 3 : i32
    %dma_wait3A_310 = arith.constant 0 : i32
    %dma_wait3A_311 = tpu.memref_slice %arg3[%add3A_308, %dma_wait3A_310] : memref<320000x16xf32, #tpu.memory_space<hbm>> -> memref<200x16xf32, #tpu.memory_space<hbm>>
    %dma_wait3A_312 = tpu.memref_slice %arg9[%dma_wait3A_309] : memref<4x!tpu.dma_semaphore, #tpu.memory_space<semaphore_mem>> -> memref<1x!tpu.dma_semaphore, #tpu.memory_space<semaphore_mem>>
    %dma_wait3A_313 = tpu.memref_squeeze %dma_wait3A_312 : memref<1x!tpu.dma_semaphore, #tpu.memory_space<semaphore_mem>> -> memref<!tpu.dma_semaphore, #tpu.memory_space<semaphore_mem>>
    %dma_wait3A_314 = arith.constant 0 : i32
    %dma_wait3A_315 = tpu.memref_slice %arg3[%add3A_308, %dma_wait3A_314] : memref<320000x16xf32, #tpu.memory_space<hbm>> -> memref<200x16xf32, #tpu.memory_space<hbm>>
    tpu.wait_dma2 semaphore(%dma_wait3A_313 : memref<!tpu.dma_semaphore, #tpu.memory_space<semaphore_mem>>) src(%arg7 : memref<200x16xf32, #tpu.memory_space<vmem>>) dst(%dma_wait3A_315 : memref<200x16xf32, #tpu.memory_space<hbm>>)
    %add3A_316 = arith.constant 2200 : i32
    %add3A_317 = arith.addi %multiple_of3A, %add3A_316 : i32
    %dma_start3A_318 = arith.constant 3 : i32
    %dma_start3A_319 = arith.constant 0 : i32
    %dma_start3A_320 = tpu.memref_slice %arg2[%add3A_317, %dma_start3A_319] : memref<320000x16xf32, #tpu.memory_space<hbm>> -> memref<200x16xf32, #tpu.memory_space<hbm>>
    %dma_start3A_321 = tpu.memref_slice %arg8[%dma_start3A_318] : memref<4x!tpu.dma_semaphore, #tpu.memory_space<semaphore_mem>> -> memref<1x!tpu.dma_semaphore, #tpu.memory_space<semaphore_mem>>
    %dma_start3A_322 = tpu.memref_squeeze %dma_start3A_321 : memref<1x!tpu.dma_semaphore, #tpu.memory_space<semaphore_mem>> -> memref<!tpu.dma_semaphore, #tpu.memory_space<semaphore_mem>>
    %dma_start3A_323 = arith.constant 0 : i32
    %dma_start3A_324 = tpu.memref_slice %arg2[%add3A_317, %dma_start3A_323] : memref<320000x16xf32, #tpu.memory_space<hbm>> -> memref<200x16xf32, #tpu.memory_space<hbm>>
    tpu.enqueue_dma source(%dma_start3A_324 : memref<200x16xf32, #tpu.memory_space<hbm>>) target(%arg7 : memref<200x16xf32, #tpu.memory_space<vmem>>) target_semaphore(%dma_start3A_322 : memref<!tpu.dma_semaphore, #tpu.memory_space<semaphore_mem>>)
    %add3A_325 = arith.constant 1600 : i32
    %add3A_326 = arith.addi %multiple_of3A, %add3A_325 : i32
    %dma_wait3A_327 = arith.constant 0 : i32
    %dma_wait3A_328 = arith.constant 0 : i32
    %dma_wait3A_329 = tpu.memref_slice %arg2[%add3A_326, %dma_wait3A_328] : memref<320000x16xf32, #tpu.memory_space<hbm>> -> memref<200x16xf32, #tpu.memory_space<hbm>>
    %dma_wait3A_330 = tpu.memref_slice %arg8[%dma_wait3A_327] : memref<4x!tpu.dma_semaphore, #tpu.memory_space<semaphore_mem>> -> memref<1x!tpu.dma_semaphore, #tpu.memory_space<semaphore_mem>>
    %dma_wait3A_331 = tpu.memref_squeeze %dma_wait3A_330 : memref<1x!tpu.dma_semaphore, #tpu.memory_space<semaphore_mem>> -> memref<!tpu.dma_semaphore, #tpu.memory_space<semaphore_mem>>
    %dma_wait3A_332 = arith.constant 0 : i32
    %dma_wait3A_333 = tpu.memref_slice %arg2[%add3A_326, %dma_wait3A_332] : memref<320000x16xf32, #tpu.memory_space<hbm>> -> memref<200x16xf32, #tpu.memory_space<hbm>>
    tpu.wait_dma2 semaphore(%dma_wait3A_331 : memref<!tpu.dma_semaphore, #tpu.memory_space<semaphore_mem>>) src(%dma_wait3A_333 : memref<200x16xf32, #tpu.memory_space<hbm>>) dst(%arg4 : memref<200x16xf32, #tpu.memory_space<vmem>>)
    %add3A_334 = arith.constant 1600 : i32
    %add3A_335 = arith.addi %multiple_of3A, %add3A_334 : i32
    %dma_start3A_336 = arith.constant 0 : i32
    %dma_start3A_337 = arith.constant 0 : i32
    %dma_start3A_338 = tpu.memref_slice %arg3[%add3A_335, %dma_start3A_337] : memref<320000x16xf32, #tpu.memory_space<hbm>> -> memref<200x16xf32, #tpu.memory_space<hbm>>
    %dma_start3A_339 = tpu.memref_slice %arg9[%dma_start3A_336] : memref<4x!tpu.dma_semaphore, #tpu.memory_space<semaphore_mem>> -> memref<1x!tpu.dma_semaphore, #tpu.memory_space<semaphore_mem>>
    %dma_start3A_340 = tpu.memref_squeeze %dma_start3A_339 : memref<1x!tpu.dma_semaphore, #tpu.memory_space<semaphore_mem>> -> memref<!tpu.dma_semaphore, #tpu.memory_space<semaphore_mem>>
    %dma_start3A_341 = arith.constant 0 : i32
    %dma_start3A_342 = tpu.memref_slice %arg3[%add3A_335, %dma_start3A_341] : memref<320000x16xf32, #tpu.memory_space<hbm>> -> memref<200x16xf32, #tpu.memory_space<hbm>>
    tpu.enqueue_dma source(%arg4 : memref<200x16xf32, #tpu.memory_space<vmem>>) target(%dma_start3A_342 : memref<200x16xf32, #tpu.memory_space<hbm>>) target_semaphore(%dma_start3A_340 : memref<!tpu.dma_semaphore, #tpu.memory_space<semaphore_mem>>)
    %add3A_343 = arith.constant 1600 : i32
    %add3A_344 = arith.addi %multiple_of3A, %add3A_343 : i32
    %dma_wait3A_345 = arith.constant 0 : i32
    %dma_wait3A_346 = arith.constant 0 : i32
    %dma_wait3A_347 = tpu.memref_slice %arg3[%add3A_344, %dma_wait3A_346] : memref<320000x16xf32, #tpu.memory_space<hbm>> -> memref<200x16xf32, #tpu.memory_space<hbm>>
    %dma_wait3A_348 = tpu.memref_slice %arg9[%dma_wait3A_345] : memref<4x!tpu.dma_semaphore, #tpu.memory_space<semaphore_mem>> -> memref<1x!tpu.dma_semaphore, #tpu.memory_space<semaphore_mem>>
    %dma_wait3A_349 = tpu.memref_squeeze %dma_wait3A_348 : memref<1x!tpu.dma_semaphore, #tpu.memory_space<semaphore_mem>> -> memref<!tpu.dma_semaphore, #tpu.memory_space<semaphore_mem>>
    %dma_wait3A_350 = arith.constant 0 : i32
    %dma_wait3A_351 = tpu.memref_slice %arg3[%add3A_344, %dma_wait3A_350] : memref<320000x16xf32, #tpu.memory_space<hbm>> -> memref<200x16xf32, #tpu.memory_space<hbm>>
    tpu.wait_dma2 semaphore(%dma_wait3A_349 : memref<!tpu.dma_semaphore, #tpu.memory_space<semaphore_mem>>) src(%arg4 : memref<200x16xf32, #tpu.memory_space<vmem>>) dst(%dma_wait3A_351 : memref<200x16xf32, #tpu.memory_space<hbm>>)
    %add3A_352 = arith.constant 2400 : i32
    %add3A_353 = arith.addi %multiple_of3A, %add3A_352 : i32
    %dma_start3A_354 = arith.constant 0 : i32
    %dma_start3A_355 = arith.constant 0 : i32
    %dma_start3A_356 = tpu.memref_slice %arg2[%add3A_353, %dma_start3A_355] : memref<320000x16xf32, #tpu.memory_space<hbm>> -> memref<200x16xf32, #tpu.memory_space<hbm>>
    %dma_start3A_357 = tpu.memref_slice %arg8[%dma_start3A_354] : memref<4x!tpu.dma_semaphore, #tpu.memory_space<semaphore_mem>> -> memref<1x!tpu.dma_semaphore, #tpu.memory_space<semaphore_mem>>
    %dma_start3A_358 = tpu.memref_squeeze %dma_start3A_357 : memref<1x!tpu.dma_semaphore, #tpu.memory_space<semaphore_mem>> -> memref<!tpu.dma_semaphore, #tpu.memory_space<semaphore_mem>>
    %dma_start3A_359 = arith.constant 0 : i32
    %dma_start3A_360 = tpu.memref_slice %arg2[%add3A_353, %dma_start3A_359] : memref<320000x16xf32, #tpu.memory_space<hbm>> -> memref<200x16xf32, #tpu.memory_space<hbm>>
    tpu.enqueue_dma source(%dma_start3A_360 : memref<200x16xf32, #tpu.memory_space<hbm>>) target(%arg4 : memref<200x16xf32, #tpu.memory_space<vmem>>) target_semaphore(%dma_start3A_358 : memref<!tpu.dma_semaphore, #tpu.memory_space<semaphore_mem>>)
    %add3A_361 = arith.constant 1800 : i32
    %add3A_362 = arith.addi %multiple_of3A, %add3A_361 : i32
    %dma_wait3A_363 = arith.constant 1 : i32
    %dma_wait3A_364 = arith.constant 0 : i32
    %dma_wait3A_365 = tpu.memref_slice %arg2[%add3A_362, %dma_wait3A_364] : memref<320000x16xf32, #tpu.memory_space<hbm>> -> memref<200x16xf32, #tpu.memory_space<hbm>>
    %dma_wait3A_366 = tpu.memref_slice %arg8[%dma_wait3A_363] : memref<4x!tpu.dma_semaphore, #tpu.memory_space<semaphore_mem>> -> memref<1x!tpu.dma_semaphore, #tpu.memory_space<semaphore_mem>>
    %dma_wait3A_367 = tpu.memref_squeeze %dma_wait3A_366 : memref<1x!tpu.dma_semaphore, #tpu.memory_space<semaphore_mem>> -> memref<!tpu.dma_semaphore, #tpu.memory_space<semaphore_mem>>
    %dma_wait3A_368 = arith.constant 0 : i32
    %dma_wait3A_369 = tpu.memref_slice %arg2[%add3A_362, %dma_wait3A_368] : memref<320000x16xf32, #tpu.memory_space<hbm>> -> memref<200x16xf32, #tpu.memory_space<hbm>>
    tpu.wait_dma2 semaphore(%dma_wait3A_367 : memref<!tpu.dma_semaphore, #tpu.memory_space<semaphore_mem>>) src(%dma_wait3A_369 : memref<200x16xf32, #tpu.memory_space<hbm>>) dst(%arg5 : memref<200x16xf32, #tpu.memory_space<vmem>>)
    %add3A_370 = arith.constant 1800 : i32
    %add3A_371 = arith.addi %multiple_of3A, %add3A_370 : i32
    %dma_start3A_372 = arith.constant 1 : i32
    %dma_start3A_373 = arith.constant 0 : i32
    %dma_start3A_374 = tpu.memref_slice %arg3[%add3A_371, %dma_start3A_373] : memref<320000x16xf32, #tpu.memory_space<hbm>> -> memref<200x16xf32, #tpu.memory_space<hbm>>
    %dma_start3A_375 = tpu.memref_slice %arg9[%dma_start3A_372] : memref<4x!tpu.dma_semaphore, #tpu.memory_space<semaphore_mem>> -> memref<1x!tpu.dma_semaphore, #tpu.memory_space<semaphore_mem>>
    %dma_start3A_376 = tpu.memref_squeeze %dma_start3A_375 : memref<1x!tpu.dma_semaphore, #tpu.memory_space<semaphore_mem>> -> memref<!tpu.dma_semaphore, #tpu.memory_space<semaphore_mem>>
    %dma_start3A_377 = arith.constant 0 : i32
    %dma_start3A_378 = tpu.memref_slice %arg3[%add3A_371, %dma_start3A_377] : memref<320000x16xf32, #tpu.memory_space<hbm>> -> memref<200x16xf32, #tpu.memory_space<hbm>>
    tpu.enqueue_dma source(%arg5 : memref<200x16xf32, #tpu.memory_space<vmem>>) target(%dma_start3A_378 : memref<200x16xf32, #tpu.memory_space<hbm>>) target_semaphore(%dma_start3A_376 : memref<!tpu.dma_semaphore, #tpu.memory_space<semaphore_mem>>)
    %add3A_379 = arith.constant 1800 : i32
    %add3A_380 = arith.addi %multiple_of3A, %add3A_379 : i32
    %dma_wait3A_381 = arith.constant 1 : i32
    %dma_wait3A_382 = arith.constant 0 : i32
    %dma_wait3A_383 = tpu.memref_slice %arg3[%add3A_380, %dma_wait3A_382] : memref<320000x16xf32, #tpu.memory_space<hbm>> -> memref<200x16xf32, #tpu.memory_space<hbm>>
    %dma_wait3A_384 = tpu.memref_slice %arg9[%dma_wait3A_381] : memref<4x!tpu.dma_semaphore, #tpu.memory_space<semaphore_mem>> -> memref<1x!tpu.dma_semaphore, #tpu.memory_space<semaphore_mem>>
    %dma_wait3A_385 = tpu.memref_squeeze %dma_wait3A_384 : memref<1x!tpu.dma_semaphore, #tpu.memory_space<semaphore_mem>> -> memref<!tpu.dma_semaphore, #tpu.memory_space<semaphore_mem>>
    %dma_wait3A_386 = arith.constant 0 : i32
    %dma_wait3A_387 = tpu.memref_slice %arg3[%add3A_380, %dma_wait3A_386] : memref<320000x16xf32, #tpu.memory_space<hbm>> -> memref<200x16xf32, #tpu.memory_space<hbm>>
    tpu.wait_dma2 semaphore(%dma_wait3A_385 : memref<!tpu.dma_semaphore, #tpu.memory_space<semaphore_mem>>) src(%arg5 : memref<200x16xf32, #tpu.memory_space<vmem>>) dst(%dma_wait3A_387 : memref<200x16xf32, #tpu.memory_space<hbm>>)
    %add3A_388 = arith.constant 2600 : i32
    %add3A_389 = arith.addi %multiple_of3A, %add3A_388 : i32
    %dma_start3A_390 = arith.constant 1 : i32
    %dma_start3A_391 = arith.constant 0 : i32
    %dma_start3A_392 = tpu.memref_slice %arg2[%add3A_389, %dma_start3A_391] : memref<320000x16xf32, #tpu.memory_space<hbm>> -> memref<200x16xf32, #tpu.memory_space<hbm>>
    %dma_start3A_393 = tpu.memref_slice %arg8[%dma_start3A_390] : memref<4x!tpu.dma_semaphore, #tpu.memory_space<semaphore_mem>> -> memref<1x!tpu.dma_semaphore, #tpu.memory_space<semaphore_mem>>
    %dma_start3A_394 = tpu.memref_squeeze %dma_start3A_393 : memref<1x!tpu.dma_semaphore, #tpu.memory_space<semaphore_mem>> -> memref<!tpu.dma_semaphore, #tpu.memory_space<semaphore_mem>>
    %dma_start3A_395 = arith.constant 0 : i32
    %dma_start3A_396 = tpu.memref_slice %arg2[%add3A_389, %dma_start3A_395] : memref<320000x16xf32, #tpu.memory_space<hbm>> -> memref<200x16xf32, #tpu.memory_space<hbm>>
    tpu.enqueue_dma source(%dma_start3A_396 : memref<200x16xf32, #tpu.memory_space<hbm>>) target(%arg5 : memref<200x16xf32, #tpu.memory_space<vmem>>) target_semaphore(%dma_start3A_394 : memref<!tpu.dma_semaphore, #tpu.memory_space<semaphore_mem>>)
    %add3A_397 = arith.constant 2000 : i32
    %add3A_398 = arith.addi %multiple_of3A, %add3A_397 : i32
    %dma_wait3A_399 = arith.constant 2 : i32
    %dma_wait3A_400 = arith.constant 0 : i32
    %dma_wait3A_401 = tpu.memref_slice %arg2[%add3A_398, %dma_wait3A_400] : memref<320000x16xf32, #tpu.memory_space<hbm>> -> memref<200x16xf32, #tpu.memory_space<hbm>>
    %dma_wait3A_402 = tpu.memref_slice %arg8[%dma_wait3A_399] : memref<4x!tpu.dma_semaphore, #tpu.memory_space<semaphore_mem>> -> memref<1x!tpu.dma_semaphore, #tpu.memory_space<semaphore_mem>>
    %dma_wait3A_403 = tpu.memref_squeeze %dma_wait3A_402 : memref<1x!tpu.dma_semaphore, #tpu.memory_space<semaphore_mem>> -> memref<!tpu.dma_semaphore, #tpu.memory_space<semaphore_mem>>
    %dma_wait3A_404 = arith.constant 0 : i32
    %dma_wait3A_405 = tpu.memref_slice %arg2[%add3A_398, %dma_wait3A_404] : memref<320000x16xf32, #tpu.memory_space<hbm>> -> memref<200x16xf32, #tpu.memory_space<hbm>>
    tpu.wait_dma2 semaphore(%dma_wait3A_403 : memref<!tpu.dma_semaphore, #tpu.memory_space<semaphore_mem>>) src(%dma_wait3A_405 : memref<200x16xf32, #tpu.memory_space<hbm>>) dst(%arg6 : memref<200x16xf32, #tpu.memory_space<vmem>>)
    %add3A_406 = arith.constant 2000 : i32
    %add3A_407 = arith.addi %multiple_of3A, %add3A_406 : i32
    %dma_start3A_408 = arith.constant 2 : i32
    %dma_start3A_409 = arith.constant 0 : i32
    %dma_start3A_410 = tpu.memref_slice %arg3[%add3A_407, %dma_start3A_409] : memref<320000x16xf32, #tpu.memory_space<hbm>> -> memref<200x16xf32, #tpu.memory_space<hbm>>
    %dma_start3A_411 = tpu.memref_slice %arg9[%dma_start3A_408] : memref<4x!tpu.dma_semaphore, #tpu.memory_space<semaphore_mem>> -> memref<1x!tpu.dma_semaphore, #tpu.memory_space<semaphore_mem>>
    %dma_start3A_412 = tpu.memref_squeeze %dma_start3A_411 : memref<1x!tpu.dma_semaphore, #tpu.memory_space<semaphore_mem>> -> memref<!tpu.dma_semaphore, #tpu.memory_space<semaphore_mem>>
    %dma_start3A_413 = arith.constant 0 : i32
    %dma_start3A_414 = tpu.memref_slice %arg3[%add3A_407, %dma_start3A_413] : memref<320000x16xf32, #tpu.memory_space<hbm>> -> memref<200x16xf32, #tpu.memory_space<hbm>>
    tpu.enqueue_dma source(%arg6 : memref<200x16xf32, #tpu.memory_space<vmem>>) target(%dma_start3A_414 : memref<200x16xf32, #tpu.memory_space<hbm>>) target_semaphore(%dma_start3A_412 : memref<!tpu.dma_semaphore, #tpu.memory_space<semaphore_mem>>)
    %add3A_415 = arith.constant 2000 : i32
    %add3A_416 = arith.addi %multiple_of3A, %add3A_415 : i32
    %dma_wait3A_417 = arith.constant 2 : i32
    %dma_wait3A_418 = arith.constant 0 : i32
    %dma_wait3A_419 = tpu.memref_slice %arg3[%add3A_416, %dma_wait3A_418] : memref<320000x16xf32, #tpu.memory_space<hbm>> -> memref<200x16xf32, #tpu.memory_space<hbm>>
    %dma_wait3A_420 = tpu.memref_slice %arg9[%dma_wait3A_417] : memref<4x!tpu.dma_semaphore, #tpu.memory_space<semaphore_mem>> -> memref<1x!tpu.dma_semaphore, #tpu.memory_space<semaphore_mem>>
    %dma_wait3A_421 = tpu.memref_squeeze %dma_wait3A_420 : memref<1x!tpu.dma_semaphore, #tpu.memory_space<semaphore_mem>> -> memref<!tpu.dma_semaphore, #tpu.memory_space<semaphore_mem>>
    %dma_wait3A_422 = arith.constant 0 : i32
    %dma_wait3A_423 = tpu.memref_slice %arg3[%add3A_416, %dma_wait3A_422] : memref<320000x16xf32, #tpu.memory_space<hbm>> -> memref<200x16xf32, #tpu.memory_space<hbm>>
    tpu.wait_dma2 semaphore(%dma_wait3A_421 : memref<!tpu.dma_semaphore, #tpu.memory_space<semaphore_mem>>) src(%arg6 : memref<200x16xf32, #tpu.memory_space<vmem>>) dst(%dma_wait3A_423 : memref<200x16xf32, #tpu.memory_space<hbm>>)
    %add3A_424 = arith.constant 2800 : i32
    %add3A_425 = arith.addi %multiple_of3A, %add3A_424 : i32
    %dma_start3A_426 = arith.constant 2 : i32
    %dma_start3A_427 = arith.constant 0 : i32
    %dma_start3A_428 = tpu.memref_slice %arg2[%add3A_425, %dma_start3A_427] : memref<320000x16xf32, #tpu.memory_space<hbm>> -> memref<200x16xf32, #tpu.memory_space<hbm>>
    %dma_start3A_429 = tpu.memref_slice %arg8[%dma_start3A_426] : memref<4x!tpu.dma_semaphore, #tpu.memory_space<semaphore_mem>> -> memref<1x!tpu.dma_semaphore, #tpu.memory_space<semaphore_mem>>
    %dma_start3A_430 = tpu.memref_squeeze %dma_start3A_429 : memref<1x!tpu.dma_semaphore, #tpu.memory_space<semaphore_mem>> -> memref<!tpu.dma_semaphore, #tpu.memory_space<semaphore_mem>>
    %dma_start3A_431 = arith.constant 0 : i32
    %dma_start3A_432 = tpu.memref_slice %arg2[%add3A_425, %dma_start3A_431] : memref<320000x16xf32, #tpu.memory_space<hbm>> -> memref<200x16xf32, #tpu.memory_space<hbm>>
    tpu.enqueue_dma source(%dma_start3A_432 : memref<200x16xf32, #tpu.memory_space<hbm>>) target(%arg6 : memref<200x16xf32, #tpu.memory_space<vmem>>) target_semaphore(%dma_start3A_430 : memref<!tpu.dma_semaphore, #tpu.memory_space<semaphore_mem>>)
    %add3A_433 = arith.constant 2200 : i32
    %add3A_434 = arith.addi %multiple_of3A, %add3A_433 : i32
    %dma_wait3A_435 = arith.constant 3 : i32
    %dma_wait3A_436 = arith.constant 0 : i32
    %dma_wait3A_437 = tpu.memref_slice %arg2[%add3A_434, %dma_wait3A_436] : memref<320000x16xf32, #tpu.memory_space<hbm>> -> memref<200x16xf32, #tpu.memory_space<hbm>>
    %dma_wait3A_438 = tpu.memref_slice %arg8[%dma_wait3A_435] : memref<4x!tpu.dma_semaphore, #tpu.memory_space<semaphore_mem>> -> memref<1x!tpu.dma_semaphore, #tpu.memory_space<semaphore_mem>>
    %dma_wait3A_439 = tpu.memref_squeeze %dma_wait3A_438 : memref<1x!tpu.dma_semaphore, #tpu.memory_space<semaphore_mem>> -> memref<!tpu.dma_semaphore, #tpu.memory_space<semaphore_mem>>
    %dma_wait3A_440 = arith.constant 0 : i32
    %dma_wait3A_441 = tpu.memref_slice %arg2[%add3A_434, %dma_wait3A_440] : memref<320000x16xf32, #tpu.memory_space<hbm>> -> memref<200x16xf32, #tpu.memory_space<hbm>>
    tpu.wait_dma2 semaphore(%dma_wait3A_439 : memref<!tpu.dma_semaphore, #tpu.memory_space<semaphore_mem>>) src(%dma_wait3A_441 : memref<200x16xf32, #tpu.memory_space<hbm>>) dst(%arg7 : memref<200x16xf32, #tpu.memory_space<vmem>>)
    %add3A_442 = arith.constant 2200 : i32
    %add3A_443 = arith.addi %multiple_of3A, %add3A_442 : i32
    %dma_start3A_444 = arith.constant 3 : i32
    %dma_start3A_445 = arith.constant 0 : i32
    %dma_start3A_446 = tpu.memref_slice %arg3[%add3A_443, %dma_start3A_445] : memref<320000x16xf32, #tpu.memory_space<hbm>> -> memref<200x16xf32, #tpu.memory_space<hbm>>
    %dma_start3A_447 = tpu.memref_slice %arg9[%dma_start3A_444] : memref<4x!tpu.dma_semaphore, #tpu.memory_space<semaphore_mem>> -> memref<1x!tpu.dma_semaphore, #tpu.memory_space<semaphore_mem>>
    %dma_start3A_448 = tpu.memref_squeeze %dma_start3A_447 : memref<1x!tpu.dma_semaphore, #tpu.memory_space<semaphore_mem>> -> memref<!tpu.dma_semaphore, #tpu.memory_space<semaphore_mem>>
    %dma_start3A_449 = arith.constant 0 : i32
    %dma_start3A_450 = tpu.memref_slice %arg3[%add3A_443, %dma_start3A_449] : memref<320000x16xf32, #tpu.memory_space<hbm>> -> memref<200x16xf32, #tpu.memory_space<hbm>>
    tpu.enqueue_dma source(%arg7 : memref<200x16xf32, #tpu.memory_space<vmem>>) target(%dma_start3A_450 : memref<200x16xf32, #tpu.memory_space<hbm>>) target_semaphore(%dma_start3A_448 : memref<!tpu.dma_semaphore, #tpu.memory_space<semaphore_mem>>)
    %add3A_451 = arith.constant 2200 : i32
    %add3A_452 = arith.addi %multiple_of3A, %add3A_451 : i32
    %dma_wait3A_453 = arith.constant 3 : i32
    %dma_wait3A_454 = arith.constant 0 : i32
    %dma_wait3A_455 = tpu.memref_slice %arg3[%add3A_452, %dma_wait3A_454] : memref<320000x16xf32, #tpu.memory_space<hbm>> -> memref<200x16xf32, #tpu.memory_space<hbm>>
    %dma_wait3A_456 = tpu.memref_slice %arg9[%dma_wait3A_453] : memref<4x!tpu.dma_semaphore, #tpu.memory_space<semaphore_mem>> -> memref<1x!tpu.dma_semaphore, #tpu.memory_space<semaphore_mem>>
    %dma_wait3A_457 = tpu.memref_squeeze %dma_wait3A_456 : memref<1x!tpu.dma_semaphore, #tpu.memory_space<semaphore_mem>> -> memref<!tpu.dma_semaphore, #tpu.memory_space<semaphore_mem>>
    %dma_wait3A_458 = arith.constant 0 : i32
    %dma_wait3A_459 = tpu.memref_slice %arg3[%add3A_452, %dma_wait3A_458] : memref<320000x16xf32, #tpu.memory_space<hbm>> -> memref<200x16xf32, #tpu.memory_space<hbm>>
    tpu.wait_dma2 semaphore(%dma_wait3A_457 : memref<!tpu.dma_semaphore, #tpu.memory_space<semaphore_mem>>) src(%arg7 : memref<200x16xf32, #tpu.memory_space<vmem>>) dst(%dma_wait3A_459 : memref<200x16xf32, #tpu.memory_space<hbm>>)
    %add3A_460 = arith.constant 3000 : i32
    %add3A_461 = arith.addi %multiple_of3A, %add3A_460 : i32
    %dma_start3A_462 = arith.constant 3 : i32
    %dma_start3A_463 = arith.constant 0 : i32
    %dma_start3A_464 = tpu.memref_slice %arg2[%add3A_461, %dma_start3A_463] : memref<320000x16xf32, #tpu.memory_space<hbm>> -> memref<200x16xf32, #tpu.memory_space<hbm>>
    %dma_start3A_465 = tpu.memref_slice %arg8[%dma_start3A_462] : memref<4x!tpu.dma_semaphore, #tpu.memory_space<semaphore_mem>> -> memref<1x!tpu.dma_semaphore, #tpu.memory_space<semaphore_mem>>
    %dma_start3A_466 = tpu.memref_squeeze %dma_start3A_465 : memref<1x!tpu.dma_semaphore, #tpu.memory_space<semaphore_mem>> -> memref<!tpu.dma_semaphore, #tpu.memory_space<semaphore_mem>>
    %dma_start3A_467 = arith.constant 0 : i32
    %dma_start3A_468 = tpu.memref_slice %arg2[%add3A_461, %dma_start3A_467] : memref<320000x16xf32, #tpu.memory_space<hbm>> -> memref<200x16xf32, #tpu.memory_space<hbm>>
    tpu.enqueue_dma source(%dma_start3A_468 : memref<200x16xf32, #tpu.memory_space<hbm>>) target(%arg7 : memref<200x16xf32, #tpu.memory_space<vmem>>) target_semaphore(%dma_start3A_466 : memref<!tpu.dma_semaphore, #tpu.memory_space<semaphore_mem>>)
    %add3A_469 = arith.constant 2400 : i32
    %add3A_470 = arith.addi %multiple_of3A, %add3A_469 : i32
    %dma_wait3A_471 = arith.constant 0 : i32
    %dma_wait3A_472 = arith.constant 0 : i32
    %dma_wait3A_473 = tpu.memref_slice %arg2[%add3A_470, %dma_wait3A_472] : memref<320000x16xf32, #tpu.memory_space<hbm>> -> memref<200x16xf32, #tpu.memory_space<hbm>>
    %dma_wait3A_474 = tpu.memref_slice %arg8[%dma_wait3A_471] : memref<4x!tpu.dma_semaphore, #tpu.memory_space<semaphore_mem>> -> memref<1x!tpu.dma_semaphore, #tpu.memory_space<semaphore_mem>>
    %dma_wait3A_475 = tpu.memref_squeeze %dma_wait3A_474 : memref<1x!tpu.dma_semaphore, #tpu.memory_space<semaphore_mem>> -> memref<!tpu.dma_semaphore, #tpu.memory_space<semaphore_mem>>
    %dma_wait3A_476 = arith.constant 0 : i32
    %dma_wait3A_477 = tpu.memref_slice %arg2[%add3A_470, %dma_wait3A_476] : memref<320000x16xf32, #tpu.memory_space<hbm>> -> memref<200x16xf32, #tpu.memory_space<hbm>>
    tpu.wait_dma2 semaphore(%dma_wait3A_475 : memref<!tpu.dma_semaphore, #tpu.memory_space<semaphore_mem>>) src(%dma_wait3A_477 : memref<200x16xf32, #tpu.memory_space<hbm>>) dst(%arg4 : memref<200x16xf32, #tpu.memory_space<vmem>>)
    %add3A_478 = arith.constant 2400 : i32
    %add3A_479 = arith.addi %multiple_of3A, %add3A_478 : i32
    %dma_start3A_480 = arith.constant 0 : i32
    %dma_start3A_481 = arith.constant 0 : i32
    %dma_start3A_482 = tpu.memref_slice %arg3[%add3A_479, %dma_start3A_481] : memref<320000x16xf32, #tpu.memory_space<hbm>> -> memref<200x16xf32, #tpu.memory_space<hbm>>
    %dma_start3A_483 = tpu.memref_slice %arg9[%dma_start3A_480] : memref<4x!tpu.dma_semaphore, #tpu.memory_space<semaphore_mem>> -> memref<1x!tpu.dma_semaphore, #tpu.memory_space<semaphore_mem>>
    %dma_start3A_484 = tpu.memref_squeeze %dma_start3A_483 : memref<1x!tpu.dma_semaphore, #tpu.memory_space<semaphore_mem>> -> memref<!tpu.dma_semaphore, #tpu.memory_space<semaphore_mem>>
    %dma_start3A_485 = arith.constant 0 : i32
    %dma_start3A_486 = tpu.memref_slice %arg3[%add3A_479, %dma_start3A_485] : memref<320000x16xf32, #tpu.memory_space<hbm>> -> memref<200x16xf32, #tpu.memory_space<hbm>>
    tpu.enqueue_dma source(%arg4 : memref<200x16xf32, #tpu.memory_space<vmem>>) target(%dma_start3A_486 : memref<200x16xf32, #tpu.memory_space<hbm>>) target_semaphore(%dma_start3A_484 : memref<!tpu.dma_semaphore, #tpu.memory_space<semaphore_mem>>)
    %add3A_487 = arith.constant 2400 : i32
    %add3A_488 = arith.addi %multiple_of3A, %add3A_487 : i32
    %dma_wait3A_489 = arith.constant 0 : i32
    %dma_wait3A_490 = arith.constant 0 : i32
    %dma_wait3A_491 = tpu.memref_slice %arg3[%add3A_488, %dma_wait3A_490] : memref<320000x16xf32, #tpu.memory_space<hbm>> -> memref<200x16xf32, #tpu.memory_space<hbm>>
    %dma_wait3A_492 = tpu.memref_slice %arg9[%dma_wait3A_489] : memref<4x!tpu.dma_semaphore, #tpu.memory_space<semaphore_mem>> -> memref<1x!tpu.dma_semaphore, #tpu.memory_space<semaphore_mem>>
    %dma_wait3A_493 = tpu.memref_squeeze %dma_wait3A_492 : memref<1x!tpu.dma_semaphore, #tpu.memory_space<semaphore_mem>> -> memref<!tpu.dma_semaphore, #tpu.memory_space<semaphore_mem>>
    %dma_wait3A_494 = arith.constant 0 : i32
    %dma_wait3A_495 = tpu.memref_slice %arg3[%add3A_488, %dma_wait3A_494] : memref<320000x16xf32, #tpu.memory_space<hbm>> -> memref<200x16xf32, #tpu.memory_space<hbm>>
    tpu.wait_dma2 semaphore(%dma_wait3A_493 : memref<!tpu.dma_semaphore, #tpu.memory_space<semaphore_mem>>) src(%arg4 : memref<200x16xf32, #tpu.memory_space<vmem>>) dst(%dma_wait3A_495 : memref<200x16xf32, #tpu.memory_space<hbm>>)
    %add3A_496 = arith.constant 3200 : i32
    %add3A_497 = arith.addi %multiple_of3A, %add3A_496 : i32
    %dma_start3A_498 = arith.constant 0 : i32
    %dma_start3A_499 = arith.constant 0 : i32
    %dma_start3A_500 = tpu.memref_slice %arg2[%add3A_497, %dma_start3A_499] : memref<320000x16xf32, #tpu.memory_space<hbm>> -> memref<200x16xf32, #tpu.memory_space<hbm>>
    %dma_start3A_501 = tpu.memref_slice %arg8[%dma_start3A_498] : memref<4x!tpu.dma_semaphore, #tpu.memory_space<semaphore_mem>> -> memref<1x!tpu.dma_semaphore, #tpu.memory_space<semaphore_mem>>
    %dma_start3A_502 = tpu.memref_squeeze %dma_start3A_501 : memref<1x!tpu.dma_semaphore, #tpu.memory_space<semaphore_mem>> -> memref<!tpu.dma_semaphore, #tpu.memory_space<semaphore_mem>>
    %dma_start3A_503 = arith.constant 0 : i32
    %dma_start3A_504 = tpu.memref_slice %arg2[%add3A_497, %dma_start3A_503] : memref<320000x16xf32, #tpu.memory_space<hbm>> -> memref<200x16xf32, #tpu.memory_space<hbm>>
    tpu.enqueue_dma source(%dma_start3A_504 : memref<200x16xf32, #tpu.memory_space<hbm>>) target(%arg4 : memref<200x16xf32, #tpu.memory_space<vmem>>) target_semaphore(%dma_start3A_502 : memref<!tpu.dma_semaphore, #tpu.memory_space<semaphore_mem>>)
    %add3A_505 = arith.constant 2600 : i32
    %add3A_506 = arith.addi %multiple_of3A, %add3A_505 : i32
    %dma_wait3A_507 = arith.constant 1 : i32
    %dma_wait3A_508 = arith.constant 0 : i32
    %dma_wait3A_509 = tpu.memref_slice %arg2[%add3A_506, %dma_wait3A_508] : memref<320000x16xf32, #tpu.memory_space<hbm>> -> memref<200x16xf32, #tpu.memory_space<hbm>>
    %dma_wait3A_510 = tpu.memref_slice %arg8[%dma_wait3A_507] : memref<4x!tpu.dma_semaphore, #tpu.memory_space<semaphore_mem>> -> memref<1x!tpu.dma_semaphore, #tpu.memory_space<semaphore_mem>>
    %dma_wait3A_511 = tpu.memref_squeeze %dma_wait3A_510 : memref<1x!tpu.dma_semaphore, #tpu.memory_space<semaphore_mem>> -> memref<!tpu.dma_semaphore, #tpu.memory_space<semaphore_mem>>
    %dma_wait3A_512 = arith.constant 0 : i32
    %dma_wait3A_513 = tpu.memref_slice %arg2[%add3A_506, %dma_wait3A_512] : memref<320000x16xf32, #tpu.memory_space<hbm>> -> memref<200x16xf32, #tpu.memory_space<hbm>>
    tpu.wait_dma2 semaphore(%dma_wait3A_511 : memref<!tpu.dma_semaphore, #tpu.memory_space<semaphore_mem>>) src(%dma_wait3A_513 : memref<200x16xf32, #tpu.memory_space<hbm>>) dst(%arg5 : memref<200x16xf32, #tpu.memory_space<vmem>>)
    %add3A_514 = arith.constant 2600 : i32
    %add3A_515 = arith.addi %multiple_of3A, %add3A_514 : i32
    %dma_start3A_516 = arith.constant 1 : i32
    %dma_start3A_517 = arith.constant 0 : i32
    %dma_start3A_518 = tpu.memref_slice %arg3[%add3A_515, %dma_start3A_517] : memref<320000x16xf32, #tpu.memory_space<hbm>> -> memref<200x16xf32, #tpu.memory_space<hbm>>
    %dma_start3A_519 = tpu.memref_slice %arg9[%dma_start3A_516] : memref<4x!tpu.dma_semaphore, #tpu.memory_space<semaphore_mem>> -> memref<1x!tpu.dma_semaphore, #tpu.memory_space<semaphore_mem>>
    %dma_start3A_520 = tpu.memref_squeeze %dma_start3A_519 : memref<1x!tpu.dma_semaphore, #tpu.memory_space<semaphore_mem>> -> memref<!tpu.dma_semaphore, #tpu.memory_space<semaphore_mem>>
    %dma_start3A_521 = arith.constant 0 : i32
    %dma_start3A_522 = tpu.memref_slice %arg3[%add3A_515, %dma_start3A_521] : memref<320000x16xf32, #tpu.memory_space<hbm>> -> memref<200x16xf32, #tpu.memory_space<hbm>>
    tpu.enqueue_dma source(%arg5 : memref<200x16xf32, #tpu.memory_space<vmem>>) target(%dma_start3A_522 : memref<200x16xf32, #tpu.memory_space<hbm>>) target_semaphore(%dma_start3A_520 : memref<!tpu.dma_semaphore, #tpu.memory_space<semaphore_mem>>)
    %add3A_523 = arith.constant 2600 : i32
    %add3A_524 = arith.addi %multiple_of3A, %add3A_523 : i32
    %dma_wait3A_525 = arith.constant 1 : i32
    %dma_wait3A_526 = arith.constant 0 : i32
    %dma_wait3A_527 = tpu.memref_slice %arg3[%add3A_524, %dma_wait3A_526] : memref<320000x16xf32, #tpu.memory_space<hbm>> -> memref<200x16xf32, #tpu.memory_space<hbm>>
    %dma_wait3A_528 = tpu.memref_slice %arg9[%dma_wait3A_525] : memref<4x!tpu.dma_semaphore, #tpu.memory_space<semaphore_mem>> -> memref<1x!tpu.dma_semaphore, #tpu.memory_space<semaphore_mem>>
    %dma_wait3A_529 = tpu.memref_squeeze %dma_wait3A_528 : memref<1x!tpu.dma_semaphore, #tpu.memory_space<semaphore_mem>> -> memref<!tpu.dma_semaphore, #tpu.memory_space<semaphore_mem>>
    %dma_wait3A_530 = arith.constant 0 : i32
    %dma_wait3A_531 = tpu.memref_slice %arg3[%add3A_524, %dma_wait3A_530] : memref<320000x16xf32, #tpu.memory_space<hbm>> -> memref<200x16xf32, #tpu.memory_space<hbm>>
    tpu.wait_dma2 semaphore(%dma_wait3A_529 : memref<!tpu.dma_semaphore, #tpu.memory_space<semaphore_mem>>) src(%arg5 : memref<200x16xf32, #tpu.memory_space<vmem>>) dst(%dma_wait3A_531 : memref<200x16xf32, #tpu.memory_space<hbm>>)
    %add3A_532 = arith.constant 3400 : i32
    %add3A_533 = arith.addi %multiple_of3A, %add3A_532 : i32
    %dma_start3A_534 = arith.constant 1 : i32
    %dma_start3A_535 = arith.constant 0 : i32
    %dma_start3A_536 = tpu.memref_slice %arg2[%add3A_533, %dma_start3A_535] : memref<320000x16xf32, #tpu.memory_space<hbm>> -> memref<200x16xf32, #tpu.memory_space<hbm>>
    %dma_start3A_537 = tpu.memref_slice %arg8[%dma_start3A_534] : memref<4x!tpu.dma_semaphore, #tpu.memory_space<semaphore_mem>> -> memref<1x!tpu.dma_semaphore, #tpu.memory_space<semaphore_mem>>
    %dma_start3A_538 = tpu.memref_squeeze %dma_start3A_537 : memref<1x!tpu.dma_semaphore, #tpu.memory_space<semaphore_mem>> -> memref<!tpu.dma_semaphore, #tpu.memory_space<semaphore_mem>>
    %dma_start3A_539 = arith.constant 0 : i32
    %dma_start3A_540 = tpu.memref_slice %arg2[%add3A_533, %dma_start3A_539] : memref<320000x16xf32, #tpu.memory_space<hbm>> -> memref<200x16xf32, #tpu.memory_space<hbm>>
    tpu.enqueue_dma source(%dma_start3A_540 : memref<200x16xf32, #tpu.memory_space<hbm>>) target(%arg5 : memref<200x16xf32, #tpu.memory_space<vmem>>) target_semaphore(%dma_start3A_538 : memref<!tpu.dma_semaphore, #tpu.memory_space<semaphore_mem>>)
    %add3A_541 = arith.constant 2800 : i32
    %add3A_542 = arith.addi %multiple_of3A, %add3A_541 : i32
    %dma_wait3A_543 = arith.constant 2 : i32
    %dma_wait3A_544 = arith.constant 0 : i32
    %dma_wait3A_545 = tpu.memref_slice %arg2[%add3A_542, %dma_wait3A_544] : memref<320000x16xf32, #tpu.memory_space<hbm>> -> memref<200x16xf32, #tpu.memory_space<hbm>>
    %dma_wait3A_546 = tpu.memref_slice %arg8[%dma_wait3A_543] : memref<4x!tpu.dma_semaphore, #tpu.memory_space<semaphore_mem>> -> memref<1x!tpu.dma_semaphore, #tpu.memory_space<semaphore_mem>>
    %dma_wait3A_547 = tpu.memref_squeeze %dma_wait3A_546 : memref<1x!tpu.dma_semaphore, #tpu.memory_space<semaphore_mem>> -> memref<!tpu.dma_semaphore, #tpu.memory_space<semaphore_mem>>
    %dma_wait3A_548 = arith.constant 0 : i32
    %dma_wait3A_549 = tpu.memref_slice %arg2[%add3A_542, %dma_wait3A_548] : memref<320000x16xf32, #tpu.memory_space<hbm>> -> memref<200x16xf32, #tpu.memory_space<hbm>>
    tpu.wait_dma2 semaphore(%dma_wait3A_547 : memref<!tpu.dma_semaphore, #tpu.memory_space<semaphore_mem>>) src(%dma_wait3A_549 : memref<200x16xf32, #tpu.memory_space<hbm>>) dst(%arg6 : memref<200x16xf32, #tpu.memory_space<vmem>>)
    %add3A_550 = arith.constant 2800 : i32
    %add3A_551 = arith.addi %multiple_of3A, %add3A_550 : i32
    %dma_start3A_552 = arith.constant 2 : i32
    %dma_start3A_553 = arith.constant 0 : i32
    %dma_start3A_554 = tpu.memref_slice %arg3[%add3A_551, %dma_start3A_553] : memref<320000x16xf32, #tpu.memory_space<hbm>> -> memref<200x16xf32, #tpu.memory_space<hbm>>
    %dma_start3A_555 = tpu.memref_slice %arg9[%dma_start3A_552] : memref<4x!tpu.dma_semaphore, #tpu.memory_space<semaphore_mem>> -> memref<1x!tpu.dma_semaphore, #tpu.memory_space<semaphore_mem>>
    %dma_start3A_556 = tpu.memref_squeeze %dma_start3A_555 : memref<1x!tpu.dma_semaphore, #tpu.memory_space<semaphore_mem>> -> memref<!tpu.dma_semaphore, #tpu.memory_space<semaphore_mem>>
    %dma_start3A_557 = arith.constant 0 : i32
    %dma_start3A_558 = tpu.memref_slice %arg3[%add3A_551, %dma_start3A_557] : memref<320000x16xf32, #tpu.memory_space<hbm>> -> memref<200x16xf32, #tpu.memory_space<hbm>>
    tpu.enqueue_dma source(%arg6 : memref<200x16xf32, #tpu.memory_space<vmem>>) target(%dma_start3A_558 : memref<200x16xf32, #tpu.memory_space<hbm>>) target_semaphore(%dma_start3A_556 : memref<!tpu.dma_semaphore, #tpu.memory_space<semaphore_mem>>)
    %add3A_559 = arith.constant 2800 : i32
    %add3A_560 = arith.addi %multiple_of3A, %add3A_559 : i32
    %dma_wait3A_561 = arith.constant 2 : i32
    %dma_wait3A_562 = arith.constant 0 : i32
    %dma_wait3A_563 = tpu.memref_slice %arg3[%add3A_560, %dma_wait3A_562] : memref<320000x16xf32, #tpu.memory_space<hbm>> -> memref<200x16xf32, #tpu.memory_space<hbm>>
    %dma_wait3A_564 = tpu.memref_slice %arg9[%dma_wait3A_561] : memref<4x!tpu.dma_semaphore, #tpu.memory_space<semaphore_mem>> -> memref<1x!tpu.dma_semaphore, #tpu.memory_space<semaphore_mem>>
    %dma_wait3A_565 = tpu.memref_squeeze %dma_wait3A_564 : memref<1x!tpu.dma_semaphore, #tpu.memory_space<semaphore_mem>> -> memref<!tpu.dma_semaphore, #tpu.memory_space<semaphore_mem>>
    %dma_wait3A_566 = arith.constant 0 : i32
    %dma_wait3A_567 = tpu.memref_slice %arg3[%add3A_560, %dma_wait3A_566] : memref<320000x16xf32, #tpu.memory_space<hbm>> -> memref<200x16xf32, #tpu.memory_space<hbm>>
    tpu.wait_dma2 semaphore(%dma_wait3A_565 : memref<!tpu.dma_semaphore, #tpu.memory_space<semaphore_mem>>) src(%arg6 : memref<200x16xf32, #tpu.memory_space<vmem>>) dst(%dma_wait3A_567 : memref<200x16xf32, #tpu.memory_space<hbm>>)
    %add3A_568 = arith.constant 3600 : i32
    %add3A_569 = arith.addi %multiple_of3A, %add3A_568 : i32
    %dma_start3A_570 = arith.constant 2 : i32
    %dma_start3A_571 = arith.constant 0 : i32
    %dma_start3A_572 = tpu.memref_slice %arg2[%add3A_569, %dma_start3A_571] : memref<320000x16xf32, #tpu.memory_space<hbm>> -> memref<200x16xf32, #tpu.memory_space<hbm>>
    %dma_start3A_573 = tpu.memref_slice %arg8[%dma_start3A_570] : memref<4x!tpu.dma_semaphore, #tpu.memory_space<semaphore_mem>> -> memref<1x!tpu.dma_semaphore, #tpu.memory_space<semaphore_mem>>
    %dma_start3A_574 = tpu.memref_squeeze %dma_start3A_573 : memref<1x!tpu.dma_semaphore, #tpu.memory_space<semaphore_mem>> -> memref<!tpu.dma_semaphore, #tpu.memory_space<semaphore_mem>>
    %dma_start3A_575 = arith.constant 0 : i32
    %dma_start3A_576 = tpu.memref_slice %arg2[%add3A_569, %dma_start3A_575] : memref<320000x16xf32, #tpu.memory_space<hbm>> -> memref<200x16xf32, #tpu.memory_space<hbm>>
    tpu.enqueue_dma source(%dma_start3A_576 : memref<200x16xf32, #tpu.memory_space<hbm>>) target(%arg6 : memref<200x16xf32, #tpu.memory_space<vmem>>) target_semaphore(%dma_start3A_574 : memref<!tpu.dma_semaphore, #tpu.memory_space<semaphore_mem>>)
    %add3A_577 = arith.constant 3000 : i32
    %add3A_578 = arith.addi %multiple_of3A, %add3A_577 : i32
    %dma_wait3A_579 = arith.constant 3 : i32
    %dma_wait3A_580 = arith.constant 0 : i32
    %dma_wait3A_581 = tpu.memref_slice %arg2[%add3A_578, %dma_wait3A_580] : memref<320000x16xf32, #tpu.memory_space<hbm>> -> memref<200x16xf32, #tpu.memory_space<hbm>>
    %dma_wait3A_582 = tpu.memref_slice %arg8[%dma_wait3A_579] : memref<4x!tpu.dma_semaphore, #tpu.memory_space<semaphore_mem>> -> memref<1x!tpu.dma_semaphore, #tpu.memory_space<semaphore_mem>>
    %dma_wait3A_583 = tpu.memref_squeeze %dma_wait3A_582 : memref<1x!tpu.dma_semaphore, #tpu.memory_space<semaphore_mem>> -> memref<!tpu.dma_semaphore, #tpu.memory_space<semaphore_mem>>
    %dma_wait3A_584 = arith.constant 0 : i32
    %dma_wait3A_585 = tpu.memref_slice %arg2[%add3A_578, %dma_wait3A_584] : memref<320000x16xf32, #tpu.memory_space<hbm>> -> memref<200x16xf32, #tpu.memory_space<hbm>>
    tpu.wait_dma2 semaphore(%dma_wait3A_583 : memref<!tpu.dma_semaphore, #tpu.memory_space<semaphore_mem>>) src(%dma_wait3A_585 : memref<200x16xf32, #tpu.memory_space<hbm>>) dst(%arg7 : memref<200x16xf32, #tpu.memory_space<vmem>>)
    %add3A_586 = arith.constant 3000 : i32
    %add3A_587 = arith.addi %multiple_of3A, %add3A_586 : i32
    %dma_start3A_588 = arith.constant 3 : i32
    %dma_start3A_589 = arith.constant 0 : i32
    %dma_start3A_590 = tpu.memref_slice %arg3[%add3A_587, %dma_start3A_589] : memref<320000x16xf32, #tpu.memory_space<hbm>> -> memref<200x16xf32, #tpu.memory_space<hbm>>
    %dma_start3A_591 = tpu.memref_slice %arg9[%dma_start3A_588] : memref<4x!tpu.dma_semaphore, #tpu.memory_space<semaphore_mem>> -> memref<1x!tpu.dma_semaphore, #tpu.memory_space<semaphore_mem>>
    %dma_start3A_592 = tpu.memref_squeeze %dma_start3A_591 : memref<1x!tpu.dma_semaphore, #tpu.memory_space<semaphore_mem>> -> memref<!tpu.dma_semaphore, #tpu.memory_space<semaphore_mem>>
    %dma_start3A_593 = arith.constant 0 : i32
    %dma_start3A_594 = tpu.memref_slice %arg3[%add3A_587, %dma_start3A_593] : memref<320000x16xf32, #tpu.memory_space<hbm>> -> memref<200x16xf32, #tpu.memory_space<hbm>>
    tpu.enqueue_dma source(%arg7 : memref<200x16xf32, #tpu.memory_space<vmem>>) target(%dma_start3A_594 : memref<200x16xf32, #tpu.memory_space<hbm>>) target_semaphore(%dma_start3A_592 : memref<!tpu.dma_semaphore, #tpu.memory_space<semaphore_mem>>)
    %add3A_595 = arith.constant 3000 : i32
    %add3A_596 = arith.addi %multiple_of3A, %add3A_595 : i32
    %dma_wait3A_597 = arith.constant 3 : i32
    %dma_wait3A_598 = arith.constant 0 : i32
    %dma_wait3A_599 = tpu.memref_slice %arg3[%add3A_596, %dma_wait3A_598] : memref<320000x16xf32, #tpu.memory_space<hbm>> -> memref<200x16xf32, #tpu.memory_space<hbm>>
    %dma_wait3A_600 = tpu.memref_slice %arg9[%dma_wait3A_597] : memref<4x!tpu.dma_semaphore, #tpu.memory_space<semaphore_mem>> -> memref<1x!tpu.dma_semaphore, #tpu.memory_space<semaphore_mem>>
    %dma_wait3A_601 = tpu.memref_squeeze %dma_wait3A_600 : memref<1x!tpu.dma_semaphore, #tpu.memory_space<semaphore_mem>> -> memref<!tpu.dma_semaphore, #tpu.memory_space<semaphore_mem>>
    %dma_wait3A_602 = arith.constant 0 : i32
    %dma_wait3A_603 = tpu.memref_slice %arg3[%add3A_596, %dma_wait3A_602] : memref<320000x16xf32, #tpu.memory_space<hbm>> -> memref<200x16xf32, #tpu.memory_space<hbm>>
    tpu.wait_dma2 semaphore(%dma_wait3A_601 : memref<!tpu.dma_semaphore, #tpu.memory_space<semaphore_mem>>) src(%arg7 : memref<200x16xf32, #tpu.memory_space<vmem>>) dst(%dma_wait3A_603 : memref<200x16xf32, #tpu.memory_space<hbm>>)
    %add3A_604 = arith.constant 3800 : i32
    %add3A_605 = arith.addi %multiple_of3A, %add3A_604 : i32
    %dma_start3A_606 = arith.constant 3 : i32
    %dma_start3A_607 = arith.constant 0 : i32
    %dma_start3A_608 = tpu.memref_slice %arg2[%add3A_605, %dma_start3A_607] : memref<320000x16xf32, #tpu.memory_space<hbm>> -> memref<200x16xf32, #tpu.memory_space<hbm>>
    %dma_start3A_609 = tpu.memref_slice %arg8[%dma_start3A_606] : memref<4x!tpu.dma_semaphore, #tpu.memory_space<semaphore_mem>> -> memref<1x!tpu.dma_semaphore, #tpu.memory_space<semaphore_mem>>
    %dma_start3A_610 = tpu.memref_squeeze %dma_start3A_609 : memref<1x!tpu.dma_semaphore, #tpu.memory_space<semaphore_mem>> -> memref<!tpu.dma_semaphore, #tpu.memory_space<semaphore_mem>>
    %dma_start3A_611 = arith.constant 0 : i32
    %dma_start3A_612 = tpu.memref_slice %arg2[%add3A_605, %dma_start3A_611] : memref<320000x16xf32, #tpu.memory_space<hbm>> -> memref<200x16xf32, #tpu.memory_space<hbm>>
    tpu.enqueue_dma source(%dma_start3A_612 : memref<200x16xf32, #tpu.memory_space<hbm>>) target(%arg7 : memref<200x16xf32, #tpu.memory_space<vmem>>) target_semaphore(%dma_start3A_610 : memref<!tpu.dma_semaphore, #tpu.memory_space<semaphore_mem>>)
    %add3A_613 = arith.constant 3200 : i32
    %add3A_614 = arith.addi %multiple_of3A, %add3A_613 : i32
    %dma_wait3A_615 = arith.constant 0 : i32
    %dma_wait3A_616 = arith.constant 0 : i32
    %dma_wait3A_617 = tpu.memref_slice %arg2[%add3A_614, %dma_wait3A_616] : memref<320000x16xf32, #tpu.memory_space<hbm>> -> memref<200x16xf32, #tpu.memory_space<hbm>>
    %dma_wait3A_618 = tpu.memref_slice %arg8[%dma_wait3A_615] : memref<4x!tpu.dma_semaphore, #tpu.memory_space<semaphore_mem>> -> memref<1x!tpu.dma_semaphore, #tpu.memory_space<semaphore_mem>>
    %dma_wait3A_619 = tpu.memref_squeeze %dma_wait3A_618 : memref<1x!tpu.dma_semaphore, #tpu.memory_space<semaphore_mem>> -> memref<!tpu.dma_semaphore, #tpu.memory_space<semaphore_mem>>
    %dma_wait3A_620 = arith.constant 0 : i32
    %dma_wait3A_621 = tpu.memref_slice %arg2[%add3A_614, %dma_wait3A_620] : memref<320000x16xf32, #tpu.memory_space<hbm>> -> memref<200x16xf32, #tpu.memory_space<hbm>>
    tpu.wait_dma2 semaphore(%dma_wait3A_619 : memref<!tpu.dma_semaphore, #tpu.memory_space<semaphore_mem>>) src(%dma_wait3A_621 : memref<200x16xf32, #tpu.memory_space<hbm>>) dst(%arg4 : memref<200x16xf32, #tpu.memory_space<vmem>>)
    %add3A_622 = arith.constant 3200 : i32
    %add3A_623 = arith.addi %multiple_of3A, %add3A_622 : i32
    %dma_start3A_624 = arith.constant 0 : i32
    %dma_start3A_625 = arith.constant 0 : i32
    %dma_start3A_626 = tpu.memref_slice %arg3[%add3A_623, %dma_start3A_625] : memref<320000x16xf32, #tpu.memory_space<hbm>> -> memref<200x16xf32, #tpu.memory_space<hbm>>
    %dma_start3A_627 = tpu.memref_slice %arg9[%dma_start3A_624] : memref<4x!tpu.dma_semaphore, #tpu.memory_space<semaphore_mem>> -> memref<1x!tpu.dma_semaphore, #tpu.memory_space<semaphore_mem>>
    %dma_start3A_628 = tpu.memref_squeeze %dma_start3A_627 : memref<1x!tpu.dma_semaphore, #tpu.memory_space<semaphore_mem>> -> memref<!tpu.dma_semaphore, #tpu.memory_space<semaphore_mem>>
    %dma_start3A_629 = arith.constant 0 : i32
    %dma_start3A_630 = tpu.memref_slice %arg3[%add3A_623, %dma_start3A_629] : memref<320000x16xf32, #tpu.memory_space<hbm>> -> memref<200x16xf32, #tpu.memory_space<hbm>>
    tpu.enqueue_dma source(%arg4 : memref<200x16xf32, #tpu.memory_space<vmem>>) target(%dma_start3A_630 : memref<200x16xf32, #tpu.memory_space<hbm>>) target_semaphore(%dma_start3A_628 : memref<!tpu.dma_semaphore, #tpu.memory_space<semaphore_mem>>)
    %add3A_631 = arith.constant 3200 : i32
    %add3A_632 = arith.addi %multiple_of3A, %add3A_631 : i32
    %dma_wait3A_633 = arith.constant 0 : i32
    %dma_wait3A_634 = arith.constant 0 : i32
    %dma_wait3A_635 = tpu.memref_slice %arg3[%add3A_632, %dma_wait3A_634] : memref<320000x16xf32, #tpu.memory_space<hbm>> -> memref<200x16xf32, #tpu.memory_space<hbm>>
    %dma_wait3A_636 = tpu.memref_slice %arg9[%dma_wait3A_633] : memref<4x!tpu.dma_semaphore, #tpu.memory_space<semaphore_mem>> -> memref<1x!tpu.dma_semaphore, #tpu.memory_space<semaphore_mem>>
    %dma_wait3A_637 = tpu.memref_squeeze %dma_wait3A_636 : memref<1x!tpu.dma_semaphore, #tpu.memory_space<semaphore_mem>> -> memref<!tpu.dma_semaphore, #tpu.memory_space<semaphore_mem>>
    %dma_wait3A_638 = arith.constant 0 : i32
    %dma_wait3A_639 = tpu.memref_slice %arg3[%add3A_632, %dma_wait3A_638] : memref<320000x16xf32, #tpu.memory_space<hbm>> -> memref<200x16xf32, #tpu.memory_space<hbm>>
    tpu.wait_dma2 semaphore(%dma_wait3A_637 : memref<!tpu.dma_semaphore, #tpu.memory_space<semaphore_mem>>) src(%arg4 : memref<200x16xf32, #tpu.memory_space<vmem>>) dst(%dma_wait3A_639 : memref<200x16xf32, #tpu.memory_space<hbm>>)
    %add3A_640 = arith.constant 4000 : i32
    %add3A_641 = arith.addi %multiple_of3A, %add3A_640 : i32
    %dma_start3A_642 = arith.constant 0 : i32
    %dma_start3A_643 = arith.constant 0 : i32
    %dma_start3A_644 = tpu.memref_slice %arg2[%add3A_641, %dma_start3A_643] : memref<320000x16xf32, #tpu.memory_space<hbm>> -> memref<200x16xf32, #tpu.memory_space<hbm>>
    %dma_start3A_645 = tpu.memref_slice %arg8[%dma_start3A_642] : memref<4x!tpu.dma_semaphore, #tpu.memory_space<semaphore_mem>> -> memref<1x!tpu.dma_semaphore, #tpu.memory_space<semaphore_mem>>
    %dma_start3A_646 = tpu.memref_squeeze %dma_start3A_645 : memref<1x!tpu.dma_semaphore, #tpu.memory_space<semaphore_mem>> -> memref<!tpu.dma_semaphore, #tpu.memory_space<semaphore_mem>>
    %dma_start3A_647 = arith.constant 0 : i32
    %dma_start3A_648 = tpu.memref_slice %arg2[%add3A_641, %dma_start3A_647] : memref<320000x16xf32, #tpu.memory_space<hbm>> -> memref<200x16xf32, #tpu.memory_space<hbm>>
    tpu.enqueue_dma source(%dma_start3A_648 : memref<200x16xf32, #tpu.memory_space<hbm>>) target(%arg4 : memref<200x16xf32, #tpu.memory_space<vmem>>) target_semaphore(%dma_start3A_646 : memref<!tpu.dma_semaphore, #tpu.memory_space<semaphore_mem>>)
    %add3A_649 = arith.constant 3400 : i32
    %add3A_650 = arith.addi %multiple_of3A, %add3A_649 : i32
    %dma_wait3A_651 = arith.constant 1 : i32
    %dma_wait3A_652 = arith.constant 0 : i32
    %dma_wait3A_653 = tpu.memref_slice %arg2[%add3A_650, %dma_wait3A_652] : memref<320000x16xf32, #tpu.memory_space<hbm>> -> memref<200x16xf32, #tpu.memory_space<hbm>>
    %dma_wait3A_654 = tpu.memref_slice %arg8[%dma_wait3A_651] : memref<4x!tpu.dma_semaphore, #tpu.memory_space<semaphore_mem>> -> memref<1x!tpu.dma_semaphore, #tpu.memory_space<semaphore_mem>>
    %dma_wait3A_655 = tpu.memref_squeeze %dma_wait3A_654 : memref<1x!tpu.dma_semaphore, #tpu.memory_space<semaphore_mem>> -> memref<!tpu.dma_semaphore, #tpu.memory_space<semaphore_mem>>
    %dma_wait3A_656 = arith.constant 0 : i32
    %dma_wait3A_657 = tpu.memref_slice %arg2[%add3A_650, %dma_wait3A_656] : memref<320000x16xf32, #tpu.memory_space<hbm>> -> memref<200x16xf32, #tpu.memory_space<hbm>>
    tpu.wait_dma2 semaphore(%dma_wait3A_655 : memref<!tpu.dma_semaphore, #tpu.memory_space<semaphore_mem>>) src(%dma_wait3A_657 : memref<200x16xf32, #tpu.memory_space<hbm>>) dst(%arg5 : memref<200x16xf32, #tpu.memory_space<vmem>>)
    %add3A_658 = arith.constant 3400 : i32
    %add3A_659 = arith.addi %multiple_of3A, %add3A_658 : i32
    %dma_start3A_660 = arith.constant 1 : i32
    %dma_start3A_661 = arith.constant 0 : i32
    %dma_start3A_662 = tpu.memref_slice %arg3[%add3A_659, %dma_start3A_661] : memref<320000x16xf32, #tpu.memory_space<hbm>> -> memref<200x16xf32, #tpu.memory_space<hbm>>
    %dma_start3A_663 = tpu.memref_slice %arg9[%dma_start3A_660] : memref<4x!tpu.dma_semaphore, #tpu.memory_space<semaphore_mem>> -> memref<1x!tpu.dma_semaphore, #tpu.memory_space<semaphore_mem>>
    %dma_start3A_664 = tpu.memref_squeeze %dma_start3A_663 : memref<1x!tpu.dma_semaphore, #tpu.memory_space<semaphore_mem>> -> memref<!tpu.dma_semaphore, #tpu.memory_space<semaphore_mem>>
    %dma_start3A_665 = arith.constant 0 : i32
    %dma_start3A_666 = tpu.memref_slice %arg3[%add3A_659, %dma_start3A_665] : memref<320000x16xf32, #tpu.memory_space<hbm>> -> memref<200x16xf32, #tpu.memory_space<hbm>>
    tpu.enqueue_dma source(%arg5 : memref<200x16xf32, #tpu.memory_space<vmem>>) target(%dma_start3A_666 : memref<200x16xf32, #tpu.memory_space<hbm>>) target_semaphore(%dma_start3A_664 : memref<!tpu.dma_semaphore, #tpu.memory_space<semaphore_mem>>)
    %add3A_667 = arith.constant 3400 : i32
    %add3A_668 = arith.addi %multiple_of3A, %add3A_667 : i32
    %dma_wait3A_669 = arith.constant 1 : i32
    %dma_wait3A_670 = arith.constant 0 : i32
    %dma_wait3A_671 = tpu.memref_slice %arg3[%add3A_668, %dma_wait3A_670] : memref<320000x16xf32, #tpu.memory_space<hbm>> -> memref<200x16xf32, #tpu.memory_space<hbm>>
    %dma_wait3A_672 = tpu.memref_slice %arg9[%dma_wait3A_669] : memref<4x!tpu.dma_semaphore, #tpu.memory_space<semaphore_mem>> -> memref<1x!tpu.dma_semaphore, #tpu.memory_space<semaphore_mem>>
    %dma_wait3A_673 = tpu.memref_squeeze %dma_wait3A_672 : memref<1x!tpu.dma_semaphore, #tpu.memory_space<semaphore_mem>> -> memref<!tpu.dma_semaphore, #tpu.memory_space<semaphore_mem>>
    %dma_wait3A_674 = arith.constant 0 : i32
    %dma_wait3A_675 = tpu.memref_slice %arg3[%add3A_668, %dma_wait3A_674] : memref<320000x16xf32, #tpu.memory_space<hbm>> -> memref<200x16xf32, #tpu.memory_space<hbm>>
    tpu.wait_dma2 semaphore(%dma_wait3A_673 : memref<!tpu.dma_semaphore, #tpu.memory_space<semaphore_mem>>) src(%arg5 : memref<200x16xf32, #tpu.memory_space<vmem>>) dst(%dma_wait3A_675 : memref<200x16xf32, #tpu.memory_space<hbm>>)
    %add3A_676 = arith.constant 4200 : i32
    %add3A_677 = arith.addi %multiple_of3A, %add3A_676 : i32
    %dma_start3A_678 = arith.constant 1 : i32
    %dma_start3A_679 = arith.constant 0 : i32
    %dma_start3A_680 = tpu.memref_slice %arg2[%add3A_677, %dma_start3A_679] : memref<320000x16xf32, #tpu.memory_space<hbm>> -> memref<200x16xf32, #tpu.memory_space<hbm>>
    %dma_start3A_681 = tpu.memref_slice %arg8[%dma_start3A_678] : memref<4x!tpu.dma_semaphore, #tpu.memory_space<semaphore_mem>> -> memref<1x!tpu.dma_semaphore, #tpu.memory_space<semaphore_mem>>
    %dma_start3A_682 = tpu.memref_squeeze %dma_start3A_681 : memref<1x!tpu.dma_semaphore, #tpu.memory_space<semaphore_mem>> -> memref<!tpu.dma_semaphore, #tpu.memory_space<semaphore_mem>>
    %dma_start3A_683 = arith.constant 0 : i32
    %dma_start3A_684 = tpu.memref_slice %arg2[%add3A_677, %dma_start3A_683] : memref<320000x16xf32, #tpu.memory_space<hbm>> -> memref<200x16xf32, #tpu.memory_space<hbm>>
    tpu.enqueue_dma source(%dma_start3A_684 : memref<200x16xf32, #tpu.memory_space<hbm>>) target(%arg5 : memref<200x16xf32, #tpu.memory_space<vmem>>) target_semaphore(%dma_start3A_682 : memref<!tpu.dma_semaphore, #tpu.memory_space<semaphore_mem>>)
    %add3A_685 = arith.constant 3600 : i32
    %add3A_686 = arith.addi %multiple_of3A, %add3A_685 : i32
    %dma_wait3A_687 = arith.constant 2 : i32
    %dma_wait3A_688 = arith.constant 0 : i32
    %dma_wait3A_689 = tpu.memref_slice %arg2[%add3A_686, %dma_wait3A_688] : memref<320000x16xf32, #tpu.memory_space<hbm>> -> memref<200x16xf32, #tpu.memory_space<hbm>>
    %dma_wait3A_690 = tpu.memref_slice %arg8[%dma_wait3A_687] : memref<4x!tpu.dma_semaphore, #tpu.memory_space<semaphore_mem>> -> memref<1x!tpu.dma_semaphore, #tpu.memory_space<semaphore_mem>>
    %dma_wait3A_691 = tpu.memref_squeeze %dma_wait3A_690 : memref<1x!tpu.dma_semaphore, #tpu.memory_space<semaphore_mem>> -> memref<!tpu.dma_semaphore, #tpu.memory_space<semaphore_mem>>
    %dma_wait3A_692 = arith.constant 0 : i32
    %dma_wait3A_693 = tpu.memref_slice %arg2[%add3A_686, %dma_wait3A_692] : memref<320000x16xf32, #tpu.memory_space<hbm>> -> memref<200x16xf32, #tpu.memory_space<hbm>>
    tpu.wait_dma2 semaphore(%dma_wait3A_691 : memref<!tpu.dma_semaphore, #tpu.memory_space<semaphore_mem>>) src(%dma_wait3A_693 : memref<200x16xf32, #tpu.memory_space<hbm>>) dst(%arg6 : memref<200x16xf32, #tpu.memory_space<vmem>>)
    %add3A_694 = arith.constant 3600 : i32
    %add3A_695 = arith.addi %multiple_of3A, %add3A_694 : i32
    %dma_start3A_696 = arith.constant 2 : i32
    %dma_start3A_697 = arith.constant 0 : i32
    %dma_start3A_698 = tpu.memref_slice %arg3[%add3A_695, %dma_start3A_697] : memref<320000x16xf32, #tpu.memory_space<hbm>> -> memref<200x16xf32, #tpu.memory_space<hbm>>
    %dma_start3A_699 = tpu.memref_slice %arg9[%dma_start3A_696] : memref<4x!tpu.dma_semaphore, #tpu.memory_space<semaphore_mem>> -> memref<1x!tpu.dma_semaphore, #tpu.memory_space<semaphore_mem>>
    %dma_start3A_700 = tpu.memref_squeeze %dma_start3A_699 : memref<1x!tpu.dma_semaphore, #tpu.memory_space<semaphore_mem>> -> memref<!tpu.dma_semaphore, #tpu.memory_space<semaphore_mem>>
    %dma_start3A_701 = arith.constant 0 : i32
    %dma_start3A_702 = tpu.memref_slice %arg3[%add3A_695, %dma_start3A_701] : memref<320000x16xf32, #tpu.memory_space<hbm>> -> memref<200x16xf32, #tpu.memory_space<hbm>>
    tpu.enqueue_dma source(%arg6 : memref<200x16xf32, #tpu.memory_space<vmem>>) target(%dma_start3A_702 : memref<200x16xf32, #tpu.memory_space<hbm>>) target_semaphore(%dma_start3A_700 : memref<!tpu.dma_semaphore, #tpu.memory_space<semaphore_mem>>)
    %add3A_703 = arith.constant 3600 : i32
    %add3A_704 = arith.addi %multiple_of3A, %add3A_703 : i32
    %dma_wait3A_705 = arith.constant 2 : i32
    %dma_wait3A_706 = arith.constant 0 : i32
    %dma_wait3A_707 = tpu.memref_slice %arg3[%add3A_704, %dma_wait3A_706] : memref<320000x16xf32, #tpu.memory_space<hbm>> -> memref<200x16xf32, #tpu.memory_space<hbm>>
    %dma_wait3A_708 = tpu.memref_slice %arg9[%dma_wait3A_705] : memref<4x!tpu.dma_semaphore, #tpu.memory_space<semaphore_mem>> -> memref<1x!tpu.dma_semaphore, #tpu.memory_space<semaphore_mem>>
    %dma_wait3A_709 = tpu.memref_squeeze %dma_wait3A_708 : memref<1x!tpu.dma_semaphore, #tpu.memory_space<semaphore_mem>> -> memref<!tpu.dma_semaphore, #tpu.memory_space<semaphore_mem>>
    %dma_wait3A_710 = arith.constant 0 : i32
    %dma_wait3A_711 = tpu.memref_slice %arg3[%add3A_704, %dma_wait3A_710] : memref<320000x16xf32, #tpu.memory_space<hbm>> -> memref<200x16xf32, #tpu.memory_space<hbm>>
    tpu.wait_dma2 semaphore(%dma_wait3A_709 : memref<!tpu.dma_semaphore, #tpu.memory_space<semaphore_mem>>) src(%arg6 : memref<200x16xf32, #tpu.memory_space<vmem>>) dst(%dma_wait3A_711 : memref<200x16xf32, #tpu.memory_space<hbm>>)
    %add3A_712 = arith.constant 4400 : i32
    %add3A_713 = arith.addi %multiple_of3A, %add3A_712 : i32
    %dma_start3A_714 = arith.constant 2 : i32
    %dma_start3A_715 = arith.constant 0 : i32
    %dma_start3A_716 = tpu.memref_slice %arg2[%add3A_713, %dma_start3A_715] : memref<320000x16xf32, #tpu.memory_space<hbm>> -> memref<200x16xf32, #tpu.memory_space<hbm>>
    %dma_start3A_717 = tpu.memref_slice %arg8[%dma_start3A_714] : memref<4x!tpu.dma_semaphore, #tpu.memory_space<semaphore_mem>> -> memref<1x!tpu.dma_semaphore, #tpu.memory_space<semaphore_mem>>
    %dma_start3A_718 = tpu.memref_squeeze %dma_start3A_717 : memref<1x!tpu.dma_semaphore, #tpu.memory_space<semaphore_mem>> -> memref<!tpu.dma_semaphore, #tpu.memory_space<semaphore_mem>>
    %dma_start3A_719 = arith.constant 0 : i32
    %dma_start3A_720 = tpu.memref_slice %arg2[%add3A_713, %dma_start3A_719] : memref<320000x16xf32, #tpu.memory_space<hbm>> -> memref<200x16xf32, #tpu.memory_space<hbm>>
    tpu.enqueue_dma source(%dma_start3A_720 : memref<200x16xf32, #tpu.memory_space<hbm>>) target(%arg6 : memref<200x16xf32, #tpu.memory_space<vmem>>) target_semaphore(%dma_start3A_718 : memref<!tpu.dma_semaphore, #tpu.memory_space<semaphore_mem>>)
    %add3A_721 = arith.constant 3800 : i32
    %add3A_722 = arith.addi %multiple_of3A, %add3A_721 : i32
    %dma_wait3A_723 = arith.constant 3 : i32
    %dma_wait3A_724 = arith.constant 0 : i32
    %dma_wait3A_725 = tpu.memref_slice %arg2[%add3A_722, %dma_wait3A_724] : memref<320000x16xf32, #tpu.memory_space<hbm>> -> memref<200x16xf32, #tpu.memory_space<hbm>>
    %dma_wait3A_726 = tpu.memref_slice %arg8[%dma_wait3A_723] : memref<4x!tpu.dma_semaphore, #tpu.memory_space<semaphore_mem>> -> memref<1x!tpu.dma_semaphore, #tpu.memory_space<semaphore_mem>>
    %dma_wait3A_727 = tpu.memref_squeeze %dma_wait3A_726 : memref<1x!tpu.dma_semaphore, #tpu.memory_space<semaphore_mem>> -> memref<!tpu.dma_semaphore, #tpu.memory_space<semaphore_mem>>
    %dma_wait3A_728 = arith.constant 0 : i32
    %dma_wait3A_729 = tpu.memref_slice %arg2[%add3A_722, %dma_wait3A_728] : memref<320000x16xf32, #tpu.memory_space<hbm>> -> memref<200x16xf32, #tpu.memory_space<hbm>>
    tpu.wait_dma2 semaphore(%dma_wait3A_727 : memref<!tpu.dma_semaphore, #tpu.memory_space<semaphore_mem>>) src(%dma_wait3A_729 : memref<200x16xf32, #tpu.memory_space<hbm>>) dst(%arg7 : memref<200x16xf32, #tpu.memory_space<vmem>>)
    %add3A_730 = arith.constant 3800 : i32
    %add3A_731 = arith.addi %multiple_of3A, %add3A_730 : i32
    %dma_start3A_732 = arith.constant 3 : i32
    %dma_start3A_733 = arith.constant 0 : i32
    %dma_start3A_734 = tpu.memref_slice %arg3[%add3A_731, %dma_start3A_733] : memref<320000x16xf32, #tpu.memory_space<hbm>> -> memref<200x16xf32, #tpu.memory_space<hbm>>
    %dma_start3A_735 = tpu.memref_slice %arg9[%dma_start3A_732] : memref<4x!tpu.dma_semaphore, #tpu.memory_space<semaphore_mem>> -> memref<1x!tpu.dma_semaphore, #tpu.memory_space<semaphore_mem>>
    %dma_start3A_736 = tpu.memref_squeeze %dma_start3A_735 : memref<1x!tpu.dma_semaphore, #tpu.memory_space<semaphore_mem>> -> memref<!tpu.dma_semaphore, #tpu.memory_space<semaphore_mem>>
    %dma_start3A_737 = arith.constant 0 : i32
    %dma_start3A_738 = tpu.memref_slice %arg3[%add3A_731, %dma_start3A_737] : memref<320000x16xf32, #tpu.memory_space<hbm>> -> memref<200x16xf32, #tpu.memory_space<hbm>>
    tpu.enqueue_dma source(%arg7 : memref<200x16xf32, #tpu.memory_space<vmem>>) target(%dma_start3A_738 : memref<200x16xf32, #tpu.memory_space<hbm>>) target_semaphore(%dma_start3A_736 : memref<!tpu.dma_semaphore, #tpu.memory_space<semaphore_mem>>)
    %add3A_739 = arith.constant 3800 : i32
    %add3A_740 = arith.addi %multiple_of3A, %add3A_739 : i32
    %dma_wait3A_741 = arith.constant 3 : i32
    %dma_wait3A_742 = arith.constant 0 : i32
    %dma_wait3A_743 = tpu.memref_slice %arg3[%add3A_740, %dma_wait3A_742] : memref<320000x16xf32, #tpu.memory_space<hbm>> -> memref<200x16xf32, #tpu.memory_space<hbm>>
    %dma_wait3A_744 = tpu.memref_slice %arg9[%dma_wait3A_741] : memref<4x!tpu.dma_semaphore, #tpu.memory_space<semaphore_mem>> -> memref<1x!tpu.dma_semaphore, #tpu.memory_space<semaphore_mem>>
    %dma_wait3A_745 = tpu.memref_squeeze %dma_wait3A_744 : memref<1x!tpu.dma_semaphore, #tpu.memory_space<semaphore_mem>> -> memref<!tpu.dma_semaphore, #tpu.memory_space<semaphore_mem>>
    %dma_wait3A_746 = arith.constant 0 : i32
    %dma_wait3A_747 = tpu.memref_slice %arg3[%add3A_740, %dma_wait3A_746] : memref<320000x16xf32, #tpu.memory_space<hbm>> -> memref<200x16xf32, #tpu.memory_space<hbm>>
    tpu.wait_dma2 semaphore(%dma_wait3A_745 : memref<!tpu.dma_semaphore, #tpu.memory_space<semaphore_mem>>) src(%arg7 : memref<200x16xf32, #tpu.memory_space<vmem>>) dst(%dma_wait3A_747 : memref<200x16xf32, #tpu.memory_space<hbm>>)
    %add3A_748 = arith.constant 4600 : i32
    %add3A_749 = arith.addi %multiple_of3A, %add3A_748 : i32
    %dma_start3A_750 = arith.constant 3 : i32
    %dma_start3A_751 = arith.constant 0 : i32
    %dma_start3A_752 = tpu.memref_slice %arg2[%add3A_749, %dma_start3A_751] : memref<320000x16xf32, #tpu.memory_space<hbm>> -> memref<200x16xf32, #tpu.memory_space<hbm>>
    %dma_start3A_753 = tpu.memref_slice %arg8[%dma_start3A_750] : memref<4x!tpu.dma_semaphore, #tpu.memory_space<semaphore_mem>> -> memref<1x!tpu.dma_semaphore, #tpu.memory_space<semaphore_mem>>
    %dma_start3A_754 = tpu.memref_squeeze %dma_start3A_753 : memref<1x!tpu.dma_semaphore, #tpu.memory_space<semaphore_mem>> -> memref<!tpu.dma_semaphore, #tpu.memory_space<semaphore_mem>>
    %dma_start3A_755 = arith.constant 0 : i32
    %dma_start3A_756 = tpu.memref_slice %arg2[%add3A_749, %dma_start3A_755] : memref<320000x16xf32, #tpu.memory_space<hbm>> -> memref<200x16xf32, #tpu.memory_space<hbm>>
    tpu.enqueue_dma source(%dma_start3A_756 : memref<200x16xf32, #tpu.memory_space<hbm>>) target(%arg7 : memref<200x16xf32, #tpu.memory_space<vmem>>) target_semaphore(%dma_start3A_754 : memref<!tpu.dma_semaphore, #tpu.memory_space<semaphore_mem>>)
    %add3A_757 = arith.constant 4000 : i32
    %add3A_758 = arith.addi %multiple_of3A, %add3A_757 : i32
    %dma_wait3A_759 = arith.constant 0 : i32
    %dma_wait3A_760 = arith.constant 0 : i32
    %dma_wait3A_761 = tpu.memref_slice %arg2[%add3A_758, %dma_wait3A_760] : memref<320000x16xf32, #tpu.memory_space<hbm>> -> memref<200x16xf32, #tpu.memory_space<hbm>>
    %dma_wait3A_762 = tpu.memref_slice %arg8[%dma_wait3A_759] : memref<4x!tpu.dma_semaphore, #tpu.memory_space<semaphore_mem>> -> memref<1x!tpu.dma_semaphore, #tpu.memory_space<semaphore_mem>>
    %dma_wait3A_763 = tpu.memref_squeeze %dma_wait3A_762 : memref<1x!tpu.dma_semaphore, #tpu.memory_space<semaphore_mem>> -> memref<!tpu.dma_semaphore, #tpu.memory_space<semaphore_mem>>
    %dma_wait3A_764 = arith.constant 0 : i32
    %dma_wait3A_765 = tpu.memref_slice %arg2[%add3A_758, %dma_wait3A_764] : memref<320000x16xf32, #tpu.memory_space<hbm>> -> memref<200x16xf32, #tpu.memory_space<hbm>>
    tpu.wait_dma2 semaphore(%dma_wait3A_763 : memref<!tpu.dma_semaphore, #tpu.memory_space<semaphore_mem>>) src(%dma_wait3A_765 : memref<200x16xf32, #tpu.memory_space<hbm>>) dst(%arg4 : memref<200x16xf32, #tpu.memory_space<vmem>>)
    %add3A_766 = arith.constant 4000 : i32
    %add3A_767 = arith.addi %multiple_of3A, %add3A_766 : i32
    %dma_start3A_768 = arith.constant 0 : i32
    %dma_start3A_769 = arith.constant 0 : i32
    %dma_start3A_770 = tpu.memref_slice %arg3[%add3A_767, %dma_start3A_769] : memref<320000x16xf32, #tpu.memory_space<hbm>> -> memref<200x16xf32, #tpu.memory_space<hbm>>
    %dma_start3A_771 = tpu.memref_slice %arg9[%dma_start3A_768] : memref<4x!tpu.dma_semaphore, #tpu.memory_space<semaphore_mem>> -> memref<1x!tpu.dma_semaphore, #tpu.memory_space<semaphore_mem>>
    %dma_start3A_772 = tpu.memref_squeeze %dma_start3A_771 : memref<1x!tpu.dma_semaphore, #tpu.memory_space<semaphore_mem>> -> memref<!tpu.dma_semaphore, #tpu.memory_space<semaphore_mem>>
    %dma_start3A_773 = arith.constant 0 : i32
    %dma_start3A_774 = tpu.memref_slice %arg3[%add3A_767, %dma_start3A_773] : memref<320000x16xf32, #tpu.memory_space<hbm>> -> memref<200x16xf32, #tpu.memory_space<hbm>>
    tpu.enqueue_dma source(%arg4 : memref<200x16xf32, #tpu.memory_space<vmem>>) target(%dma_start3A_774 : memref<200x16xf32, #tpu.memory_space<hbm>>) target_semaphore(%dma_start3A_772 : memref<!tpu.dma_semaphore, #tpu.memory_space<semaphore_mem>>)
    %add3A_775 = arith.constant 4000 : i32
    %add3A_776 = arith.addi %multiple_of3A, %add3A_775 : i32
    %dma_wait3A_777 = arith.constant 0 : i32
    %dma_wait3A_778 = arith.constant 0 : i32
    %dma_wait3A_779 = tpu.memref_slice %arg3[%add3A_776, %dma_wait3A_778] : memref<320000x16xf32, #tpu.memory_space<hbm>> -> memref<200x16xf32, #tpu.memory_space<hbm>>
    %dma_wait3A_780 = tpu.memref_slice %arg9[%dma_wait3A_777] : memref<4x!tpu.dma_semaphore, #tpu.memory_space<semaphore_mem>> -> memref<1x!tpu.dma_semaphore, #tpu.memory_space<semaphore_mem>>
    %dma_wait3A_781 = tpu.memref_squeeze %dma_wait3A_780 : memref<1x!tpu.dma_semaphore, #tpu.memory_space<semaphore_mem>> -> memref<!tpu.dma_semaphore, #tpu.memory_space<semaphore_mem>>
    %dma_wait3A_782 = arith.constant 0 : i32
    %dma_wait3A_783 = tpu.memref_slice %arg3[%add3A_776, %dma_wait3A_782] : memref<320000x16xf32, #tpu.memory_space<hbm>> -> memref<200x16xf32, #tpu.memory_space<hbm>>
    tpu.wait_dma2 semaphore(%dma_wait3A_781 : memref<!tpu.dma_semaphore, #tpu.memory_space<semaphore_mem>>) src(%arg4 : memref<200x16xf32, #tpu.memory_space<vmem>>) dst(%dma_wait3A_783 : memref<200x16xf32, #tpu.memory_space<hbm>>)
    %add3A_784 = arith.constant 4800 : i32
    %add3A_785 = arith.addi %multiple_of3A, %add3A_784 : i32
    %dma_start3A_786 = arith.constant 0 : i32
    %dma_start3A_787 = arith.constant 0 : i32
    %dma_start3A_788 = tpu.memref_slice %arg2[%add3A_785, %dma_start3A_787] : memref<320000x16xf32, #tpu.memory_space<hbm>> -> memref<200x16xf32, #tpu.memory_space<hbm>>
    %dma_start3A_789 = tpu.memref_slice %arg8[%dma_start3A_786] : memref<4x!tpu.dma_semaphore, #tpu.memory_space<semaphore_mem>> -> memref<1x!tpu.dma_semaphore, #tpu.memory_space<semaphore_mem>>
    %dma_start3A_790 = tpu.memref_squeeze %dma_start3A_789 : memref<1x!tpu.dma_semaphore, #tpu.memory_space<semaphore_mem>> -> memref<!tpu.dma_semaphore, #tpu.memory_space<semaphore_mem>>
    %dma_start3A_791 = arith.constant 0 : i32
    %dma_start3A_792 = tpu.memref_slice %arg2[%add3A_785, %dma_start3A_791] : memref<320000x16xf32, #tpu.memory_space<hbm>> -> memref<200x16xf32, #tpu.memory_space<hbm>>
    tpu.enqueue_dma source(%dma_start3A_792 : memref<200x16xf32, #tpu.memory_space<hbm>>) target(%arg4 : memref<200x16xf32, #tpu.memory_space<vmem>>) target_semaphore(%dma_start3A_790 : memref<!tpu.dma_semaphore, #tpu.memory_space<semaphore_mem>>)
    %add3A_793 = arith.constant 4200 : i32
    %add3A_794 = arith.addi %multiple_of3A, %add3A_793 : i32
    %dma_wait3A_795 = arith.constant 1 : i32
    %dma_wait3A_796 = arith.constant 0 : i32
    %dma_wait3A_797 = tpu.memref_slice %arg2[%add3A_794, %dma_wait3A_796] : memref<320000x16xf32, #tpu.memory_space<hbm>> -> memref<200x16xf32, #tpu.memory_space<hbm>>
    %dma_wait3A_798 = tpu.memref_slice %arg8[%dma_wait3A_795] : memref<4x!tpu.dma_semaphore, #tpu.memory_space<semaphore_mem>> -> memref<1x!tpu.dma_semaphore, #tpu.memory_space<semaphore_mem>>
    %dma_wait3A_799 = tpu.memref_squeeze %dma_wait3A_798 : memref<1x!tpu.dma_semaphore, #tpu.memory_space<semaphore_mem>> -> memref<!tpu.dma_semaphore, #tpu.memory_space<semaphore_mem>>
    %dma_wait3A_800 = arith.constant 0 : i32
    %dma_wait3A_801 = tpu.memref_slice %arg2[%add3A_794, %dma_wait3A_800] : memref<320000x16xf32, #tpu.memory_space<hbm>> -> memref<200x16xf32, #tpu.memory_space<hbm>>
    tpu.wait_dma2 semaphore(%dma_wait3A_799 : memref<!tpu.dma_semaphore, #tpu.memory_space<semaphore_mem>>) src(%dma_wait3A_801 : memref<200x16xf32, #tpu.memory_space<hbm>>) dst(%arg5 : memref<200x16xf32, #tpu.memory_space<vmem>>)
    %add3A_802 = arith.constant 4200 : i32
    %add3A_803 = arith.addi %multiple_of3A, %add3A_802 : i32
    %dma_start3A_804 = arith.constant 1 : i32
    %dma_start3A_805 = arith.constant 0 : i32
    %dma_start3A_806 = tpu.memref_slice %arg3[%add3A_803, %dma_start3A_805] : memref<320000x16xf32, #tpu.memory_space<hbm>> -> memref<200x16xf32, #tpu.memory_space<hbm>>
    %dma_start3A_807 = tpu.memref_slice %arg9[%dma_start3A_804] : memref<4x!tpu.dma_semaphore, #tpu.memory_space<semaphore_mem>> -> memref<1x!tpu.dma_semaphore, #tpu.memory_space<semaphore_mem>>
    %dma_start3A_808 = tpu.memref_squeeze %dma_start3A_807 : memref<1x!tpu.dma_semaphore, #tpu.memory_space<semaphore_mem>> -> memref<!tpu.dma_semaphore, #tpu.memory_space<semaphore_mem>>
    %dma_start3A_809 = arith.constant 0 : i32
    %dma_start3A_810 = tpu.memref_slice %arg3[%add3A_803, %dma_start3A_809] : memref<320000x16xf32, #tpu.memory_space<hbm>> -> memref<200x16xf32, #tpu.memory_space<hbm>>
    tpu.enqueue_dma source(%arg5 : memref<200x16xf32, #tpu.memory_space<vmem>>) target(%dma_start3A_810 : memref<200x16xf32, #tpu.memory_space<hbm>>) target_semaphore(%dma_start3A_808 : memref<!tpu.dma_semaphore, #tpu.memory_space<semaphore_mem>>)
    %add3A_811 = arith.constant 4200 : i32
    %add3A_812 = arith.addi %multiple_of3A, %add3A_811 : i32
    %dma_wait3A_813 = arith.constant 1 : i32
    %dma_wait3A_814 = arith.constant 0 : i32
    %dma_wait3A_815 = tpu.memref_slice %arg3[%add3A_812, %dma_wait3A_814] : memref<320000x16xf32, #tpu.memory_space<hbm>> -> memref<200x16xf32, #tpu.memory_space<hbm>>
    %dma_wait3A_816 = tpu.memref_slice %arg9[%dma_wait3A_813] : memref<4x!tpu.dma_semaphore, #tpu.memory_space<semaphore_mem>> -> memref<1x!tpu.dma_semaphore, #tpu.memory_space<semaphore_mem>>
    %dma_wait3A_817 = tpu.memref_squeeze %dma_wait3A_816 : memref<1x!tpu.dma_semaphore, #tpu.memory_space<semaphore_mem>> -> memref<!tpu.dma_semaphore, #tpu.memory_space<semaphore_mem>>
    %dma_wait3A_818 = arith.constant 0 : i32
    %dma_wait3A_819 = tpu.memref_slice %arg3[%add3A_812, %dma_wait3A_818] : memref<320000x16xf32, #tpu.memory_space<hbm>> -> memref<200x16xf32, #tpu.memory_space<hbm>>
    tpu.wait_dma2 semaphore(%dma_wait3A_817 : memref<!tpu.dma_semaphore, #tpu.memory_space<semaphore_mem>>) src(%arg5 : memref<200x16xf32, #tpu.memory_space<vmem>>) dst(%dma_wait3A_819 : memref<200x16xf32, #tpu.memory_space<hbm>>)
    %add3A_820 = arith.constant 5000 : i32
    %add3A_821 = arith.addi %multiple_of3A, %add3A_820 : i32
    %dma_start3A_822 = arith.constant 1 : i32
    %dma_start3A_823 = arith.constant 0 : i32
    %dma_start3A_824 = tpu.memref_slice %arg2[%add3A_821, %dma_start3A_823] : memref<320000x16xf32, #tpu.memory_space<hbm>> -> memref<200x16xf32, #tpu.memory_space<hbm>>
    %dma_start3A_825 = tpu.memref_slice %arg8[%dma_start3A_822] : memref<4x!tpu.dma_semaphore, #tpu.memory_space<semaphore_mem>> -> memref<1x!tpu.dma_semaphore, #tpu.memory_space<semaphore_mem>>
    %dma_start3A_826 = tpu.memref_squeeze %dma_start3A_825 : memref<1x!tpu.dma_semaphore, #tpu.memory_space<semaphore_mem>> -> memref<!tpu.dma_semaphore, #tpu.memory_space<semaphore_mem>>
    %dma_start3A_827 = arith.constant 0 : i32
    %dma_start3A_828 = tpu.memref_slice %arg2[%add3A_821, %dma_start3A_827] : memref<320000x16xf32, #tpu.memory_space<hbm>> -> memref<200x16xf32, #tpu.memory_space<hbm>>
    tpu.enqueue_dma source(%dma_start3A_828 : memref<200x16xf32, #tpu.memory_space<hbm>>) target(%arg5 : memref<200x16xf32, #tpu.memory_space<vmem>>) target_semaphore(%dma_start3A_826 : memref<!tpu.dma_semaphore, #tpu.memory_space<semaphore_mem>>)
    %add3A_829 = arith.constant 4400 : i32
    %add3A_830 = arith.addi %multiple_of3A, %add3A_829 : i32
    %dma_wait3A_831 = arith.constant 2 : i32
    %dma_wait3A_832 = arith.constant 0 : i32
    %dma_wait3A_833 = tpu.memref_slice %arg2[%add3A_830, %dma_wait3A_832] : memref<320000x16xf32, #tpu.memory_space<hbm>> -> memref<200x16xf32, #tpu.memory_space<hbm>>
    %dma_wait3A_834 = tpu.memref_slice %arg8[%dma_wait3A_831] : memref<4x!tpu.dma_semaphore, #tpu.memory_space<semaphore_mem>> -> memref<1x!tpu.dma_semaphore, #tpu.memory_space<semaphore_mem>>
    %dma_wait3A_835 = tpu.memref_squeeze %dma_wait3A_834 : memref<1x!tpu.dma_semaphore, #tpu.memory_space<semaphore_mem>> -> memref<!tpu.dma_semaphore, #tpu.memory_space<semaphore_mem>>
    %dma_wait3A_836 = arith.constant 0 : i32
    %dma_wait3A_837 = tpu.memref_slice %arg2[%add3A_830, %dma_wait3A_836] : memref<320000x16xf32, #tpu.memory_space<hbm>> -> memref<200x16xf32, #tpu.memory_space<hbm>>
    tpu.wait_dma2 semaphore(%dma_wait3A_835 : memref<!tpu.dma_semaphore, #tpu.memory_space<semaphore_mem>>) src(%dma_wait3A_837 : memref<200x16xf32, #tpu.memory_space<hbm>>) dst(%arg6 : memref<200x16xf32, #tpu.memory_space<vmem>>)
    %add3A_838 = arith.constant 4400 : i32
    %add3A_839 = arith.addi %multiple_of3A, %add3A_838 : i32
    %dma_start3A_840 = arith.constant 2 : i32
    %dma_start3A_841 = arith.constant 0 : i32
    %dma_start3A_842 = tpu.memref_slice %arg3[%add3A_839, %dma_start3A_841] : memref<320000x16xf32, #tpu.memory_space<hbm>> -> memref<200x16xf32, #tpu.memory_space<hbm>>
    %dma_start3A_843 = tpu.memref_slice %arg9[%dma_start3A_840] : memref<4x!tpu.dma_semaphore, #tpu.memory_space<semaphore_mem>> -> memref<1x!tpu.dma_semaphore, #tpu.memory_space<semaphore_mem>>
    %dma_start3A_844 = tpu.memref_squeeze %dma_start3A_843 : memref<1x!tpu.dma_semaphore, #tpu.memory_space<semaphore_mem>> -> memref<!tpu.dma_semaphore, #tpu.memory_space<semaphore_mem>>
    %dma_start3A_845 = arith.constant 0 : i32
    %dma_start3A_846 = tpu.memref_slice %arg3[%add3A_839, %dma_start3A_845] : memref<320000x16xf32, #tpu.memory_space<hbm>> -> memref<200x16xf32, #tpu.memory_space<hbm>>
    tpu.enqueue_dma source(%arg6 : memref<200x16xf32, #tpu.memory_space<vmem>>) target(%dma_start3A_846 : memref<200x16xf32, #tpu.memory_space<hbm>>) target_semaphore(%dma_start3A_844 : memref<!tpu.dma_semaphore, #tpu.memory_space<semaphore_mem>>)
    %add3A_847 = arith.constant 4400 : i32
    %add3A_848 = arith.addi %multiple_of3A, %add3A_847 : i32
    %dma_wait3A_849 = arith.constant 2 : i32
    %dma_wait3A_850 = arith.constant 0 : i32
    %dma_wait3A_851 = tpu.memref_slice %arg3[%add3A_848, %dma_wait3A_850] : memref<320000x16xf32, #tpu.memory_space<hbm>> -> memref<200x16xf32, #tpu.memory_space<hbm>>
    %dma_wait3A_852 = tpu.memref_slice %arg9[%dma_wait3A_849] : memref<4x!tpu.dma_semaphore, #tpu.memory_space<semaphore_mem>> -> memref<1x!tpu.dma_semaphore, #tpu.memory_space<semaphore_mem>>
    %dma_wait3A_853 = tpu.memref_squeeze %dma_wait3A_852 : memref<1x!tpu.dma_semaphore, #tpu.memory_space<semaphore_mem>> -> memref<!tpu.dma_semaphore, #tpu.memory_space<semaphore_mem>>
    %dma_wait3A_854 = arith.constant 0 : i32
    %dma_wait3A_855 = tpu.memref_slice %arg3[%add3A_848, %dma_wait3A_854] : memref<320000x16xf32, #tpu.memory_space<hbm>> -> memref<200x16xf32, #tpu.memory_space<hbm>>
    tpu.wait_dma2 semaphore(%dma_wait3A_853 : memref<!tpu.dma_semaphore, #tpu.memory_space<semaphore_mem>>) src(%arg6 : memref<200x16xf32, #tpu.memory_space<vmem>>) dst(%dma_wait3A_855 : memref<200x16xf32, #tpu.memory_space<hbm>>)
    %add3A_856 = arith.constant 5200 : i32
    %add3A_857 = arith.addi %multiple_of3A, %add3A_856 : i32
    %dma_start3A_858 = arith.constant 2 : i32
    %dma_start3A_859 = arith.constant 0 : i32
    %dma_start3A_860 = tpu.memref_slice %arg2[%add3A_857, %dma_start3A_859] : memref<320000x16xf32, #tpu.memory_space<hbm>> -> memref<200x16xf32, #tpu.memory_space<hbm>>
    %dma_start3A_861 = tpu.memref_slice %arg8[%dma_start3A_858] : memref<4x!tpu.dma_semaphore, #tpu.memory_space<semaphore_mem>> -> memref<1x!tpu.dma_semaphore, #tpu.memory_space<semaphore_mem>>
    %dma_start3A_862 = tpu.memref_squeeze %dma_start3A_861 : memref<1x!tpu.dma_semaphore, #tpu.memory_space<semaphore_mem>> -> memref<!tpu.dma_semaphore, #tpu.memory_space<semaphore_mem>>
    %dma_start3A_863 = arith.constant 0 : i32
    %dma_start3A_864 = tpu.memref_slice %arg2[%add3A_857, %dma_start3A_863] : memref<320000x16xf32, #tpu.memory_space<hbm>> -> memref<200x16xf32, #tpu.memory_space<hbm>>
    tpu.enqueue_dma source(%dma_start3A_864 : memref<200x16xf32, #tpu.memory_space<hbm>>) target(%arg6 : memref<200x16xf32, #tpu.memory_space<vmem>>) target_semaphore(%dma_start3A_862 : memref<!tpu.dma_semaphore, #tpu.memory_space<semaphore_mem>>)
    %add3A_865 = arith.constant 4600 : i32
    %add3A_866 = arith.addi %multiple_of3A, %add3A_865 : i32
    %dma_wait3A_867 = arith.constant 3 : i32
    %dma_wait3A_868 = arith.constant 0 : i32
    %dma_wait3A_869 = tpu.memref_slice %arg2[%add3A_866, %dma_wait3A_868] : memref<320000x16xf32, #tpu.memory_space<hbm>> -> memref<200x16xf32, #tpu.memory_space<hbm>>
    %dma_wait3A_870 = tpu.memref_slice %arg8[%dma_wait3A_867] : memref<4x!tpu.dma_semaphore, #tpu.memory_space<semaphore_mem>> -> memref<1x!tpu.dma_semaphore, #tpu.memory_space<semaphore_mem>>
    %dma_wait3A_871 = tpu.memref_squeeze %dma_wait3A_870 : memref<1x!tpu.dma_semaphore, #tpu.memory_space<semaphore_mem>> -> memref<!tpu.dma_semaphore, #tpu.memory_space<semaphore_mem>>
    %dma_wait3A_872 = arith.constant 0 : i32
    %dma_wait3A_873 = tpu.memref_slice %arg2[%add3A_866, %dma_wait3A_872] : memref<320000x16xf32, #tpu.memory_space<hbm>> -> memref<200x16xf32, #tpu.memory_space<hbm>>
    tpu.wait_dma2 semaphore(%dma_wait3A_871 : memref<!tpu.dma_semaphore, #tpu.memory_space<semaphore_mem>>) src(%dma_wait3A_873 : memref<200x16xf32, #tpu.memory_space<hbm>>) dst(%arg7 : memref<200x16xf32, #tpu.memory_space<vmem>>)
    %add3A_874 = arith.constant 4600 : i32
    %add3A_875 = arith.addi %multiple_of3A, %add3A_874 : i32
    %dma_start3A_876 = arith.constant 3 : i32
    %dma_start3A_877 = arith.constant 0 : i32
    %dma_start3A_878 = tpu.memref_slice %arg3[%add3A_875, %dma_start3A_877] : memref<320000x16xf32, #tpu.memory_space<hbm>> -> memref<200x16xf32, #tpu.memory_space<hbm>>
    %dma_start3A_879 = tpu.memref_slice %arg9[%dma_start3A_876] : memref<4x!tpu.dma_semaphore, #tpu.memory_space<semaphore_mem>> -> memref<1x!tpu.dma_semaphore, #tpu.memory_space<semaphore_mem>>
    %dma_start3A_880 = tpu.memref_squeeze %dma_start3A_879 : memref<1x!tpu.dma_semaphore, #tpu.memory_space<semaphore_mem>> -> memref<!tpu.dma_semaphore, #tpu.memory_space<semaphore_mem>>
    %dma_start3A_881 = arith.constant 0 : i32
    %dma_start3A_882 = tpu.memref_slice %arg3[%add3A_875, %dma_start3A_881] : memref<320000x16xf32, #tpu.memory_space<hbm>> -> memref<200x16xf32, #tpu.memory_space<hbm>>
    tpu.enqueue_dma source(%arg7 : memref<200x16xf32, #tpu.memory_space<vmem>>) target(%dma_start3A_882 : memref<200x16xf32, #tpu.memory_space<hbm>>) target_semaphore(%dma_start3A_880 : memref<!tpu.dma_semaphore, #tpu.memory_space<semaphore_mem>>)
    %add3A_883 = arith.constant 4600 : i32
    %add3A_884 = arith.addi %multiple_of3A, %add3A_883 : i32
    %dma_wait3A_885 = arith.constant 3 : i32
    %dma_wait3A_886 = arith.constant 0 : i32
    %dma_wait3A_887 = tpu.memref_slice %arg3[%add3A_884, %dma_wait3A_886] : memref<320000x16xf32, #tpu.memory_space<hbm>> -> memref<200x16xf32, #tpu.memory_space<hbm>>
    %dma_wait3A_888 = tpu.memref_slice %arg9[%dma_wait3A_885] : memref<4x!tpu.dma_semaphore, #tpu.memory_space<semaphore_mem>> -> memref<1x!tpu.dma_semaphore, #tpu.memory_space<semaphore_mem>>
    %dma_wait3A_889 = tpu.memref_squeeze %dma_wait3A_888 : memref<1x!tpu.dma_semaphore, #tpu.memory_space<semaphore_mem>> -> memref<!tpu.dma_semaphore, #tpu.memory_space<semaphore_mem>>
    %dma_wait3A_890 = arith.constant 0 : i32
    %dma_wait3A_891 = tpu.memref_slice %arg3[%add3A_884, %dma_wait3A_890] : memref<320000x16xf32, #tpu.memory_space<hbm>> -> memref<200x16xf32, #tpu.memory_space<hbm>>
    tpu.wait_dma2 semaphore(%dma_wait3A_889 : memref<!tpu.dma_semaphore, #tpu.memory_space<semaphore_mem>>) src(%arg7 : memref<200x16xf32, #tpu.memory_space<vmem>>) dst(%dma_wait3A_891 : memref<200x16xf32, #tpu.memory_space<hbm>>)
    %add3A_892 = arith.constant 5400 : i32
    %add3A_893 = arith.addi %multiple_of3A, %add3A_892 : i32
    %dma_start3A_894 = arith.constant 3 : i32
    %dma_start3A_895 = arith.constant 0 : i32
    %dma_start3A_896 = tpu.memref_slice %arg2[%add3A_893, %dma_start3A_895] : memref<320000x16xf32, #tpu.memory_space<hbm>> -> memref<200x16xf32, #tpu.memory_space<hbm>>
    %dma_start3A_897 = tpu.memref_slice %arg8[%dma_start3A_894] : memref<4x!tpu.dma_semaphore, #tpu.memory_space<semaphore_mem>> -> memref<1x!tpu.dma_semaphore, #tpu.memory_space<semaphore_mem>>
    %dma_start3A_898 = tpu.memref_squeeze %dma_start3A_897 : memref<1x!tpu.dma_semaphore, #tpu.memory_space<semaphore_mem>> -> memref<!tpu.dma_semaphore, #tpu.memory_space<semaphore_mem>>
    %dma_start3A_899 = arith.constant 0 : i32
    %dma_start3A_900 = tpu.memref_slice %arg2[%add3A_893, %dma_start3A_899] : memref<320000x16xf32, #tpu.memory_space<hbm>> -> memref<200x16xf32, #tpu.memory_space<hbm>>
    tpu.enqueue_dma source(%dma_start3A_900 : memref<200x16xf32, #tpu.memory_space<hbm>>) target(%arg7 : memref<200x16xf32, #tpu.memory_space<vmem>>) target_semaphore(%dma_start3A_898 : memref<!tpu.dma_semaphore, #tpu.memory_space<semaphore_mem>>)
    %add3A_901 = arith.constant 4800 : i32
    %add3A_902 = arith.addi %multiple_of3A, %add3A_901 : i32
    %dma_wait3A_903 = arith.constant 0 : i32
    %dma_wait3A_904 = arith.constant 0 : i32
    %dma_wait3A_905 = tpu.memref_slice %arg2[%add3A_902, %dma_wait3A_904] : memref<320000x16xf32, #tpu.memory_space<hbm>> -> memref<200x16xf32, #tpu.memory_space<hbm>>
    %dma_wait3A_906 = tpu.memref_slice %arg8[%dma_wait3A_903] : memref<4x!tpu.dma_semaphore, #tpu.memory_space<semaphore_mem>> -> memref<1x!tpu.dma_semaphore, #tpu.memory_space<semaphore_mem>>
    %dma_wait3A_907 = tpu.memref_squeeze %dma_wait3A_906 : memref<1x!tpu.dma_semaphore, #tpu.memory_space<semaphore_mem>> -> memref<!tpu.dma_semaphore, #tpu.memory_space<semaphore_mem>>
    %dma_wait3A_908 = arith.constant 0 : i32
    %dma_wait3A_909 = tpu.memref_slice %arg2[%add3A_902, %dma_wait3A_908] : memref<320000x16xf32, #tpu.memory_space<hbm>> -> memref<200x16xf32, #tpu.memory_space<hbm>>
    tpu.wait_dma2 semaphore(%dma_wait3A_907 : memref<!tpu.dma_semaphore, #tpu.memory_space<semaphore_mem>>) src(%dma_wait3A_909 : memref<200x16xf32, #tpu.memory_space<hbm>>) dst(%arg4 : memref<200x16xf32, #tpu.memory_space<vmem>>)
    %add3A_910 = arith.constant 4800 : i32
    %add3A_911 = arith.addi %multiple_of3A, %add3A_910 : i32
    %dma_start3A_912 = arith.constant 0 : i32
    %dma_start3A_913 = arith.constant 0 : i32
    %dma_start3A_914 = tpu.memref_slice %arg3[%add3A_911, %dma_start3A_913] : memref<320000x16xf32, #tpu.memory_space<hbm>> -> memref<200x16xf32, #tpu.memory_space<hbm>>
    %dma_start3A_915 = tpu.memref_slice %arg9[%dma_start3A_912] : memref<4x!tpu.dma_semaphore, #tpu.memory_space<semaphore_mem>> -> memref<1x!tpu.dma_semaphore, #tpu.memory_space<semaphore_mem>>
    %dma_start3A_916 = tpu.memref_squeeze %dma_start3A_915 : memref<1x!tpu.dma_semaphore, #tpu.memory_space<semaphore_mem>> -> memref<!tpu.dma_semaphore, #tpu.memory_space<semaphore_mem>>
    %dma_start3A_917 = arith.constant 0 : i32
    %dma_start3A_918 = tpu.memref_slice %arg3[%add3A_911, %dma_start3A_917] : memref<320000x16xf32, #tpu.memory_space<hbm>> -> memref<200x16xf32, #tpu.memory_space<hbm>>
    tpu.enqueue_dma source(%arg4 : memref<200x16xf32, #tpu.memory_space<vmem>>) target(%dma_start3A_918 : memref<200x16xf32, #tpu.memory_space<hbm>>) target_semaphore(%dma_start3A_916 : memref<!tpu.dma_semaphore, #tpu.memory_space<semaphore_mem>>)
    %add3A_919 = arith.constant 4800 : i32
    %add3A_920 = arith.addi %multiple_of3A, %add3A_919 : i32
    %dma_wait3A_921 = arith.constant 0 : i32
    %dma_wait3A_922 = arith.constant 0 : i32
    %dma_wait3A_923 = tpu.memref_slice %arg3[%add3A_920, %dma_wait3A_922] : memref<320000x16xf32, #tpu.memory_space<hbm>> -> memref<200x16xf32, #tpu.memory_space<hbm>>
    %dma_wait3A_924 = tpu.memref_slice %arg9[%dma_wait3A_921] : memref<4x!tpu.dma_semaphore, #tpu.memory_space<semaphore_mem>> -> memref<1x!tpu.dma_semaphore, #tpu.memory_space<semaphore_mem>>
    %dma_wait3A_925 = tpu.memref_squeeze %dma_wait3A_924 : memref<1x!tpu.dma_semaphore, #tpu.memory_space<semaphore_mem>> -> memref<!tpu.dma_semaphore, #tpu.memory_space<semaphore_mem>>
    %dma_wait3A_926 = arith.constant 0 : i32
    %dma_wait3A_927 = tpu.memref_slice %arg3[%add3A_920, %dma_wait3A_926] : memref<320000x16xf32, #tpu.memory_space<hbm>> -> memref<200x16xf32, #tpu.memory_space<hbm>>
    tpu.wait_dma2 semaphore(%dma_wait3A_925 : memref<!tpu.dma_semaphore, #tpu.memory_space<semaphore_mem>>) src(%arg4 : memref<200x16xf32, #tpu.memory_space<vmem>>) dst(%dma_wait3A_927 : memref<200x16xf32, #tpu.memory_space<hbm>>)
    %add3A_928 = arith.constant 5600 : i32
    %add3A_929 = arith.addi %multiple_of3A, %add3A_928 : i32
    %dma_start3A_930 = arith.constant 0 : i32
    %dma_start3A_931 = arith.constant 0 : i32
    %dma_start3A_932 = tpu.memref_slice %arg2[%add3A_929, %dma_start3A_931] : memref<320000x16xf32, #tpu.memory_space<hbm>> -> memref<200x16xf32, #tpu.memory_space<hbm>>
    %dma_start3A_933 = tpu.memref_slice %arg8[%dma_start3A_930] : memref<4x!tpu.dma_semaphore, #tpu.memory_space<semaphore_mem>> -> memref<1x!tpu.dma_semaphore, #tpu.memory_space<semaphore_mem>>
    %dma_start3A_934 = tpu.memref_squeeze %dma_start3A_933 : memref<1x!tpu.dma_semaphore, #tpu.memory_space<semaphore_mem>> -> memref<!tpu.dma_semaphore, #tpu.memory_space<semaphore_mem>>
    %dma_start3A_935 = arith.constant 0 : i32
    %dma_start3A_936 = tpu.memref_slice %arg2[%add3A_929, %dma_start3A_935] : memref<320000x16xf32, #tpu.memory_space<hbm>> -> memref<200x16xf32, #tpu.memory_space<hbm>>
    tpu.enqueue_dma source(%dma_start3A_936 : memref<200x16xf32, #tpu.memory_space<hbm>>) target(%arg4 : memref<200x16xf32, #tpu.memory_space<vmem>>) target_semaphore(%dma_start3A_934 : memref<!tpu.dma_semaphore, #tpu.memory_space<semaphore_mem>>)
    %add3A_937 = arith.constant 5000 : i32
    %add3A_938 = arith.addi %multiple_of3A, %add3A_937 : i32
    %dma_wait3A_939 = arith.constant 1 : i32
    %dma_wait3A_940 = arith.constant 0 : i32
    %dma_wait3A_941 = tpu.memref_slice %arg2[%add3A_938, %dma_wait3A_940] : memref<320000x16xf32, #tpu.memory_space<hbm>> -> memref<200x16xf32, #tpu.memory_space<hbm>>
    %dma_wait3A_942 = tpu.memref_slice %arg8[%dma_wait3A_939] : memref<4x!tpu.dma_semaphore, #tpu.memory_space<semaphore_mem>> -> memref<1x!tpu.dma_semaphore, #tpu.memory_space<semaphore_mem>>
    %dma_wait3A_943 = tpu.memref_squeeze %dma_wait3A_942 : memref<1x!tpu.dma_semaphore, #tpu.memory_space<semaphore_mem>> -> memref<!tpu.dma_semaphore, #tpu.memory_space<semaphore_mem>>
    %dma_wait3A_944 = arith.constant 0 : i32
    %dma_wait3A_945 = tpu.memref_slice %arg2[%add3A_938, %dma_wait3A_944] : memref<320000x16xf32, #tpu.memory_space<hbm>> -> memref<200x16xf32, #tpu.memory_space<hbm>>
    tpu.wait_dma2 semaphore(%dma_wait3A_943 : memref<!tpu.dma_semaphore, #tpu.memory_space<semaphore_mem>>) src(%dma_wait3A_945 : memref<200x16xf32, #tpu.memory_space<hbm>>) dst(%arg5 : memref<200x16xf32, #tpu.memory_space<vmem>>)
    %add3A_946 = arith.constant 5000 : i32
    %add3A_947 = arith.addi %multiple_of3A, %add3A_946 : i32
    %dma_start3A_948 = arith.constant 1 : i32
    %dma_start3A_949 = arith.constant 0 : i32
    %dma_start3A_950 = tpu.memref_slice %arg3[%add3A_947, %dma_start3A_949] : memref<320000x16xf32, #tpu.memory_space<hbm>> -> memref<200x16xf32, #tpu.memory_space<hbm>>
    %dma_start3A_951 = tpu.memref_slice %arg9[%dma_start3A_948] : memref<4x!tpu.dma_semaphore, #tpu.memory_space<semaphore_mem>> -> memref<1x!tpu.dma_semaphore, #tpu.memory_space<semaphore_mem>>
    %dma_start3A_952 = tpu.memref_squeeze %dma_start3A_951 : memref<1x!tpu.dma_semaphore, #tpu.memory_space<semaphore_mem>> -> memref<!tpu.dma_semaphore, #tpu.memory_space<semaphore_mem>>
    %dma_start3A_953 = arith.constant 0 : i32
    %dma_start3A_954 = tpu.memref_slice %arg3[%add3A_947, %dma_start3A_953] : memref<320000x16xf32, #tpu.memory_space<hbm>> -> memref<200x16xf32, #tpu.memory_space<hbm>>
    tpu.enqueue_dma source(%arg5 : memref<200x16xf32, #tpu.memory_space<vmem>>) target(%dma_start3A_954 : memref<200x16xf32, #tpu.memory_space<hbm>>) target_semaphore(%dma_start3A_952 : memref<!tpu.dma_semaphore, #tpu.memory_space<semaphore_mem>>)
    %add3A_955 = arith.constant 5000 : i32
    %add3A_956 = arith.addi %multiple_of3A, %add3A_955 : i32
    %dma_wait3A_957 = arith.constant 1 : i32
    %dma_wait3A_958 = arith.constant 0 : i32
    %dma_wait3A_959 = tpu.memref_slice %arg3[%add3A_956, %dma_wait3A_958] : memref<320000x16xf32, #tpu.memory_space<hbm>> -> memref<200x16xf32, #tpu.memory_space<hbm>>
    %dma_wait3A_960 = tpu.memref_slice %arg9[%dma_wait3A_957] : memref<4x!tpu.dma_semaphore, #tpu.memory_space<semaphore_mem>> -> memref<1x!tpu.dma_semaphore, #tpu.memory_space<semaphore_mem>>
    %dma_wait3A_961 = tpu.memref_squeeze %dma_wait3A_960 : memref<1x!tpu.dma_semaphore, #tpu.memory_space<semaphore_mem>> -> memref<!tpu.dma_semaphore, #tpu.memory_space<semaphore_mem>>
    %dma_wait3A_962 = arith.constant 0 : i32
    %dma_wait3A_963 = tpu.memref_slice %arg3[%add3A_956, %dma_wait3A_962] : memref<320000x16xf32, #tpu.memory_space<hbm>> -> memref<200x16xf32, #tpu.memory_space<hbm>>
    tpu.wait_dma2 semaphore(%dma_wait3A_961 : memref<!tpu.dma_semaphore, #tpu.memory_space<semaphore_mem>>) src(%arg5 : memref<200x16xf32, #tpu.memory_space<vmem>>) dst(%dma_wait3A_963 : memref<200x16xf32, #tpu.memory_space<hbm>>)
    %add3A_964 = arith.constant 5800 : i32
    %add3A_965 = arith.addi %multiple_of3A, %add3A_964 : i32
    %dma_start3A_966 = arith.constant 1 : i32
    %dma_start3A_967 = arith.constant 0 : i32
    %dma_start3A_968 = tpu.memref_slice %arg2[%add3A_965, %dma_start3A_967] : memref<320000x16xf32, #tpu.memory_space<hbm>> -> memref<200x16xf32, #tpu.memory_space<hbm>>
    %dma_start3A_969 = tpu.memref_slice %arg8[%dma_start3A_966] : memref<4x!tpu.dma_semaphore, #tpu.memory_space<semaphore_mem>> -> memref<1x!tpu.dma_semaphore, #tpu.memory_space<semaphore_mem>>
    %dma_start3A_970 = tpu.memref_squeeze %dma_start3A_969 : memref<1x!tpu.dma_semaphore, #tpu.memory_space<semaphore_mem>> -> memref<!tpu.dma_semaphore, #tpu.memory_space<semaphore_mem>>
    %dma_start3A_971 = arith.constant 0 : i32
    %dma_start3A_972 = tpu.memref_slice %arg2[%add3A_965, %dma_start3A_971] : memref<320000x16xf32, #tpu.memory_space<hbm>> -> memref<200x16xf32, #tpu.memory_space<hbm>>
    tpu.enqueue_dma source(%dma_start3A_972 : memref<200x16xf32, #tpu.memory_space<hbm>>) target(%arg5 : memref<200x16xf32, #tpu.memory_space<vmem>>) target_semaphore(%dma_start3A_970 : memref<!tpu.dma_semaphore, #tpu.memory_space<semaphore_mem>>)
    %add3A_973 = arith.constant 5200 : i32
    %add3A_974 = arith.addi %multiple_of3A, %add3A_973 : i32
    %dma_wait3A_975 = arith.constant 2 : i32
    %dma_wait3A_976 = arith.constant 0 : i32
    %dma_wait3A_977 = tpu.memref_slice %arg2[%add3A_974, %dma_wait3A_976] : memref<320000x16xf32, #tpu.memory_space<hbm>> -> memref<200x16xf32, #tpu.memory_space<hbm>>
    %dma_wait3A_978 = tpu.memref_slice %arg8[%dma_wait3A_975] : memref<4x!tpu.dma_semaphore, #tpu.memory_space<semaphore_mem>> -> memref<1x!tpu.dma_semaphore, #tpu.memory_space<semaphore_mem>>
    %dma_wait3A_979 = tpu.memref_squeeze %dma_wait3A_978 : memref<1x!tpu.dma_semaphore, #tpu.memory_space<semaphore_mem>> -> memref<!tpu.dma_semaphore, #tpu.memory_space<semaphore_mem>>
    %dma_wait3A_980 = arith.constant 0 : i32
    %dma_wait3A_981 = tpu.memref_slice %arg2[%add3A_974, %dma_wait3A_980] : memref<320000x16xf32, #tpu.memory_space<hbm>> -> memref<200x16xf32, #tpu.memory_space<hbm>>
    tpu.wait_dma2 semaphore(%dma_wait3A_979 : memref<!tpu.dma_semaphore, #tpu.memory_space<semaphore_mem>>) src(%dma_wait3A_981 : memref<200x16xf32, #tpu.memory_space<hbm>>) dst(%arg6 : memref<200x16xf32, #tpu.memory_space<vmem>>)
    %add3A_982 = arith.constant 5200 : i32
    %add3A_983 = arith.addi %multiple_of3A, %add3A_982 : i32
    %dma_start3A_984 = arith.constant 2 : i32
    %dma_start3A_985 = arith.constant 0 : i32
    %dma_start3A_986 = tpu.memref_slice %arg3[%add3A_983, %dma_start3A_985] : memref<320000x16xf32, #tpu.memory_space<hbm>> -> memref<200x16xf32, #tpu.memory_space<hbm>>
    %dma_start3A_987 = tpu.memref_slice %arg9[%dma_start3A_984] : memref<4x!tpu.dma_semaphore, #tpu.memory_space<semaphore_mem>> -> memref<1x!tpu.dma_semaphore, #tpu.memory_space<semaphore_mem>>
    %dma_start3A_988 = tpu.memref_squeeze %dma_start3A_987 : memref<1x!tpu.dma_semaphore, #tpu.memory_space<semaphore_mem>> -> memref<!tpu.dma_semaphore, #tpu.memory_space<semaphore_mem>>
    %dma_start3A_989 = arith.constant 0 : i32
    %dma_start3A_990 = tpu.memref_slice %arg3[%add3A_983, %dma_start3A_989] : memref<320000x16xf32, #tpu.memory_space<hbm>> -> memref<200x16xf32, #tpu.memory_space<hbm>>
    tpu.enqueue_dma source(%arg6 : memref<200x16xf32, #tpu.memory_space<vmem>>) target(%dma_start3A_990 : memref<200x16xf32, #tpu.memory_space<hbm>>) target_semaphore(%dma_start3A_988 : memref<!tpu.dma_semaphore, #tpu.memory_space<semaphore_mem>>)
    %add3A_991 = arith.constant 5200 : i32
    %add3A_992 = arith.addi %multiple_of3A, %add3A_991 : i32
    %dma_wait3A_993 = arith.constant 2 : i32
    %dma_wait3A_994 = arith.constant 0 : i32
    %dma_wait3A_995 = tpu.memref_slice %arg3[%add3A_992, %dma_wait3A_994] : memref<320000x16xf32, #tpu.memory_space<hbm>> -> memref<200x16xf32, #tpu.memory_space<hbm>>
    %dma_wait3A_996 = tpu.memref_slice %arg9[%dma_wait3A_993] : memref<4x!tpu.dma_semaphore, #tpu.memory_space<semaphore_mem>> -> memref<1x!tpu.dma_semaphore, #tpu.memory_space<semaphore_mem>>
    %dma_wait3A_997 = tpu.memref_squeeze %dma_wait3A_996 : memref<1x!tpu.dma_semaphore, #tpu.memory_space<semaphore_mem>> -> memref<!tpu.dma_semaphore, #tpu.memory_space<semaphore_mem>>
    %dma_wait3A_998 = arith.constant 0 : i32
    %dma_wait3A_999 = tpu.memref_slice %arg3[%add3A_992, %dma_wait3A_998] : memref<320000x16xf32, #tpu.memory_space<hbm>> -> memref<200x16xf32, #tpu.memory_space<hbm>>
    tpu.wait_dma2 semaphore(%dma_wait3A_997 : memref<!tpu.dma_semaphore, #tpu.memory_space<semaphore_mem>>) src(%arg6 : memref<200x16xf32, #tpu.memory_space<vmem>>) dst(%dma_wait3A_999 : memref<200x16xf32, #tpu.memory_space<hbm>>)
    %add3A_1000 = arith.constant 6000 : i32
    %add3A_1001 = arith.addi %multiple_of3A, %add3A_1000 : i32
    %dma_start3A_1002 = arith.constant 2 : i32
    %dma_start3A_1003 = arith.constant 0 : i32
    %dma_start3A_1004 = tpu.memref_slice %arg2[%add3A_1001, %dma_start3A_1003] : memref<320000x16xf32, #tpu.memory_space<hbm>> -> memref<200x16xf32, #tpu.memory_space<hbm>>
    %dma_start3A_1005 = tpu.memref_slice %arg8[%dma_start3A_1002] : memref<4x!tpu.dma_semaphore, #tpu.memory_space<semaphore_mem>> -> memref<1x!tpu.dma_semaphore, #tpu.memory_space<semaphore_mem>>
    %dma_start3A_1006 = tpu.memref_squeeze %dma_start3A_1005 : memref<1x!tpu.dma_semaphore, #tpu.memory_space<semaphore_mem>> -> memref<!tpu.dma_semaphore, #tpu.memory_space<semaphore_mem>>
    %dma_start3A_1007 = arith.constant 0 : i32
    %dma_start3A_1008 = tpu.memref_slice %arg2[%add3A_1001, %dma_start3A_1007] : memref<320000x16xf32, #tpu.memory_space<hbm>> -> memref<200x16xf32, #tpu.memory_space<hbm>>
    tpu.enqueue_dma source(%dma_start3A_1008 : memref<200x16xf32, #tpu.memory_space<hbm>>) target(%arg6 : memref<200x16xf32, #tpu.memory_space<vmem>>) target_semaphore(%dma_start3A_1006 : memref<!tpu.dma_semaphore, #tpu.memory_space<semaphore_mem>>)
    %add3A_1009 = arith.constant 5400 : i32
    %add3A_1010 = arith.addi %multiple_of3A, %add3A_1009 : i32
    %dma_wait3A_1011 = arith.constant 3 : i32
    %dma_wait3A_1012 = arith.constant 0 : i32
    %dma_wait3A_1013 = tpu.memref_slice %arg2[%add3A_1010, %dma_wait3A_1012] : memref<320000x16xf32, #tpu.memory_space<hbm>> -> memref<200x16xf32, #tpu.memory_space<hbm>>
    %dma_wait3A_1014 = tpu.memref_slice %arg8[%dma_wait3A_1011] : memref<4x!tpu.dma_semaphore, #tpu.memory_space<semaphore_mem>> -> memref<1x!tpu.dma_semaphore, #tpu.memory_space<semaphore_mem>>
    %dma_wait3A_1015 = tpu.memref_squeeze %dma_wait3A_1014 : memref<1x!tpu.dma_semaphore, #tpu.memory_space<semaphore_mem>> -> memref<!tpu.dma_semaphore, #tpu.memory_space<semaphore_mem>>
    %dma_wait3A_1016 = arith.constant 0 : i32
    %dma_wait3A_1017 = tpu.memref_slice %arg2[%add3A_1010, %dma_wait3A_1016] : memref<320000x16xf32, #tpu.memory_space<hbm>> -> memref<200x16xf32, #tpu.memory_space<hbm>>
    tpu.wait_dma2 semaphore(%dma_wait3A_1015 : memref<!tpu.dma_semaphore, #tpu.memory_space<semaphore_mem>>) src(%dma_wait3A_1017 : memref<200x16xf32, #tpu.memory_space<hbm>>) dst(%arg7 : memref<200x16xf32, #tpu.memory_space<vmem>>)
    %add3A_1018 = arith.constant 5400 : i32
    %add3A_1019 = arith.addi %multiple_of3A, %add3A_1018 : i32
    %dma_start3A_1020 = arith.constant 3 : i32
    %dma_start3A_1021 = arith.constant 0 : i32
    %dma_start3A_1022 = tpu.memref_slice %arg3[%add3A_1019, %dma_start3A_1021] : memref<320000x16xf32, #tpu.memory_space<hbm>> -> memref<200x16xf32, #tpu.memory_space<hbm>>
    %dma_start3A_1023 = tpu.memref_slice %arg9[%dma_start3A_1020] : memref<4x!tpu.dma_semaphore, #tpu.memory_space<semaphore_mem>> -> memref<1x!tpu.dma_semaphore, #tpu.memory_space<semaphore_mem>>
    %dma_start3A_1024 = tpu.memref_squeeze %dma_start3A_1023 : memref<1x!tpu.dma_semaphore, #tpu.memory_space<semaphore_mem>> -> memref<!tpu.dma_semaphore, #tpu.memory_space<semaphore_mem>>
    %dma_start3A_1025 = arith.constant 0 : i32
    %dma_start3A_1026 = tpu.memref_slice %arg3[%add3A_1019, %dma_start3A_1025] : memref<320000x16xf32, #tpu.memory_space<hbm>> -> memref<200x16xf32, #tpu.memory_space<hbm>>
    tpu.enqueue_dma source(%arg7 : memref<200x16xf32, #tpu.memory_space<vmem>>) target(%dma_start3A_1026 : memref<200x16xf32, #tpu.memory_space<hbm>>) target_semaphore(%dma_start3A_1024 : memref<!tpu.dma_semaphore, #tpu.memory_space<semaphore_mem>>)
    %add3A_1027 = arith.constant 5400 : i32
    %add3A_1028 = arith.addi %multiple_of3A, %add3A_1027 : i32
    %dma_wait3A_1029 = arith.constant 3 : i32
    %dma_wait3A_1030 = arith.constant 0 : i32
    %dma_wait3A_1031 = tpu.memref_slice %arg3[%add3A_1028, %dma_wait3A_1030] : memref<320000x16xf32, #tpu.memory_space<hbm>> -> memref<200x16xf32, #tpu.memory_space<hbm>>
    %dma_wait3A_1032 = tpu.memref_slice %arg9[%dma_wait3A_1029] : memref<4x!tpu.dma_semaphore, #tpu.memory_space<semaphore_mem>> -> memref<1x!tpu.dma_semaphore, #tpu.memory_space<semaphore_mem>>
    %dma_wait3A_1033 = tpu.memref_squeeze %dma_wait3A_1032 : memref<1x!tpu.dma_semaphore, #tpu.memory_space<semaphore_mem>> -> memref<!tpu.dma_semaphore, #tpu.memory_space<semaphore_mem>>
    %dma_wait3A_1034 = arith.constant 0 : i32
    %dma_wait3A_1035 = tpu.memref_slice %arg3[%add3A_1028, %dma_wait3A_1034] : memref<320000x16xf32, #tpu.memory_space<hbm>> -> memref<200x16xf32, #tpu.memory_space<hbm>>
    tpu.wait_dma2 semaphore(%dma_wait3A_1033 : memref<!tpu.dma_semaphore, #tpu.memory_space<semaphore_mem>>) src(%arg7 : memref<200x16xf32, #tpu.memory_space<vmem>>) dst(%dma_wait3A_1035 : memref<200x16xf32, #tpu.memory_space<hbm>>)
    %add3A_1036 = arith.constant 6200 : i32
    %add3A_1037 = arith.addi %multiple_of3A, %add3A_1036 : i32
    %dma_start3A_1038 = arith.constant 3 : i32
    %dma_start3A_1039 = arith.constant 0 : i32
    %dma_start3A_1040 = tpu.memref_slice %arg2[%add3A_1037, %dma_start3A_1039] : memref<320000x16xf32, #tpu.memory_space<hbm>> -> memref<200x16xf32, #tpu.memory_space<hbm>>
    %dma_start3A_1041 = tpu.memref_slice %arg8[%dma_start3A_1038] : memref<4x!tpu.dma_semaphore, #tpu.memory_space<semaphore_mem>> -> memref<1x!tpu.dma_semaphore, #tpu.memory_space<semaphore_mem>>
    %dma_start3A_1042 = tpu.memref_squeeze %dma_start3A_1041 : memref<1x!tpu.dma_semaphore, #tpu.memory_space<semaphore_mem>> -> memref<!tpu.dma_semaphore, #tpu.memory_space<semaphore_mem>>
    %dma_start3A_1043 = arith.constant 0 : i32
    %dma_start3A_1044 = tpu.memref_slice %arg2[%add3A_1037, %dma_start3A_1043] : memref<320000x16xf32, #tpu.memory_space<hbm>> -> memref<200x16xf32, #tpu.memory_space<hbm>>
    tpu.enqueue_dma source(%dma_start3A_1044 : memref<200x16xf32, #tpu.memory_space<hbm>>) target(%arg7 : memref<200x16xf32, #tpu.memory_space<vmem>>) target_semaphore(%dma_start3A_1042 : memref<!tpu.dma_semaphore, #tpu.memory_space<semaphore_mem>>)
    %add3A_1045 = arith.constant 5600 : i32
    %add3A_1046 = arith.addi %multiple_of3A, %add3A_1045 : i32
    %dma_wait3A_1047 = arith.constant 0 : i32
    %dma_wait3A_1048 = arith.constant 0 : i32
    %dma_wait3A_1049 = tpu.memref_slice %arg2[%add3A_1046, %dma_wait3A_1048] : memref<320000x16xf32, #tpu.memory_space<hbm>> -> memref<200x16xf32, #tpu.memory_space<hbm>>
    %dma_wait3A_1050 = tpu.memref_slice %arg8[%dma_wait3A_1047] : memref<4x!tpu.dma_semaphore, #tpu.memory_space<semaphore_mem>> -> memref<1x!tpu.dma_semaphore, #tpu.memory_space<semaphore_mem>>
    %dma_wait3A_1051 = tpu.memref_squeeze %dma_wait3A_1050 : memref<1x!tpu.dma_semaphore, #tpu.memory_space<semaphore_mem>> -> memref<!tpu.dma_semaphore, #tpu.memory_space<semaphore_mem>>
    %dma_wait3A_1052 = arith.constant 0 : i32
    %dma_wait3A_1053 = tpu.memref_slice %arg2[%add3A_1046, %dma_wait3A_1052] : memref<320000x16xf32, #tpu.memory_space<hbm>> -> memref<200x16xf32, #tpu.memory_space<hbm>>
    tpu.wait_dma2 semaphore(%dma_wait3A_1051 : memref<!tpu.dma_semaphore, #tpu.memory_space<semaphore_mem>>) src(%dma_wait3A_1053 : memref<200x16xf32, #tpu.memory_space<hbm>>) dst(%arg4 : memref<200x16xf32, #tpu.memory_space<vmem>>)
    %add3A_1054 = arith.constant 5600 : i32
    %add3A_1055 = arith.addi %multiple_of3A, %add3A_1054 : i32
    %dma_start3A_1056 = arith.constant 0 : i32
    %dma_start3A_1057 = arith.constant 0 : i32
    %dma_start3A_1058 = tpu.memref_slice %arg3[%add3A_1055, %dma_start3A_1057] : memref<320000x16xf32, #tpu.memory_space<hbm>> -> memref<200x16xf32, #tpu.memory_space<hbm>>
    %dma_start3A_1059 = tpu.memref_slice %arg9[%dma_start3A_1056] : memref<4x!tpu.dma_semaphore, #tpu.memory_space<semaphore_mem>> -> memref<1x!tpu.dma_semaphore, #tpu.memory_space<semaphore_mem>>
    %dma_start3A_1060 = tpu.memref_squeeze %dma_start3A_1059 : memref<1x!tpu.dma_semaphore, #tpu.memory_space<semaphore_mem>> -> memref<!tpu.dma_semaphore, #tpu.memory_space<semaphore_mem>>
    %dma_start3A_1061 = arith.constant 0 : i32
    %dma_start3A_1062 = tpu.memref_slice %arg3[%add3A_1055, %dma_start3A_1061] : memref<320000x16xf32, #tpu.memory_space<hbm>> -> memref<200x16xf32, #tpu.memory_space<hbm>>
    tpu.enqueue_dma source(%arg4 : memref<200x16xf32, #tpu.memory_space<vmem>>) target(%dma_start3A_1062 : memref<200x16xf32, #tpu.memory_space<hbm>>) target_semaphore(%dma_start3A_1060 : memref<!tpu.dma_semaphore, #tpu.memory_space<semaphore_mem>>)
    %add3A_1063 = arith.constant 5600 : i32
    %add3A_1064 = arith.addi %multiple_of3A, %add3A_1063 : i32
    %dma_wait3A_1065 = arith.constant 0 : i32
    %dma_wait3A_1066 = arith.constant 0 : i32
    %dma_wait3A_1067 = tpu.memref_slice %arg3[%add3A_1064, %dma_wait3A_1066] : memref<320000x16xf32, #tpu.memory_space<hbm>> -> memref<200x16xf32, #tpu.memory_space<hbm>>
    %dma_wait3A_1068 = tpu.memref_slice %arg9[%dma_wait3A_1065] : memref<4x!tpu.dma_semaphore, #tpu.memory_space<semaphore_mem>> -> memref<1x!tpu.dma_semaphore, #tpu.memory_space<semaphore_mem>>
    %dma_wait3A_1069 = tpu.memref_squeeze %dma_wait3A_1068 : memref<1x!tpu.dma_semaphore, #tpu.memory_space<semaphore_mem>> -> memref<!tpu.dma_semaphore, #tpu.memory_space<semaphore_mem>>
    %dma_wait3A_1070 = arith.constant 0 : i32
    %dma_wait3A_1071 = tpu.memref_slice %arg3[%add3A_1064, %dma_wait3A_1070] : memref<320000x16xf32, #tpu.memory_space<hbm>> -> memref<200x16xf32, #tpu.memory_space<hbm>>
    tpu.wait_dma2 semaphore(%dma_wait3A_1069 : memref<!tpu.dma_semaphore, #tpu.memory_space<semaphore_mem>>) src(%arg4 : memref<200x16xf32, #tpu.memory_space<vmem>>) dst(%dma_wait3A_1071 : memref<200x16xf32, #tpu.memory_space<hbm>>)
    %add3A_1072 = arith.constant 6400 : i32
    %add3A_1073 = arith.addi %multiple_of3A, %add3A_1072 : i32
    %dma_start3A_1074 = arith.constant 0 : i32
    %dma_start3A_1075 = arith.constant 0 : i32
    %dma_start3A_1076 = tpu.memref_slice %arg2[%add3A_1073, %dma_start3A_1075] : memref<320000x16xf32, #tpu.memory_space<hbm>> -> memref<200x16xf32, #tpu.memory_space<hbm>>
    %dma_start3A_1077 = tpu.memref_slice %arg8[%dma_start3A_1074] : memref<4x!tpu.dma_semaphore, #tpu.memory_space<semaphore_mem>> -> memref<1x!tpu.dma_semaphore, #tpu.memory_space<semaphore_mem>>
    %dma_start3A_1078 = tpu.memref_squeeze %dma_start3A_1077 : memref<1x!tpu.dma_semaphore, #tpu.memory_space<semaphore_mem>> -> memref<!tpu.dma_semaphore, #tpu.memory_space<semaphore_mem>>
    %dma_start3A_1079 = arith.constant 0 : i32
    %dma_start3A_1080 = tpu.memref_slice %arg2[%add3A_1073, %dma_start3A_1079] : memref<320000x16xf32, #tpu.memory_space<hbm>> -> memref<200x16xf32, #tpu.memory_space<hbm>>
    tpu.enqueue_dma source(%dma_start3A_1080 : memref<200x16xf32, #tpu.memory_space<hbm>>) target(%arg4 : memref<200x16xf32, #tpu.memory_space<vmem>>) target_semaphore(%dma_start3A_1078 : memref<!tpu.dma_semaphore, #tpu.memory_space<semaphore_mem>>)
    %add3A_1081 = arith.constant 5800 : i32
    %add3A_1082 = arith.addi %multiple_of3A, %add3A_1081 : i32
    %dma_wait3A_1083 = arith.constant 1 : i32
    %dma_wait3A_1084 = arith.constant 0 : i32
    %dma_wait3A_1085 = tpu.memref_slice %arg2[%add3A_1082, %dma_wait3A_1084] : memref<320000x16xf32, #tpu.memory_space<hbm>> -> memref<200x16xf32, #tpu.memory_space<hbm>>
    %dma_wait3A_1086 = tpu.memref_slice %arg8[%dma_wait3A_1083] : memref<4x!tpu.dma_semaphore, #tpu.memory_space<semaphore_mem>> -> memref<1x!tpu.dma_semaphore, #tpu.memory_space<semaphore_mem>>
    %dma_wait3A_1087 = tpu.memref_squeeze %dma_wait3A_1086 : memref<1x!tpu.dma_semaphore, #tpu.memory_space<semaphore_mem>> -> memref<!tpu.dma_semaphore, #tpu.memory_space<semaphore_mem>>
    %dma_wait3A_1088 = arith.constant 0 : i32
    %dma_wait3A_1089 = tpu.memref_slice %arg2[%add3A_1082, %dma_wait3A_1088] : memref<320000x16xf32, #tpu.memory_space<hbm>> -> memref<200x16xf32, #tpu.memory_space<hbm>>
    tpu.wait_dma2 semaphore(%dma_wait3A_1087 : memref<!tpu.dma_semaphore, #tpu.memory_space<semaphore_mem>>) src(%dma_wait3A_1089 : memref<200x16xf32, #tpu.memory_space<hbm>>) dst(%arg5 : memref<200x16xf32, #tpu.memory_space<vmem>>)
    %add3A_1090 = arith.constant 5800 : i32
    %add3A_1091 = arith.addi %multiple_of3A, %add3A_1090 : i32
    %dma_start3A_1092 = arith.constant 1 : i32
    %dma_start3A_1093 = arith.constant 0 : i32
    %dma_start3A_1094 = tpu.memref_slice %arg3[%add3A_1091, %dma_start3A_1093] : memref<320000x16xf32, #tpu.memory_space<hbm>> -> memref<200x16xf32, #tpu.memory_space<hbm>>
    %dma_start3A_1095 = tpu.memref_slice %arg9[%dma_start3A_1092] : memref<4x!tpu.dma_semaphore, #tpu.memory_space<semaphore_mem>> -> memref<1x!tpu.dma_semaphore, #tpu.memory_space<semaphore_mem>>
    %dma_start3A_1096 = tpu.memref_squeeze %dma_start3A_1095 : memref<1x!tpu.dma_semaphore, #tpu.memory_space<semaphore_mem>> -> memref<!tpu.dma_semaphore, #tpu.memory_space<semaphore_mem>>
    %dma_start3A_1097 = arith.constant 0 : i32
    %dma_start3A_1098 = tpu.memref_slice %arg3[%add3A_1091, %dma_start3A_1097] : memref<320000x16xf32, #tpu.memory_space<hbm>> -> memref<200x16xf32, #tpu.memory_space<hbm>>
    tpu.enqueue_dma source(%arg5 : memref<200x16xf32, #tpu.memory_space<vmem>>) target(%dma_start3A_1098 : memref<200x16xf32, #tpu.memory_space<hbm>>) target_semaphore(%dma_start3A_1096 : memref<!tpu.dma_semaphore, #tpu.memory_space<semaphore_mem>>)
    %add3A_1099 = arith.constant 5800 : i32
    %add3A_1100 = arith.addi %multiple_of3A, %add3A_1099 : i32
    %dma_wait3A_1101 = arith.constant 1 : i32
    %dma_wait3A_1102 = arith.constant 0 : i32
    %dma_wait3A_1103 = tpu.memref_slice %arg3[%add3A_1100, %dma_wait3A_1102] : memref<320000x16xf32, #tpu.memory_space<hbm>> -> memref<200x16xf32, #tpu.memory_space<hbm>>
    %dma_wait3A_1104 = tpu.memref_slice %arg9[%dma_wait3A_1101] : memref<4x!tpu.dma_semaphore, #tpu.memory_space<semaphore_mem>> -> memref<1x!tpu.dma_semaphore, #tpu.memory_space<semaphore_mem>>
    %dma_wait3A_1105 = tpu.memref_squeeze %dma_wait3A_1104 : memref<1x!tpu.dma_semaphore, #tpu.memory_space<semaphore_mem>> -> memref<!tpu.dma_semaphore, #tpu.memory_space<semaphore_mem>>
    %dma_wait3A_1106 = arith.constant 0 : i32
    %dma_wait3A_1107 = tpu.memref_slice %arg3[%add3A_1100, %dma_wait3A_1106] : memref<320000x16xf32, #tpu.memory_space<hbm>> -> memref<200x16xf32, #tpu.memory_space<hbm>>
    tpu.wait_dma2 semaphore(%dma_wait3A_1105 : memref<!tpu.dma_semaphore, #tpu.memory_space<semaphore_mem>>) src(%arg5 : memref<200x16xf32, #tpu.memory_space<vmem>>) dst(%dma_wait3A_1107 : memref<200x16xf32, #tpu.memory_space<hbm>>)
    %add3A_1108 = arith.constant 6600 : i32
    %add3A_1109 = arith.addi %multiple_of3A, %add3A_1108 : i32
    %dma_start3A_1110 = arith.constant 1 : i32
    %dma_start3A_1111 = arith.constant 0 : i32
    %dma_start3A_1112 = tpu.memref_slice %arg2[%add3A_1109, %dma_start3A_1111] : memref<320000x16xf32, #tpu.memory_space<hbm>> -> memref<200x16xf32, #tpu.memory_space<hbm>>
    %dma_start3A_1113 = tpu.memref_slice %arg8[%dma_start3A_1110] : memref<4x!tpu.dma_semaphore, #tpu.memory_space<semaphore_mem>> -> memref<1x!tpu.dma_semaphore, #tpu.memory_space<semaphore_mem>>
    %dma_start3A_1114 = tpu.memref_squeeze %dma_start3A_1113 : memref<1x!tpu.dma_semaphore, #tpu.memory_space<semaphore_mem>> -> memref<!tpu.dma_semaphore, #tpu.memory_space<semaphore_mem>>
    %dma_start3A_1115 = arith.constant 0 : i32
    %dma_start3A_1116 = tpu.memref_slice %arg2[%add3A_1109, %dma_start3A_1115] : memref<320000x16xf32, #tpu.memory_space<hbm>> -> memref<200x16xf32, #tpu.memory_space<hbm>>
    tpu.enqueue_dma source(%dma_start3A_1116 : memref<200x16xf32, #tpu.memory_space<hbm>>) target(%arg5 : memref<200x16xf32, #tpu.memory_space<vmem>>) target_semaphore(%dma_start3A_1114 : memref<!tpu.dma_semaphore, #tpu.memory_space<semaphore_mem>>)
    %add3A_1117 = arith.constant 6000 : i32
    %add3A_1118 = arith.addi %multiple_of3A, %add3A_1117 : i32
    %dma_wait3A_1119 = arith.constant 2 : i32
    %dma_wait3A_1120 = arith.constant 0 : i32
    %dma_wait3A_1121 = tpu.memref_slice %arg2[%add3A_1118, %dma_wait3A_1120] : memref<320000x16xf32, #tpu.memory_space<hbm>> -> memref<200x16xf32, #tpu.memory_space<hbm>>
    %dma_wait3A_1122 = tpu.memref_slice %arg8[%dma_wait3A_1119] : memref<4x!tpu.dma_semaphore, #tpu.memory_space<semaphore_mem>> -> memref<1x!tpu.dma_semaphore, #tpu.memory_space<semaphore_mem>>
    %dma_wait3A_1123 = tpu.memref_squeeze %dma_wait3A_1122 : memref<1x!tpu.dma_semaphore, #tpu.memory_space<semaphore_mem>> -> memref<!tpu.dma_semaphore, #tpu.memory_space<semaphore_mem>>
    %dma_wait3A_1124 = arith.constant 0 : i32
    %dma_wait3A_1125 = tpu.memref_slice %arg2[%add3A_1118, %dma_wait3A_1124] : memref<320000x16xf32, #tpu.memory_space<hbm>> -> memref<200x16xf32, #tpu.memory_space<hbm>>
    tpu.wait_dma2 semaphore(%dma_wait3A_1123 : memref<!tpu.dma_semaphore, #tpu.memory_space<semaphore_mem>>) src(%dma_wait3A_1125 : memref<200x16xf32, #tpu.memory_space<hbm>>) dst(%arg6 : memref<200x16xf32, #tpu.memory_space<vmem>>)
    %add3A_1126 = arith.constant 6000 : i32
    %add3A_1127 = arith.addi %multiple_of3A, %add3A_1126 : i32
    %dma_start3A_1128 = arith.constant 2 : i32
    %dma_start3A_1129 = arith.constant 0 : i32
    %dma_start3A_1130 = tpu.memref_slice %arg3[%add3A_1127, %dma_start3A_1129] : memref<320000x16xf32, #tpu.memory_space<hbm>> -> memref<200x16xf32, #tpu.memory_space<hbm>>
    %dma_start3A_1131 = tpu.memref_slice %arg9[%dma_start3A_1128] : memref<4x!tpu.dma_semaphore, #tpu.memory_space<semaphore_mem>> -> memref<1x!tpu.dma_semaphore, #tpu.memory_space<semaphore_mem>>
    %dma_start3A_1132 = tpu.memref_squeeze %dma_start3A_1131 : memref<1x!tpu.dma_semaphore, #tpu.memory_space<semaphore_mem>> -> memref<!tpu.dma_semaphore, #tpu.memory_space<semaphore_mem>>
    %dma_start3A_1133 = arith.constant 0 : i32
    %dma_start3A_1134 = tpu.memref_slice %arg3[%add3A_1127, %dma_start3A_1133] : memref<320000x16xf32, #tpu.memory_space<hbm>> -> memref<200x16xf32, #tpu.memory_space<hbm>>
    tpu.enqueue_dma source(%arg6 : memref<200x16xf32, #tpu.memory_space<vmem>>) target(%dma_start3A_1134 : memref<200x16xf32, #tpu.memory_space<hbm>>) target_semaphore(%dma_start3A_1132 : memref<!tpu.dma_semaphore, #tpu.memory_space<semaphore_mem>>)
    %add3A_1135 = arith.constant 6000 : i32
    %add3A_1136 = arith.addi %multiple_of3A, %add3A_1135 : i32
    %dma_wait3A_1137 = arith.constant 2 : i32
    %dma_wait3A_1138 = arith.constant 0 : i32
    %dma_wait3A_1139 = tpu.memref_slice %arg3[%add3A_1136, %dma_wait3A_1138] : memref<320000x16xf32, #tpu.memory_space<hbm>> -> memref<200x16xf32, #tpu.memory_space<hbm>>
    %dma_wait3A_1140 = tpu.memref_slice %arg9[%dma_wait3A_1137] : memref<4x!tpu.dma_semaphore, #tpu.memory_space<semaphore_mem>> -> memref<1x!tpu.dma_semaphore, #tpu.memory_space<semaphore_mem>>
    %dma_wait3A_1141 = tpu.memref_squeeze %dma_wait3A_1140 : memref<1x!tpu.dma_semaphore, #tpu.memory_space<semaphore_mem>> -> memref<!tpu.dma_semaphore, #tpu.memory_space<semaphore_mem>>
    %dma_wait3A_1142 = arith.constant 0 : i32
    %dma_wait3A_1143 = tpu.memref_slice %arg3[%add3A_1136, %dma_wait3A_1142] : memref<320000x16xf32, #tpu.memory_space<hbm>> -> memref<200x16xf32, #tpu.memory_space<hbm>>
    tpu.wait_dma2 semaphore(%dma_wait3A_1141 : memref<!tpu.dma_semaphore, #tpu.memory_space<semaphore_mem>>) src(%arg6 : memref<200x16xf32, #tpu.memory_space<vmem>>) dst(%dma_wait3A_1143 : memref<200x16xf32, #tpu.memory_space<hbm>>)
    %add3A_1144 = arith.constant 6800 : i32
    %add3A_1145 = arith.addi %multiple_of3A, %add3A_1144 : i32
    %dma_start3A_1146 = arith.constant 2 : i32
    %dma_start3A_1147 = arith.constant 0 : i32
    %dma_start3A_1148 = tpu.memref_slice %arg2[%add3A_1145, %dma_start3A_1147] : memref<320000x16xf32, #tpu.memory_space<hbm>> -> memref<200x16xf32, #tpu.memory_space<hbm>>
    %dma_start3A_1149 = tpu.memref_slice %arg8[%dma_start3A_1146] : memref<4x!tpu.dma_semaphore, #tpu.memory_space<semaphore_mem>> -> memref<1x!tpu.dma_semaphore, #tpu.memory_space<semaphore_mem>>
    %dma_start3A_1150 = tpu.memref_squeeze %dma_start3A_1149 : memref<1x!tpu.dma_semaphore, #tpu.memory_space<semaphore_mem>> -> memref<!tpu.dma_semaphore, #tpu.memory_space<semaphore_mem>>
    %dma_start3A_1151 = arith.constant 0 : i32
    %dma_start3A_1152 = tpu.memref_slice %arg2[%add3A_1145, %dma_start3A_1151] : memref<320000x16xf32, #tpu.memory_space<hbm>> -> memref<200x16xf32, #tpu.memory_space<hbm>>
    tpu.enqueue_dma source(%dma_start3A_1152 : memref<200x16xf32, #tpu.memory_space<hbm>>) target(%arg6 : memref<200x16xf32, #tpu.memory_space<vmem>>) target_semaphore(%dma_start3A_1150 : memref<!tpu.dma_semaphore, #tpu.memory_space<semaphore_mem>>)
    %add3A_1153 = arith.constant 6200 : i32
    %add3A_1154 = arith.addi %multiple_of3A, %add3A_1153 : i32
    %dma_wait3A_1155 = arith.constant 3 : i32
    %dma_wait3A_1156 = arith.constant 0 : i32
    %dma_wait3A_1157 = tpu.memref_slice %arg2[%add3A_1154, %dma_wait3A_1156] : memref<320000x16xf32, #tpu.memory_space<hbm>> -> memref<200x16xf32, #tpu.memory_space<hbm>>
    %dma_wait3A_1158 = tpu.memref_slice %arg8[%dma_wait3A_1155] : memref<4x!tpu.dma_semaphore, #tpu.memory_space<semaphore_mem>> -> memref<1x!tpu.dma_semaphore, #tpu.memory_space<semaphore_mem>>
    %dma_wait3A_1159 = tpu.memref_squeeze %dma_wait3A_1158 : memref<1x!tpu.dma_semaphore, #tpu.memory_space<semaphore_mem>> -> memref<!tpu.dma_semaphore, #tpu.memory_space<semaphore_mem>>
    %dma_wait3A_1160 = arith.constant 0 : i32
    %dma_wait3A_1161 = tpu.memref_slice %arg2[%add3A_1154, %dma_wait3A_1160] : memref<320000x16xf32, #tpu.memory_space<hbm>> -> memref<200x16xf32, #tpu.memory_space<hbm>>
    tpu.wait_dma2 semaphore(%dma_wait3A_1159 : memref<!tpu.dma_semaphore, #tpu.memory_space<semaphore_mem>>) src(%dma_wait3A_1161 : memref<200x16xf32, #tpu.memory_space<hbm>>) dst(%arg7 : memref<200x16xf32, #tpu.memory_space<vmem>>)
    %add3A_1162 = arith.constant 6200 : i32
    %add3A_1163 = arith.addi %multiple_of3A, %add3A_1162 : i32
    %dma_start3A_1164 = arith.constant 3 : i32
    %dma_start3A_1165 = arith.constant 0 : i32
    %dma_start3A_1166 = tpu.memref_slice %arg3[%add3A_1163, %dma_start3A_1165] : memref<320000x16xf32, #tpu.memory_space<hbm>> -> memref<200x16xf32, #tpu.memory_space<hbm>>
    %dma_start3A_1167 = tpu.memref_slice %arg9[%dma_start3A_1164] : memref<4x!tpu.dma_semaphore, #tpu.memory_space<semaphore_mem>> -> memref<1x!tpu.dma_semaphore, #tpu.memory_space<semaphore_mem>>
    %dma_start3A_1168 = tpu.memref_squeeze %dma_start3A_1167 : memref<1x!tpu.dma_semaphore, #tpu.memory_space<semaphore_mem>> -> memref<!tpu.dma_semaphore, #tpu.memory_space<semaphore_mem>>
    %dma_start3A_1169 = arith.constant 0 : i32
    %dma_start3A_1170 = tpu.memref_slice %arg3[%add3A_1163, %dma_start3A_1169] : memref<320000x16xf32, #tpu.memory_space<hbm>> -> memref<200x16xf32, #tpu.memory_space<hbm>>
    tpu.enqueue_dma source(%arg7 : memref<200x16xf32, #tpu.memory_space<vmem>>) target(%dma_start3A_1170 : memref<200x16xf32, #tpu.memory_space<hbm>>) target_semaphore(%dma_start3A_1168 : memref<!tpu.dma_semaphore, #tpu.memory_space<semaphore_mem>>)
    %add3A_1171 = arith.constant 6200 : i32
    %add3A_1172 = arith.addi %multiple_of3A, %add3A_1171 : i32
    %dma_wait3A_1173 = arith.constant 3 : i32
    %dma_wait3A_1174 = arith.constant 0 : i32
    %dma_wait3A_1175 = tpu.memref_slice %arg3[%add3A_1172, %dma_wait3A_1174] : memref<320000x16xf32, #tpu.memory_space<hbm>> -> memref<200x16xf32, #tpu.memory_space<hbm>>
    %dma_wait3A_1176 = tpu.memref_slice %arg9[%dma_wait3A_1173] : memref<4x!tpu.dma_semaphore, #tpu.memory_space<semaphore_mem>> -> memref<1x!tpu.dma_semaphore, #tpu.memory_space<semaphore_mem>>
    %dma_wait3A_1177 = tpu.memref_squeeze %dma_wait3A_1176 : memref<1x!tpu.dma_semaphore, #tpu.memory_space<semaphore_mem>> -> memref<!tpu.dma_semaphore, #tpu.memory_space<semaphore_mem>>
    %dma_wait3A_1178 = arith.constant 0 : i32
    %dma_wait3A_1179 = tpu.memref_slice %arg3[%add3A_1172, %dma_wait3A_1178] : memref<320000x16xf32, #tpu.memory_space<hbm>> -> memref<200x16xf32, #tpu.memory_space<hbm>>
    tpu.wait_dma2 semaphore(%dma_wait3A_1177 : memref<!tpu.dma_semaphore, #tpu.memory_space<semaphore_mem>>) src(%arg7 : memref<200x16xf32, #tpu.memory_space<vmem>>) dst(%dma_wait3A_1179 : memref<200x16xf32, #tpu.memory_space<hbm>>)
    %add3A_1180 = arith.constant 7000 : i32
    %add3A_1181 = arith.addi %multiple_of3A, %add3A_1180 : i32
    %dma_start3A_1182 = arith.constant 3 : i32
    %dma_start3A_1183 = arith.constant 0 : i32
    %dma_start3A_1184 = tpu.memref_slice %arg2[%add3A_1181, %dma_start3A_1183] : memref<320000x16xf32, #tpu.memory_space<hbm>> -> memref<200x16xf32, #tpu.memory_space<hbm>>
    %dma_start3A_1185 = tpu.memref_slice %arg8[%dma_start3A_1182] : memref<4x!tpu.dma_semaphore, #tpu.memory_space<semaphore_mem>> -> memref<1x!tpu.dma_semaphore, #tpu.memory_space<semaphore_mem>>
    %dma_start3A_1186 = tpu.memref_squeeze %dma_start3A_1185 : memref<1x!tpu.dma_semaphore, #tpu.memory_space<semaphore_mem>> -> memref<!tpu.dma_semaphore, #tpu.memory_space<semaphore_mem>>
    %dma_start3A_1187 = arith.constant 0 : i32
    %dma_start3A_1188 = tpu.memref_slice %arg2[%add3A_1181, %dma_start3A_1187] : memref<320000x16xf32, #tpu.memory_space<hbm>> -> memref<200x16xf32, #tpu.memory_space<hbm>>
    tpu.enqueue_dma source(%dma_start3A_1188 : memref<200x16xf32, #tpu.memory_space<hbm>>) target(%arg7 : memref<200x16xf32, #tpu.memory_space<vmem>>) target_semaphore(%dma_start3A_1186 : memref<!tpu.dma_semaphore, #tpu.memory_space<semaphore_mem>>)
    %add3A_1189 = arith.constant 6400 : i32
    %add3A_1190 = arith.addi %multiple_of3A, %add3A_1189 : i32
    %dma_wait3A_1191 = arith.constant 0 : i32
    %dma_wait3A_1192 = arith.constant 0 : i32
    %dma_wait3A_1193 = tpu.memref_slice %arg2[%add3A_1190, %dma_wait3A_1192] : memref<320000x16xf32, #tpu.memory_space<hbm>> -> memref<200x16xf32, #tpu.memory_space<hbm>>
    %dma_wait3A_1194 = tpu.memref_slice %arg8[%dma_wait3A_1191] : memref<4x!tpu.dma_semaphore, #tpu.memory_space<semaphore_mem>> -> memref<1x!tpu.dma_semaphore, #tpu.memory_space<semaphore_mem>>
    %dma_wait3A_1195 = tpu.memref_squeeze %dma_wait3A_1194 : memref<1x!tpu.dma_semaphore, #tpu.memory_space<semaphore_mem>> -> memref<!tpu.dma_semaphore, #tpu.memory_space<semaphore_mem>>
    %dma_wait3A_1196 = arith.constant 0 : i32
    %dma_wait3A_1197 = tpu.memref_slice %arg2[%add3A_1190, %dma_wait3A_1196] : memref<320000x16xf32, #tpu.memory_space<hbm>> -> memref<200x16xf32, #tpu.memory_space<hbm>>
    tpu.wait_dma2 semaphore(%dma_wait3A_1195 : memref<!tpu.dma_semaphore, #tpu.memory_space<semaphore_mem>>) src(%dma_wait3A_1197 : memref<200x16xf32, #tpu.memory_space<hbm>>) dst(%arg4 : memref<200x16xf32, #tpu.memory_space<vmem>>)
    %add3A_1198 = arith.constant 6400 : i32
    %add3A_1199 = arith.addi %multiple_of3A, %add3A_1198 : i32
    %dma_start3A_1200 = arith.constant 0 : i32
    %dma_start3A_1201 = arith.constant 0 : i32
    %dma_start3A_1202 = tpu.memref_slice %arg3[%add3A_1199, %dma_start3A_1201] : memref<320000x16xf32, #tpu.memory_space<hbm>> -> memref<200x16xf32, #tpu.memory_space<hbm>>
    %dma_start3A_1203 = tpu.memref_slice %arg9[%dma_start3A_1200] : memref<4x!tpu.dma_semaphore, #tpu.memory_space<semaphore_mem>> -> memref<1x!tpu.dma_semaphore, #tpu.memory_space<semaphore_mem>>
    %dma_start3A_1204 = tpu.memref_squeeze %dma_start3A_1203 : memref<1x!tpu.dma_semaphore, #tpu.memory_space<semaphore_mem>> -> memref<!tpu.dma_semaphore, #tpu.memory_space<semaphore_mem>>
    %dma_start3A_1205 = arith.constant 0 : i32
    %dma_start3A_1206 = tpu.memref_slice %arg3[%add3A_1199, %dma_start3A_1205] : memref<320000x16xf32, #tpu.memory_space<hbm>> -> memref<200x16xf32, #tpu.memory_space<hbm>>
    tpu.enqueue_dma source(%arg4 : memref<200x16xf32, #tpu.memory_space<vmem>>) target(%dma_start3A_1206 : memref<200x16xf32, #tpu.memory_space<hbm>>) target_semaphore(%dma_start3A_1204 : memref<!tpu.dma_semaphore, #tpu.memory_space<semaphore_mem>>)
    %add3A_1207 = arith.constant 6400 : i32
    %add3A_1208 = arith.addi %multiple_of3A, %add3A_1207 : i32
    %dma_wait3A_1209 = arith.constant 0 : i32
    %dma_wait3A_1210 = arith.constant 0 : i32
    %dma_wait3A_1211 = tpu.memref_slice %arg3[%add3A_1208, %dma_wait3A_1210] : memref<320000x16xf32, #tpu.memory_space<hbm>> -> memref<200x16xf32, #tpu.memory_space<hbm>>
    %dma_wait3A_1212 = tpu.memref_slice %arg9[%dma_wait3A_1209] : memref<4x!tpu.dma_semaphore, #tpu.memory_space<semaphore_mem>> -> memref<1x!tpu.dma_semaphore, #tpu.memory_space<semaphore_mem>>
    %dma_wait3A_1213 = tpu.memref_squeeze %dma_wait3A_1212 : memref<1x!tpu.dma_semaphore, #tpu.memory_space<semaphore_mem>> -> memref<!tpu.dma_semaphore, #tpu.memory_space<semaphore_mem>>
    %dma_wait3A_1214 = arith.constant 0 : i32
    %dma_wait3A_1215 = tpu.memref_slice %arg3[%add3A_1208, %dma_wait3A_1214] : memref<320000x16xf32, #tpu.memory_space<hbm>> -> memref<200x16xf32, #tpu.memory_space<hbm>>
    tpu.wait_dma2 semaphore(%dma_wait3A_1213 : memref<!tpu.dma_semaphore, #tpu.memory_space<semaphore_mem>>) src(%arg4 : memref<200x16xf32, #tpu.memory_space<vmem>>) dst(%dma_wait3A_1215 : memref<200x16xf32, #tpu.memory_space<hbm>>)
    %add3A_1216 = arith.constant 7200 : i32
    %add3A_1217 = arith.addi %multiple_of3A, %add3A_1216 : i32
    %dma_start3A_1218 = arith.constant 0 : i32
    %dma_start3A_1219 = arith.constant 0 : i32
    %dma_start3A_1220 = tpu.memref_slice %arg2[%add3A_1217, %dma_start3A_1219] : memref<320000x16xf32, #tpu.memory_space<hbm>> -> memref<200x16xf32, #tpu.memory_space<hbm>>
    %dma_start3A_1221 = tpu.memref_slice %arg8[%dma_start3A_1218] : memref<4x!tpu.dma_semaphore, #tpu.memory_space<semaphore_mem>> -> memref<1x!tpu.dma_semaphore, #tpu.memory_space<semaphore_mem>>
    %dma_start3A_1222 = tpu.memref_squeeze %dma_start3A_1221 : memref<1x!tpu.dma_semaphore, #tpu.memory_space<semaphore_mem>> -> memref<!tpu.dma_semaphore, #tpu.memory_space<semaphore_mem>>
    %dma_start3A_1223 = arith.constant 0 : i32
    %dma_start3A_1224 = tpu.memref_slice %arg2[%add3A_1217, %dma_start3A_1223] : memref<320000x16xf32, #tpu.memory_space<hbm>> -> memref<200x16xf32, #tpu.memory_space<hbm>>
    tpu.enqueue_dma source(%dma_start3A_1224 : memref<200x16xf32, #tpu.memory_space<hbm>>) target(%arg4 : memref<200x16xf32, #tpu.memory_space<vmem>>) target_semaphore(%dma_start3A_1222 : memref<!tpu.dma_semaphore, #tpu.memory_space<semaphore_mem>>)
    %add3A_1225 = arith.constant 6600 : i32
    %add3A_1226 = arith.addi %multiple_of3A, %add3A_1225 : i32
    %dma_wait3A_1227 = arith.constant 1 : i32
    %dma_wait3A_1228 = arith.constant 0 : i32
    %dma_wait3A_1229 = tpu.memref_slice %arg2[%add3A_1226, %dma_wait3A_1228] : memref<320000x16xf32, #tpu.memory_space<hbm>> -> memref<200x16xf32, #tpu.memory_space<hbm>>
    %dma_wait3A_1230 = tpu.memref_slice %arg8[%dma_wait3A_1227] : memref<4x!tpu.dma_semaphore, #tpu.memory_space<semaphore_mem>> -> memref<1x!tpu.dma_semaphore, #tpu.memory_space<semaphore_mem>>
    %dma_wait3A_1231 = tpu.memref_squeeze %dma_wait3A_1230 : memref<1x!tpu.dma_semaphore, #tpu.memory_space<semaphore_mem>> -> memref<!tpu.dma_semaphore, #tpu.memory_space<semaphore_mem>>
    %dma_wait3A_1232 = arith.constant 0 : i32
    %dma_wait3A_1233 = tpu.memref_slice %arg2[%add3A_1226, %dma_wait3A_1232] : memref<320000x16xf32, #tpu.memory_space<hbm>> -> memref<200x16xf32, #tpu.memory_space<hbm>>
    tpu.wait_dma2 semaphore(%dma_wait3A_1231 : memref<!tpu.dma_semaphore, #tpu.memory_space<semaphore_mem>>) src(%dma_wait3A_1233 : memref<200x16xf32, #tpu.memory_space<hbm>>) dst(%arg5 : memref<200x16xf32, #tpu.memory_space<vmem>>)
    %add3A_1234 = arith.constant 6600 : i32
    %add3A_1235 = arith.addi %multiple_of3A, %add3A_1234 : i32
    %dma_start3A_1236 = arith.constant 1 : i32
    %dma_start3A_1237 = arith.constant 0 : i32
    %dma_start3A_1238 = tpu.memref_slice %arg3[%add3A_1235, %dma_start3A_1237] : memref<320000x16xf32, #tpu.memory_space<hbm>> -> memref<200x16xf32, #tpu.memory_space<hbm>>
    %dma_start3A_1239 = tpu.memref_slice %arg9[%dma_start3A_1236] : memref<4x!tpu.dma_semaphore, #tpu.memory_space<semaphore_mem>> -> memref<1x!tpu.dma_semaphore, #tpu.memory_space<semaphore_mem>>
    %dma_start3A_1240 = tpu.memref_squeeze %dma_start3A_1239 : memref<1x!tpu.dma_semaphore, #tpu.memory_space<semaphore_mem>> -> memref<!tpu.dma_semaphore, #tpu.memory_space<semaphore_mem>>
    %dma_start3A_1241 = arith.constant 0 : i32
    %dma_start3A_1242 = tpu.memref_slice %arg3[%add3A_1235, %dma_start3A_1241] : memref<320000x16xf32, #tpu.memory_space<hbm>> -> memref<200x16xf32, #tpu.memory_space<hbm>>
    tpu.enqueue_dma source(%arg5 : memref<200x16xf32, #tpu.memory_space<vmem>>) target(%dma_start3A_1242 : memref<200x16xf32, #tpu.memory_space<hbm>>) target_semaphore(%dma_start3A_1240 : memref<!tpu.dma_semaphore, #tpu.memory_space<semaphore_mem>>)
    %add3A_1243 = arith.constant 6600 : i32
    %add3A_1244 = arith.addi %multiple_of3A, %add3A_1243 : i32
    %dma_wait3A_1245 = arith.constant 1 : i32
    %dma_wait3A_1246 = arith.constant 0 : i32
    %dma_wait3A_1247 = tpu.memref_slice %arg3[%add3A_1244, %dma_wait3A_1246] : memref<320000x16xf32, #tpu.memory_space<hbm>> -> memref<200x16xf32, #tpu.memory_space<hbm>>
    %dma_wait3A_1248 = tpu.memref_slice %arg9[%dma_wait3A_1245] : memref<4x!tpu.dma_semaphore, #tpu.memory_space<semaphore_mem>> -> memref<1x!tpu.dma_semaphore, #tpu.memory_space<semaphore_mem>>
    %dma_wait3A_1249 = tpu.memref_squeeze %dma_wait3A_1248 : memref<1x!tpu.dma_semaphore, #tpu.memory_space<semaphore_mem>> -> memref<!tpu.dma_semaphore, #tpu.memory_space<semaphore_mem>>
    %dma_wait3A_1250 = arith.constant 0 : i32
    %dma_wait3A_1251 = tpu.memref_slice %arg3[%add3A_1244, %dma_wait3A_1250] : memref<320000x16xf32, #tpu.memory_space<hbm>> -> memref<200x16xf32, #tpu.memory_space<hbm>>
    tpu.wait_dma2 semaphore(%dma_wait3A_1249 : memref<!tpu.dma_semaphore, #tpu.memory_space<semaphore_mem>>) src(%arg5 : memref<200x16xf32, #tpu.memory_space<vmem>>) dst(%dma_wait3A_1251 : memref<200x16xf32, #tpu.memory_space<hbm>>)
    %add3A_1252 = arith.constant 7400 : i32
    %add3A_1253 = arith.addi %multiple_of3A, %add3A_1252 : i32
    %dma_start3A_1254 = arith.constant 1 : i32
    %dma_start3A_1255 = arith.constant 0 : i32
    %dma_start3A_1256 = tpu.memref_slice %arg2[%add3A_1253, %dma_start3A_1255] : memref<320000x16xf32, #tpu.memory_space<hbm>> -> memref<200x16xf32, #tpu.memory_space<hbm>>
    %dma_start3A_1257 = tpu.memref_slice %arg8[%dma_start3A_1254] : memref<4x!tpu.dma_semaphore, #tpu.memory_space<semaphore_mem>> -> memref<1x!tpu.dma_semaphore, #tpu.memory_space<semaphore_mem>>
    %dma_start3A_1258 = tpu.memref_squeeze %dma_start3A_1257 : memref<1x!tpu.dma_semaphore, #tpu.memory_space<semaphore_mem>> -> memref<!tpu.dma_semaphore, #tpu.memory_space<semaphore_mem>>
    %dma_start3A_1259 = arith.constant 0 : i32
    %dma_start3A_1260 = tpu.memref_slice %arg2[%add3A_1253, %dma_start3A_1259] : memref<320000x16xf32, #tpu.memory_space<hbm>> -> memref<200x16xf32, #tpu.memory_space<hbm>>
    tpu.enqueue_dma source(%dma_start3A_1260 : memref<200x16xf32, #tpu.memory_space<hbm>>) target(%arg5 : memref<200x16xf32, #tpu.memory_space<vmem>>) target_semaphore(%dma_start3A_1258 : memref<!tpu.dma_semaphore, #tpu.memory_space<semaphore_mem>>)
    %add3A_1261 = arith.constant 6800 : i32
    %add3A_1262 = arith.addi %multiple_of3A, %add3A_1261 : i32
    %dma_wait3A_1263 = arith.constant 2 : i32
    %dma_wait3A_1264 = arith.constant 0 : i32
    %dma_wait3A_1265 = tpu.memref_slice %arg2[%add3A_1262, %dma_wait3A_1264] : memref<320000x16xf32, #tpu.memory_space<hbm>> -> memref<200x16xf32, #tpu.memory_space<hbm>>
    %dma_wait3A_1266 = tpu.memref_slice %arg8[%dma_wait3A_1263] : memref<4x!tpu.dma_semaphore, #tpu.memory_space<semaphore_mem>> -> memref<1x!tpu.dma_semaphore, #tpu.memory_space<semaphore_mem>>
    %dma_wait3A_1267 = tpu.memref_squeeze %dma_wait3A_1266 : memref<1x!tpu.dma_semaphore, #tpu.memory_space<semaphore_mem>> -> memref<!tpu.dma_semaphore, #tpu.memory_space<semaphore_mem>>
    %dma_wait3A_1268 = arith.constant 0 : i32
    %dma_wait3A_1269 = tpu.memref_slice %arg2[%add3A_1262, %dma_wait3A_1268] : memref<320000x16xf32, #tpu.memory_space<hbm>> -> memref<200x16xf32, #tpu.memory_space<hbm>>
    tpu.wait_dma2 semaphore(%dma_wait3A_1267 : memref<!tpu.dma_semaphore, #tpu.memory_space<semaphore_mem>>) src(%dma_wait3A_1269 : memref<200x16xf32, #tpu.memory_space<hbm>>) dst(%arg6 : memref<200x16xf32, #tpu.memory_space<vmem>>)
    %add3A_1270 = arith.constant 6800 : i32
    %add3A_1271 = arith.addi %multiple_of3A, %add3A_1270 : i32
    %dma_start3A_1272 = arith.constant 2 : i32
    %dma_start3A_1273 = arith.constant 0 : i32
    %dma_start3A_1274 = tpu.memref_slice %arg3[%add3A_1271, %dma_start3A_1273] : memref<320000x16xf32, #tpu.memory_space<hbm>> -> memref<200x16xf32, #tpu.memory_space<hbm>>
    %dma_start3A_1275 = tpu.memref_slice %arg9[%dma_start3A_1272] : memref<4x!tpu.dma_semaphore, #tpu.memory_space<semaphore_mem>> -> memref<1x!tpu.dma_semaphore, #tpu.memory_space<semaphore_mem>>
    %dma_start3A_1276 = tpu.memref_squeeze %dma_start3A_1275 : memref<1x!tpu.dma_semaphore, #tpu.memory_space<semaphore_mem>> -> memref<!tpu.dma_semaphore, #tpu.memory_space<semaphore_mem>>
    %dma_start3A_1277 = arith.constant 0 : i32
    %dma_start3A_1278 = tpu.memref_slice %arg3[%add3A_1271, %dma_start3A_1277] : memref<320000x16xf32, #tpu.memory_space<hbm>> -> memref<200x16xf32, #tpu.memory_space<hbm>>
    tpu.enqueue_dma source(%arg6 : memref<200x16xf32, #tpu.memory_space<vmem>>) target(%dma_start3A_1278 : memref<200x16xf32, #tpu.memory_space<hbm>>) target_semaphore(%dma_start3A_1276 : memref<!tpu.dma_semaphore, #tpu.memory_space<semaphore_mem>>)
    %add3A_1279 = arith.constant 6800 : i32
    %add3A_1280 = arith.addi %multiple_of3A, %add3A_1279 : i32
    %dma_wait3A_1281 = arith.constant 2 : i32
    %dma_wait3A_1282 = arith.constant 0 : i32
    %dma_wait3A_1283 = tpu.memref_slice %arg3[%add3A_1280, %dma_wait3A_1282] : memref<320000x16xf32, #tpu.memory_space<hbm>> -> memref<200x16xf32, #tpu.memory_space<hbm>>
    %dma_wait3A_1284 = tpu.memref_slice %arg9[%dma_wait3A_1281] : memref<4x!tpu.dma_semaphore, #tpu.memory_space<semaphore_mem>> -> memref<1x!tpu.dma_semaphore, #tpu.memory_space<semaphore_mem>>
    %dma_wait3A_1285 = tpu.memref_squeeze %dma_wait3A_1284 : memref<1x!tpu.dma_semaphore, #tpu.memory_space<semaphore_mem>> -> memref<!tpu.dma_semaphore, #tpu.memory_space<semaphore_mem>>
    %dma_wait3A_1286 = arith.constant 0 : i32
    %dma_wait3A_1287 = tpu.memref_slice %arg3[%add3A_1280, %dma_wait3A_1286] : memref<320000x16xf32, #tpu.memory_space<hbm>> -> memref<200x16xf32, #tpu.memory_space<hbm>>
    tpu.wait_dma2 semaphore(%dma_wait3A_1285 : memref<!tpu.dma_semaphore, #tpu.memory_space<semaphore_mem>>) src(%arg6 : memref<200x16xf32, #tpu.memory_space<vmem>>) dst(%dma_wait3A_1287 : memref<200x16xf32, #tpu.memory_space<hbm>>)
    %add3A_1288 = arith.constant 7600 : i32
    %add3A_1289 = arith.addi %multiple_of3A, %add3A_1288 : i32
    %dma_start3A_1290 = arith.constant 2 : i32
    %dma_start3A_1291 = arith.constant 0 : i32
    %dma_start3A_1292 = tpu.memref_slice %arg2[%add3A_1289, %dma_start3A_1291] : memref<320000x16xf32, #tpu.memory_space<hbm>> -> memref<200x16xf32, #tpu.memory_space<hbm>>
    %dma_start3A_1293 = tpu.memref_slice %arg8[%dma_start3A_1290] : memref<4x!tpu.dma_semaphore, #tpu.memory_space<semaphore_mem>> -> memref<1x!tpu.dma_semaphore, #tpu.memory_space<semaphore_mem>>
    %dma_start3A_1294 = tpu.memref_squeeze %dma_start3A_1293 : memref<1x!tpu.dma_semaphore, #tpu.memory_space<semaphore_mem>> -> memref<!tpu.dma_semaphore, #tpu.memory_space<semaphore_mem>>
    %dma_start3A_1295 = arith.constant 0 : i32
    %dma_start3A_1296 = tpu.memref_slice %arg2[%add3A_1289, %dma_start3A_1295] : memref<320000x16xf32, #tpu.memory_space<hbm>> -> memref<200x16xf32, #tpu.memory_space<hbm>>
    tpu.enqueue_dma source(%dma_start3A_1296 : memref<200x16xf32, #tpu.memory_space<hbm>>) target(%arg6 : memref<200x16xf32, #tpu.memory_space<vmem>>) target_semaphore(%dma_start3A_1294 : memref<!tpu.dma_semaphore, #tpu.memory_space<semaphore_mem>>)
    %add3A_1297 = arith.constant 7000 : i32
    %add3A_1298 = arith.addi %multiple_of3A, %add3A_1297 : i32
    %dma_wait3A_1299 = arith.constant 3 : i32
    %dma_wait3A_1300 = arith.constant 0 : i32
    %dma_wait3A_1301 = tpu.memref_slice %arg2[%add3A_1298, %dma_wait3A_1300] : memref<320000x16xf32, #tpu.memory_space<hbm>> -> memref<200x16xf32, #tpu.memory_space<hbm>>
    %dma_wait3A_1302 = tpu.memref_slice %arg8[%dma_wait3A_1299] : memref<4x!tpu.dma_semaphore, #tpu.memory_space<semaphore_mem>> -> memref<1x!tpu.dma_semaphore, #tpu.memory_space<semaphore_mem>>
    %dma_wait3A_1303 = tpu.memref_squeeze %dma_wait3A_1302 : memref<1x!tpu.dma_semaphore, #tpu.memory_space<semaphore_mem>> -> memref<!tpu.dma_semaphore, #tpu.memory_space<semaphore_mem>>
    %dma_wait3A_1304 = arith.constant 0 : i32
    %dma_wait3A_1305 = tpu.memref_slice %arg2[%add3A_1298, %dma_wait3A_1304] : memref<320000x16xf32, #tpu.memory_space<hbm>> -> memref<200x16xf32, #tpu.memory_space<hbm>>
    tpu.wait_dma2 semaphore(%dma_wait3A_1303 : memref<!tpu.dma_semaphore, #tpu.memory_space<semaphore_mem>>) src(%dma_wait3A_1305 : memref<200x16xf32, #tpu.memory_space<hbm>>) dst(%arg7 : memref<200x16xf32, #tpu.memory_space<vmem>>)
    %add3A_1306 = arith.constant 7000 : i32
    %add3A_1307 = arith.addi %multiple_of3A, %add3A_1306 : i32
    %dma_start3A_1308 = arith.constant 3 : i32
    %dma_start3A_1309 = arith.constant 0 : i32
    %dma_start3A_1310 = tpu.memref_slice %arg3[%add3A_1307, %dma_start3A_1309] : memref<320000x16xf32, #tpu.memory_space<hbm>> -> memref<200x16xf32, #tpu.memory_space<hbm>>
    %dma_start3A_1311 = tpu.memref_slice %arg9[%dma_start3A_1308] : memref<4x!tpu.dma_semaphore, #tpu.memory_space<semaphore_mem>> -> memref<1x!tpu.dma_semaphore, #tpu.memory_space<semaphore_mem>>
    %dma_start3A_1312 = tpu.memref_squeeze %dma_start3A_1311 : memref<1x!tpu.dma_semaphore, #tpu.memory_space<semaphore_mem>> -> memref<!tpu.dma_semaphore, #tpu.memory_space<semaphore_mem>>
    %dma_start3A_1313 = arith.constant 0 : i32
    %dma_start3A_1314 = tpu.memref_slice %arg3[%add3A_1307, %dma_start3A_1313] : memref<320000x16xf32, #tpu.memory_space<hbm>> -> memref<200x16xf32, #tpu.memory_space<hbm>>
    tpu.enqueue_dma source(%arg7 : memref<200x16xf32, #tpu.memory_space<vmem>>) target(%dma_start3A_1314 : memref<200x16xf32, #tpu.memory_space<hbm>>) target_semaphore(%dma_start3A_1312 : memref<!tpu.dma_semaphore, #tpu.memory_space<semaphore_mem>>)
    %add3A_1315 = arith.constant 7000 : i32
    %add3A_1316 = arith.addi %multiple_of3A, %add3A_1315 : i32
    %dma_wait3A_1317 = arith.constant 3 : i32
    %dma_wait3A_1318 = arith.constant 0 : i32
    %dma_wait3A_1319 = tpu.memref_slice %arg3[%add3A_1316, %dma_wait3A_1318] : memref<320000x16xf32, #tpu.memory_space<hbm>> -> memref<200x16xf32, #tpu.memory_space<hbm>>
    %dma_wait3A_1320 = tpu.memref_slice %arg9[%dma_wait3A_1317] : memref<4x!tpu.dma_semaphore, #tpu.memory_space<semaphore_mem>> -> memref<1x!tpu.dma_semaphore, #tpu.memory_space<semaphore_mem>>
    %dma_wait3A_1321 = tpu.memref_squeeze %dma_wait3A_1320 : memref<1x!tpu.dma_semaphore, #tpu.memory_space<semaphore_mem>> -> memref<!tpu.dma_semaphore, #tpu.memory_space<semaphore_mem>>
    %dma_wait3A_1322 = arith.constant 0 : i32
    %dma_wait3A_1323 = tpu.memref_slice %arg3[%add3A_1316, %dma_wait3A_1322] : memref<320000x16xf32, #tpu.memory_space<hbm>> -> memref<200x16xf32, #tpu.memory_space<hbm>>
    tpu.wait_dma2 semaphore(%dma_wait3A_1321 : memref<!tpu.dma_semaphore, #tpu.memory_space<semaphore_mem>>) src(%arg7 : memref<200x16xf32, #tpu.memory_space<vmem>>) dst(%dma_wait3A_1323 : memref<200x16xf32, #tpu.memory_space<hbm>>)
    %add3A_1324 = arith.constant 7800 : i32
    %add3A_1325 = arith.addi %multiple_of3A, %add3A_1324 : i32
    %dma_start3A_1326 = arith.constant 3 : i32
    %dma_start3A_1327 = arith.constant 0 : i32
    %dma_start3A_1328 = tpu.memref_slice %arg2[%add3A_1325, %dma_start3A_1327] : memref<320000x16xf32, #tpu.memory_space<hbm>> -> memref<200x16xf32, #tpu.memory_space<hbm>>
    %dma_start3A_1329 = tpu.memref_slice %arg8[%dma_start3A_1326] : memref<4x!tpu.dma_semaphore, #tpu.memory_space<semaphore_mem>> -> memref<1x!tpu.dma_semaphore, #tpu.memory_space<semaphore_mem>>
    %dma_start3A_1330 = tpu.memref_squeeze %dma_start3A_1329 : memref<1x!tpu.dma_semaphore, #tpu.memory_space<semaphore_mem>> -> memref<!tpu.dma_semaphore, #tpu.memory_space<semaphore_mem>>
    %dma_start3A_1331 = arith.constant 0 : i32
    %dma_start3A_1332 = tpu.memref_slice %arg2[%add3A_1325, %dma_start3A_1331] : memref<320000x16xf32, #tpu.memory_space<hbm>> -> memref<200x16xf32, #tpu.memory_space<hbm>>
    tpu.enqueue_dma source(%dma_start3A_1332 : memref<200x16xf32, #tpu.memory_space<hbm>>) target(%arg7 : memref<200x16xf32, #tpu.memory_space<vmem>>) target_semaphore(%dma_start3A_1330 : memref<!tpu.dma_semaphore, #tpu.memory_space<semaphore_mem>>)
    %add3A_1333 = arith.constant 7200 : i32
    %add3A_1334 = arith.addi %multiple_of3A, %add3A_1333 : i32
    %dma_wait3A_1335 = arith.constant 0 : i32
    %dma_wait3A_1336 = arith.constant 0 : i32
    %dma_wait3A_1337 = tpu.memref_slice %arg2[%add3A_1334, %dma_wait3A_1336] : memref<320000x16xf32, #tpu.memory_space<hbm>> -> memref<200x16xf32, #tpu.memory_space<hbm>>
    %dma_wait3A_1338 = tpu.memref_slice %arg8[%dma_wait3A_1335] : memref<4x!tpu.dma_semaphore, #tpu.memory_space<semaphore_mem>> -> memref<1x!tpu.dma_semaphore, #tpu.memory_space<semaphore_mem>>
    %dma_wait3A_1339 = tpu.memref_squeeze %dma_wait3A_1338 : memref<1x!tpu.dma_semaphore, #tpu.memory_space<semaphore_mem>> -> memref<!tpu.dma_semaphore, #tpu.memory_space<semaphore_mem>>
    %dma_wait3A_1340 = arith.constant 0 : i32
    %dma_wait3A_1341 = tpu.memref_slice %arg2[%add3A_1334, %dma_wait3A_1340] : memref<320000x16xf32, #tpu.memory_space<hbm>> -> memref<200x16xf32, #tpu.memory_space<hbm>>
    tpu.wait_dma2 semaphore(%dma_wait3A_1339 : memref<!tpu.dma_semaphore, #tpu.memory_space<semaphore_mem>>) src(%dma_wait3A_1341 : memref<200x16xf32, #tpu.memory_space<hbm>>) dst(%arg4 : memref<200x16xf32, #tpu.memory_space<vmem>>)
    %add3A_1342 = arith.constant 7200 : i32
    %add3A_1343 = arith.addi %multiple_of3A, %add3A_1342 : i32
    %dma_start3A_1344 = arith.constant 0 : i32
    %dma_start3A_1345 = arith.constant 0 : i32
    %dma_start3A_1346 = tpu.memref_slice %arg3[%add3A_1343, %dma_start3A_1345] : memref<320000x16xf32, #tpu.memory_space<hbm>> -> memref<200x16xf32, #tpu.memory_space<hbm>>
    %dma_start3A_1347 = tpu.memref_slice %arg9[%dma_start3A_1344] : memref<4x!tpu.dma_semaphore, #tpu.memory_space<semaphore_mem>> -> memref<1x!tpu.dma_semaphore, #tpu.memory_space<semaphore_mem>>
    %dma_start3A_1348 = tpu.memref_squeeze %dma_start3A_1347 : memref<1x!tpu.dma_semaphore, #tpu.memory_space<semaphore_mem>> -> memref<!tpu.dma_semaphore, #tpu.memory_space<semaphore_mem>>
    %dma_start3A_1349 = arith.constant 0 : i32
    %dma_start3A_1350 = tpu.memref_slice %arg3[%add3A_1343, %dma_start3A_1349] : memref<320000x16xf32, #tpu.memory_space<hbm>> -> memref<200x16xf32, #tpu.memory_space<hbm>>
    tpu.enqueue_dma source(%arg4 : memref<200x16xf32, #tpu.memory_space<vmem>>) target(%dma_start3A_1350 : memref<200x16xf32, #tpu.memory_space<hbm>>) target_semaphore(%dma_start3A_1348 : memref<!tpu.dma_semaphore, #tpu.memory_space<semaphore_mem>>)
    %add3A_1351 = arith.constant 7200 : i32
    %add3A_1352 = arith.addi %multiple_of3A, %add3A_1351 : i32
    %dma_wait3A_1353 = arith.constant 0 : i32
    %dma_wait3A_1354 = arith.constant 0 : i32
    %dma_wait3A_1355 = tpu.memref_slice %arg3[%add3A_1352, %dma_wait3A_1354] : memref<320000x16xf32, #tpu.memory_space<hbm>> -> memref<200x16xf32, #tpu.memory_space<hbm>>
    %dma_wait3A_1356 = tpu.memref_slice %arg9[%dma_wait3A_1353] : memref<4x!tpu.dma_semaphore, #tpu.memory_space<semaphore_mem>> -> memref<1x!tpu.dma_semaphore, #tpu.memory_space<semaphore_mem>>
    %dma_wait3A_1357 = tpu.memref_squeeze %dma_wait3A_1356 : memref<1x!tpu.dma_semaphore, #tpu.memory_space<semaphore_mem>> -> memref<!tpu.dma_semaphore, #tpu.memory_space<semaphore_mem>>
    %dma_wait3A_1358 = arith.constant 0 : i32
    %dma_wait3A_1359 = tpu.memref_slice %arg3[%add3A_1352, %dma_wait3A_1358] : memref<320000x16xf32, #tpu.memory_space<hbm>> -> memref<200x16xf32, #tpu.memory_space<hbm>>
    tpu.wait_dma2 semaphore(%dma_wait3A_1357 : memref<!tpu.dma_semaphore, #tpu.memory_space<semaphore_mem>>) src(%arg4 : memref<200x16xf32, #tpu.memory_space<vmem>>) dst(%dma_wait3A_1359 : memref<200x16xf32, #tpu.memory_space<hbm>>)
    %add3A_1360 = arith.constant 8000 : i32
    %add3A_1361 = arith.addi %multiple_of3A, %add3A_1360 : i32
    %dma_start3A_1362 = arith.constant 0 : i32
    %dma_start3A_1363 = arith.constant 0 : i32
    %dma_start3A_1364 = tpu.memref_slice %arg2[%add3A_1361, %dma_start3A_1363] : memref<320000x16xf32, #tpu.memory_space<hbm>> -> memref<200x16xf32, #tpu.memory_space<hbm>>
    %dma_start3A_1365 = tpu.memref_slice %arg8[%dma_start3A_1362] : memref<4x!tpu.dma_semaphore, #tpu.memory_space<semaphore_mem>> -> memref<1x!tpu.dma_semaphore, #tpu.memory_space<semaphore_mem>>
    %dma_start3A_1366 = tpu.memref_squeeze %dma_start3A_1365 : memref<1x!tpu.dma_semaphore, #tpu.memory_space<semaphore_mem>> -> memref<!tpu.dma_semaphore, #tpu.memory_space<semaphore_mem>>
    %dma_start3A_1367 = arith.constant 0 : i32
    %dma_start3A_1368 = tpu.memref_slice %arg2[%add3A_1361, %dma_start3A_1367] : memref<320000x16xf32, #tpu.memory_space<hbm>> -> memref<200x16xf32, #tpu.memory_space<hbm>>
    tpu.enqueue_dma source(%dma_start3A_1368 : memref<200x16xf32, #tpu.memory_space<hbm>>) target(%arg4 : memref<200x16xf32, #tpu.memory_space<vmem>>) target_semaphore(%dma_start3A_1366 : memref<!tpu.dma_semaphore, #tpu.memory_space<semaphore_mem>>)
    %add3A_1369 = arith.constant 7400 : i32
    %add3A_1370 = arith.addi %multiple_of3A, %add3A_1369 : i32
    %dma_wait3A_1371 = arith.constant 1 : i32
    %dma_wait3A_1372 = arith.constant 0 : i32
    %dma_wait3A_1373 = tpu.memref_slice %arg2[%add3A_1370, %dma_wait3A_1372] : memref<320000x16xf32, #tpu.memory_space<hbm>> -> memref<200x16xf32, #tpu.memory_space<hbm>>
    %dma_wait3A_1374 = tpu.memref_slice %arg8[%dma_wait3A_1371] : memref<4x!tpu.dma_semaphore, #tpu.memory_space<semaphore_mem>> -> memref<1x!tpu.dma_semaphore, #tpu.memory_space<semaphore_mem>>
    %dma_wait3A_1375 = tpu.memref_squeeze %dma_wait3A_1374 : memref<1x!tpu.dma_semaphore, #tpu.memory_space<semaphore_mem>> -> memref<!tpu.dma_semaphore, #tpu.memory_space<semaphore_mem>>
    %dma_wait3A_1376 = arith.constant 0 : i32
    %dma_wait3A_1377 = tpu.memref_slice %arg2[%add3A_1370, %dma_wait3A_1376] : memref<320000x16xf32, #tpu.memory_space<hbm>> -> memref<200x16xf32, #tpu.memory_space<hbm>>
    tpu.wait_dma2 semaphore(%dma_wait3A_1375 : memref<!tpu.dma_semaphore, #tpu.memory_space<semaphore_mem>>) src(%dma_wait3A_1377 : memref<200x16xf32, #tpu.memory_space<hbm>>) dst(%arg5 : memref<200x16xf32, #tpu.memory_space<vmem>>)
    %add3A_1378 = arith.constant 7400 : i32
    %add3A_1379 = arith.addi %multiple_of3A, %add3A_1378 : i32
    %dma_start3A_1380 = arith.constant 1 : i32
    %dma_start3A_1381 = arith.constant 0 : i32
    %dma_start3A_1382 = tpu.memref_slice %arg3[%add3A_1379, %dma_start3A_1381] : memref<320000x16xf32, #tpu.memory_space<hbm>> -> memref<200x16xf32, #tpu.memory_space<hbm>>
    %dma_start3A_1383 = tpu.memref_slice %arg9[%dma_start3A_1380] : memref<4x!tpu.dma_semaphore, #tpu.memory_space<semaphore_mem>> -> memref<1x!tpu.dma_semaphore, #tpu.memory_space<semaphore_mem>>
    %dma_start3A_1384 = tpu.memref_squeeze %dma_start3A_1383 : memref<1x!tpu.dma_semaphore, #tpu.memory_space<semaphore_mem>> -> memref<!tpu.dma_semaphore, #tpu.memory_space<semaphore_mem>>
    %dma_start3A_1385 = arith.constant 0 : i32
    %dma_start3A_1386 = tpu.memref_slice %arg3[%add3A_1379, %dma_start3A_1385] : memref<320000x16xf32, #tpu.memory_space<hbm>> -> memref<200x16xf32, #tpu.memory_space<hbm>>
    tpu.enqueue_dma source(%arg5 : memref<200x16xf32, #tpu.memory_space<vmem>>) target(%dma_start3A_1386 : memref<200x16xf32, #tpu.memory_space<hbm>>) target_semaphore(%dma_start3A_1384 : memref<!tpu.dma_semaphore, #tpu.memory_space<semaphore_mem>>)
    %add3A_1387 = arith.constant 7400 : i32
    %add3A_1388 = arith.addi %multiple_of3A, %add3A_1387 : i32
    %dma_wait3A_1389 = arith.constant 1 : i32
    %dma_wait3A_1390 = arith.constant 0 : i32
    %dma_wait3A_1391 = tpu.memref_slice %arg3[%add3A_1388, %dma_wait3A_1390] : memref<320000x16xf32, #tpu.memory_space<hbm>> -> memref<200x16xf32, #tpu.memory_space<hbm>>
    %dma_wait3A_1392 = tpu.memref_slice %arg9[%dma_wait3A_1389] : memref<4x!tpu.dma_semaphore, #tpu.memory_space<semaphore_mem>> -> memref<1x!tpu.dma_semaphore, #tpu.memory_space<semaphore_mem>>
    %dma_wait3A_1393 = tpu.memref_squeeze %dma_wait3A_1392 : memref<1x!tpu.dma_semaphore, #tpu.memory_space<semaphore_mem>> -> memref<!tpu.dma_semaphore, #tpu.memory_space<semaphore_mem>>
    %dma_wait3A_1394 = arith.constant 0 : i32
    %dma_wait3A_1395 = tpu.memref_slice %arg3[%add3A_1388, %dma_wait3A_1394] : memref<320000x16xf32, #tpu.memory_space<hbm>> -> memref<200x16xf32, #tpu.memory_space<hbm>>
    tpu.wait_dma2 semaphore(%dma_wait3A_1393 : memref<!tpu.dma_semaphore, #tpu.memory_space<semaphore_mem>>) src(%arg5 : memref<200x16xf32, #tpu.memory_space<vmem>>) dst(%dma_wait3A_1395 : memref<200x16xf32, #tpu.memory_space<hbm>>)
    %add3A_1396 = arith.constant 8200 : i32
    %add3A_1397 = arith.addi %multiple_of3A, %add3A_1396 : i32
    %dma_start3A_1398 = arith.constant 1 : i32
    %dma_start3A_1399 = arith.constant 0 : i32
    %dma_start3A_1400 = tpu.memref_slice %arg2[%add3A_1397, %dma_start3A_1399] : memref<320000x16xf32, #tpu.memory_space<hbm>> -> memref<200x16xf32, #tpu.memory_space<hbm>>
    %dma_start3A_1401 = tpu.memref_slice %arg8[%dma_start3A_1398] : memref<4x!tpu.dma_semaphore, #tpu.memory_space<semaphore_mem>> -> memref<1x!tpu.dma_semaphore, #tpu.memory_space<semaphore_mem>>
    %dma_start3A_1402 = tpu.memref_squeeze %dma_start3A_1401 : memref<1x!tpu.dma_semaphore, #tpu.memory_space<semaphore_mem>> -> memref<!tpu.dma_semaphore, #tpu.memory_space<semaphore_mem>>
    %dma_start3A_1403 = arith.constant 0 : i32
    %dma_start3A_1404 = tpu.memref_slice %arg2[%add3A_1397, %dma_start3A_1403] : memref<320000x16xf32, #tpu.memory_space<hbm>> -> memref<200x16xf32, #tpu.memory_space<hbm>>
    tpu.enqueue_dma source(%dma_start3A_1404 : memref<200x16xf32, #tpu.memory_space<hbm>>) target(%arg5 : memref<200x16xf32, #tpu.memory_space<vmem>>) target_semaphore(%dma_start3A_1402 : memref<!tpu.dma_semaphore, #tpu.memory_space<semaphore_mem>>)
    %add3A_1405 = arith.constant 7600 : i32
    %add3A_1406 = arith.addi %multiple_of3A, %add3A_1405 : i32
    %dma_wait3A_1407 = arith.constant 2 : i32
    %dma_wait3A_1408 = arith.constant 0 : i32
    %dma_wait3A_1409 = tpu.memref_slice %arg2[%add3A_1406, %dma_wait3A_1408] : memref<320000x16xf32, #tpu.memory_space<hbm>> -> memref<200x16xf32, #tpu.memory_space<hbm>>
    %dma_wait3A_1410 = tpu.memref_slice %arg8[%dma_wait3A_1407] : memref<4x!tpu.dma_semaphore, #tpu.memory_space<semaphore_mem>> -> memref<1x!tpu.dma_semaphore, #tpu.memory_space<semaphore_mem>>
    %dma_wait3A_1411 = tpu.memref_squeeze %dma_wait3A_1410 : memref<1x!tpu.dma_semaphore, #tpu.memory_space<semaphore_mem>> -> memref<!tpu.dma_semaphore, #tpu.memory_space<semaphore_mem>>
    %dma_wait3A_1412 = arith.constant 0 : i32
    %dma_wait3A_1413 = tpu.memref_slice %arg2[%add3A_1406, %dma_wait3A_1412] : memref<320000x16xf32, #tpu.memory_space<hbm>> -> memref<200x16xf32, #tpu.memory_space<hbm>>
    tpu.wait_dma2 semaphore(%dma_wait3A_1411 : memref<!tpu.dma_semaphore, #tpu.memory_space<semaphore_mem>>) src(%dma_wait3A_1413 : memref<200x16xf32, #tpu.memory_space<hbm>>) dst(%arg6 : memref<200x16xf32, #tpu.memory_space<vmem>>)
    %add3A_1414 = arith.constant 7600 : i32
    %add3A_1415 = arith.addi %multiple_of3A, %add3A_1414 : i32
    %dma_start3A_1416 = arith.constant 2 : i32
    %dma_start3A_1417 = arith.constant 0 : i32
    %dma_start3A_1418 = tpu.memref_slice %arg3[%add3A_1415, %dma_start3A_1417] : memref<320000x16xf32, #tpu.memory_space<hbm>> -> memref<200x16xf32, #tpu.memory_space<hbm>>
    %dma_start3A_1419 = tpu.memref_slice %arg9[%dma_start3A_1416] : memref<4x!tpu.dma_semaphore, #tpu.memory_space<semaphore_mem>> -> memref<1x!tpu.dma_semaphore, #tpu.memory_space<semaphore_mem>>
    %dma_start3A_1420 = tpu.memref_squeeze %dma_start3A_1419 : memref<1x!tpu.dma_semaphore, #tpu.memory_space<semaphore_mem>> -> memref<!tpu.dma_semaphore, #tpu.memory_space<semaphore_mem>>
    %dma_start3A_1421 = arith.constant 0 : i32
    %dma_start3A_1422 = tpu.memref_slice %arg3[%add3A_1415, %dma_start3A_1421] : memref<320000x16xf32, #tpu.memory_space<hbm>> -> memref<200x16xf32, #tpu.memory_space<hbm>>
    tpu.enqueue_dma source(%arg6 : memref<200x16xf32, #tpu.memory_space<vmem>>) target(%dma_start3A_1422 : memref<200x16xf32, #tpu.memory_space<hbm>>) target_semaphore(%dma_start3A_1420 : memref<!tpu.dma_semaphore, #tpu.memory_space<semaphore_mem>>)
    %add3A_1423 = arith.constant 7600 : i32
    %add3A_1424 = arith.addi %multiple_of3A, %add3A_1423 : i32
    %dma_wait3A_1425 = arith.constant 2 : i32
    %dma_wait3A_1426 = arith.constant 0 : i32
    %dma_wait3A_1427 = tpu.memref_slice %arg3[%add3A_1424, %dma_wait3A_1426] : memref<320000x16xf32, #tpu.memory_space<hbm>> -> memref<200x16xf32, #tpu.memory_space<hbm>>
    %dma_wait3A_1428 = tpu.memref_slice %arg9[%dma_wait3A_1425] : memref<4x!tpu.dma_semaphore, #tpu.memory_space<semaphore_mem>> -> memref<1x!tpu.dma_semaphore, #tpu.memory_space<semaphore_mem>>
    %dma_wait3A_1429 = tpu.memref_squeeze %dma_wait3A_1428 : memref<1x!tpu.dma_semaphore, #tpu.memory_space<semaphore_mem>> -> memref<!tpu.dma_semaphore, #tpu.memory_space<semaphore_mem>>
    %dma_wait3A_1430 = arith.constant 0 : i32
    %dma_wait3A_1431 = tpu.memref_slice %arg3[%add3A_1424, %dma_wait3A_1430] : memref<320000x16xf32, #tpu.memory_space<hbm>> -> memref<200x16xf32, #tpu.memory_space<hbm>>
    tpu.wait_dma2 semaphore(%dma_wait3A_1429 : memref<!tpu.dma_semaphore, #tpu.memory_space<semaphore_mem>>) src(%arg6 : memref<200x16xf32, #tpu.memory_space<vmem>>) dst(%dma_wait3A_1431 : memref<200x16xf32, #tpu.memory_space<hbm>>)
    %add3A_1432 = arith.constant 8400 : i32
    %add3A_1433 = arith.addi %multiple_of3A, %add3A_1432 : i32
    %dma_start3A_1434 = arith.constant 2 : i32
    %dma_start3A_1435 = arith.constant 0 : i32
    %dma_start3A_1436 = tpu.memref_slice %arg2[%add3A_1433, %dma_start3A_1435] : memref<320000x16xf32, #tpu.memory_space<hbm>> -> memref<200x16xf32, #tpu.memory_space<hbm>>
    %dma_start3A_1437 = tpu.memref_slice %arg8[%dma_start3A_1434] : memref<4x!tpu.dma_semaphore, #tpu.memory_space<semaphore_mem>> -> memref<1x!tpu.dma_semaphore, #tpu.memory_space<semaphore_mem>>
    %dma_start3A_1438 = tpu.memref_squeeze %dma_start3A_1437 : memref<1x!tpu.dma_semaphore, #tpu.memory_space<semaphore_mem>> -> memref<!tpu.dma_semaphore, #tpu.memory_space<semaphore_mem>>
    %dma_start3A_1439 = arith.constant 0 : i32
    %dma_start3A_1440 = tpu.memref_slice %arg2[%add3A_1433, %dma_start3A_1439] : memref<320000x16xf32, #tpu.memory_space<hbm>> -> memref<200x16xf32, #tpu.memory_space<hbm>>
    tpu.enqueue_dma source(%dma_start3A_1440 : memref<200x16xf32, #tpu.memory_space<hbm>>) target(%arg6 : memref<200x16xf32, #tpu.memory_space<vmem>>) target_semaphore(%dma_start3A_1438 : memref<!tpu.dma_semaphore, #tpu.memory_space<semaphore_mem>>)
    %add3A_1441 = arith.constant 7800 : i32
    %add3A_1442 = arith.addi %multiple_of3A, %add3A_1441 : i32
    %dma_wait3A_1443 = arith.constant 3 : i32
    %dma_wait3A_1444 = arith.constant 0 : i32
    %dma_wait3A_1445 = tpu.memref_slice %arg2[%add3A_1442, %dma_wait3A_1444] : memref<320000x16xf32, #tpu.memory_space<hbm>> -> memref<200x16xf32, #tpu.memory_space<hbm>>
    %dma_wait3A_1446 = tpu.memref_slice %arg8[%dma_wait3A_1443] : memref<4x!tpu.dma_semaphore, #tpu.memory_space<semaphore_mem>> -> memref<1x!tpu.dma_semaphore, #tpu.memory_space<semaphore_mem>>
    %dma_wait3A_1447 = tpu.memref_squeeze %dma_wait3A_1446 : memref<1x!tpu.dma_semaphore, #tpu.memory_space<semaphore_mem>> -> memref<!tpu.dma_semaphore, #tpu.memory_space<semaphore_mem>>
    %dma_wait3A_1448 = arith.constant 0 : i32
    %dma_wait3A_1449 = tpu.memref_slice %arg2[%add3A_1442, %dma_wait3A_1448] : memref<320000x16xf32, #tpu.memory_space<hbm>> -> memref<200x16xf32, #tpu.memory_space<hbm>>
    tpu.wait_dma2 semaphore(%dma_wait3A_1447 : memref<!tpu.dma_semaphore, #tpu.memory_space<semaphore_mem>>) src(%dma_wait3A_1449 : memref<200x16xf32, #tpu.memory_space<hbm>>) dst(%arg7 : memref<200x16xf32, #tpu.memory_space<vmem>>)
    %add3A_1450 = arith.constant 7800 : i32
    %add3A_1451 = arith.addi %multiple_of3A, %add3A_1450 : i32
    %dma_start3A_1452 = arith.constant 3 : i32
    %dma_start3A_1453 = arith.constant 0 : i32
    %dma_start3A_1454 = tpu.memref_slice %arg3[%add3A_1451, %dma_start3A_1453] : memref<320000x16xf32, #tpu.memory_space<hbm>> -> memref<200x16xf32, #tpu.memory_space<hbm>>
    %dma_start3A_1455 = tpu.memref_slice %arg9[%dma_start3A_1452] : memref<4x!tpu.dma_semaphore, #tpu.memory_space<semaphore_mem>> -> memref<1x!tpu.dma_semaphore, #tpu.memory_space<semaphore_mem>>
    %dma_start3A_1456 = tpu.memref_squeeze %dma_start3A_1455 : memref<1x!tpu.dma_semaphore, #tpu.memory_space<semaphore_mem>> -> memref<!tpu.dma_semaphore, #tpu.memory_space<semaphore_mem>>
    %dma_start3A_1457 = arith.constant 0 : i32
    %dma_start3A_1458 = tpu.memref_slice %arg3[%add3A_1451, %dma_start3A_1457] : memref<320000x16xf32, #tpu.memory_space<hbm>> -> memref<200x16xf32, #tpu.memory_space<hbm>>
    tpu.enqueue_dma source(%arg7 : memref<200x16xf32, #tpu.memory_space<vmem>>) target(%dma_start3A_1458 : memref<200x16xf32, #tpu.memory_space<hbm>>) target_semaphore(%dma_start3A_1456 : memref<!tpu.dma_semaphore, #tpu.memory_space<semaphore_mem>>)
    %add3A_1459 = arith.constant 7800 : i32
    %add3A_1460 = arith.addi %multiple_of3A, %add3A_1459 : i32
    %dma_wait3A_1461 = arith.constant 3 : i32
    %dma_wait3A_1462 = arith.constant 0 : i32
    %dma_wait3A_1463 = tpu.memref_slice %arg3[%add3A_1460, %dma_wait3A_1462] : memref<320000x16xf32, #tpu.memory_space<hbm>> -> memref<200x16xf32, #tpu.memory_space<hbm>>
    %dma_wait3A_1464 = tpu.memref_slice %arg9[%dma_wait3A_1461] : memref<4x!tpu.dma_semaphore, #tpu.memory_space<semaphore_mem>> -> memref<1x!tpu.dma_semaphore, #tpu.memory_space<semaphore_mem>>
    %dma_wait3A_1465 = tpu.memref_squeeze %dma_wait3A_1464 : memref<1x!tpu.dma_semaphore, #tpu.memory_space<semaphore_mem>> -> memref<!tpu.dma_semaphore, #tpu.memory_space<semaphore_mem>>
    %dma_wait3A_1466 = arith.constant 0 : i32
    %dma_wait3A_1467 = tpu.memref_slice %arg3[%add3A_1460, %dma_wait3A_1466] : memref<320000x16xf32, #tpu.memory_space<hbm>> -> memref<200x16xf32, #tpu.memory_space<hbm>>
    tpu.wait_dma2 semaphore(%dma_wait3A_1465 : memref<!tpu.dma_semaphore, #tpu.memory_space<semaphore_mem>>) src(%arg7 : memref<200x16xf32, #tpu.memory_space<vmem>>) dst(%dma_wait3A_1467 : memref<200x16xf32, #tpu.memory_space<hbm>>)
    %add3A_1468 = arith.constant 8600 : i32
    %add3A_1469 = arith.addi %multiple_of3A, %add3A_1468 : i32
    %dma_start3A_1470 = arith.constant 3 : i32
    %dma_start3A_1471 = arith.constant 0 : i32
    %dma_start3A_1472 = tpu.memref_slice %arg2[%add3A_1469, %dma_start3A_1471] : memref<320000x16xf32, #tpu.memory_space<hbm>> -> memref<200x16xf32, #tpu.memory_space<hbm>>
    %dma_start3A_1473 = tpu.memref_slice %arg8[%dma_start3A_1470] : memref<4x!tpu.dma_semaphore, #tpu.memory_space<semaphore_mem>> -> memref<1x!tpu.dma_semaphore, #tpu.memory_space<semaphore_mem>>
    %dma_start3A_1474 = tpu.memref_squeeze %dma_start3A_1473 : memref<1x!tpu.dma_semaphore, #tpu.memory_space<semaphore_mem>> -> memref<!tpu.dma_semaphore, #tpu.memory_space<semaphore_mem>>
    %dma_start3A_1475 = arith.constant 0 : i32
    %dma_start3A_1476 = tpu.memref_slice %arg2[%add3A_1469, %dma_start3A_1475] : memref<320000x16xf32, #tpu.memory_space<hbm>> -> memref<200x16xf32, #tpu.memory_space<hbm>>
    tpu.enqueue_dma source(%dma_start3A_1476 : memref<200x16xf32, #tpu.memory_space<hbm>>) target(%arg7 : memref<200x16xf32, #tpu.memory_space<vmem>>) target_semaphore(%dma_start3A_1474 : memref<!tpu.dma_semaphore, #tpu.memory_space<semaphore_mem>>)
    %add3A_1477 = arith.constant 8000 : i32
    %add3A_1478 = arith.addi %multiple_of3A, %add3A_1477 : i32
    %dma_wait3A_1479 = arith.constant 0 : i32
    %dma_wait3A_1480 = arith.constant 0 : i32
    %dma_wait3A_1481 = tpu.memref_slice %arg2[%add3A_1478, %dma_wait3A_1480] : memref<320000x16xf32, #tpu.memory_space<hbm>> -> memref<200x16xf32, #tpu.memory_space<hbm>>
    %dma_wait3A_1482 = tpu.memref_slice %arg8[%dma_wait3A_1479] : memref<4x!tpu.dma_semaphore, #tpu.memory_space<semaphore_mem>> -> memref<1x!tpu.dma_semaphore, #tpu.memory_space<semaphore_mem>>
    %dma_wait3A_1483 = tpu.memref_squeeze %dma_wait3A_1482 : memref<1x!tpu.dma_semaphore, #tpu.memory_space<semaphore_mem>> -> memref<!tpu.dma_semaphore, #tpu.memory_space<semaphore_mem>>
    %dma_wait3A_1484 = arith.constant 0 : i32
    %dma_wait3A_1485 = tpu.memref_slice %arg2[%add3A_1478, %dma_wait3A_1484] : memref<320000x16xf32, #tpu.memory_space<hbm>> -> memref<200x16xf32, #tpu.memory_space<hbm>>
    tpu.wait_dma2 semaphore(%dma_wait3A_1483 : memref<!tpu.dma_semaphore, #tpu.memory_space<semaphore_mem>>) src(%dma_wait3A_1485 : memref<200x16xf32, #tpu.memory_space<hbm>>) dst(%arg4 : memref<200x16xf32, #tpu.memory_space<vmem>>)
    %add3A_1486 = arith.constant 8000 : i32
    %add3A_1487 = arith.addi %multiple_of3A, %add3A_1486 : i32
    %dma_start3A_1488 = arith.constant 0 : i32
    %dma_start3A_1489 = arith.constant 0 : i32
    %dma_start3A_1490 = tpu.memref_slice %arg3[%add3A_1487, %dma_start3A_1489] : memref<320000x16xf32, #tpu.memory_space<hbm>> -> memref<200x16xf32, #tpu.memory_space<hbm>>
    %dma_start3A_1491 = tpu.memref_slice %arg9[%dma_start3A_1488] : memref<4x!tpu.dma_semaphore, #tpu.memory_space<semaphore_mem>> -> memref<1x!tpu.dma_semaphore, #tpu.memory_space<semaphore_mem>>
    %dma_start3A_1492 = tpu.memref_squeeze %dma_start3A_1491 : memref<1x!tpu.dma_semaphore, #tpu.memory_space<semaphore_mem>> -> memref<!tpu.dma_semaphore, #tpu.memory_space<semaphore_mem>>
    %dma_start3A_1493 = arith.constant 0 : i32
    %dma_start3A_1494 = tpu.memref_slice %arg3[%add3A_1487, %dma_start3A_1493] : memref<320000x16xf32, #tpu.memory_space<hbm>> -> memref<200x16xf32, #tpu.memory_space<hbm>>
    tpu.enqueue_dma source(%arg4 : memref<200x16xf32, #tpu.memory_space<vmem>>) target(%dma_start3A_1494 : memref<200x16xf32, #tpu.memory_space<hbm>>) target_semaphore(%dma_start3A_1492 : memref<!tpu.dma_semaphore, #tpu.memory_space<semaphore_mem>>)
    %add3A_1495 = arith.constant 8000 : i32
    %add3A_1496 = arith.addi %multiple_of3A, %add3A_1495 : i32
    %dma_wait3A_1497 = arith.constant 0 : i32
    %dma_wait3A_1498 = arith.constant 0 : i32
    %dma_wait3A_1499 = tpu.memref_slice %arg3[%add3A_1496, %dma_wait3A_1498] : memref<320000x16xf32, #tpu.memory_space<hbm>> -> memref<200x16xf32, #tpu.memory_space<hbm>>
    %dma_wait3A_1500 = tpu.memref_slice %arg9[%dma_wait3A_1497] : memref<4x!tpu.dma_semaphore, #tpu.memory_space<semaphore_mem>> -> memref<1x!tpu.dma_semaphore, #tpu.memory_space<semaphore_mem>>
    %dma_wait3A_1501 = tpu.memref_squeeze %dma_wait3A_1500 : memref<1x!tpu.dma_semaphore, #tpu.memory_space<semaphore_mem>> -> memref<!tpu.dma_semaphore, #tpu.memory_space<semaphore_mem>>
    %dma_wait3A_1502 = arith.constant 0 : i32
    %dma_wait3A_1503 = tpu.memref_slice %arg3[%add3A_1496, %dma_wait3A_1502] : memref<320000x16xf32, #tpu.memory_space<hbm>> -> memref<200x16xf32, #tpu.memory_space<hbm>>
    tpu.wait_dma2 semaphore(%dma_wait3A_1501 : memref<!tpu.dma_semaphore, #tpu.memory_space<semaphore_mem>>) src(%arg4 : memref<200x16xf32, #tpu.memory_space<vmem>>) dst(%dma_wait3A_1503 : memref<200x16xf32, #tpu.memory_space<hbm>>)
    %add3A_1504 = arith.constant 8800 : i32
    %add3A_1505 = arith.addi %multiple_of3A, %add3A_1504 : i32
    %dma_start3A_1506 = arith.constant 0 : i32
    %dma_start3A_1507 = arith.constant 0 : i32
    %dma_start3A_1508 = tpu.memref_slice %arg2[%add3A_1505, %dma_start3A_1507] : memref<320000x16xf32, #tpu.memory_space<hbm>> -> memref<200x16xf32, #tpu.memory_space<hbm>>
    %dma_start3A_1509 = tpu.memref_slice %arg8[%dma_start3A_1506] : memref<4x!tpu.dma_semaphore, #tpu.memory_space<semaphore_mem>> -> memref<1x!tpu.dma_semaphore, #tpu.memory_space<semaphore_mem>>
    %dma_start3A_1510 = tpu.memref_squeeze %dma_start3A_1509 : memref<1x!tpu.dma_semaphore, #tpu.memory_space<semaphore_mem>> -> memref<!tpu.dma_semaphore, #tpu.memory_space<semaphore_mem>>
    %dma_start3A_1511 = arith.constant 0 : i32
    %dma_start3A_1512 = tpu.memref_slice %arg2[%add3A_1505, %dma_start3A_1511] : memref<320000x16xf32, #tpu.memory_space<hbm>> -> memref<200x16xf32, #tpu.memory_space<hbm>>
    tpu.enqueue_dma source(%dma_start3A_1512 : memref<200x16xf32, #tpu.memory_space<hbm>>) target(%arg4 : memref<200x16xf32, #tpu.memory_space<vmem>>) target_semaphore(%dma_start3A_1510 : memref<!tpu.dma_semaphore, #tpu.memory_space<semaphore_mem>>)
    %add3A_1513 = arith.constant 8200 : i32
    %add3A_1514 = arith.addi %multiple_of3A, %add3A_1513 : i32
    %dma_wait3A_1515 = arith.constant 1 : i32
    %dma_wait3A_1516 = arith.constant 0 : i32
    %dma_wait3A_1517 = tpu.memref_slice %arg2[%add3A_1514, %dma_wait3A_1516] : memref<320000x16xf32, #tpu.memory_space<hbm>> -> memref<200x16xf32, #tpu.memory_space<hbm>>
    %dma_wait3A_1518 = tpu.memref_slice %arg8[%dma_wait3A_1515] : memref<4x!tpu.dma_semaphore, #tpu.memory_space<semaphore_mem>> -> memref<1x!tpu.dma_semaphore, #tpu.memory_space<semaphore_mem>>
    %dma_wait3A_1519 = tpu.memref_squeeze %dma_wait3A_1518 : memref<1x!tpu.dma_semaphore, #tpu.memory_space<semaphore_mem>> -> memref<!tpu.dma_semaphore, #tpu.memory_space<semaphore_mem>>
    %dma_wait3A_1520 = arith.constant 0 : i32
    %dma_wait3A_1521 = tpu.memref_slice %arg2[%add3A_1514, %dma_wait3A_1520] : memref<320000x16xf32, #tpu.memory_space<hbm>> -> memref<200x16xf32, #tpu.memory_space<hbm>>
    tpu.wait_dma2 semaphore(%dma_wait3A_1519 : memref<!tpu.dma_semaphore, #tpu.memory_space<semaphore_mem>>) src(%dma_wait3A_1521 : memref<200x16xf32, #tpu.memory_space<hbm>>) dst(%arg5 : memref<200x16xf32, #tpu.memory_space<vmem>>)
    %add3A_1522 = arith.constant 8200 : i32
    %add3A_1523 = arith.addi %multiple_of3A, %add3A_1522 : i32
    %dma_start3A_1524 = arith.constant 1 : i32
    %dma_start3A_1525 = arith.constant 0 : i32
    %dma_start3A_1526 = tpu.memref_slice %arg3[%add3A_1523, %dma_start3A_1525] : memref<320000x16xf32, #tpu.memory_space<hbm>> -> memref<200x16xf32, #tpu.memory_space<hbm>>
    %dma_start3A_1527 = tpu.memref_slice %arg9[%dma_start3A_1524] : memref<4x!tpu.dma_semaphore, #tpu.memory_space<semaphore_mem>> -> memref<1x!tpu.dma_semaphore, #tpu.memory_space<semaphore_mem>>
    %dma_start3A_1528 = tpu.memref_squeeze %dma_start3A_1527 : memref<1x!tpu.dma_semaphore, #tpu.memory_space<semaphore_mem>> -> memref<!tpu.dma_semaphore, #tpu.memory_space<semaphore_mem>>
    %dma_start3A_1529 = arith.constant 0 : i32
    %dma_start3A_1530 = tpu.memref_slice %arg3[%add3A_1523, %dma_start3A_1529] : memref<320000x16xf32, #tpu.memory_space<hbm>> -> memref<200x16xf32, #tpu.memory_space<hbm>>
    tpu.enqueue_dma source(%arg5 : memref<200x16xf32, #tpu.memory_space<vmem>>) target(%dma_start3A_1530 : memref<200x16xf32, #tpu.memory_space<hbm>>) target_semaphore(%dma_start3A_1528 : memref<!tpu.dma_semaphore, #tpu.memory_space<semaphore_mem>>)
    %add3A_1531 = arith.constant 8200 : i32
    %add3A_1532 = arith.addi %multiple_of3A, %add3A_1531 : i32
    %dma_wait3A_1533 = arith.constant 1 : i32
    %dma_wait3A_1534 = arith.constant 0 : i32
    %dma_wait3A_1535 = tpu.memref_slice %arg3[%add3A_1532, %dma_wait3A_1534] : memref<320000x16xf32, #tpu.memory_space<hbm>> -> memref<200x16xf32, #tpu.memory_space<hbm>>
    %dma_wait3A_1536 = tpu.memref_slice %arg9[%dma_wait3A_1533] : memref<4x!tpu.dma_semaphore, #tpu.memory_space<semaphore_mem>> -> memref<1x!tpu.dma_semaphore, #tpu.memory_space<semaphore_mem>>
    %dma_wait3A_1537 = tpu.memref_squeeze %dma_wait3A_1536 : memref<1x!tpu.dma_semaphore, #tpu.memory_space<semaphore_mem>> -> memref<!tpu.dma_semaphore, #tpu.memory_space<semaphore_mem>>
    %dma_wait3A_1538 = arith.constant 0 : i32
    %dma_wait3A_1539 = tpu.memref_slice %arg3[%add3A_1532, %dma_wait3A_1538] : memref<320000x16xf32, #tpu.memory_space<hbm>> -> memref<200x16xf32, #tpu.memory_space<hbm>>
    tpu.wait_dma2 semaphore(%dma_wait3A_1537 : memref<!tpu.dma_semaphore, #tpu.memory_space<semaphore_mem>>) src(%arg5 : memref<200x16xf32, #tpu.memory_space<vmem>>) dst(%dma_wait3A_1539 : memref<200x16xf32, #tpu.memory_space<hbm>>)
    %add3A_1540 = arith.constant 9000 : i32
    %add3A_1541 = arith.addi %multiple_of3A, %add3A_1540 : i32
    %dma_start3A_1542 = arith.constant 1 : i32
    %dma_start3A_1543 = arith.constant 0 : i32
    %dma_start3A_1544 = tpu.memref_slice %arg2[%add3A_1541, %dma_start3A_1543] : memref<320000x16xf32, #tpu.memory_space<hbm>> -> memref<200x16xf32, #tpu.memory_space<hbm>>
    %dma_start3A_1545 = tpu.memref_slice %arg8[%dma_start3A_1542] : memref<4x!tpu.dma_semaphore, #tpu.memory_space<semaphore_mem>> -> memref<1x!tpu.dma_semaphore, #tpu.memory_space<semaphore_mem>>
    %dma_start3A_1546 = tpu.memref_squeeze %dma_start3A_1545 : memref<1x!tpu.dma_semaphore, #tpu.memory_space<semaphore_mem>> -> memref<!tpu.dma_semaphore, #tpu.memory_space<semaphore_mem>>
    %dma_start3A_1547 = arith.constant 0 : i32
    %dma_start3A_1548 = tpu.memref_slice %arg2[%add3A_1541, %dma_start3A_1547] : memref<320000x16xf32, #tpu.memory_space<hbm>> -> memref<200x16xf32, #tpu.memory_space<hbm>>
    tpu.enqueue_dma source(%dma_start3A_1548 : memref<200x16xf32, #tpu.memory_space<hbm>>) target(%arg5 : memref<200x16xf32, #tpu.memory_space<vmem>>) target_semaphore(%dma_start3A_1546 : memref<!tpu.dma_semaphore, #tpu.memory_space<semaphore_mem>>)
    %add3A_1549 = arith.constant 8400 : i32
    %add3A_1550 = arith.addi %multiple_of3A, %add3A_1549 : i32
    %dma_wait3A_1551 = arith.constant 2 : i32
    %dma_wait3A_1552 = arith.constant 0 : i32
    %dma_wait3A_1553 = tpu.memref_slice %arg2[%add3A_1550, %dma_wait3A_1552] : memref<320000x16xf32, #tpu.memory_space<hbm>> -> memref<200x16xf32, #tpu.memory_space<hbm>>
    %dma_wait3A_1554 = tpu.memref_slice %arg8[%dma_wait3A_1551] : memref<4x!tpu.dma_semaphore, #tpu.memory_space<semaphore_mem>> -> memref<1x!tpu.dma_semaphore, #tpu.memory_space<semaphore_mem>>
    %dma_wait3A_1555 = tpu.memref_squeeze %dma_wait3A_1554 : memref<1x!tpu.dma_semaphore, #tpu.memory_space<semaphore_mem>> -> memref<!tpu.dma_semaphore, #tpu.memory_space<semaphore_mem>>
    %dma_wait3A_1556 = arith.constant 0 : i32
    %dma_wait3A_1557 = tpu.memref_slice %arg2[%add3A_1550, %dma_wait3A_1556] : memref<320000x16xf32, #tpu.memory_space<hbm>> -> memref<200x16xf32, #tpu.memory_space<hbm>>
    tpu.wait_dma2 semaphore(%dma_wait3A_1555 : memref<!tpu.dma_semaphore, #tpu.memory_space<semaphore_mem>>) src(%dma_wait3A_1557 : memref<200x16xf32, #tpu.memory_space<hbm>>) dst(%arg6 : memref<200x16xf32, #tpu.memory_space<vmem>>)
    %add3A_1558 = arith.constant 8400 : i32
    %add3A_1559 = arith.addi %multiple_of3A, %add3A_1558 : i32
    %dma_start3A_1560 = arith.constant 2 : i32
    %dma_start3A_1561 = arith.constant 0 : i32
    %dma_start3A_1562 = tpu.memref_slice %arg3[%add3A_1559, %dma_start3A_1561] : memref<320000x16xf32, #tpu.memory_space<hbm>> -> memref<200x16xf32, #tpu.memory_space<hbm>>
    %dma_start3A_1563 = tpu.memref_slice %arg9[%dma_start3A_1560] : memref<4x!tpu.dma_semaphore, #tpu.memory_space<semaphore_mem>> -> memref<1x!tpu.dma_semaphore, #tpu.memory_space<semaphore_mem>>
    %dma_start3A_1564 = tpu.memref_squeeze %dma_start3A_1563 : memref<1x!tpu.dma_semaphore, #tpu.memory_space<semaphore_mem>> -> memref<!tpu.dma_semaphore, #tpu.memory_space<semaphore_mem>>
    %dma_start3A_1565 = arith.constant 0 : i32
    %dma_start3A_1566 = tpu.memref_slice %arg3[%add3A_1559, %dma_start3A_1565] : memref<320000x16xf32, #tpu.memory_space<hbm>> -> memref<200x16xf32, #tpu.memory_space<hbm>>
    tpu.enqueue_dma source(%arg6 : memref<200x16xf32, #tpu.memory_space<vmem>>) target(%dma_start3A_1566 : memref<200x16xf32, #tpu.memory_space<hbm>>) target_semaphore(%dma_start3A_1564 : memref<!tpu.dma_semaphore, #tpu.memory_space<semaphore_mem>>)
    %add3A_1567 = arith.constant 8400 : i32
    %add3A_1568 = arith.addi %multiple_of3A, %add3A_1567 : i32
    %dma_wait3A_1569 = arith.constant 2 : i32
    %dma_wait3A_1570 = arith.constant 0 : i32
    %dma_wait3A_1571 = tpu.memref_slice %arg3[%add3A_1568, %dma_wait3A_1570] : memref<320000x16xf32, #tpu.memory_space<hbm>> -> memref<200x16xf32, #tpu.memory_space<hbm>>
    %dma_wait3A_1572 = tpu.memref_slice %arg9[%dma_wait3A_1569] : memref<4x!tpu.dma_semaphore, #tpu.memory_space<semaphore_mem>> -> memref<1x!tpu.dma_semaphore, #tpu.memory_space<semaphore_mem>>
    %dma_wait3A_1573 = tpu.memref_squeeze %dma_wait3A_1572 : memref<1x!tpu.dma_semaphore, #tpu.memory_space<semaphore_mem>> -> memref<!tpu.dma_semaphore, #tpu.memory_space<semaphore_mem>>
    %dma_wait3A_1574 = arith.constant 0 : i32
    %dma_wait3A_1575 = tpu.memref_slice %arg3[%add3A_1568, %dma_wait3A_1574] : memref<320000x16xf32, #tpu.memory_space<hbm>> -> memref<200x16xf32, #tpu.memory_space<hbm>>
    tpu.wait_dma2 semaphore(%dma_wait3A_1573 : memref<!tpu.dma_semaphore, #tpu.memory_space<semaphore_mem>>) src(%arg6 : memref<200x16xf32, #tpu.memory_space<vmem>>) dst(%dma_wait3A_1575 : memref<200x16xf32, #tpu.memory_space<hbm>>)
    %add3A_1576 = arith.constant 9200 : i32
    %add3A_1577 = arith.addi %multiple_of3A, %add3A_1576 : i32
    %dma_start3A_1578 = arith.constant 2 : i32
    %dma_start3A_1579 = arith.constant 0 : i32
    %dma_start3A_1580 = tpu.memref_slice %arg2[%add3A_1577, %dma_start3A_1579] : memref<320000x16xf32, #tpu.memory_space<hbm>> -> memref<200x16xf32, #tpu.memory_space<hbm>>
    %dma_start3A_1581 = tpu.memref_slice %arg8[%dma_start3A_1578] : memref<4x!tpu.dma_semaphore, #tpu.memory_space<semaphore_mem>> -> memref<1x!tpu.dma_semaphore, #tpu.memory_space<semaphore_mem>>
    %dma_start3A_1582 = tpu.memref_squeeze %dma_start3A_1581 : memref<1x!tpu.dma_semaphore, #tpu.memory_space<semaphore_mem>> -> memref<!tpu.dma_semaphore, #tpu.memory_space<semaphore_mem>>
    %dma_start3A_1583 = arith.constant 0 : i32
    %dma_start3A_1584 = tpu.memref_slice %arg2[%add3A_1577, %dma_start3A_1583] : memref<320000x16xf32, #tpu.memory_space<hbm>> -> memref<200x16xf32, #tpu.memory_space<hbm>>
    tpu.enqueue_dma source(%dma_start3A_1584 : memref<200x16xf32, #tpu.memory_space<hbm>>) target(%arg6 : memref<200x16xf32, #tpu.memory_space<vmem>>) target_semaphore(%dma_start3A_1582 : memref<!tpu.dma_semaphore, #tpu.memory_space<semaphore_mem>>)
    %add3A_1585 = arith.constant 8600 : i32
    %add3A_1586 = arith.addi %multiple_of3A, %add3A_1585 : i32
    %dma_wait3A_1587 = arith.constant 3 : i32
    %dma_wait3A_1588 = arith.constant 0 : i32
    %dma_wait3A_1589 = tpu.memref_slice %arg2[%add3A_1586, %dma_wait3A_1588] : memref<320000x16xf32, #tpu.memory_space<hbm>> -> memref<200x16xf32, #tpu.memory_space<hbm>>
    %dma_wait3A_1590 = tpu.memref_slice %arg8[%dma_wait3A_1587] : memref<4x!tpu.dma_semaphore, #tpu.memory_space<semaphore_mem>> -> memref<1x!tpu.dma_semaphore, #tpu.memory_space<semaphore_mem>>
    %dma_wait3A_1591 = tpu.memref_squeeze %dma_wait3A_1590 : memref<1x!tpu.dma_semaphore, #tpu.memory_space<semaphore_mem>> -> memref<!tpu.dma_semaphore, #tpu.memory_space<semaphore_mem>>
    %dma_wait3A_1592 = arith.constant 0 : i32
    %dma_wait3A_1593 = tpu.memref_slice %arg2[%add3A_1586, %dma_wait3A_1592] : memref<320000x16xf32, #tpu.memory_space<hbm>> -> memref<200x16xf32, #tpu.memory_space<hbm>>
    tpu.wait_dma2 semaphore(%dma_wait3A_1591 : memref<!tpu.dma_semaphore, #tpu.memory_space<semaphore_mem>>) src(%dma_wait3A_1593 : memref<200x16xf32, #tpu.memory_space<hbm>>) dst(%arg7 : memref<200x16xf32, #tpu.memory_space<vmem>>)
    %add3A_1594 = arith.constant 8600 : i32
    %add3A_1595 = arith.addi %multiple_of3A, %add3A_1594 : i32
    %dma_start3A_1596 = arith.constant 3 : i32
    %dma_start3A_1597 = arith.constant 0 : i32
    %dma_start3A_1598 = tpu.memref_slice %arg3[%add3A_1595, %dma_start3A_1597] : memref<320000x16xf32, #tpu.memory_space<hbm>> -> memref<200x16xf32, #tpu.memory_space<hbm>>
    %dma_start3A_1599 = tpu.memref_slice %arg9[%dma_start3A_1596] : memref<4x!tpu.dma_semaphore, #tpu.memory_space<semaphore_mem>> -> memref<1x!tpu.dma_semaphore, #tpu.memory_space<semaphore_mem>>
    %dma_start3A_1600 = tpu.memref_squeeze %dma_start3A_1599 : memref<1x!tpu.dma_semaphore, #tpu.memory_space<semaphore_mem>> -> memref<!tpu.dma_semaphore, #tpu.memory_space<semaphore_mem>>
    %dma_start3A_1601 = arith.constant 0 : i32
    %dma_start3A_1602 = tpu.memref_slice %arg3[%add3A_1595, %dma_start3A_1601] : memref<320000x16xf32, #tpu.memory_space<hbm>> -> memref<200x16xf32, #tpu.memory_space<hbm>>
    tpu.enqueue_dma source(%arg7 : memref<200x16xf32, #tpu.memory_space<vmem>>) target(%dma_start3A_1602 : memref<200x16xf32, #tpu.memory_space<hbm>>) target_semaphore(%dma_start3A_1600 : memref<!tpu.dma_semaphore, #tpu.memory_space<semaphore_mem>>)
    %add3A_1603 = arith.constant 8600 : i32
    %add3A_1604 = arith.addi %multiple_of3A, %add3A_1603 : i32
    %dma_wait3A_1605 = arith.constant 3 : i32
    %dma_wait3A_1606 = arith.constant 0 : i32
    %dma_wait3A_1607 = tpu.memref_slice %arg3[%add3A_1604, %dma_wait3A_1606] : memref<320000x16xf32, #tpu.memory_space<hbm>> -> memref<200x16xf32, #tpu.memory_space<hbm>>
    %dma_wait3A_1608 = tpu.memref_slice %arg9[%dma_wait3A_1605] : memref<4x!tpu.dma_semaphore, #tpu.memory_space<semaphore_mem>> -> memref<1x!tpu.dma_semaphore, #tpu.memory_space<semaphore_mem>>
    %dma_wait3A_1609 = tpu.memref_squeeze %dma_wait3A_1608 : memref<1x!tpu.dma_semaphore, #tpu.memory_space<semaphore_mem>> -> memref<!tpu.dma_semaphore, #tpu.memory_space<semaphore_mem>>
    %dma_wait3A_1610 = arith.constant 0 : i32
    %dma_wait3A_1611 = tpu.memref_slice %arg3[%add3A_1604, %dma_wait3A_1610] : memref<320000x16xf32, #tpu.memory_space<hbm>> -> memref<200x16xf32, #tpu.memory_space<hbm>>
    tpu.wait_dma2 semaphore(%dma_wait3A_1609 : memref<!tpu.dma_semaphore, #tpu.memory_space<semaphore_mem>>) src(%arg7 : memref<200x16xf32, #tpu.memory_space<vmem>>) dst(%dma_wait3A_1611 : memref<200x16xf32, #tpu.memory_space<hbm>>)
    %add3A_1612 = arith.constant 9400 : i32
    %add3A_1613 = arith.addi %multiple_of3A, %add3A_1612 : i32
    %dma_start3A_1614 = arith.constant 3 : i32
    %dma_start3A_1615 = arith.constant 0 : i32
    %dma_start3A_1616 = tpu.memref_slice %arg2[%add3A_1613, %dma_start3A_1615] : memref<320000x16xf32, #tpu.memory_space<hbm>> -> memref<200x16xf32, #tpu.memory_space<hbm>>
    %dma_start3A_1617 = tpu.memref_slice %arg8[%dma_start3A_1614] : memref<4x!tpu.dma_semaphore, #tpu.memory_space<semaphore_mem>> -> memref<1x!tpu.dma_semaphore, #tpu.memory_space<semaphore_mem>>
    %dma_start3A_1618 = tpu.memref_squeeze %dma_start3A_1617 : memref<1x!tpu.dma_semaphore, #tpu.memory_space<semaphore_mem>> -> memref<!tpu.dma_semaphore, #tpu.memory_space<semaphore_mem>>
    %dma_start3A_1619 = arith.constant 0 : i32
    %dma_start3A_1620 = tpu.memref_slice %arg2[%add3A_1613, %dma_start3A_1619] : memref<320000x16xf32, #tpu.memory_space<hbm>> -> memref<200x16xf32, #tpu.memory_space<hbm>>
    tpu.enqueue_dma source(%dma_start3A_1620 : memref<200x16xf32, #tpu.memory_space<hbm>>) target(%arg7 : memref<200x16xf32, #tpu.memory_space<vmem>>) target_semaphore(%dma_start3A_1618 : memref<!tpu.dma_semaphore, #tpu.memory_space<semaphore_mem>>)
    %add3A_1621 = arith.constant 8800 : i32
    %add3A_1622 = arith.addi %multiple_of3A, %add3A_1621 : i32
    %dma_wait3A_1623 = arith.constant 0 : i32
    %dma_wait3A_1624 = arith.constant 0 : i32
    %dma_wait3A_1625 = tpu.memref_slice %arg2[%add3A_1622, %dma_wait3A_1624] : memref<320000x16xf32, #tpu.memory_space<hbm>> -> memref<200x16xf32, #tpu.memory_space<hbm>>
    %dma_wait3A_1626 = tpu.memref_slice %arg8[%dma_wait3A_1623] : memref<4x!tpu.dma_semaphore, #tpu.memory_space<semaphore_mem>> -> memref<1x!tpu.dma_semaphore, #tpu.memory_space<semaphore_mem>>
    %dma_wait3A_1627 = tpu.memref_squeeze %dma_wait3A_1626 : memref<1x!tpu.dma_semaphore, #tpu.memory_space<semaphore_mem>> -> memref<!tpu.dma_semaphore, #tpu.memory_space<semaphore_mem>>
    %dma_wait3A_1628 = arith.constant 0 : i32
    %dma_wait3A_1629 = tpu.memref_slice %arg2[%add3A_1622, %dma_wait3A_1628] : memref<320000x16xf32, #tpu.memory_space<hbm>> -> memref<200x16xf32, #tpu.memory_space<hbm>>
    tpu.wait_dma2 semaphore(%dma_wait3A_1627 : memref<!tpu.dma_semaphore, #tpu.memory_space<semaphore_mem>>) src(%dma_wait3A_1629 : memref<200x16xf32, #tpu.memory_space<hbm>>) dst(%arg4 : memref<200x16xf32, #tpu.memory_space<vmem>>)
    %add3A_1630 = arith.constant 8800 : i32
    %add3A_1631 = arith.addi %multiple_of3A, %add3A_1630 : i32
    %dma_start3A_1632 = arith.constant 0 : i32
    %dma_start3A_1633 = arith.constant 0 : i32
    %dma_start3A_1634 = tpu.memref_slice %arg3[%add3A_1631, %dma_start3A_1633] : memref<320000x16xf32, #tpu.memory_space<hbm>> -> memref<200x16xf32, #tpu.memory_space<hbm>>
    %dma_start3A_1635 = tpu.memref_slice %arg9[%dma_start3A_1632] : memref<4x!tpu.dma_semaphore, #tpu.memory_space<semaphore_mem>> -> memref<1x!tpu.dma_semaphore, #tpu.memory_space<semaphore_mem>>
    %dma_start3A_1636 = tpu.memref_squeeze %dma_start3A_1635 : memref<1x!tpu.dma_semaphore, #tpu.memory_space<semaphore_mem>> -> memref<!tpu.dma_semaphore, #tpu.memory_space<semaphore_mem>>
    %dma_start3A_1637 = arith.constant 0 : i32
    %dma_start3A_1638 = tpu.memref_slice %arg3[%add3A_1631, %dma_start3A_1637] : memref<320000x16xf32, #tpu.memory_space<hbm>> -> memref<200x16xf32, #tpu.memory_space<hbm>>
    tpu.enqueue_dma source(%arg4 : memref<200x16xf32, #tpu.memory_space<vmem>>) target(%dma_start3A_1638 : memref<200x16xf32, #tpu.memory_space<hbm>>) target_semaphore(%dma_start3A_1636 : memref<!tpu.dma_semaphore, #tpu.memory_space<semaphore_mem>>)
    %add3A_1639 = arith.constant 8800 : i32
    %add3A_1640 = arith.addi %multiple_of3A, %add3A_1639 : i32
    %dma_wait3A_1641 = arith.constant 0 : i32
    %dma_wait3A_1642 = arith.constant 0 : i32
    %dma_wait3A_1643 = tpu.memref_slice %arg3[%add3A_1640, %dma_wait3A_1642] : memref<320000x16xf32, #tpu.memory_space<hbm>> -> memref<200x16xf32, #tpu.memory_space<hbm>>
    %dma_wait3A_1644 = tpu.memref_slice %arg9[%dma_wait3A_1641] : memref<4x!tpu.dma_semaphore, #tpu.memory_space<semaphore_mem>> -> memref<1x!tpu.dma_semaphore, #tpu.memory_space<semaphore_mem>>
    %dma_wait3A_1645 = tpu.memref_squeeze %dma_wait3A_1644 : memref<1x!tpu.dma_semaphore, #tpu.memory_space<semaphore_mem>> -> memref<!tpu.dma_semaphore, #tpu.memory_space<semaphore_mem>>
    %dma_wait3A_1646 = arith.constant 0 : i32
    %dma_wait3A_1647 = tpu.memref_slice %arg3[%add3A_1640, %dma_wait3A_1646] : memref<320000x16xf32, #tpu.memory_space<hbm>> -> memref<200x16xf32, #tpu.memory_space<hbm>>
    tpu.wait_dma2 semaphore(%dma_wait3A_1645 : memref<!tpu.dma_semaphore, #tpu.memory_space<semaphore_mem>>) src(%arg4 : memref<200x16xf32, #tpu.memory_space<vmem>>) dst(%dma_wait3A_1647 : memref<200x16xf32, #tpu.memory_space<hbm>>)
    %add3A_1648 = arith.constant 9600 : i32
    %add3A_1649 = arith.addi %multiple_of3A, %add3A_1648 : i32
    %dma_start3A_1650 = arith.constant 0 : i32
    %dma_start3A_1651 = arith.constant 0 : i32
    %dma_start3A_1652 = tpu.memref_slice %arg2[%add3A_1649, %dma_start3A_1651] : memref<320000x16xf32, #tpu.memory_space<hbm>> -> memref<200x16xf32, #tpu.memory_space<hbm>>
    %dma_start3A_1653 = tpu.memref_slice %arg8[%dma_start3A_1650] : memref<4x!tpu.dma_semaphore, #tpu.memory_space<semaphore_mem>> -> memref<1x!tpu.dma_semaphore, #tpu.memory_space<semaphore_mem>>
    %dma_start3A_1654 = tpu.memref_squeeze %dma_start3A_1653 : memref<1x!tpu.dma_semaphore, #tpu.memory_space<semaphore_mem>> -> memref<!tpu.dma_semaphore, #tpu.memory_space<semaphore_mem>>
    %dma_start3A_1655 = arith.constant 0 : i32
    %dma_start3A_1656 = tpu.memref_slice %arg2[%add3A_1649, %dma_start3A_1655] : memref<320000x16xf32, #tpu.memory_space<hbm>> -> memref<200x16xf32, #tpu.memory_space<hbm>>
    tpu.enqueue_dma source(%dma_start3A_1656 : memref<200x16xf32, #tpu.memory_space<hbm>>) target(%arg4 : memref<200x16xf32, #tpu.memory_space<vmem>>) target_semaphore(%dma_start3A_1654 : memref<!tpu.dma_semaphore, #tpu.memory_space<semaphore_mem>>)
    %add3A_1657 = arith.constant 9000 : i32
    %add3A_1658 = arith.addi %multiple_of3A, %add3A_1657 : i32
    %dma_wait3A_1659 = arith.constant 1 : i32
    %dma_wait3A_1660 = arith.constant 0 : i32
    %dma_wait3A_1661 = tpu.memref_slice %arg2[%add3A_1658, %dma_wait3A_1660] : memref<320000x16xf32, #tpu.memory_space<hbm>> -> memref<200x16xf32, #tpu.memory_space<hbm>>
    %dma_wait3A_1662 = tpu.memref_slice %arg8[%dma_wait3A_1659] : memref<4x!tpu.dma_semaphore, #tpu.memory_space<semaphore_mem>> -> memref<1x!tpu.dma_semaphore, #tpu.memory_space<semaphore_mem>>
    %dma_wait3A_1663 = tpu.memref_squeeze %dma_wait3A_1662 : memref<1x!tpu.dma_semaphore, #tpu.memory_space<semaphore_mem>> -> memref<!tpu.dma_semaphore, #tpu.memory_space<semaphore_mem>>
    %dma_wait3A_1664 = arith.constant 0 : i32
    %dma_wait3A_1665 = tpu.memref_slice %arg2[%add3A_1658, %dma_wait3A_1664] : memref<320000x16xf32, #tpu.memory_space<hbm>> -> memref<200x16xf32, #tpu.memory_space<hbm>>
    tpu.wait_dma2 semaphore(%dma_wait3A_1663 : memref<!tpu.dma_semaphore, #tpu.memory_space<semaphore_mem>>) src(%dma_wait3A_1665 : memref<200x16xf32, #tpu.memory_space<hbm>>) dst(%arg5 : memref<200x16xf32, #tpu.memory_space<vmem>>)
    %add3A_1666 = arith.constant 9000 : i32
    %add3A_1667 = arith.addi %multiple_of3A, %add3A_1666 : i32
    %dma_start3A_1668 = arith.constant 1 : i32
    %dma_start3A_1669 = arith.constant 0 : i32
    %dma_start3A_1670 = tpu.memref_slice %arg3[%add3A_1667, %dma_start3A_1669] : memref<320000x16xf32, #tpu.memory_space<hbm>> -> memref<200x16xf32, #tpu.memory_space<hbm>>
    %dma_start3A_1671 = tpu.memref_slice %arg9[%dma_start3A_1668] : memref<4x!tpu.dma_semaphore, #tpu.memory_space<semaphore_mem>> -> memref<1x!tpu.dma_semaphore, #tpu.memory_space<semaphore_mem>>
    %dma_start3A_1672 = tpu.memref_squeeze %dma_start3A_1671 : memref<1x!tpu.dma_semaphore, #tpu.memory_space<semaphore_mem>> -> memref<!tpu.dma_semaphore, #tpu.memory_space<semaphore_mem>>
    %dma_start3A_1673 = arith.constant 0 : i32
    %dma_start3A_1674 = tpu.memref_slice %arg3[%add3A_1667, %dma_start3A_1673] : memref<320000x16xf32, #tpu.memory_space<hbm>> -> memref<200x16xf32, #tpu.memory_space<hbm>>
    tpu.enqueue_dma source(%arg5 : memref<200x16xf32, #tpu.memory_space<vmem>>) target(%dma_start3A_1674 : memref<200x16xf32, #tpu.memory_space<hbm>>) target_semaphore(%dma_start3A_1672 : memref<!tpu.dma_semaphore, #tpu.memory_space<semaphore_mem>>)
    %add3A_1675 = arith.constant 9000 : i32
    %add3A_1676 = arith.addi %multiple_of3A, %add3A_1675 : i32
    %dma_wait3A_1677 = arith.constant 1 : i32
    %dma_wait3A_1678 = arith.constant 0 : i32
    %dma_wait3A_1679 = tpu.memref_slice %arg3[%add3A_1676, %dma_wait3A_1678] : memref<320000x16xf32, #tpu.memory_space<hbm>> -> memref<200x16xf32, #tpu.memory_space<hbm>>
    %dma_wait3A_1680 = tpu.memref_slice %arg9[%dma_wait3A_1677] : memref<4x!tpu.dma_semaphore, #tpu.memory_space<semaphore_mem>> -> memref<1x!tpu.dma_semaphore, #tpu.memory_space<semaphore_mem>>
    %dma_wait3A_1681 = tpu.memref_squeeze %dma_wait3A_1680 : memref<1x!tpu.dma_semaphore, #tpu.memory_space<semaphore_mem>> -> memref<!tpu.dma_semaphore, #tpu.memory_space<semaphore_mem>>
    %dma_wait3A_1682 = arith.constant 0 : i32
    %dma_wait3A_1683 = tpu.memref_slice %arg3[%add3A_1676, %dma_wait3A_1682] : memref<320000x16xf32, #tpu.memory_space<hbm>> -> memref<200x16xf32, #tpu.memory_space<hbm>>
    tpu.wait_dma2 semaphore(%dma_wait3A_1681 : memref<!tpu.dma_semaphore, #tpu.memory_space<semaphore_mem>>) src(%arg5 : memref<200x16xf32, #tpu.memory_space<vmem>>) dst(%dma_wait3A_1683 : memref<200x16xf32, #tpu.memory_space<hbm>>)
    %add3A_1684 = arith.constant 9800 : i32
    %add3A_1685 = arith.addi %multiple_of3A, %add3A_1684 : i32
    %dma_start3A_1686 = arith.constant 1 : i32
    %dma_start3A_1687 = arith.constant 0 : i32
    %dma_start3A_1688 = tpu.memref_slice %arg2[%add3A_1685, %dma_start3A_1687] : memref<320000x16xf32, #tpu.memory_space<hbm>> -> memref<200x16xf32, #tpu.memory_space<hbm>>
    %dma_start3A_1689 = tpu.memref_slice %arg8[%dma_start3A_1686] : memref<4x!tpu.dma_semaphore, #tpu.memory_space<semaphore_mem>> -> memref<1x!tpu.dma_semaphore, #tpu.memory_space<semaphore_mem>>
    %dma_start3A_1690 = tpu.memref_squeeze %dma_start3A_1689 : memref<1x!tpu.dma_semaphore, #tpu.memory_space<semaphore_mem>> -> memref<!tpu.dma_semaphore, #tpu.memory_space<semaphore_mem>>
    %dma_start3A_1691 = arith.constant 0 : i32
    %dma_start3A_1692 = tpu.memref_slice %arg2[%add3A_1685, %dma_start3A_1691] : memref<320000x16xf32, #tpu.memory_space<hbm>> -> memref<200x16xf32, #tpu.memory_space<hbm>>
    tpu.enqueue_dma source(%dma_start3A_1692 : memref<200x16xf32, #tpu.memory_space<hbm>>) target(%arg5 : memref<200x16xf32, #tpu.memory_space<vmem>>) target_semaphore(%dma_start3A_1690 : memref<!tpu.dma_semaphore, #tpu.memory_space<semaphore_mem>>)
    %add3A_1693 = arith.constant 9200 : i32
    %add3A_1694 = arith.addi %multiple_of3A, %add3A_1693 : i32
    %dma_wait3A_1695 = arith.constant 2 : i32
    %dma_wait3A_1696 = arith.constant 0 : i32
    %dma_wait3A_1697 = tpu.memref_slice %arg2[%add3A_1694, %dma_wait3A_1696] : memref<320000x16xf32, #tpu.memory_space<hbm>> -> memref<200x16xf32, #tpu.memory_space<hbm>>
    %dma_wait3A_1698 = tpu.memref_slice %arg8[%dma_wait3A_1695] : memref<4x!tpu.dma_semaphore, #tpu.memory_space<semaphore_mem>> -> memref<1x!tpu.dma_semaphore, #tpu.memory_space<semaphore_mem>>
    %dma_wait3A_1699 = tpu.memref_squeeze %dma_wait3A_1698 : memref<1x!tpu.dma_semaphore, #tpu.memory_space<semaphore_mem>> -> memref<!tpu.dma_semaphore, #tpu.memory_space<semaphore_mem>>
    %dma_wait3A_1700 = arith.constant 0 : i32
    %dma_wait3A_1701 = tpu.memref_slice %arg2[%add3A_1694, %dma_wait3A_1700] : memref<320000x16xf32, #tpu.memory_space<hbm>> -> memref<200x16xf32, #tpu.memory_space<hbm>>
    tpu.wait_dma2 semaphore(%dma_wait3A_1699 : memref<!tpu.dma_semaphore, #tpu.memory_space<semaphore_mem>>) src(%dma_wait3A_1701 : memref<200x16xf32, #tpu.memory_space<hbm>>) dst(%arg6 : memref<200x16xf32, #tpu.memory_space<vmem>>)
    %add3A_1702 = arith.constant 9200 : i32
    %add3A_1703 = arith.addi %multiple_of3A, %add3A_1702 : i32
    %dma_start3A_1704 = arith.constant 2 : i32
    %dma_start3A_1705 = arith.constant 0 : i32
    %dma_start3A_1706 = tpu.memref_slice %arg3[%add3A_1703, %dma_start3A_1705] : memref<320000x16xf32, #tpu.memory_space<hbm>> -> memref<200x16xf32, #tpu.memory_space<hbm>>
    %dma_start3A_1707 = tpu.memref_slice %arg9[%dma_start3A_1704] : memref<4x!tpu.dma_semaphore, #tpu.memory_space<semaphore_mem>> -> memref<1x!tpu.dma_semaphore, #tpu.memory_space<semaphore_mem>>
    %dma_start3A_1708 = tpu.memref_squeeze %dma_start3A_1707 : memref<1x!tpu.dma_semaphore, #tpu.memory_space<semaphore_mem>> -> memref<!tpu.dma_semaphore, #tpu.memory_space<semaphore_mem>>
    %dma_start3A_1709 = arith.constant 0 : i32
    %dma_start3A_1710 = tpu.memref_slice %arg3[%add3A_1703, %dma_start3A_1709] : memref<320000x16xf32, #tpu.memory_space<hbm>> -> memref<200x16xf32, #tpu.memory_space<hbm>>
    tpu.enqueue_dma source(%arg6 : memref<200x16xf32, #tpu.memory_space<vmem>>) target(%dma_start3A_1710 : memref<200x16xf32, #tpu.memory_space<hbm>>) target_semaphore(%dma_start3A_1708 : memref<!tpu.dma_semaphore, #tpu.memory_space<semaphore_mem>>)
    %add3A_1711 = arith.constant 9400 : i32
    %add3A_1712 = arith.addi %multiple_of3A, %add3A_1711 : i32
    %dma_wait3A_1713 = arith.constant 3 : i32
    %dma_wait3A_1714 = arith.constant 0 : i32
    %dma_wait3A_1715 = tpu.memref_slice %arg2[%add3A_1712, %dma_wait3A_1714] : memref<320000x16xf32, #tpu.memory_space<hbm>> -> memref<200x16xf32, #tpu.memory_space<hbm>>
    %dma_wait3A_1716 = tpu.memref_slice %arg8[%dma_wait3A_1713] : memref<4x!tpu.dma_semaphore, #tpu.memory_space<semaphore_mem>> -> memref<1x!tpu.dma_semaphore, #tpu.memory_space<semaphore_mem>>
    %dma_wait3A_1717 = tpu.memref_squeeze %dma_wait3A_1716 : memref<1x!tpu.dma_semaphore, #tpu.memory_space<semaphore_mem>> -> memref<!tpu.dma_semaphore, #tpu.memory_space<semaphore_mem>>
    %dma_wait3A_1718 = arith.constant 0 : i32
    %dma_wait3A_1719 = tpu.memref_slice %arg2[%add3A_1712, %dma_wait3A_1718] : memref<320000x16xf32, #tpu.memory_space<hbm>> -> memref<200x16xf32, #tpu.memory_space<hbm>>
    tpu.wait_dma2 semaphore(%dma_wait3A_1717 : memref<!tpu.dma_semaphore, #tpu.memory_space<semaphore_mem>>) src(%dma_wait3A_1719 : memref<200x16xf32, #tpu.memory_space<hbm>>) dst(%arg7 : memref<200x16xf32, #tpu.memory_space<vmem>>)
    %add3A_1720 = arith.constant 9400 : i32
    %add3A_1721 = arith.addi %multiple_of3A, %add3A_1720 : i32
    %dma_start3A_1722 = arith.constant 3 : i32
    %dma_start3A_1723 = arith.constant 0 : i32
    %dma_start3A_1724 = tpu.memref_slice %arg3[%add3A_1721, %dma_start3A_1723] : memref<320000x16xf32, #tpu.memory_space<hbm>> -> memref<200x16xf32, #tpu.memory_space<hbm>>
    %dma_start3A_1725 = tpu.memref_slice %arg9[%dma_start3A_1722] : memref<4x!tpu.dma_semaphore, #tpu.memory_space<semaphore_mem>> -> memref<1x!tpu.dma_semaphore, #tpu.memory_space<semaphore_mem>>
    %dma_start3A_1726 = tpu.memref_squeeze %dma_start3A_1725 : memref<1x!tpu.dma_semaphore, #tpu.memory_space<semaphore_mem>> -> memref<!tpu.dma_semaphore, #tpu.memory_space<semaphore_mem>>
    %dma_start3A_1727 = arith.constant 0 : i32
    %dma_start3A_1728 = tpu.memref_slice %arg3[%add3A_1721, %dma_start3A_1727] : memref<320000x16xf32, #tpu.memory_space<hbm>> -> memref<200x16xf32, #tpu.memory_space<hbm>>
    tpu.enqueue_dma source(%arg7 : memref<200x16xf32, #tpu.memory_space<vmem>>) target(%dma_start3A_1728 : memref<200x16xf32, #tpu.memory_space<hbm>>) target_semaphore(%dma_start3A_1726 : memref<!tpu.dma_semaphore, #tpu.memory_space<semaphore_mem>>)
    %add3A_1729 = arith.constant 9600 : i32
    %add3A_1730 = arith.addi %multiple_of3A, %add3A_1729 : i32
    %dma_wait3A_1731 = arith.constant 0 : i32
    %dma_wait3A_1732 = arith.constant 0 : i32
    %dma_wait3A_1733 = tpu.memref_slice %arg2[%add3A_1730, %dma_wait3A_1732] : memref<320000x16xf32, #tpu.memory_space<hbm>> -> memref<200x16xf32, #tpu.memory_space<hbm>>
    %dma_wait3A_1734 = tpu.memref_slice %arg8[%dma_wait3A_1731] : memref<4x!tpu.dma_semaphore, #tpu.memory_space<semaphore_mem>> -> memref<1x!tpu.dma_semaphore, #tpu.memory_space<semaphore_mem>>
    %dma_wait3A_1735 = tpu.memref_squeeze %dma_wait3A_1734 : memref<1x!tpu.dma_semaphore, #tpu.memory_space<semaphore_mem>> -> memref<!tpu.dma_semaphore, #tpu.memory_space<semaphore_mem>>
    %dma_wait3A_1736 = arith.constant 0 : i32
    %dma_wait3A_1737 = tpu.memref_slice %arg2[%add3A_1730, %dma_wait3A_1736] : memref<320000x16xf32, #tpu.memory_space<hbm>> -> memref<200x16xf32, #tpu.memory_space<hbm>>
    tpu.wait_dma2 semaphore(%dma_wait3A_1735 : memref<!tpu.dma_semaphore, #tpu.memory_space<semaphore_mem>>) src(%dma_wait3A_1737 : memref<200x16xf32, #tpu.memory_space<hbm>>) dst(%arg4 : memref<200x16xf32, #tpu.memory_space<vmem>>)
    %add3A_1738 = arith.constant 9600 : i32
    %add3A_1739 = arith.addi %multiple_of3A, %add3A_1738 : i32
    %dma_start3A_1740 = arith.constant 0 : i32
    %dma_start3A_1741 = arith.constant 0 : i32
    %dma_start3A_1742 = tpu.memref_slice %arg3[%add3A_1739, %dma_start3A_1741] : memref<320000x16xf32, #tpu.memory_space<hbm>> -> memref<200x16xf32, #tpu.memory_space<hbm>>
    %dma_start3A_1743 = tpu.memref_slice %arg9[%dma_start3A_1740] : memref<4x!tpu.dma_semaphore, #tpu.memory_space<semaphore_mem>> -> memref<1x!tpu.dma_semaphore, #tpu.memory_space<semaphore_mem>>
    %dma_start3A_1744 = tpu.memref_squeeze %dma_start3A_1743 : memref<1x!tpu.dma_semaphore, #tpu.memory_space<semaphore_mem>> -> memref<!tpu.dma_semaphore, #tpu.memory_space<semaphore_mem>>
    %dma_start3A_1745 = arith.constant 0 : i32
    %dma_start3A_1746 = tpu.memref_slice %arg3[%add3A_1739, %dma_start3A_1745] : memref<320000x16xf32, #tpu.memory_space<hbm>> -> memref<200x16xf32, #tpu.memory_space<hbm>>
    tpu.enqueue_dma source(%arg4 : memref<200x16xf32, #tpu.memory_space<vmem>>) target(%dma_start3A_1746 : memref<200x16xf32, #tpu.memory_space<hbm>>) target_semaphore(%dma_start3A_1744 : memref<!tpu.dma_semaphore, #tpu.memory_space<semaphore_mem>>)
    %add3A_1747 = arith.constant 9800 : i32
    %add3A_1748 = arith.addi %multiple_of3A, %add3A_1747 : i32
    %dma_wait3A_1749 = arith.constant 1 : i32
    %dma_wait3A_1750 = arith.constant 0 : i32
    %dma_wait3A_1751 = tpu.memref_slice %arg2[%add3A_1748, %dma_wait3A_1750] : memref<320000x16xf32, #tpu.memory_space<hbm>> -> memref<200x16xf32, #tpu.memory_space<hbm>>
    %dma_wait3A_1752 = tpu.memref_slice %arg8[%dma_wait3A_1749] : memref<4x!tpu.dma_semaphore, #tpu.memory_space<semaphore_mem>> -> memref<1x!tpu.dma_semaphore, #tpu.memory_space<semaphore_mem>>
    %dma_wait3A_1753 = tpu.memref_squeeze %dma_wait3A_1752 : memref<1x!tpu.dma_semaphore, #tpu.memory_space<semaphore_mem>> -> memref<!tpu.dma_semaphore, #tpu.memory_space<semaphore_mem>>
    %dma_wait3A_1754 = arith.constant 0 : i32
    %dma_wait3A_1755 = tpu.memref_slice %arg2[%add3A_1748, %dma_wait3A_1754] : memref<320000x16xf32, #tpu.memory_space<hbm>> -> memref<200x16xf32, #tpu.memory_space<hbm>>
    tpu.wait_dma2 semaphore(%dma_wait3A_1753 : memref<!tpu.dma_semaphore, #tpu.memory_space<semaphore_mem>>) src(%dma_wait3A_1755 : memref<200x16xf32, #tpu.memory_space<hbm>>) dst(%arg5 : memref<200x16xf32, #tpu.memory_space<vmem>>)
    %add3A_1756 = arith.constant 9800 : i32
    %add3A_1757 = arith.addi %multiple_of3A, %add3A_1756 : i32
    %dma_start3A_1758 = arith.constant 1 : i32
    %dma_start3A_1759 = arith.constant 0 : i32
    %dma_start3A_1760 = tpu.memref_slice %arg3[%add3A_1757, %dma_start3A_1759] : memref<320000x16xf32, #tpu.memory_space<hbm>> -> memref<200x16xf32, #tpu.memory_space<hbm>>
    %dma_start3A_1761 = tpu.memref_slice %arg9[%dma_start3A_1758] : memref<4x!tpu.dma_semaphore, #tpu.memory_space<semaphore_mem>> -> memref<1x!tpu.dma_semaphore, #tpu.memory_space<semaphore_mem>>
    %dma_start3A_1762 = tpu.memref_squeeze %dma_start3A_1761 : memref<1x!tpu.dma_semaphore, #tpu.memory_space<semaphore_mem>> -> memref<!tpu.dma_semaphore, #tpu.memory_space<semaphore_mem>>
    %dma_start3A_1763 = arith.constant 0 : i32
    %dma_start3A_1764 = tpu.memref_slice %arg3[%add3A_1757, %dma_start3A_1763] : memref<320000x16xf32, #tpu.memory_space<hbm>> -> memref<200x16xf32, #tpu.memory_space<hbm>>
    tpu.enqueue_dma source(%arg5 : memref<200x16xf32, #tpu.memory_space<vmem>>) target(%dma_start3A_1764 : memref<200x16xf32, #tpu.memory_space<hbm>>) target_semaphore(%dma_start3A_1762 : memref<!tpu.dma_semaphore, #tpu.memory_space<semaphore_mem>>)
    %add3A_1765 = arith.constant 9200 : i32
    %add3A_1766 = arith.addi %multiple_of3A, %add3A_1765 : i32
    %dma_wait3A_1767 = arith.constant 2 : i32
    %dma_wait3A_1768 = arith.constant 0 : i32
    %dma_wait3A_1769 = tpu.memref_slice %arg3[%add3A_1766, %dma_wait3A_1768] : memref<320000x16xf32, #tpu.memory_space<hbm>> -> memref<200x16xf32, #tpu.memory_space<hbm>>
    %dma_wait3A_1770 = tpu.memref_slice %arg9[%dma_wait3A_1767] : memref<4x!tpu.dma_semaphore, #tpu.memory_space<semaphore_mem>> -> memref<1x!tpu.dma_semaphore, #tpu.memory_space<semaphore_mem>>
    %dma_wait3A_1771 = tpu.memref_squeeze %dma_wait3A_1770 : memref<1x!tpu.dma_semaphore, #tpu.memory_space<semaphore_mem>> -> memref<!tpu.dma_semaphore, #tpu.memory_space<semaphore_mem>>
    %dma_wait3A_1772 = arith.constant 0 : i32
    %dma_wait3A_1773 = tpu.memref_slice %arg3[%add3A_1766, %dma_wait3A_1772] : memref<320000x16xf32, #tpu.memory_space<hbm>> -> memref<200x16xf32, #tpu.memory_space<hbm>>
    tpu.wait_dma2 semaphore(%dma_wait3A_1771 : memref<!tpu.dma_semaphore, #tpu.memory_space<semaphore_mem>>) src(%arg6 : memref<200x16xf32, #tpu.memory_space<vmem>>) dst(%dma_wait3A_1773 : memref<200x16xf32, #tpu.memory_space<hbm>>)
    %add3A_1774 = arith.constant 9400 : i32
    %add3A_1775 = arith.addi %multiple_of3A, %add3A_1774 : i32
    %dma_wait3A_1776 = arith.constant 3 : i32
    %dma_wait3A_1777 = arith.constant 0 : i32
    %dma_wait3A_1778 = tpu.memref_slice %arg3[%add3A_1775, %dma_wait3A_1777] : memref<320000x16xf32, #tpu.memory_space<hbm>> -> memref<200x16xf32, #tpu.memory_space<hbm>>
    %dma_wait3A_1779 = tpu.memref_slice %arg9[%dma_wait3A_1776] : memref<4x!tpu.dma_semaphore, #tpu.memory_space<semaphore_mem>> -> memref<1x!tpu.dma_semaphore, #tpu.memory_space<semaphore_mem>>
    %dma_wait3A_1780 = tpu.memref_squeeze %dma_wait3A_1779 : memref<1x!tpu.dma_semaphore, #tpu.memory_space<semaphore_mem>> -> memref<!tpu.dma_semaphore, #tpu.memory_space<semaphore_mem>>
    %dma_wait3A_1781 = arith.constant 0 : i32
    %dma_wait3A_1782 = tpu.memref_slice %arg3[%add3A_1775, %dma_wait3A_1781] : memref<320000x16xf32, #tpu.memory_space<hbm>> -> memref<200x16xf32, #tpu.memory_space<hbm>>
    tpu.wait_dma2 semaphore(%dma_wait3A_1780 : memref<!tpu.dma_semaphore, #tpu.memory_space<semaphore_mem>>) src(%arg7 : memref<200x16xf32, #tpu.memory_space<vmem>>) dst(%dma_wait3A_1782 : memref<200x16xf32, #tpu.memory_space<hbm>>)
    %add3A_1783 = arith.constant 9600 : i32
    %add3A_1784 = arith.addi %multiple_of3A, %add3A_1783 : i32
    %dma_wait3A_1785 = arith.constant 0 : i32
    %dma_wait3A_1786 = arith.constant 0 : i32
    %dma_wait3A_1787 = tpu.memref_slice %arg3[%add3A_1784, %dma_wait3A_1786] : memref<320000x16xf32, #tpu.memory_space<hbm>> -> memref<200x16xf32, #tpu.memory_space<hbm>>
    %dma_wait3A_1788 = tpu.memref_slice %arg9[%dma_wait3A_1785] : memref<4x!tpu.dma_semaphore, #tpu.memory_space<semaphore_mem>> -> memref<1x!tpu.dma_semaphore, #tpu.memory_space<semaphore_mem>>
    %dma_wait3A_1789 = tpu.memref_squeeze %dma_wait3A_1788 : memref<1x!tpu.dma_semaphore, #tpu.memory_space<semaphore_mem>> -> memref<!tpu.dma_semaphore, #tpu.memory_space<semaphore_mem>>
    %dma_wait3A_1790 = arith.constant 0 : i32
    %dma_wait3A_1791 = tpu.memref_slice %arg3[%add3A_1784, %dma_wait3A_1790] : memref<320000x16xf32, #tpu.memory_space<hbm>> -> memref<200x16xf32, #tpu.memory_space<hbm>>
    tpu.wait_dma2 semaphore(%dma_wait3A_1789 : memref<!tpu.dma_semaphore, #tpu.memory_space<semaphore_mem>>) src(%arg4 : memref<200x16xf32, #tpu.memory_space<vmem>>) dst(%dma_wait3A_1791 : memref<200x16xf32, #tpu.memory_space<hbm>>)
    %add3A_1792 = arith.constant 9800 : i32
    %add3A_1793 = arith.addi %multiple_of3A, %add3A_1792 : i32
    %dma_wait3A_1794 = arith.constant 1 : i32
    %dma_wait3A_1795 = arith.constant 0 : i32
    %dma_wait3A_1796 = tpu.memref_slice %arg3[%add3A_1793, %dma_wait3A_1795] : memref<320000x16xf32, #tpu.memory_space<hbm>> -> memref<200x16xf32, #tpu.memory_space<hbm>>
    %dma_wait3A_1797 = tpu.memref_slice %arg9[%dma_wait3A_1794] : memref<4x!tpu.dma_semaphore, #tpu.memory_space<semaphore_mem>> -> memref<1x!tpu.dma_semaphore, #tpu.memory_space<semaphore_mem>>
    %dma_wait3A_1798 = tpu.memref_squeeze %dma_wait3A_1797 : memref<1x!tpu.dma_semaphore, #tpu.memory_space<semaphore_mem>> -> memref<!tpu.dma_semaphore, #tpu.memory_space<semaphore_mem>>
    %dma_wait3A_1799 = arith.constant 0 : i32
    %dma_wait3A_1800 = tpu.memref_slice %arg3[%add3A_1793, %dma_wait3A_1799] : memref<320000x16xf32, #tpu.memory_space<hbm>> -> memref<200x16xf32, #tpu.memory_space<hbm>>
    tpu.wait_dma2 semaphore(%dma_wait3A_1798 : memref<!tpu.dma_semaphore, #tpu.memory_space<semaphore_mem>>) src(%arg5 : memref<200x16xf32, #tpu.memory_space<vmem>>) dst(%dma_wait3A_1800 : memref<200x16xf32, #tpu.memory_space<hbm>>)
    return
  }
}

module attributes {stable_mosaic.version = 14 : i64} {
  func.func @_tc_nodes_body(%arg0: i32, %arg1: memref<400x128xf32, #tpu.memory_space<vmem>>, %arg2: memref<400x128xf32, #tpu.memory_space<vmem>>) attributes {dimension_semantics = [#tpu.dimension_semantics<arbitrary>], iteration_bounds = array<i64: 25>, scalar_prefetch = 0 : i64, scratch_operands = 0 : i64, tpu.core_type = #tpu.core_type<tc>, window_params = [{transform_indices = @transform_0, window_bounds = array<i64: 400, 128>}, {transform_indices = @transform_1, window_bounds = array<i64: 400, 128>}]} {
    %get3A = arith.constant 0 : index
    %get3A_0 = arith.constant 0 : index
    %get3A_1 = vector.load %arg1[%get3A, %get3A_0] : memref<400x128xf32, #tpu.memory_space<vmem>>, vector<400x128xf32>
    %swap3A = arith.constant 0 : index
    %swap3A_2 = arith.constant 0 : index
    %swap3A_3 = vector.load %arg2[%swap3A, %swap3A_2] : memref<400x128xf32, #tpu.memory_space<vmem>>, vector<400x128xf32>
    tpu.vector_store %arg2[%swap3A, %swap3A_2], %get3A_1 {strides = array<i32>} : memref<400x128xf32, #tpu.memory_space<vmem>>, vector<400x128xf32>,
    return
  }
  func.func @transform_0(%arg0: i32) -> (i32, i32) {
    %c0_i32 = arith.constant 0 : i32
    %c0_i32_0 = arith.constant 0 : i32
    return %arg0, %c0_i32 : i32, i32
  }
  func.func @transform_1(%arg0: i32) -> (i32, i32) {
    %c0_i32 = arith.constant 0 : i32
    %c0_i32_0 = arith.constant 0 : i32
    return %arg0, %c0_i32 : i32, i32
  }
}

</mosaic_0001>

<sc_bundles>
// kernel: kernel.4.cloned.1.call-start
scs
__scs_entry_jumppad:
0x0: {  	(pc) =	sbr.rel $0x88, $3  }
0x1: {  	(tag) =	ssettag $0x0;
	lr =	simm.s32 $0x1  }
0x2: {  	[smem:$0x3F9F] =	sst lr;
	_ =	strace $0xD0000000  }
0x3: {  	_ = 	snop  }
0x4: {  	_ = 	snop  }
0x5: {  	_ = 	snop  }
0x6: {  	_ = 	snop  }
0x7: {  	_ = 	snop  }
__scs_overlays_trampoline_lowered:
0x8: {  	[smem:$0x3FAE] =	sst s0  }
0x9: {  	[smem:$0x3FAF] =	sst s1  }
0xa: {  	[smem:$0x3FB0] =	sst s2  }
0xb: {  	[smem:$0x3FB1] =	sst s3  }
0xc: {  	[smem:$0x3FB2] =	sst s4  }
0xd: {  	[smem:$0x3FB3] =	sst s5  }
0xe: {  	[smem:$0x3FB4] =	sst s6  }
0xf: {  	[smem:$0x3FB5] =	sst s7  }
0x10: {  	[smem:$0x3FB6] =	sst s8  }
0x11: {  	[smem:$0x3FB7] =	sst s9;
	s0 =	simm.s32 @!p0 $0x0  }
0x12: {  	s1 =	sld [smem:$0x3F9D];
	s0 =	simm.s32 @p0 $0x1  }
0x13: {  	[smem:$0x3FB8] =	sst s0;
	s0 =	simm.s32 @!p1 $0x0  }
0x14: {  	s2 =	sld [smem:$0x3F9C];
	s0 =	simm.s32 @p1 $0x1  }
0x15: {  	[smem:$0x3FB9] =	sst s0;
	s0 =	simm.s32 @!p2 $0x0  }
0x16: {  	s3 =	sld [smem:$0x3FDB];
	s0 =	simm.s32 @p2 $0x1  }
0x17: {  	s4 =	simm.s32 $0x1BF5;
	[smem:$0x3FBB] =	sst s0  }
0x18: {  	s0 =	sld [smem:$0x3F9E];
	_ =	swait.ge [sflag:s4], $0x0  }
0x19: {  	s7 =	sld [smem:$0x3F9F]  }
0x1a: {  	s8 =	sadd.s32 $0xFFFFE003, lr  }
0x1b: {  	s9 =	sadd.s32 $0xFFFFFEF7, lr;
	s5 =	simm.s32 $0xFFFFFFFF;
	p2 =	slt.u32 s8, $0xFFFFF086  }
0x1c: {  	p1 =	slt.u32 s9, $0xF7A;
	s5 =	simm.s32 @!p2 $0x0  }
0x1d: {  	s5 =	simm.s32 @p1 $0x1;
	p0 =	seq.s32 s7, s2  }
0x1e: {  	s7 =	smul.u32 @!p0 $0xF7A, s2;
	p2 =	seq.s32 @!p0 s5, $0x0  }
0x1f: {  	s9 =	smul.u32 $0xF7A, s1;
	s8 =	simm.s32 @!p0 $0x1BF5;
	p2 =	por !p2, p0  }
0x20: {  	[sflag:s8] =	ssyncset.s32 @!p0 $0xFFFFF086;
	s6 =	sadd.s32 @!p0 s3, s7;
	s7 =	simm.s32 @!p0 $0x108  }
0x21: {  	s3 =	sadd.s32 s3, s9;
	s6 =	sadd.s32 @!p0 $0x88, s6;
	s7 =	simm.s32 @p2 $0x1082  }
0x22: {  	[simem:s7], [sflag:s8] =	dma.local @!p0 [hbm:s6], $0xF7A  }
0x23: {  	s9 =	sor.u32 $0xD0000000, s2;
	s6 =	simm.s32 $0x108;
	_ =	swait.ge @!p0 [sflag:s8], $0x0  }
0x24: {  	s3 =	sadd.s32 $0x88, s3;
	s6 =	simm.s32 @!p1 $0x1082;
	[sflag:s4] =	ssyncset.s32 $0xFFFFF086  }
0x25: {  	[simem:s6], [sflag:s4] =	dma.local [hbm:s3], $0xF7A  }
0x26: {  	[smem:$0x3F9F] =	sst s1;
	(tag) =	ssettag s2;
	_ =	strace s9  }
0x27: {  	s1 =	sld [smem:$0x3FAF]  }
0x28: {  	s2 =	sld [smem:$0x3FB0]  }
0x29: {  	s4 =	sld [smem:$0x3FB2]  }
0x2a: {  	p0 =	seq.s32 s5, $0x0;
	s5 =	sld [smem:$0x3FB3]  }
0x2b: {  	s6 =	sld [smem:$0x3FB4]  }
0x2c: {  	s7 =	sld [smem:$0x3FB5]  }
0x2d: {  	s3 =	simm.s32 $0x108;
	s8 =	sld [smem:$0x3FB6]  }
0x2e: {  	s3 =	simm.s32 @!p0 $0x1082;
	s9 =	sld [smem:$0x3FB7]  }
0x2f: {  	lr =	sadd.s32 s0, s3;
	s0 =	sld [smem:$0x3FAE]  }
0x30: {  	s3 =	sld [smem:$0x3FB1]  }
0x31: {  	[smem:$0x3FBA] =	sst s10  }
0x32: {  	s10 =	sld [smem:$0x3FB8];
	_ =	sdelay $0x3  }
0x33: {  	p0 =	seq.s32 s10, $0x1;
	s10 =	sld [smem:$0x3FBA];
	_ =	sdelay $0x3  }
0x34: {  	[smem:$0x3FBA] =	sst s10  }
0x35: {  	s10 =	sld [smem:$0x3FB9];
	_ =	sdelay $0x3  }
0x36: {  	p1 =	seq.s32 s10, $0x1;
	s10 =	sld [smem:$0x3FBA];
	_ =	sdelay $0x3  }
0x37: {  	[smem:$0x3FBA] =	sst s10  }
0x38: {  	s10 =	sld [smem:$0x3FBB]  }
0x39: {  	_ = 	snop;
	(pc) =	sbr.ind lr, $3  }
0x3a: {  	_ = 	snop  }
0x3b: {  	_ = 	snop  }
0x3c: {  	p2 =	seq.s32 s10, $0x1;
	s10 =	sld [smem:$0x3FBA]  }
0x3d: {  	_ =	shalt  }
0x3e: {  	_ =	shalt  }
0x3f: {  	_ =	shalt  }
0x40: {  	_ =	shalt  }
0x41: {  	_ =	shalt  }
0x42: {  	_ =	shalt  }
0x43: {  	_ =	shalt  }
0x44: {  	_ =	shalt  }
0x45: {  	_ =	shalt  }
0x46: {  	_ =	shalt  }
0x47: {  	_ =	shalt  }
0x48: {  	_ =	shalt  }
0x49: {  	_ =	shalt  }
0x4a: {  	_ =	shalt  }
0x4b: {  	_ =	shalt  }
0x4c: {  	_ =	shalt  }
0x4d: {  	_ =	shalt  }
0x4e: {  	_ =	shalt  }
0x4f: {  	_ =	shalt  }
0x50: {  	_ =	shalt  }
0x51: {  	_ =	shalt  }
0x52: {  	_ =	shalt  }
0x53: {  	_ =	shalt  }
0x54: {  	_ =	shalt  }
0x55: {  	_ =	shalt  }
0x56: {  	_ =	shalt  }
0x57: {  	_ =	shalt  }
0x58: {  	_ =	shalt  }
0x59: {  	_ =	shalt  }
0x5a: {  	_ =	shalt  }
0x5b: {  	_ =	shalt  }
0x5c: {  	_ =	shalt  }
0x5d: {  	_ =	shalt  }
0x5e: {  	_ =	shalt  }
0x5f: {  	_ =	shalt  }
0x60: {  	_ =	shalt  }
0x61: {  	_ =	shalt  }
0x62: {  	_ =	shalt  }
0x63: {  	_ =	shalt  }
0x64: {  	_ =	shalt  }
0x65: {  	_ =	shalt  }
0x66: {  	_ =	shalt  }
0x67: {  	_ =	shalt  }
0x68: {  	_ =	shalt  }
0x69: {  	_ =	shalt  }
0x6a: {  	_ =	shalt  }
0x6b: {  	_ =	shalt  }
0x6c: {  	_ =	shalt  }
0x6d: {  	_ =	shalt  }
0x6e: {  	_ =	shalt  }
0x6f: {  	_ =	shalt  }
0x70: {  	_ =	shalt  }
0x71: {  	_ =	shalt  }
0x72: {  	_ =	shalt  }
0x73: {  	_ =	shalt  }
0x74: {  	_ =	shalt  }
0x75: {  	_ =	shalt  }
0x76: {  	_ =	shalt  }
0x77: {  	_ =	shalt  }
0x78: {  	_ =	shalt  }
0x79: {  	_ =	shalt  }
0x7a: {  	_ =	shalt  }
0x7b: {  	_ =	shalt  }
0x7c: {  	_ =	shalt  }
0x7d: {  	_ =	shalt  }
0x7e: {  	_ =	shalt  }
0x7f: {  	_ =	shalt  }
0x80: {  	_ =	shalt  }
0x81: {  	_ =	shalt  }
0x82: {  	_ =	shalt  }
0x83: {  	_ =	shalt  }
0x84: {  	_ =	shalt  }
0x85: {  	_ =	shalt  }
0x86: {  	_ =	shalt  }
0x87: {  	_ =	shalt  }
.Lfunc_end0:
.L_simem_size_0:
called_computation_lowered:
.L_overlay_start_0:
0x88: {  	s2 =	sld [smem:$0x3FD9]  }
0x89: {  	s3 =	sld [smem:$0x3FFE];
	_ =	sdelay $0x1  }
0x8a: {  	s1 =	srdreg.scid  }
0x8b: {  	s0 =	sand.u32 $0x1, s1  }
0x8c: {  	s16 =	sshll.u32 s0, $0xA;
	s2 =	sadd.s32 s3, s2  }
0x8d: {  	s2 =	sadd.s32 s2, s16  }
0x8e: {  	[smem:$0x3FC6] =	sst s2  }
0x8f: {  	_ = 	snop  }
0x90: {  	(tm) =	ssettm $0x1  }
0x91: {  	s17 =	sld [smem:$0x3FFB];
	_ =	sdelay $0x3  }
0x92: {  	_ =	strace s17  }
0x93: {  	s2 =	sld [smem:$0x3FFC];
	_ =	sdelay $0x3  }
0x94: {  	_ =	strace s2  }
0x95: {  	s2 =	sld [smem:$0x3FFD];
	_ =	sdelay $0x3  }
0x96: {  	_ =	strace s2  }
0x97: {  	_ =	strace $0x8FFFFFFF  }
0x98: {  	s18 =	sld [smem:$0x3FDB];
	_ =	sdelay $0x1  }
0x99: {  	s19 =	simm.s32 $_scs_section_size  }
0x9a: {  	s4 =	simm.s32 $_size__tile_overlayer_lowered;
	s5 =	simm.s32 $_tile_overlayer_lowered  }
0x9b: {  	s22 =	simm.s32 $0x1BFF;
	s21 =	sshll.u32 s5, $0x1;
	s2 =	sadd.s32 s19, s18  }
0x9c: {  	s6 =	simm.s32 $0x0;
	s20 =	sshll.u32 s4, $0x1;
	s4 =	sadd.s32 s21, s2  }
0x9d: {  	[timem:s6], [sflag:s22] =	dma.local [hbm:s4], s20  }
0x9e: {  	_ =	swait.ge [sflag:s22], s20  }
0x9f: {  	s3 =	ssub.s32 $0x0, s20;
	[sflag:s22] =	ssyncset.done $0x0  }
0xa0: {  	[sflag:s22] =	ssyncadd.s32 s3;
	_ =	sdelay $0x1  }
0xa1: {  	s23 =	simm.s32 $0x1B8B  }
0xa2: {  	_ =	swait.ge [sflag:s23], $0x1  }
0xa3: {  	[sflag:s23] =	ssyncset.done $0x0  }
0xa4: {  	s25 =	simm.s32 $0x1B8E;
	s24 =	sld [smem:$0x3FFE];
	[sflag:s23] =	ssyncadd.s32 $0xFFFFFFFF  }
0xa5: {  	s26 =	simm.s32 $execute0_lowered;
	[smem:$0x3FD2] =	sst s25  }
0xa6: {  	s4 =	sshll.u32 s26, $0x1;
	_ =	strace $0x80000046;
	[dreg:$0x1] =	wrdreg $0xFFFFFFFF  }
0xa7: {  	s28 =	simm.s32 $_size_execute0_lowered;
	s2 =	sadd.s32 s2, s4;
	[dreg:$0x0] =	wrdreg $0x0  }
0xa8: {  	s4 =	sshll.u32 s28, $0x1;
	[dreg:$0x2] =	wrdreg s2  }
0xa9: {  	[dreg:$0x3] =	wrdreg s4  }
0xaa: {  	[dreg:$0x4] =	wrdreg $0xC0  }
0xab: {  	_ =	task [dreg:s6], $0x5FFFF  }
0xac: {  	[dreg:$0x1] =	wrdreg $0xFFFFFFFF  }
0xad: {  	[dreg:$0x0] =	wrdreg $0x60  }
0xae: {  	[dreg:$0x2] =	wrdreg s24  }
0xaf: {  	[dreg:$0x3] =	wrdreg $0x9  }
0xb0: {  	_ =	task.clear_ibuf [dreg:s6], $0x4FFFF;
	_ =	strace $0x90000046  }
0xb1: {  	s29 =	simm.s32 $0x9;
	_ =	strace $0x80000048  }
0xb2: {  	_ =	swait.ge [sflag:s29], $0x1  }
0xb3: {  	[sflag:s29] =	ssyncadd.s32 $0xFFFFFFFF  }
0xb4: {  	_ =	strace $0x90000048  }
0xb5: {  	_ =	sfence  }
0xb6: {  	s30 =	sld [smem:$0x0];
	_ =	sdelay $0x2  }
0xb7: {  	s31 =	sshll.u32 s1, $0xD;
	s1 =	sshrl.u32 s1, $0x2  }
0xb8: {  	s3 =	sand.u32 $0x4000, s31;
	s1 =	sadd.s32 s1, s30  }
0xb9: {  	s0 =	sor.u32 s3, s0;
	s1 =	sshll.u32 s1, $0x11  }
0xba: {  	s0 =	sor.u32 s1, s0  }
0xbb: {  	s0 =	sadd.s32 $0x8F2B, s0  }
0xbc: {  	[sflag:s0] =	ssyncadd.remote.s32 $0x1  }
0xbd: {  	_ =	sfence.sel $0xFFFF  }
0xbe: {  	[dreg:$0x0] =	wrdreg $0xFFFFFFFF;
	(pc) =	sbr.abs _section_cstart, $3  }
0xbf: {  	[dreg:$0x1] =	wrdreg $0xFFFFFFFF  }
0xc0: {  	_ =	task.clear_ibuf [dreg:s6], $0x2FFFF;
	_ =	strace $0x9FFFFFFF  }
0xc1: {  	(tm) =	ssettm $0x7FFFFFFF  }
tec
execute0_lowered:
.L_overlay_start_1:
0x0: {  	(tag) =	ssettag $0x1  }
0x1: {  	s0 =	srdreg.scid;
	s1 =	stileid.u32  }
0x2: {  	s5 =	sand.u32 $0x1, s0;
	s15 =	sshll.u32 s1, $0x1  }
0x3: {  	s0 =	sor.u32 s5, s15  }
0x4: {  	s3 =	smul.u32 $0x138800, s0  }
0x5: {  	s4 =	rddreg [dreg:$0x0];
	s2 =	simm.s32 $0x0;
	s0 =	smul.u32 $0x27100, s0  }
0x6: {  	[smem:$0x7FF] =	sst s2;
	s1 =	sadd.s32 $0x600, s4  }
0x7: {  	s4 =	sadd.s32 $0x4E2600, s4;
	_ =	strace $0x80000047;
	s6 =	sadd.s32 s1, s0  }
0x8: {  	s3 =	sshrl.u32 s3, $0x3;
	s0 =	sadd.s32 s4, s0;
	[dreg:$0x2] =	wrdreg s6  }
0x9: {  	s7 =	sadd.s32 $0xC80, s3;
	[dreg:$0x6] =	wrdreg s0  }
0xa: {  	s8 =	sadd.s32 $0x1900, s3;
	s16 =	sadd.s32 s1, s7;
	s0 =	rddreg [dreg:$0x2]  }
0xb: {  	s9 =	sadd.s32 $0x2580, s3;
	s17 =	sadd.s32 s1, s8;
	[dreg:$0x3] =	wrdreg s16  }
0xc: {  	s19 =	sadd.s32 $0x3200, s3;
	s18 =	sadd.s32 s1, s9;
	[dreg:$0x4] =	wrdreg s17  }
0xd: {  	s20 =	sadd.s32 s1, s19;
	[dreg:$0x5] =	wrdreg s18  }
0xe: {  	s22 =	sadd.s32 $0x3E80, s3;
	s21 =	sadd.s32 s4, s7;
	[dreg:$0x7] =	wrdreg s20  }
0xf: {  	s23 =	sadd.s32 s1, s22;
	[dreg:$0x8] =	wrdreg s21  }
0x10: {  	s25 =	sadd.s32 $0x4B00, s3;
	s24 =	sadd.s32 s4, s8;
	[dreg:$0x9] =	wrdreg s23  }
0x11: {  	s26 =	sadd.s32 s1, s25;
	[dreg:$0xa] =	wrdreg s24  }
0x12: {  	s10 =	sadd.s32 $0x5780, s3;
	s9 =	sadd.s32 s4, s9;
	[dreg:$0xb] =	wrdreg s26  }
0x13: {  	s11 =	sadd.s32 s1, s10;
	[dreg:$0xc] =	wrdreg s9  }
0x14: {  	s13 =	sadd.s32 $0x6400, s3;
	s12 =	sadd.s32 s4, s19;
	[dreg:$0xd] =	wrdreg s11  }
0x15: {  	s14 =	sadd.s32 s1, s13;
	[dreg:$0xe] =	wrdreg s12  }
0x16: {  	s15 =	sadd.s32 s4, s22;
	[dreg:$0xf] =	wrdreg s14  }
0x17: {  	s19 =	sadd.s32 $0x7D00, s3;
	[dreg:$0x10] =	wrdreg s15;
	s18 =	sadd.s32 s4, s25  }
0x18: {  	s20 =	sadd.s32 s1, s19;
	[dreg:$0x12] =	wrdreg s18  }
0x19: {  	s22 =	sadd.s32 $0x8980, s3;
	s21 =	sadd.s32 s4, s10;
	[dreg:$0x13] =	wrdreg s20  }
0x1a: {  	s23 =	sadd.s32 s1, s22;
	[dreg:$0x14] =	wrdreg s21  }
0x1b: {  	s24 =	sadd.s32 s4, s13;
	[dreg:$0x15] =	wrdreg s23  }
0x1c: {  	s12 =	sadd.s32 s4, s19;
	[dreg:$0x16] =	wrdreg s24  }
0x1d: {  	s16 =	sadd.s32 $0x7080, s3;
	s15 =	sadd.s32 s4, s22;
	[dreg:$0x1a] =	wrdreg s12  }
0x1e: {  	s25 =	sadd.s32 $0x9600, s3;
	s17 =	sadd.s32 s1, s16;
	[dreg:$0x1c] =	wrdreg s15  }
0x1f: {  	s26 =	sadd.s32 s1, s25;
	[dreg:$0x11] =	wrdreg s17  }
0x20: {  	s10 =	sadd.s32 $0xA280, s3;
	s7 =	sadd.s32 s4, s16;
	[dreg:$0x17] =	wrdreg s26  }
0x21: {  	s13 =	sadd.s32 $0xAF00, s3;
	s11 =	sadd.s32 s1, s10;
	[dreg:$0x18] =	wrdreg s7  }
0x22: {  	s14 =	sadd.s32 s1, s13;
	[dreg:$0x19] =	wrdreg s11  }
0x23: {  	s19 =	sadd.s32 $0xC800, s3;
	s18 =	sadd.s32 s4, s25;
	[dreg:$0x1b] =	wrdreg s14  }
0x24: {  	s20 =	sadd.s32 s1, s19;
	[dreg:$0x1e] =	wrdreg s18  }
0x25: {  	s22 =	sadd.s32 $0xD480, s3;
	s21 =	sadd.s32 s4, s10;
	[dreg:$0x1f] =	wrdreg s20  }
0x26: {  	s23 =	sadd.s32 s1, s22;
	[smem:$0x7C9] =	sst s21  }
0x27: {  	s24 =	sadd.s32 s4, s13;
	[smem:$0x7CA] =	sst s23  }
0x28: {  	s12 =	sadd.s32 s4, s19;
	[smem:$0x7CB] =	sst s24  }
0x29: {  	s16 =	sadd.s32 $0xBB80, s3;
	s15 =	sadd.s32 s4, s22;
	[smem:$0x7CF] =	sst s12  }
0x2a: {  	s25 =	sadd.s32 $0xE100, s3;
	s17 =	sadd.s32 s1, s16;
	[smem:$0x7D1] =	sst s15  }
0x2b: {  	s26 =	sadd.s32 s1, s25;
	[dreg:$0x1d] =	wrdreg s17  }
0x2c: {  	s10 =	sadd.s32 $0xED80, s3;
	s9 =	sadd.s32 s4, s16;
	[smem:$0x7CC] =	sst s26  }
0x2d: {  	s13 =	sadd.s32 $0xFA00, s3;
	s11 =	sadd.s32 s1, s10;
	[smem:$0x7CD] =	sst s9  }
0x2e: {  	s14 =	sadd.s32 s1, s13;
	[smem:$0x7CE] =	sst s11  }
0x2f: {  	s19 =	sadd.s32 $0x11300, s3;
	s18 =	sadd.s32 s4, s25;
	[smem:$0x7D0] =	sst s14  }
0x30: {  	s20 =	sadd.s32 s1, s19;
	[smem:$0x7D3] =	sst s18  }
0x31: {  	s22 =	sadd.s32 $0x11F80, s3;
	s21 =	sadd.s32 s4, s10;
	[smem:$0x7D4] =	sst s20  }
0x32: {  	s23 =	sadd.s32 s1, s22;
	[smem:$0x7D5] =	sst s21  }
0x33: {  	s24 =	sadd.s32 s4, s13;
	[smem:$0x7D6] =	sst s23  }
0x34: {  	s12 =	sadd.s32 s4, s19;
	[smem:$0x7D7] =	sst s24  }
0x35: {  	s16 =	sadd.s32 $0x10680, s3;
	s15 =	sadd.s32 s4, s22;
	[smem:$0x7DB] =	sst s12  }
0x36: {  	s25 =	sadd.s32 $0x12C00, s3;
	s17 =	sadd.s32 s1, s16;
	[smem:$0x7DD] =	sst s15  }
0x37: {  	s26 =	sadd.s32 s1, s25;
	[smem:$0x7D2] =	sst s17  }
0x38: {  	s10 =	sadd.s32 $0x13880, s3;
	s7 =	sadd.s32 s4, s16;
	[smem:$0x7D8] =	sst s26  }
0x39: {  	s13 =	sadd.s32 $0x14500, s3;
	s11 =	sadd.s32 s1, s10;
	[smem:$0x7D9] =	sst s7  }
0x3a: {  	s14 =	sadd.s32 s1, s13;
	[smem:$0x7DA] =	sst s11  }
0x3b: {  	s19 =	sadd.s32 $0x15E00, s3;
	s18 =	sadd.s32 s4, s25;
	[smem:$0x7DC] =	sst s14  }
0x3c: {  	s20 =	sadd.s32 s1, s19;
	[smem:$0x7DF] =	sst s18  }
0x3d: {  	s22 =	sadd.s32 $0x16A80, s3;
	s21 =	sadd.s32 s4, s10;
	[smem:$0x7E0] =	sst s20  }
0x3e: {  	s23 =	sadd.s32 s1, s22;
	[smem:$0x7E1] =	sst s21  }
0x3f: {  	s24 =	sadd.s32 s4, s13;
	[smem:$0x7E2] =	sst s23  }
0x40: {  	s12 =	sadd.s32 s4, s19;
	[smem:$0x7E3] =	sst s24  }
0x41: {  	s16 =	sadd.s32 $0x15180, s3;
	s15 =	sadd.s32 s4, s22;
	[smem:$0x7E7] =	sst s12  }
0x42: {  	s25 =	sadd.s32 $0x17700, s3;
	s17 =	sadd.s32 s1, s16;
	[smem:$0x7E9] =	sst s15  }
0x43: {  	s26 =	sadd.s32 s1, s25;
	[smem:$0x7DE] =	sst s17  }
0x44: {  	s10 =	sadd.s32 $0x18380, s3;
	s9 =	sadd.s32 s4, s16;
	[smem:$0x7E4] =	sst s26  }
0x45: {  	s13 =	sadd.s32 $0x19000, s3;
	s11 =	sadd.s32 s1, s10;
	[smem:$0x7E5] =	sst s9  }
0x46: {  	p0 =	por $0x0, $0x0;
	s14 =	sadd.s32 s1, s13;
	[smem:$0x7E6] =	sst s11  }
0x47: {  	s19 =	sadd.s32 $0x1A900, s3;
	s18 =	sadd.s32 s4, s25;
	[smem:$0x7E8] =	sst s14  }
0x48: {  	s5 =	ssub.s32 $0x2, s5;
	s20 =	sadd.s32 s1, s19;
	[smem:$0x7EB] =	sst s18  }
0x49: {  	s22 =	sadd.s32 $0x1B580, s3;
	s21 =	sadd.s32 s4, s10;
	[smem:$0x7EC] =	sst s20  }
0x4a: {  	s6 =	simm.s32 $0x6400;
	s23 =	sadd.s32 s1, s22;
	[smem:$0x7ED] =	sst s21  }
0x4b: {  	s16 =	sadd.s32 $0x19C80, s3;
	s24 =	sadd.s32 s4, s13;
	[smem:$0x7EE] =	sst s23  }
0x4c: {  	s25 =	sadd.s32 $0x1C200, s3;
	s12 =	sadd.s32 s4, s19;
	[smem:$0x7EF] =	sst s24  }
0x4d: {  	s10 =	sadd.s32 $0x1CE80, s3;
	s15 =	sadd.s32 s4, s22;
	[smem:$0x7F3] =	sst s12  }
0x4e: {  	s13 =	sadd.s32 $0x1DB00, s3;
	s17 =	sadd.s32 s1, s16;
	[smem:$0x7F5] =	sst s15  }
0x4f: {  	s19 =	sadd.s32 $0x1F400, s3;
	s26 =	sadd.s32 s1, s25;
	[smem:$0x7EA] =	sst s17  }
0x50: {  	s22 =	sadd.s32 $0x20080, s3;
	s7 =	sadd.s32 s4, s16;
	[smem:$0x7F0] =	sst s26  }
0x51: {  	s11 =	sadd.s32 s1, s10;
	s14 =	sadd.s32 s1, s13;
	[smem:$0x7F1] =	sst s7  }
0x52: {  	s16 =	sadd.s32 $0x1E780, s3;
	s18 =	sadd.s32 s4, s25;
	[smem:$0x7F2] =	sst s11  }
0x53: {  	s20 =	sadd.s32 s1, s19;
	s21 =	sadd.s32 s4, s10;
	[smem:$0x7F4] =	sst s14  }
0x54: {  	s23 =	sadd.s32 s1, s22;
	s24 =	sadd.s32 s4, s13;
	[smem:$0x7F7] =	sst s18  }
0x55: {  	s25 =	sadd.s32 $0x20D00, s3;
	s10 =	sshrl.u32 s5, $0x1;
	[smem:$0x7F8] =	sst s20  }
0x56: {  	s12 =	sadd.s32 $0x21980, s3;
	s30 =	sadd.s32 s4, s19;
	[smem:$0x7F9] =	sst s21  }
0x57: {  	s13 =	sadd.s32 $0x22600, s3;
	s28 =	sadd.s32 s4, s22;
	[smem:$0x7FA] =	sst s23  }
0x58: {  	s15 =	sadd.s32 $0x23F00, s3;
	s17 =	sadd.s32 s1, s16;
	[smem:$0x7FB] =	sst s24  }
0x59: {  	s26 =	sadd.s32 s1, s25;
	s11 =	sadd.s32 s4, s16;
	s10 =	ssub.s32 s5, s10  }
0x5a: {  	s31 =	sadd.s32 s1, s12;
	s29 =	sadd.s32 s1, s13;
	s14 =	sadd.s32 $0x23280, s3  }
0x5b: {  	s25 =	sadd.s32 s4, s25;
	s24 =	sadd.s32 s1, s15;
	s22 =	sadd.s32 s4, s12  }
0x5c: {  	s19 =	sadd.s32 s4, s13;
	s21 =	sadd.s32 $0x25800, s3;
	[smem:$0x7F6] =	sst s17  }
0x5d: {  	s9 =	sadd.s32 s4, s15;
	s15 =	simm.s32 $0x12C00;
	[smem:$0x7FC] =	sst s26  }
0x5e: {  	s13 =	simm.s32 $0x2;
	s12 =	simm.s32 $0x7;
	[smem:$0x7FD] =	sst s11  }
0x5f: {  	s26 =	sadd.s32 s1, s14;
	s17 =	sadd.s32 $0x24B80, s3;
	s23 =	smax.u32 s10, $0x1  }
0x60: {  	s18 =	sadd.s32 s1, s21;
	s16 =	sadd.s32 s4, s14;
	p1 =	sne.s32 s23, $0x1  }
.Ltmp0:
0x61: {  	s3 =	sadd.s32 $0x26480, s3;
	s7 =	sadd.s32 s4, s21;
	(pc) =	sbr.rel @!p1 .LBB2_3-.Ltmp0, $4  }
0x62: {  	s11 =	simm.s32 $0x1;
	s21 =	simm.s32 $0x4;
	s10 =	simm.s32 $0x8  }
0x63: {  	s20 =	sadd.s32 s1, s17;
	s14 =	sadd.s32 s1, s3;
	s8 =	sadd.s32 s4, s17  }
0x64: {  	s5 =	sadd.s32 s4, s3;
	s17 =	simm.s32 $0xC800;
	s3 =	simm.s32 $0x5  }
0x65: {  	s1 =	sadd.s32 $0xFFFFFFFF, s23;
	s4 =	simm.s32 $0x6;
	s23 =	simm.s32 $0x3  }
0x66: {  	[smem:$0x7C8] =	sst s1  }
0x67: {  	[tilespmem:s2], [sflag:$0x1] =	stream.linear.gather [hbm4b:s0+s2], $0x6400, $0x38;
	[tilespmem:$0x19000] =	vst v63  }
0x68: {  	s1 =	rddreg [dreg:$0x3]  }
0x69: {  	[tilespmem:s6], [sflag:$0x2] =	stream.linear.gather [hbm4b:s1+s2], $0x6400, $0x38;
	[tilespmem:$0x19000] =	vst v63  }
0x6a: {  	s0 =	rddreg [dreg:$0x4]  }
0x6b: {  	[tilespmem:s17], [sflag:$0x3] =	stream.linear.gather [hbm4b:s0+s2], $0x6400, $0x38;
	[tilespmem:$0x19000] =	vst v63  }
0x6c: {  	s1 =	rddreg [dreg:$0x5]  }
0x6d: {  	[tilespmem:s15], [sflag:$0x4] =	stream.linear.gather [hbm4b:s1+s2], $0x6400, $0x38;
	[tilespmem:$0x19000] =	vst v63  }
0x6e: {  	_ =	swait.ge [sflag:s11], $0x6400  }
0x6f: {  	[sflag:s11] =	ssyncset.done $0x0  }
0x70: {  	s1 =	rddreg [dreg:$0x6];
	[sflag:s11] =	ssyncadd.s32 $0xFFFF9C00  }
0x71: {  	[hbm4b:s1+s2] =	stream.linear.scatter [tilespmem:s2], [sflag:$0x5], $0x6400, $0x38;
	[tilespmem:$0x19000] =	vst v63  }
0x72: {  	_ =	swait.ge [sflag:s3], $0x6400  }
0x73: {  	[sflag:s3] =	ssyncset.done $0x0  }
0x74: {  	s1 =	rddreg [dreg:$0x7];
	[sflag:s3] =	ssyncadd.s32 $0xFFFF9C00  }
0x75: {  	[tilespmem:s2], [sflag:$0x1] =	stream.linear.gather [hbm4b:s1+s2], $0x6400, $0x38;
	[tilespmem:$0x19000] =	vst v63  }
0x76: {  	_ =	swait.ge [sflag:s13], $0x6400  }
0x77: {  	[sflag:s13] =	ssyncset.done $0x0  }
0x78: {  	s1 =	rddreg [dreg:$0x8];
	[sflag:s13] =	ssyncadd.s32 $0xFFFF9C00  }
0x79: {  	[hbm4b:s1+s2] =	stream.linear.scatter [tilespmem:s6], [sflag:$0x6], $0x6400, $0x38;
	[tilespmem:$0x19000] =	vst v63  }
0x7a: {  	_ =	swait.ge [sflag:s4], $0x6400  }
0x7b: {  	[sflag:s4] =	ssyncset.done $0x0  }
0x7c: {  	s1 =	rddreg [dreg:$0x9];
	[sflag:s4] =	ssyncadd.s32 $0xFFFF9C00  }
0x7d: {  	[tilespmem:s6], [sflag:$0x2] =	stream.linear.gather [hbm4b:s1+s2], $0x6400, $0x38;
	[tilespmem:$0x19000] =	vst v63  }
0x7e: {  	_ =	swait.ge [sflag:s23], $0x6400  }
0x7f: {  	[sflag:s23] =	ssyncset.done $0x0  }
0x80: {  	s1 =	rddreg [dreg:$0xa];
	[sflag:s23] =	ssyncadd.s32 $0xFFFF9C00  }
0x81: {  	[hbm4b:s1+s2] =	stream.linear.scatter [tilespmem:s17], [sflag:$0x7], $0x6400, $0x38;
	[tilespmem:$0x19000] =	vst v63  }
0x82: {  	_ =	swait.ge [sflag:s12], $0x6400  }
0x83: {  	[sflag:s12] =	ssyncset.done $0x0  }
0x84: {  	s1 =	rddreg [dreg:$0xb];
	[sflag:s12] =	ssyncadd.s32 $0xFFFF9C00  }
0x85: {  	[tilespmem:s17], [sflag:$0x3] =	stream.linear.gather [hbm4b:s1+s2], $0x6400, $0x38;
	[tilespmem:$0x19000] =	vst v63  }
0x86: {  	_ =	swait.ge [sflag:s21], $0x6400  }
0x87: {  	[sflag:s21] =	ssyncset.done $0x0  }
0x88: {  	s1 =	rddreg [dreg:$0xc];
	[sflag:s21] =	ssyncadd.s32 $0xFFFF9C00  }
0x89: {  	[hbm4b:s1+s2] =	stream.linear.scatter [tilespmem:s15], [sflag:$0x8], $0x6400, $0x38;
	[tilespmem:$0x19000] =	vst v63  }
0x8a: {  	_ =	swait.ge [sflag:s10], $0x6400  }
0x8b: {  	[sflag:s10] =	ssyncset.done $0x0  }
0x8c: {  	s1 =	rddreg [dreg:$0xd];
	[sflag:s10] =	ssyncadd.s32 $0xFFFF9C00  }
0x8d: {  	[tilespmem:s15], [sflag:$0x4] =	stream.linear.gather [hbm4b:s1+s2], $0x6400, $0x38;
	[tilespmem:$0x19000] =	vst v63  }
0x8e: {  	_ =	swait.ge [sflag:s11], $0x6400  }
0x8f: {  	[sflag:s11] =	ssyncset.done $0x0  }
0x90: {  	s1 =	rddreg [dreg:$0xe];
	[sflag:s11] =	ssyncadd.s32 $0xFFFF9C00  }
0x91: {  	[hbm4b:s1+s2] =	stream.linear.scatter [tilespmem:s2], [sflag:$0x5], $0x6400, $0x38;
	[tilespmem:$0x19000] =	vst v63  }
0x92: {  	_ =	swait.ge [sflag:s3], $0x6400  }
0x93: {  	[sflag:s3] =	ssyncset.done $0x0  }
0x94: {  	s1 =	rddreg [dreg:$0xf];
	[sflag:s3] =	ssyncadd.s32 $0xFFFF9C00  }
0x95: {  	[tilespmem:s2], [sflag:$0x1] =	stream.linear.gather [hbm4b:s1+s2], $0x6400, $0x38;
	[tilespmem:$0x19000] =	vst v63  }
0x96: {  	_ =	swait.ge [sflag:s13], $0x6400  }
0x97: {  	[sflag:s13] =	ssyncset.done $0x0  }
0x98: {  	s1 =	rddreg [dreg:$0x10];
	[sflag:s13] =	ssyncadd.s32 $0xFFFF9C00  }
0x99: {  	[hbm4b:s1+s2] =	stream.linear.scatter [tilespmem:s6], [sflag:$0x6], $0x6400, $0x38;
	[tilespmem:$0x19000] =	vst v63  }
0x9a: {  	_ =	swait.ge [sflag:s4], $0x6400  }
0x9b: {  	[sflag:s4] =	ssyncset.done $0x0  }
0x9c: {  	s1 =	rddreg [dreg:$0x11];
	[sflag:s4] =	ssyncadd.s32 $0xFFFF9C00  }
0x9d: {  	[tilespmem:s6], [sflag:$0x2] =	stream.linear.gather [hbm4b:s1+s2], $0x6400, $0x38;
	[tilespmem:$0x19000] =	vst v63  }
0x9e: {  	_ =	swait.ge [sflag:s23], $0x6400  }
0x9f: {  	[sflag:s23] =	ssyncset.done $0x0  }
0xa0: {  	s1 =	rddreg [dreg:$0x12];
	[sflag:s23] =	ssyncadd.s32 $0xFFFF9C00  }
0xa1: {  	[hbm4b:s1+s2] =	stream.linear.scatter [tilespmem:s17], [sflag:$0x7], $0x6400, $0x38;
	[tilespmem:$0x19000] =	vst v63  }
0xa2: {  	_ =	swait.ge [sflag:s12], $0x6400  }
0xa3: {  	[sflag:s12] =	ssyncset.done $0x0  }
0xa4: {  	s1 =	rddreg [dreg:$0x13];
	[sflag:s12] =	ssyncadd.s32 $0xFFFF9C00  }
0xa5: {  	[tilespmem:s17], [sflag:$0x3] =	stream.linear.gather [hbm4b:s1+s2], $0x6400, $0x38;
	[tilespmem:$0x19000] =	vst v63  }
0xa6: {  	_ =	swait.ge [sflag:s21], $0x6400  }
0xa7: {  	[sflag:s21] =	ssyncset.done $0x0  }
0xa8: {  	s1 =	rddreg [dreg:$0x14];
	[sflag:s21] =	ssyncadd.s32 $0xFFFF9C00  }
0xa9: {  	[hbm4b:s1+s2] =	stream.linear.scatter [tilespmem:s15], [sflag:$0x8], $0x6400, $0x38;
	[tilespmem:$0x19000] =	vst v63  }
0xaa: {  	_ =	swait.ge [sflag:s10], $0x6400  }
0xab: {  	[sflag:s10] =	ssyncset.done $0x0  }
0xac: {  	s1 =	rddreg [dreg:$0x15];
	[sflag:s10] =	ssyncadd.s32 $0xFFFF9C00  }
0xad: {  	[tilespmem:s15], [sflag:$0x4] =	stream.linear.gather [hbm4b:s1+s2], $0x6400, $0x38;
	[tilespmem:$0x19000] =	vst v63  }
0xae: {  	_ =	swait.ge [sflag:s11], $0x6400  }
0xaf: {  	[sflag:s11] =	ssyncset.done $0x0  }
0xb0: {  	s1 =	rddreg [dreg:$0x16];
	[sflag:s11] =	ssyncadd.s32 $0xFFFF9C00  }
0xb1: {  	[hbm4b:s1+s2] =	stream.linear.scatter [tilespmem:s2], [sflag:$0x5], $0x6400, $0x38;
	[tilespmem:$0x19000] =	vst v63  }
0xb2: {  	_ =	swait.ge [sflag:s3], $0x6400  }
0xb3: {  	[sflag:s3] =	ssyncset.done $0x0  }
0xb4: {  	s1 =	rddreg [dreg:$0x17];
	[sflag:s3] =	ssyncadd.s32 $0xFFFF9C00  }
0xb5: {  	[tilespmem:s2], [sflag:$0x1] =	stream.linear.gather [hbm4b:s1+s2], $0x6400, $0x38;
	[tilespmem:$0x19000] =	vst v63  }
0xb6: {  	_ =	swait.ge [sflag:s13], $0x6400  }
0xb7: {  	[sflag:s13] =	ssyncset.done $0x0  }
0xb8: {  	s1 =	rddreg [dreg:$0x18];
	[sflag:s13] =	ssyncadd.s32 $0xFFFF9C00  }
0xb9: {  	[hbm4b:s1+s2] =	stream.linear.scatter [tilespmem:s6], [sflag:$0x6], $0x6400, $0x38;
	[tilespmem:$0x19000] =	vst v63  }
0xba: {  	_ =	swait.ge [sflag:s4], $0x6400  }
0xbb: {  	[sflag:s4] =	ssyncset.done $0x0  }
0xbc: {  	s1 =	rddreg [dreg:$0x19];
	[sflag:s4] =	ssyncadd.s32 $0xFFFF9C00  }
0xbd: {  	[tilespmem:s6], [sflag:$0x2] =	stream.linear.gather [hbm4b:s1+s2], $0x6400, $0x38;
	[tilespmem:$0x19000] =	vst v63  }
0xbe: {  	_ =	swait.ge [sflag:s23], $0x6400  }
0xbf: {  	[sflag:s23] =	ssyncset.done $0x0  }
0xc0: {  	s1 =	rddreg [dreg:$0x1a];
	[sflag:s23] =	ssyncadd.s32 $0xFFFF9C00  }
0xc1: {  	[hbm4b:s1+s2] =	stream.linear.scatter [tilespmem:s17], [sflag:$0x7], $0x6400, $0x38;
	[tilespmem:$0x19000] =	vst v63  }
0xc2: {  	_ =	swait.ge [sflag:s12], $0x6400  }
0xc3: {  	[sflag:s12] =	ssyncset.done $0x0  }
0xc4: {  	s1 =	rddreg [dreg:$0x1b];
	[sflag:s12] =	ssyncadd.s32 $0xFFFF9C00  }
0xc5: {  	[tilespmem:s17], [sflag:$0x3] =	stream.linear.gather [hbm4b:s1+s2], $0x6400, $0x38;
	[tilespmem:$0x19000] =	vst v63  }
0xc6: {  	_ =	swait.ge [sflag:s21], $0x6400  }
0xc7: {  	[sflag:s21] =	ssyncset.done $0x0  }
0xc8: {  	s1 =	rddreg [dreg:$0x1c];
	[sflag:s21] =	ssyncadd.s32 $0xFFFF9C00  }
0xc9: {  	[hbm4b:s1+s2] =	stream.linear.scatter [tilespmem:s15], [sflag:$0x8], $0x6400, $0x38;
	[tilespmem:$0x19000] =	vst v63  }
0xca: {  	_ =	swait.ge [sflag:s10], $0x6400  }
0xcb: {  	[sflag:s10] =	ssyncset.done $0x0  }
0xcc: {  	s1 =	rddreg [dreg:$0x1d];
	[sflag:s10] =	ssyncadd.s32 $0xFFFF9C00  }
0xcd: {  	[tilespmem:s15], [sflag:$0x4] =	stream.linear.gather [hbm4b:s1+s2], $0x6400, $0x38;
	[tilespmem:$0x19000] =	vst v63  }
0xce: {  	_ =	swait.ge [sflag:s11], $0x6400  }
0xcf: {  	[sflag:s11] =	ssyncset.done $0x0  }
0xd0: {  	s1 =	rddreg [dreg:$0x1e];
	[sflag:s11] =	ssyncadd.s32 $0xFFFF9C00  }
0xd1: {  	[hbm4b:s1+s2] =	stream.linear.scatter [tilespmem:s2], [sflag:$0x5], $0x6400, $0x38;
	[tilespmem:$0x19000] =	vst v63  }
0xd2: {  	_ =	swait.ge [sflag:s3], $0x6400  }
0xd3: {  	[sflag:s3] =	ssyncset.done $0x0  }
0xd4: {  	s1 =	rddreg [dreg:$0x1f];
	[sflag:s3] =	ssyncadd.s32 $0xFFFF9C00  }
0xd5: {  	[tilespmem:s2], [sflag:$0x1] =	stream.linear.gather [hbm4b:s1+s2], $0x6400, $0x38;
	[tilespmem:$0x19000] =	vst v63  }
0xd6: {  	_ =	swait.ge [sflag:s13], $0x6400  }
0xd7: {  	s1 =	sld [smem:$0x7C9]  }
0xd8: {  	[sflag:s13] =	ssyncset.done $0x0  }
0xd9: {  	[sflag:s13] =	ssyncadd.s32 $0xFFFF9C00  }
0xda: {  	[hbm4b:s1+s2] =	stream.linear.scatter [tilespmem:s6], [sflag:$0x6], $0x6400, $0x38;
	[tilespmem:$0x19000] =	vst v63  }
0xdb: {  	_ =	swait.ge [sflag:s4], $0x6400  }
0xdc: {  	s1 =	sld [smem:$0x7CA]  }
0xdd: {  	[sflag:s4] =	ssyncset.done $0x0  }
0xde: {  	[sflag:s4] =	ssyncadd.s32 $0xFFFF9C00  }
0xdf: {  	[tilespmem:s6], [sflag:$0x2] =	stream.linear.gather [hbm4b:s1+s2], $0x6400, $0x38;
	[tilespmem:$0x19000] =	vst v63  }
0xe0: {  	_ =	swait.ge [sflag:s23], $0x6400  }
0xe1: {  	s1 =	sld [smem:$0x7CB]  }
0xe2: {  	[sflag:s23] =	ssyncset.done $0x0  }
0xe3: {  	[sflag:s23] =	ssyncadd.s32 $0xFFFF9C00  }
0xe4: {  	[hbm4b:s1+s2] =	stream.linear.scatter [tilespmem:s17], [sflag:$0x7], $0x6400, $0x38;
	[tilespmem:$0x19000] =	vst v63  }
0xe5: {  	_ =	swait.ge [sflag:s12], $0x6400  }
0xe6: {  	s1 =	sld [smem:$0x7CC]  }
0xe7: {  	[sflag:s12] =	ssyncset.done $0x0  }
0xe8: {  	[sflag:s12] =	ssyncadd.s32 $0xFFFF9C00  }
0xe9: {  	[tilespmem:s17], [sflag:$0x3] =	stream.linear.gather [hbm4b:s1+s2], $0x6400, $0x38;
	[tilespmem:$0x19000] =	vst v63  }
0xea: {  	_ =	swait.ge [sflag:s21], $0x6400  }
0xeb: {  	s1 =	sld [smem:$0x7CD]  }
0xec: {  	[sflag:s21] =	ssyncset.done $0x0  }
0xed: {  	[sflag:s21] =	ssyncadd.s32 $0xFFFF9C00  }
0xee: {  	[hbm4b:s1+s2] =	stream.linear.scatter [tilespmem:s15], [sflag:$0x8], $0x6400, $0x38;
	[tilespmem:$0x19000] =	vst v63  }
0xef: {  	_ =	swait.ge [sflag:s10], $0x6400  }
0xf0: {  	s1 =	sld [smem:$0x7CE]  }
0xf1: {  	[sflag:s10] =	ssyncset.done $0x0  }
0xf2: {  	[sflag:s10] =	ssyncadd.s32 $0xFFFF9C00  }
0xf3: {  	[tilespmem:s15], [sflag:$0x4] =	stream.linear.gather [hbm4b:s1+s2], $0x6400, $0x38;
	[tilespmem:$0x19000] =	vst v63  }
0xf4: {  	_ =	swait.ge [sflag:s11], $0x6400  }
0xf5: {  	s1 =	sld [smem:$0x7CF]  }
0xf6: {  	[sflag:s11] =	ssyncset.done $0x0  }
0xf7: {  	[sflag:s11] =	ssyncadd.s32 $0xFFFF9C00  }
0xf8: {  	[hbm4b:s1+s2] =	stream.linear.scatter [tilespmem:s2], [sflag:$0x5], $0x6400, $0x38;
	[tilespmem:$0x19000] =	vst v63  }
0xf9: {  	_ =	swait.ge [sflag:s3], $0x6400  }
0xfa: {  	s1 =	sld [smem:$0x7D0]  }
0xfb: {  	[sflag:s3] =	ssyncset.done $0x0  }
0xfc: {  	[sflag:s3] =	ssyncadd.s32 $0xFFFF9C00  }
0xfd: {  	[tilespmem:s2], [sflag:$0x1] =	stream.linear.gather [hbm4b:s1+s2], $0x6400, $0x38;
	[tilespmem:$0x19000] =	vst v63  }
0xfe: {  	_ =	swait.ge [sflag:s13], $0x6400  }
0xff: {  	s1 =	sld [smem:$0x7D1]  }
0x100: {  	[sflag:s13] =	ssyncset.done $0x0  }
0x101: {  	[sflag:s13] =	ssyncadd.s32 $0xFFFF9C00  }
0x102: {  	[hbm4b:s1+s2] =	stream.linear.scatter [tilespmem:s6], [sflag:$0x6], $0x6400, $0x38;
	[tilespmem:$0x19000] =	vst v63  }
0x103: {  	_ =	swait.ge [sflag:s4], $0x6400  }
0x104: {  	s1 =	sld [smem:$0x7D2]  }
0x105: {  	[sflag:s4] =	ssyncset.done $0x0  }
0x106: {  	[sflag:s4] =	ssyncadd.s32 $0xFFFF9C00  }
0x107: {  	[tilespmem:s6], [sflag:$0x2] =	stream.linear.gather [hbm4b:s1+s2], $0x6400, $0x38;
	[tilespmem:$0x19000] =	vst v63  }
0x108: {  	_ =	swait.ge [sflag:s23], $0x6400  }
0x109: {  	s1 =	sld [smem:$0x7D3]  }
0x10a: {  	[sflag:s23] =	ssyncset.done $0x0  }
0x10b: {  	[sflag:s23] =	ssyncadd.s32 $0xFFFF9C00  }
0x10c: {  	[hbm4b:s1+s2] =	stream.linear.scatter [tilespmem:s17], [sflag:$0x7], $0x6400, $0x38;
	[tilespmem:$0x19000] =	vst v63  }
0x10d: {  	_ =	swait.ge [sflag:s12], $0x6400  }
0x10e: {  	s1 =	sld [smem:$0x7D4]  }
0x10f: {  	[sflag:s12] =	ssyncset.done $0x0  }
0x110: {  	[sflag:s12] =	ssyncadd.s32 $0xFFFF9C00  }
0x111: {  	[tilespmem:s17], [sflag:$0x3] =	stream.linear.gather [hbm4b:s1+s2], $0x6400, $0x38;
	[tilespmem:$0x19000] =	vst v63  }
0x112: {  	_ =	swait.ge [sflag:s21], $0x6400  }
0x113: {  	s1 =	sld [smem:$0x7D5]  }
0x114: {  	[sflag:s21] =	ssyncset.done $0x0  }
0x115: {  	[sflag:s21] =	ssyncadd.s32 $0xFFFF9C00  }
0x116: {  	[hbm4b:s1+s2] =	stream.linear.scatter [tilespmem:s15], [sflag:$0x8], $0x6400, $0x38;
	[tilespmem:$0x19000] =	vst v63  }
0x117: {  	_ =	swait.ge [sflag:s10], $0x6400  }
0x118: {  	s1 =	sld [smem:$0x7D6]  }
0x119: {  	[sflag:s10] =	ssyncset.done $0x0  }
0x11a: {  	[sflag:s10] =	ssyncadd.s32 $0xFFFF9C00  }
0x11b: {  	[tilespmem:s15], [sflag:$0x4] =	stream.linear.gather [hbm4b:s1+s2], $0x6400, $0x38;
	[tilespmem:$0x19000] =	vst v63  }
0x11c: {  	_ =	swait.ge [sflag:s11], $0x6400  }
0x11d: {  	s1 =	sld [smem:$0x7D7]  }
0x11e: {  	[sflag:s11] =	ssyncset.done $0x0  }
0x11f: {  	[sflag:s11] =	ssyncadd.s32 $0xFFFF9C00  }
0x120: {  	[hbm4b:s1+s2] =	stream.linear.scatter [tilespmem:s2], [sflag:$0x5], $0x6400, $0x38;
	[tilespmem:$0x19000] =	vst v63  }
0x121: {  	_ =	swait.ge [sflag:s3], $0x6400  }
0x122: {  	s1 =	sld [smem:$0x7D8]  }
0x123: {  	[sflag:s3] =	ssyncset.done $0x0  }
0x124: {  	[sflag:s3] =	ssyncadd.s32 $0xFFFF9C00  }
0x125: {  	[tilespmem:s2], [sflag:$0x1] =	stream.linear.gather [hbm4b:s1+s2], $0x6400, $0x38;
	[tilespmem:$0x19000] =	vst v63  }
0x126: {  	_ =	swait.ge [sflag:s13], $0x6400  }
0x127: {  	s1 =	sld [smem:$0x7D9]  }
0x128: {  	[sflag:s13] =	ssyncset.done $0x0  }
0x129: {  	[sflag:s13] =	ssyncadd.s32 $0xFFFF9C00  }
0x12a: {  	[hbm4b:s1+s2] =	stream.linear.scatter [tilespmem:s6], [sflag:$0x6], $0x6400, $0x38;
	[tilespmem:$0x19000] =	vst v63  }
0x12b: {  	_ =	swait.ge [sflag:s4], $0x6400  }
0x12c: {  	s1 =	sld [smem:$0x7DA]  }
0x12d: {  	[sflag:s4] =	ssyncset.done $0x0  }
0x12e: {  	[sflag:s4] =	ssyncadd.s32 $0xFFFF9C00  }
0x12f: {  	[tilespmem:s6], [sflag:$0x2] =	stream.linear.gather [hbm4b:s1+s2], $0x6400, $0x38;
	[tilespmem:$0x19000] =	vst v63  }
0x130: {  	_ =	swait.ge [sflag:s23], $0x6400  }
0x131: {  	s1 =	sld [smem:$0x7DB]  }
0x132: {  	[sflag:s23] =	ssyncset.done $0x0  }
0x133: {  	[sflag:s23] =	ssyncadd.s32 $0xFFFF9C00  }
0x134: {  	[hbm4b:s1+s2] =	stream.linear.scatter [tilespmem:s17], [sflag:$0x7], $0x6400, $0x38;
	[tilespmem:$0x19000] =	vst v63  }
0x135: {  	_ =	swait.ge [sflag:s12], $0x6400  }
0x136: {  	s1 =	sld [smem:$0x7DC]  }
0x137: {  	[sflag:s12] =	ssyncset.done $0x0  }
0x138: {  	[sflag:s12] =	ssyncadd.s32 $0xFFFF9C00  }
0x139: {  	[tilespmem:s17], [sflag:$0x3] =	stream.linear.gather [hbm4b:s1+s2], $0x6400, $0x38;
	[tilespmem:$0x19000] =	vst v63  }
0x13a: {  	_ =	swait.ge [sflag:s21], $0x6400  }
0x13b: {  	s1 =	sld [smem:$0x7DD]  }
0x13c: {  	[sflag:s21] =	ssyncset.done $0x0  }
0x13d: {  	[sflag:s21] =	ssyncadd.s32 $0xFFFF9C00  }
0x13e: {  	[hbm4b:s1+s2] =	stream.linear.scatter [tilespmem:s15], [sflag:$0x8], $0x6400, $0x38;
	[tilespmem:$0x19000] =	vst v63  }
0x13f: {  	_ =	swait.ge [sflag:s10], $0x6400  }
0x140: {  	s1 =	sld [smem:$0x7DE]  }
0x141: {  	[sflag:s10] =	ssyncset.done $0x0  }
0x142: {  	[sflag:s10] =	ssyncadd.s32 $0xFFFF9C00  }
0x143: {  	[tilespmem:s15], [sflag:$0x4] =	stream.linear.gather [hbm4b:s1+s2], $0x6400, $0x38;
	[tilespmem:$0x19000] =	vst v63  }
0x144: {  	_ =	swait.ge [sflag:s11], $0x6400  }
0x145: {  	s1 =	sld [smem:$0x7DF]  }
0x146: {  	[sflag:s11] =	ssyncset.done $0x0  }
0x147: {  	[sflag:s11] =	ssyncadd.s32 $0xFFFF9C00  }
0x148: {  	[hbm4b:s1+s2] =	stream.linear.scatter [tilespmem:s2], [sflag:$0x5], $0x6400, $0x38;
	[tilespmem:$0x19000] =	vst v63  }
0x149: {  	_ =	swait.ge [sflag:s3], $0x6400  }
0x14a: {  	s1 =	sld [smem:$0x7E0]  }
0x14b: {  	[sflag:s3] =	ssyncset.done $0x0  }
0x14c: {  	[sflag:s3] =	ssyncadd.s32 $0xFFFF9C00  }
0x14d: {  	[tilespmem:s2], [sflag:$0x1] =	stream.linear.gather [hbm4b:s1+s2], $0x6400, $0x38;
	[tilespmem:$0x19000] =	vst v63  }
0x14e: {  	_ =	swait.ge [sflag:s13], $0x6400  }
0x14f: {  	s1 =	sld [smem:$0x7E1]  }
0x150: {  	[sflag:s13] =	ssyncset.done $0x0  }
0x151: {  	[sflag:s13] =	ssyncadd.s32 $0xFFFF9C00  }
0x152: {  	[hbm4b:s1+s2] =	stream.linear.scatter [tilespmem:s6], [sflag:$0x6], $0x6400, $0x38;
	[tilespmem:$0x19000] =	vst v63  }
0x153: {  	_ =	swait.ge [sflag:s4], $0x6400  }
0x154: {  	s1 =	sld [smem:$0x7E2]  }
0x155: {  	[sflag:s4] =	ssyncset.done $0x0  }
0x156: {  	[sflag:s4] =	ssyncadd.s32 $0xFFFF9C00  }
0x157: {  	[tilespmem:s6], [sflag:$0x2] =	stream.linear.gather [hbm4b:s1+s2], $0x6400, $0x38;
	[tilespmem:$0x19000] =	vst v63  }
0x158: {  	_ =	swait.ge [sflag:s23], $0x6400  }
0x159: {  	s1 =	sld [smem:$0x7E3]  }
0x15a: {  	[sflag:s23] =	ssyncset.done $0x0  }
0x15b: {  	[sflag:s23] =	ssyncadd.s32 $0xFFFF9C00  }
0x15c: {  	[hbm4b:s1+s2] =	stream.linear.scatter [tilespmem:s17], [sflag:$0x7], $0x6400, $0x38;
	[tilespmem:$0x19000] =	vst v63  }
0x15d: {  	_ =	swait.ge [sflag:s12], $0x6400  }
0x15e: {  	s1 =	sld [smem:$0x7E4]  }
0x15f: {  	[sflag:s12] =	ssyncset.done $0x0  }
0x160: {  	[sflag:s12] =	ssyncadd.s32 $0xFFFF9C00  }
0x161: {  	[tilespmem:s17], [sflag:$0x3] =	stream.linear.gather [hbm4b:s1+s2], $0x6400, $0x38;
	[tilespmem:$0x19000] =	vst v63  }
0x162: {  	_ =	swait.ge [sflag:s21], $0x6400  }
0x163: {  	s1 =	sld [smem:$0x7E5]  }
0x164: {  	[sflag:s21] =	ssyncset.done $0x0  }
0x165: {  	[sflag:s21] =	ssyncadd.s32 $0xFFFF9C00  }
0x166: {  	[hbm4b:s1+s2] =	stream.linear.scatter [tilespmem:s15], [sflag:$0x8], $0x6400, $0x38;
	[tilespmem:$0x19000] =	vst v63  }
0x167: {  	_ =	swait.ge [sflag:s10], $0x6400  }
0x168: {  	s1 =	sld [smem:$0x7E6]  }
0x169: {  	[sflag:s10] =	ssyncset.done $0x0  }
0x16a: {  	[sflag:s10] =	ssyncadd.s32 $0xFFFF9C00  }
0x16b: {  	[tilespmem:s15], [sflag:$0x4] =	stream.linear.gather [hbm4b:s1+s2], $0x6400, $0x38;
	[tilespmem:$0x19000] =	vst v63  }
0x16c: {  	_ =	swait.ge [sflag:s11], $0x6400  }
0x16d: {  	s1 =	sld [smem:$0x7E7]  }
0x16e: {  	[sflag:s11] =	ssyncset.done $0x0  }
0x16f: {  	[sflag:s11] =	ssyncadd.s32 $0xFFFF9C00  }
0x170: {  	[hbm4b:s1+s2] =	stream.linear.scatter [tilespmem:s2], [sflag:$0x5], $0x6400, $0x38;
	[tilespmem:$0x19000] =	vst v63  }
0x171: {  	_ =	swait.ge [sflag:s3], $0x6400  }
0x172: {  	s1 =	sld [smem:$0x7E8]  }
0x173: {  	[sflag:s3] =	ssyncset.done $0x0  }
0x174: {  	[sflag:s3] =	ssyncadd.s32 $0xFFFF9C00  }
0x175: {  	[tilespmem:s2], [sflag:$0x1] =	stream.linear.gather [hbm4b:s1+s2], $0x6400, $0x38;
	[tilespmem:$0x19000] =	vst v63  }
0x176: {  	_ =	swait.ge [sflag:s13], $0x6400  }
0x177: {  	s1 =	sld [smem:$0x7E9]  }
0x178: {  	[sflag:s13] =	ssyncset.done $0x0  }
0x179: {  	[sflag:s13] =	ssyncadd.s32 $0xFFFF9C00  }
0x17a: {  	[hbm4b:s1+s2] =	stream.linear.scatter [tilespmem:s6], [sflag:$0x6], $0x6400, $0x38;
	[tilespmem:$0x19000] =	vst v63  }
0x17b: {  	_ =	swait.ge [sflag:s4], $0x6400  }
0x17c: {  	s1 =	sld [smem:$0x7EA]  }
0x17d: {  	[sflag:s4] =	ssyncset.done $0x0  }
0x17e: {  	[sflag:s4] =	ssyncadd.s32 $0xFFFF9C00  }
0x17f: {  	[tilespmem:s6], [sflag:$0x2] =	stream.linear.gather [hbm4b:s1+s2], $0x6400, $0x38;
	[tilespmem:$0x19000] =	vst v63  }
0x180: {  	_ =	swait.ge [sflag:s23], $0x6400  }
0x181: {  	s1 =	sld [smem:$0x7EB]  }
0x182: {  	[sflag:s23] =	ssyncset.done $0x0  }
0x183: {  	[sflag:s23] =	ssyncadd.s32 $0xFFFF9C00  }
0x184: {  	[hbm4b:s1+s2] =	stream.linear.scatter [tilespmem:s17], [sflag:$0x7], $0x6400, $0x38;
	[tilespmem:$0x19000] =	vst v63  }
0x185: {  	_ =	swait.ge [sflag:s12], $0x6400  }
0x186: {  	s1 =	sld [smem:$0x7EC]  }
0x187: {  	[sflag:s12] =	ssyncset.done $0x0  }
0x188: {  	[sflag:s12] =	ssyncadd.s32 $0xFFFF9C00  }
0x189: {  	[tilespmem:s17], [sflag:$0x3] =	stream.linear.gather [hbm4b:s1+s2], $0x6400, $0x38;
	[tilespmem:$0x19000] =	vst v63  }
0x18a: {  	_ =	swait.ge [sflag:s21], $0x6400  }
0x18b: {  	s1 =	sld [smem:$0x7ED]  }
0x18c: {  	[sflag:s21] =	ssyncset.done $0x0  }
0x18d: {  	[sflag:s21] =	ssyncadd.s32 $0xFFFF9C00  }
0x18e: {  	[hbm4b:s1+s2] =	stream.linear.scatter [tilespmem:s15], [sflag:$0x8], $0x6400, $0x38;
	[tilespmem:$0x19000] =	vst v63  }
0x18f: {  	_ =	swait.ge [sflag:s10], $0x6400  }
0x190: {  	s1 =	sld [smem:$0x7EE]  }
0x191: {  	[sflag:s10] =	ssyncset.done $0x0  }
0x192: {  	[sflag:s10] =	ssyncadd.s32 $0xFFFF9C00  }
0x193: {  	[tilespmem:s15], [sflag:$0x4] =	stream.linear.gather [hbm4b:s1+s2], $0x6400, $0x38;
	[tilespmem:$0x19000] =	vst v63  }
0x194: {  	_ =	swait.ge [sflag:s11], $0x6400  }
0x195: {  	s1 =	sld [smem:$0x7EF]  }
0x196: {  	[sflag:s11] =	ssyncset.done $0x0  }
0x197: {  	[sflag:s11] =	ssyncadd.s32 $0xFFFF9C00  }
0x198: {  	[hbm4b:s1+s2] =	stream.linear.scatter [tilespmem:s2], [sflag:$0x5], $0x6400, $0x38;
	[tilespmem:$0x19000] =	vst v63  }
0x199: {  	_ =	swait.ge [sflag:s3], $0x6400  }
0x19a: {  	s1 =	sld [smem:$0x7F0]  }
0x19b: {  	[sflag:s3] =	ssyncset.done $0x0  }
0x19c: {  	[sflag:s3] =	ssyncadd.s32 $0xFFFF9C00  }
0x19d: {  	[tilespmem:s2], [sflag:$0x1] =	stream.linear.gather [hbm4b:s1+s2], $0x6400, $0x38;
	[tilespmem:$0x19000] =	vst v63  }
0x19e: {  	_ =	swait.ge [sflag:s13], $0x6400  }
0x19f: {  	s1 =	sld [smem:$0x7F1]  }
0x1a0: {  	[sflag:s13] =	ssyncset.done $0x0  }
0x1a1: {  	[sflag:s13] =	ssyncadd.s32 $0xFFFF9C00  }
0x1a2: {  	[hbm4b:s1+s2] =	stream.linear.scatter [tilespmem:s6], [sflag:$0x6], $0x6400, $0x38;
	[tilespmem:$0x19000] =	vst v63  }
0x1a3: {  	_ =	swait.ge [sflag:s4], $0x6400  }
0x1a4: {  	s1 =	sld [smem:$0x7F2]  }
0x1a5: {  	[sflag:s4] =	ssyncset.done $0x0  }
0x1a6: {  	[sflag:s4] =	ssyncadd.s32 $0xFFFF9C00  }
0x1a7: {  	[tilespmem:s6], [sflag:$0x2] =	stream.linear.gather [hbm4b:s1+s2], $0x6400, $0x38;
	[tilespmem:$0x19000] =	vst v63  }
0x1a8: {  	_ =	swait.ge [sflag:s23], $0x6400  }
0x1a9: {  	s1 =	sld [smem:$0x7F3]  }
0x1aa: {  	[sflag:s23] =	ssyncset.done $0x0  }
0x1ab: {  	[sflag:s23] =	ssyncadd.s32 $0xFFFF9C00  }
0x1ac: {  	[hbm4b:s1+s2] =	stream.linear.scatter [tilespmem:s17], [sflag:$0x7], $0x6400, $0x38;
	[tilespmem:$0x19000] =	vst v63  }
0x1ad: {  	_ =	swait.ge [sflag:s12], $0x6400  }
0x1ae: {  	s1 =	sld [smem:$0x7F4]  }
0x1af: {  	[sflag:s12] =	ssyncset.done $0x0  }
0x1b0: {  	[sflag:s12] =	ssyncadd.s32 $0xFFFF9C00  }
0x1b1: {  	[tilespmem:s17], [sflag:$0x3] =	stream.linear.gather [hbm4b:s1+s2], $0x6400, $0x38;
	[tilespmem:$0x19000] =	vst v63  }
0x1b2: {  	_ =	swait.ge [sflag:s21], $0x6400  }
0x1b3: {  	s1 =	sld [smem:$0x7F5]  }
0x1b4: {  	[sflag:s21] =	ssyncset.done $0x0  }
0x1b5: {  	[sflag:s21] =	ssyncadd.s32 $0xFFFF9C00  }
0x1b6: {  	[hbm4b:s1+s2] =	stream.linear.scatter [tilespmem:s15], [sflag:$0x8], $0x6400, $0x38;
	[tilespmem:$0x19000] =	vst v63  }
0x1b7: {  	_ =	swait.ge [sflag:s10], $0x6400  }
0x1b8: {  	s1 =	sld [smem:$0x7F6]  }
0x1b9: {  	[sflag:s10] =	ssyncset.done $0x0  }
0x1ba: {  	[sflag:s10] =	ssyncadd.s32 $0xFFFF9C00  }
0x1bb: {  	[tilespmem:s15], [sflag:$0x4] =	stream.linear.gather [hbm4b:s1+s2], $0x6400, $0x38;
	[tilespmem:$0x19000] =	vst v63  }
0x1bc: {  	_ =	swait.ge [sflag:s11], $0x6400  }
0x1bd: {  	s1 =	sld [smem:$0x7F7]  }
0x1be: {  	[sflag:s11] =	ssyncset.done $0x0  }
0x1bf: {  	[sflag:s11] =	ssyncadd.s32 $0xFFFF9C00  }
0x1c0: {  	[hbm4b:s1+s2] =	stream.linear.scatter [tilespmem:s2], [sflag:$0x5], $0x6400, $0x38;
	[tilespmem:$0x19000] =	vst v63  }
0x1c1: {  	_ =	swait.ge [sflag:s3], $0x6400  }
0x1c2: {  	s1 =	sld [smem:$0x7F8]  }
0x1c3: {  	[sflag:s3] =	ssyncset.done $0x0  }
0x1c4: {  	[sflag:s3] =	ssyncadd.s32 $0xFFFF9C00  }
0x1c5: {  	[tilespmem:s2], [sflag:$0x1] =	stream.linear.gather [hbm4b:s1+s2], $0x6400, $0x38;
	[tilespmem:$0x19000] =	vst v63  }
0x1c6: {  	_ =	swait.ge [sflag:s13], $0x6400  }
0x1c7: {  	s1 =	sld [smem:$0x7F9]  }
0x1c8: {  	[sflag:s13] =	ssyncset.done $0x0  }
0x1c9: {  	[sflag:s13] =	ssyncadd.s32 $0xFFFF9C00  }
0x1ca: {  	[hbm4b:s1+s2] =	stream.linear.scatter [tilespmem:s6], [sflag:$0x6], $0x6400, $0x38;
	[tilespmem:$0x19000] =	vst v63  }
0x1cb: {  	_ =	swait.ge [sflag:s4], $0x6400  }
0x1cc: {  	s1 =	sld [smem:$0x7FA]  }
0x1cd: {  	[sflag:s4] =	ssyncset.done $0x0  }
0x1ce: {  	[sflag:s4] =	ssyncadd.s32 $0xFFFF9C00  }
0x1cf: {  	[tilespmem:s6], [sflag:$0x2] =	stream.linear.gather [hbm4b:s1+s2], $0x6400, $0x38;
	[tilespmem:$0x19000] =	vst v63  }
0x1d0: {  	_ =	swait.ge [sflag:s23], $0x6400  }
0x1d1: {  	s1 =	sld [smem:$0x7FB]  }
0x1d2: {  	[sflag:s23] =	ssyncset.done $0x0  }
0x1d3: {  	[sflag:s23] =	ssyncadd.s32 $0xFFFF9C00  }
0x1d4: {  	[hbm4b:s1+s2] =	stream.linear.scatter [tilespmem:s17], [sflag:$0x7], $0x6400, $0x38;
	[tilespmem:$0x19000] =	vst v63  }
0x1d5: {  	_ =	swait.ge [sflag:s12], $0x6400  }
0x1d6: {  	s1 =	sld [smem:$0x7FC]  }
0x1d7: {  	[sflag:s12] =	ssyncset.done $0x0  }
0x1d8: {  	[sflag:s12] =	ssyncadd.s32 $0xFFFF9C00  }
0x1d9: {  	[tilespmem:s17], [sflag:$0x3] =	stream.linear.gather [hbm4b:s1+s2], $0x6400, $0x38;
	[tilespmem:$0x19000] =	vst v63  }
0x1da: {  	_ =	swait.ge [sflag:s21], $0x6400  }
0x1db: {  	s1 =	sld [smem:$0x7FD]  }
0x1dc: {  	[sflag:s21] =	ssyncset.done $0x0  }
0x1dd: {  	[sflag:s21] =	ssyncadd.s32 $0xFFFF9C00  }
0x1de: {  	[hbm4b:s1+s2] =	stream.linear.scatter [tilespmem:s15], [sflag:$0x8], $0x6400, $0x38;
	[tilespmem:$0x19000] =	vst v63  }
0x1df: {  	_ =	swait.ge [sflag:s10], $0x6400  }
0x1e0: {  	[sflag:s10] =	ssyncset.done $0x0  }
0x1e1: {  	[sflag:s10] =	ssyncadd.s32 $0xFFFF9C00  }
0x1e2: {  	[tilespmem:s15], [sflag:$0x4] =	stream.linear.gather [hbm4b:s31+s2], $0x6400, $0x38;
	[tilespmem:$0x19000] =	vst v63  }
0x1e3: {  	_ =	swait.ge [sflag:s11], $0x6400  }
0x1e4: {  	[sflag:s11] =	ssyncset.done $0x0  }
0x1e5: {  	[sflag:s11] =	ssyncadd.s32 $0xFFFF9C00  }
0x1e6: {  	[hbm4b:s30+s2] =	stream.linear.scatter [tilespmem:s2], [sflag:$0x5], $0x6400, $0x38;
	[tilespmem:$0x19000] =	vst v63  }
0x1e7: {  	_ =	swait.ge [sflag:s3], $0x6400  }
0x1e8: {  	[sflag:s3] =	ssyncset.done $0x0  }
0x1e9: {  	[sflag:s3] =	ssyncadd.s32 $0xFFFF9C00  }
0x1ea: {  	[tilespmem:s2], [sflag:$0x1] =	stream.linear.gather [hbm4b:s29+s2], $0x6400, $0x38;
	[tilespmem:$0x19000] =	vst v63  }
0x1eb: {  	_ =	swait.ge [sflag:s13], $0x6400  }
0x1ec: {  	[sflag:s13] =	ssyncset.done $0x0  }
0x1ed: {  	[sflag:s13] =	ssyncadd.s32 $0xFFFF9C00  }
0x1ee: {  	[hbm4b:s28+s2] =	stream.linear.scatter [tilespmem:s6], [sflag:$0x6], $0x6400, $0x38;
	[tilespmem:$0x19000] =	vst v63  }
0x1ef: {  	_ =	swait.ge [sflag:s4], $0x6400  }
0x1f0: {  	[sflag:s4] =	ssyncset.done $0x0  }
0x1f1: {  	[sflag:s4] =	ssyncadd.s32 $0xFFFF9C00  }
0x1f2: {  	[tilespmem:s6], [sflag:$0x2] =	stream.linear.gather [hbm4b:s26+s2], $0x6400, $0x38;
	[tilespmem:$0x19000] =	vst v63  }
0x1f3: {  	_ =	swait.ge [sflag:s23], $0x6400  }
0x1f4: {  	[sflag:s23] =	ssyncset.done $0x0  }
0x1f5: {  	[sflag:s23] =	ssyncadd.s32 $0xFFFF9C00  }
0x1f6: {  	[hbm4b:s25+s2] =	stream.linear.scatter [tilespmem:s17], [sflag:$0x7], $0x6400, $0x38;
	[tilespmem:$0x19000] =	vst v63  }
0x1f7: {  	_ =	swait.ge [sflag:s12], $0x6400  }
0x1f8: {  	[sflag:s12] =	ssyncset.done $0x0  }
0x1f9: {  	[sflag:s12] =	ssyncadd.s32 $0xFFFF9C00  }
0x1fa: {  	[tilespmem:s17], [sflag:$0x3] =	stream.linear.gather [hbm4b:s24+s2], $0x6400, $0x38;
	[tilespmem:$0x19000] =	vst v63  }
0x1fb: {  	_ =	swait.ge [sflag:s21], $0x6400  }
0x1fc: {  	[sflag:s21] =	ssyncset.done $0x0  }
0x1fd: {  	[sflag:s21] =	ssyncadd.s32 $0xFFFF9C00  }
0x1fe: {  	[hbm4b:s22+s2] =	stream.linear.scatter [tilespmem:s15], [sflag:$0x8], $0x6400, $0x38;
	[tilespmem:$0x19000] =	vst v63  }
0x1ff: {  	_ =	swait.ge [sflag:s10], $0x6400  }
0x200: {  	[sflag:s10] =	ssyncset.done $0x0  }
0x201: {  	[sflag:s10] =	ssyncadd.s32 $0xFFFF9C00  }
0x202: {  	[tilespmem:s15], [sflag:$0x4] =	stream.linear.gather [hbm4b:s20+s2], $0x6400, $0x38;
	[tilespmem:$0x19000] =	vst v63  }
0x203: {  	_ =	swait.ge [sflag:s11], $0x6400  }
0x204: {  	[sflag:s11] =	ssyncset.done $0x0  }
0x205: {  	[sflag:s11] =	ssyncadd.s32 $0xFFFF9C00  }
0x206: {  	[hbm4b:s19+s2] =	stream.linear.scatter [tilespmem:s2], [sflag:$0x5], $0x6400, $0x38;
	[tilespmem:$0x19000] =	vst v63  }
0x207: {  	_ =	swait.ge [sflag:s3], $0x6400  }
0x208: {  	[sflag:s3] =	ssyncset.done $0x0  }
0x209: {  	[sflag:s3] =	ssyncadd.s32 $0xFFFF9C00  }
0x20a: {  	[tilespmem:s2], [sflag:$0x1] =	stream.linear.gather [hbm4b:s18+s2], $0x6400, $0x38;
	[tilespmem:$0x19000] =	vst v63  }
0x20b: {  	_ =	swait.ge [sflag:s13], $0x6400  }
0x20c: {  	[sflag:s13] =	ssyncset.done $0x0  }
0x20d: {  	[sflag:s13] =	ssyncadd.s32 $0xFFFF9C00  }
0x20e: {  	[hbm4b:s16+s2] =	stream.linear.scatter [tilespmem:s6], [sflag:$0x6], $0x6400, $0x38;
	[tilespmem:$0x19000] =	vst v63  }
0x20f: {  	_ =	swait.ge [sflag:s4], $0x6400  }
0x210: {  	[sflag:s4] =	ssyncset.done $0x0  }
0x211: {  	[sflag:s4] =	ssyncadd.s32 $0xFFFF9C00  }
0x212: {  	[tilespmem:s6], [sflag:$0x2] =	stream.linear.gather [hbm4b:s14+s2], $0x6400, $0x38;
	[tilespmem:$0x19000] =	vst v63  }
0x213: {  	_ =	swait.ge [sflag:s23], $0x6400  }
0x214: {  	[sflag:s23] =	ssyncset.done $0x0  }
0x215: {  	[sflag:s23] =	ssyncadd.s32 $0xFFFF9C00  }
0x216: {  	[hbm4b:s9+s2] =	stream.linear.scatter [tilespmem:s17], [sflag:$0x7], $0x6400, $0x38;
	[tilespmem:$0x19000] =	vst v63  }
0x217: {  	_ =	swait.ge [sflag:s21], $0x6400  }
0x218: {  	[sflag:s21] =	ssyncset.done $0x0  }
0x219: {  	[sflag:s21] =	ssyncadd.s32 $0xFFFF9C00  }
0x21a: {  	[hbm4b:s8+s2] =	stream.linear.scatter [tilespmem:s15], [sflag:$0x8], $0x6400, $0x38;
	[tilespmem:$0x19000] =	vst v63  }
0x21b: {  	_ =	swait.ge [sflag:s11], $0x6400  }
0x21c: {  	[sflag:s11] =	ssyncset.done $0x0  }
0x21d: {  	[sflag:s11] =	ssyncadd.s32 $0xFFFF9C00  }
0x21e: {  	[hbm4b:s7+s2] =	stream.linear.scatter [tilespmem:s2], [sflag:$0x5], $0x6400, $0x38;
	[tilespmem:$0x19000] =	vst v63  }
0x21f: {  	_ =	swait.ge [sflag:s13], $0x6400  }
0x220: {  	[sflag:s13] =	ssyncset.done $0x0  }
0x221: {  	[sflag:s13] =	ssyncadd.s32 $0xFFFF9C00  }
0x222: {  	[hbm4b:s5+s2] =	stream.linear.scatter [tilespmem:s6], [sflag:$0x6], $0x6400, $0x38;
	[tilespmem:$0x19000] =	vst v63  }
0x223: {  	_ =	swait.ge [sflag:s12], $0x6400  }
0x224: {  	[sflag:s12] =	ssyncset.done $0x0  }
0x225: {  	[sflag:s12] =	ssyncadd.s32 $0xFFFF9C00  }
0x226: {  	_ =	swait.ge [sflag:s10], $0x6400  }
0x227: {  	[sflag:s10] =	ssyncset.done $0x0  }
0x228: {  	[sflag:s10] =	ssyncadd.s32 $0xFFFF9C00  }
0x229: {  	_ =	swait.ge [sflag:s3], $0x6400  }
0x22a: {  	s1 =	sld [smem:$0x7C8];
	_ =	sdelay $0x2  }
0x22b: {  	p1 =	sne.s32 s1, $0x1  }
.Ltmp1:
0x22c: {  	_ = 	snop;
	(pc) =	sbr.rel @!p1 .LBB2_3-.Ltmp1, $4  }
0x22d: {  	[sflag:s3] =	ssyncset.done $0x0  }
0x22e: {  	[sflag:s3] =	ssyncadd.s32 $0xFFFF9C00  }
0x22f: {  	p0 =	por $0x1, $0x1;
	_ =	swait.ge [sflag:s4], $0x6400  }
0x230: {  	s1 =	sadd.s32 $0xFFFFFFFF, s1;
	s0 =	rddreg [dreg:$0x2];
	[sflag:s4] =	ssyncset.done $0x0  }
.LBB2_2:
0x231: {  	[sflag:s4] =	ssyncadd.s32 $0xFFFF9C00;
	s10 =	simm.s32 $0x6400  }
0x232: {  	s15 =	smov.u32 s31;
	s31 =	smov.u32 s30;
	s30 =	smov.u32 s29  }
0x233: {  	s29 =	smov.u32 s28;
	s28 =	smov.u32 s26;
	s26 =	smov.u32 s25  }
0x234: {  	s25 =	smov.u32 s24;
	s24 =	smov.u32 s22;
	s22 =	smov.u32 s20  }
0x235: {  	s20 =	smov.u32 s19;
	s19 =	smov.u32 s18;
	s18 =	smov.u32 s16  }
0x236: {  	s16 =	smov.u32 s14;
	s14 =	smov.u32 s9;
	s9 =	smov.u32 s8  }
0x237: {  	[tilespmem:s2], [sflag:$0x1] =	stream.linear.gather [hbm4b:s0+s2], $0x6400, $0x38;
	[tilespmem:$0x19000] =	vst v63  }
0x238: {  	s8 =	smov.u32 s7;
	s7 =	smov.u32 s5;
	s5 =	rddreg [dreg:$0x3]  }
0x239: {  	[tilespmem:s10], [sflag:$0x2] =	stream.linear.gather [hbm4b:s5+s2], $0x6400, $0x38;
	[tilespmem:$0x19000] =	vst v63  }
0x23a: {  	s6 =	simm.s32 $0xC800;
	s0 =	rddreg [dreg:$0x4]  }
0x23b: {  	[tilespmem:s6], [sflag:$0x3] =	stream.linear.gather [hbm4b:s0+s2], $0x6400, $0x38;
	[tilespmem:$0x19000] =	vst v63  }
0x23c: {  	s17 =	simm.s32 $0x12C00;
	s5 =	rddreg [dreg:$0x5]  }
0x23d: {  	[tilespmem:s17], [sflag:$0x4] =	stream.linear.gather [hbm4b:s5+s2], $0x6400, $0x38;
	[tilespmem:$0x19000] =	vst v63  }
0x23e: {  	_ =	swait.ge [sflag:s11], $0x6400  }
0x23f: {  	[sflag:s11] =	ssyncset.done $0x0  }
0x240: {  	s0 =	rddreg [dreg:$0x6];
	[sflag:s11] =	ssyncadd.s32 $0xFFFF9C00  }
0x241: {  	[hbm4b:s0+s2] =	stream.linear.scatter [tilespmem:s2], [sflag:$0x5], $0x6400, $0x38;
	[tilespmem:$0x19000] =	vst v63  }
0x242: {  	_ =	swait.ge [sflag:s3], $0x6400  }
0x243: {  	[sflag:s3] =	ssyncset.done $0x0  }
0x244: {  	s0 =	rddreg [dreg:$0x7];
	[sflag:s3] =	ssyncadd.s32 $0xFFFF9C00  }
0x245: {  	[tilespmem:s2], [sflag:$0x1] =	stream.linear.gather [hbm4b:s0+s2], $0x6400, $0x38;
	[tilespmem:$0x19000] =	vst v63  }
0x246: {  	_ =	swait.ge [sflag:s13], $0x6400  }
0x247: {  	[sflag:s13] =	ssyncset.done $0x0  }
0x248: {  	s6 =	simm.s32 $0x6400;
	s0 =	rddreg [dreg:$0x8];
	[sflag:s13] =	ssyncadd.s32 $0xFFFF9C00  }
0x249: {  	[hbm4b:s0+s2] =	stream.linear.scatter [tilespmem:s6], [sflag:$0x6], $0x6400, $0x38;
	[tilespmem:$0x19000] =	vst v63  }
0x24a: {  	s10 =	simm.s32 $0x8;
	s17 =	simm.s32 $0xC800;
	_ =	swait.ge [sflag:s4], $0x6400  }
0x24b: {  	s5 =	smov.u32 s7;
	s7 =	smov.u32 s8;
	[sflag:s4] =	ssyncset.done $0x0  }
0x24c: {  	s8 =	smov.u32 s9;
	s0 =	rddreg [dreg:$0x9];
	[sflag:s4] =	ssyncadd.s32 $0xFFFF9C00  }
0x24d: {  	[tilespmem:s6], [sflag:$0x2] =	stream.linear.gather [hbm4b:s0+s2], $0x6400, $0x38;
	[tilespmem:$0x19000] =	vst v63  }
0x24e: {  	s9 =	smov.u32 s14;
	s14 =	smov.u32 s16;
	_ =	swait.ge [sflag:s23], $0x6400  }
0x24f: {  	s16 =	smov.u32 s18;
	s18 =	smov.u32 s19;
	[sflag:s23] =	ssyncset.done $0x0  }
0x250: {  	s19 =	smov.u32 s20;
	s0 =	rddreg [dreg:$0xa];
	[sflag:s23] =	ssyncadd.s32 $0xFFFF9C00  }
0x251: {  	[hbm4b:s0+s2] =	stream.linear.scatter [tilespmem:s17], [sflag:$0x7], $0x6400, $0x38;
	[tilespmem:$0x19000] =	vst v63  }
0x252: {  	s20 =	smov.u32 s22;
	s22 =	smov.u32 s24;
	_ =	swait.ge [sflag:s12], $0x6400  }
0x253: {  	s24 =	smov.u32 s25;
	s25 =	smov.u32 s26;
	[sflag:s12] =	ssyncset.done $0x0  }
0x254: {  	s26 =	smov.u32 s28;
	s0 =	rddreg [dreg:$0xb];
	[sflag:s12] =	ssyncadd.s32 $0xFFFF9C00  }
0x255: {  	[tilespmem:s17], [sflag:$0x3] =	stream.linear.gather [hbm4b:s0+s2], $0x6400, $0x38;
	[tilespmem:$0x19000] =	vst v63  }
0x256: {  	s28 =	smov.u32 s29;
	s29 =	smov.u32 s30;
	_ =	swait.ge [sflag:s21], $0x6400  }
0x257: {  	s30 =	smov.u32 s31;
	s31 =	smov.u32 s15;
	[sflag:s21] =	ssyncset.done $0x0  }
0x258: {  	s15 =	simm.s32 $0x12C00;
	s0 =	rddreg [dreg:$0xc];
	[sflag:s21] =	ssyncadd.s32 $0xFFFF9C00  }
0x259: {  	[hbm4b:s0+s2] =	stream.linear.scatter [tilespmem:s15], [sflag:$0x8], $0x6400, $0x38;
	[tilespmem:$0x19000] =	vst v63  }
0x25a: {  	_ =	swait.ge [sflag:s10], $0x6400  }
0x25b: {  	[sflag:s10] =	ssyncset.done $0x0  }
0x25c: {  	s0 =	rddreg [dreg:$0xd];
	[sflag:s10] =	ssyncadd.s32 $0xFFFF9C00  }
0x25d: {  	[tilespmem:s15], [sflag:$0x4] =	stream.linear.gather [hbm4b:s0+s2], $0x6400, $0x38;
	[tilespmem:$0x19000] =	vst v63  }
0x25e: {  	_ =	swait.ge [sflag:s11], $0x6400  }
0x25f: {  	[sflag:s11] =	ssyncset.done $0x0  }
0x260: {  	s0 =	rddreg [dreg:$0xe];
	[sflag:s11] =	ssyncadd.s32 $0xFFFF9C00  }
0x261: {  	[hbm4b:s0+s2] =	stream.linear.scatter [tilespmem:s2], [sflag:$0x5], $0x6400, $0x38;
	[tilespmem:$0x19000] =	vst v63  }
0x262: {  	_ =	swait.ge [sflag:s3], $0x6400  }
0x263: {  	[sflag:s3] =	ssyncset.done $0x0  }
0x264: {  	s0 =	rddreg [dreg:$0xf];
	[sflag:s3] =	ssyncadd.s32 $0xFFFF9C00  }
0x265: {  	[tilespmem:s2], [sflag:$0x1] =	stream.linear.gather [hbm4b:s0+s2], $0x6400, $0x38;
	[tilespmem:$0x19000] =	vst v63  }
0x266: {  	_ =	swait.ge [sflag:s13], $0x6400  }
0x267: {  	[sflag:s13] =	ssyncset.done $0x0  }
0x268: {  	s0 =	rddreg [dreg:$0x10];
	[sflag:s13] =	ssyncadd.s32 $0xFFFF9C00  }
0x269: {  	[hbm4b:s0+s2] =	stream.linear.scatter [tilespmem:s6], [sflag:$0x6], $0x6400, $0x38;
	[tilespmem:$0x19000] =	vst v63  }
0x26a: {  	_ =	swait.ge [sflag:s4], $0x6400  }
0x26b: {  	[sflag:s4] =	ssyncset.done $0x0  }
0x26c: {  	s0 =	rddreg [dreg:$0x11];
	[sflag:s4] =	ssyncadd.s32 $0xFFFF9C00  }
0x26d: {  	[tilespmem:s6], [sflag:$0x2] =	stream.linear.gather [hbm4b:s0+s2], $0x6400, $0x38;
	[tilespmem:$0x19000] =	vst v63  }
0x26e: {  	_ =	swait.ge [sflag:s23], $0x6400  }
0x26f: {  	[sflag:s23] =	ssyncset.done $0x0  }
0x270: {  	s0 =	rddreg [dreg:$0x12];
	[sflag:s23] =	ssyncadd.s32 $0xFFFF9C00  }
0x271: {  	[hbm4b:s0+s2] =	stream.linear.scatter [tilespmem:s17], [sflag:$0x7], $0x6400, $0x38;
	[tilespmem:$0x19000] =	vst v63  }
0x272: {  	_ =	swait.ge [sflag:s12], $0x6400  }
0x273: {  	[sflag:s12] =	ssyncset.done $0x0  }
0x274: {  	s0 =	rddreg [dreg:$0x13];
	[sflag:s12] =	ssyncadd.s32 $0xFFFF9C00  }
0x275: {  	[tilespmem:s17], [sflag:$0x3] =	stream.linear.gather [hbm4b:s0+s2], $0x6400, $0x38;
	[tilespmem:$0x19000] =	vst v63  }
0x276: {  	_ =	swait.ge [sflag:s21], $0x6400  }
0x277: {  	[sflag:s21] =	ssyncset.done $0x0  }
0x278: {  	s0 =	rddreg [dreg:$0x14];
	[sflag:s21] =	ssyncadd.s32 $0xFFFF9C00  }
0x279: {  	[hbm4b:s0+s2] =	stream.linear.scatter [tilespmem:s15], [sflag:$0x8], $0x6400, $0x38;
	[tilespmem:$0x19000] =	vst v63  }
0x27a: {  	_ =	swait.ge [sflag:s10], $0x6400  }
0x27b: {  	[sflag:s10] =	ssyncset.done $0x0  }
0x27c: {  	s0 =	rddreg [dreg:$0x15];
	[sflag:s10] =	ssyncadd.s32 $0xFFFF9C00  }
0x27d: {  	[tilespmem:s15], [sflag:$0x4] =	stream.linear.gather [hbm4b:s0+s2], $0x6400, $0x38;
	[tilespmem:$0x19000] =	vst v63  }
0x27e: {  	_ =	swait.ge [sflag:s11], $0x6400  }
0x27f: {  	[sflag:s11] =	ssyncset.done $0x0  }
0x280: {  	s0 =	rddreg [dreg:$0x16];
	[sflag:s11] =	ssyncadd.s32 $0xFFFF9C00  }
0x281: {  	[hbm4b:s0+s2] =	stream.linear.scatter [tilespmem:s2], [sflag:$0x5], $0x6400, $0x38;
	[tilespmem:$0x19000] =	vst v63  }
0x282: {  	_ =	swait.ge [sflag:s3], $0x6400  }
0x283: {  	[sflag:s3] =	ssyncset.done $0x0  }
0x284: {  	s0 =	rddreg [dreg:$0x17];
	[sflag:s3] =	ssyncadd.s32 $0xFFFF9C00  }
0x285: {  	[tilespmem:s2], [sflag:$0x1] =	stream.linear.gather [hbm4b:s0+s2], $0x6400, $0x38;
	[tilespmem:$0x19000] =	vst v63  }
0x286: {  	_ =	swait.ge [sflag:s13], $0x6400  }
0x287: {  	[sflag:s13] =	ssyncset.done $0x0  }
0x288: {  	s0 =	rddreg [dreg:$0x18];
	[sflag:s13] =	ssyncadd.s32 $0xFFFF9C00  }
0x289: {  	[hbm4b:s0+s2] =	stream.linear.scatter [tilespmem:s6], [sflag:$0x6], $0x6400, $0x38;
	[tilespmem:$0x19000] =	vst v63  }
0x28a: {  	_ =	swait.ge [sflag:s4], $0x6400  }
0x28b: {  	[sflag:s4] =	ssyncset.done $0x0  }
0x28c: {  	s0 =	rddreg [dreg:$0x19];
	[sflag:s4] =	ssyncadd.s32 $0xFFFF9C00  }
0x28d: {  	[tilespmem:s6], [sflag:$0x2] =	stream.linear.gather [hbm4b:s0+s2], $0x6400, $0x38;
	[tilespmem:$0x19000] =	vst v63  }
0x28e: {  	_ =	swait.ge [sflag:s23], $0x6400  }
0x28f: {  	[sflag:s23] =	ssyncset.done $0x0  }
0x290: {  	s0 =	rddreg [dreg:$0x1a];
	[sflag:s23] =	ssyncadd.s32 $0xFFFF9C00  }
0x291: {  	[hbm4b:s0+s2] =	stream.linear.scatter [tilespmem:s17], [sflag:$0x7], $0x6400, $0x38;
	[tilespmem:$0x19000] =	vst v63  }
0x292: {  	_ =	swait.ge [sflag:s12], $0x6400  }
0x293: {  	[sflag:s12] =	ssyncset.done $0x0  }
0x294: {  	s0 =	rddreg [dreg:$0x1b];
	[sflag:s12] =	ssyncadd.s32 $0xFFFF9C00  }
0x295: {  	[tilespmem:s17], [sflag:$0x3] =	stream.linear.gather [hbm4b:s0+s2], $0x6400, $0x38;
	[tilespmem:$0x19000] =	vst v63  }
0x296: {  	_ =	swait.ge [sflag:s21], $0x6400  }
0x297: {  	[sflag:s21] =	ssyncset.done $0x0  }
0x298: {  	s0 =	rddreg [dreg:$0x1c];
	[sflag:s21] =	ssyncadd.s32 $0xFFFF9C00  }
0x299: {  	[hbm4b:s0+s2] =	stream.linear.scatter [tilespmem:s15], [sflag:$0x8], $0x6400, $0x38;
	[tilespmem:$0x19000] =	vst v63  }
0x29a: {  	_ =	swait.ge [sflag:s10], $0x6400  }
0x29b: {  	[sflag:s10] =	ssyncset.done $0x0  }
0x29c: {  	s0 =	rddreg [dreg:$0x1d];
	[sflag:s10] =	ssyncadd.s32 $0xFFFF9C00  }
0x29d: {  	[tilespmem:s15], [sflag:$0x4] =	stream.linear.gather [hbm4b:s0+s2], $0x6400, $0x38;
	[tilespmem:$0x19000] =	vst v63  }
0x29e: {  	_ =	swait.ge [sflag:s11], $0x6400  }
0x29f: {  	[sflag:s11] =	ssyncset.done $0x0  }
0x2a0: {  	s0 =	rddreg [dreg:$0x1e];
	[sflag:s11] =	ssyncadd.s32 $0xFFFF9C00  }
0x2a1: {  	[hbm4b:s0+s2] =	stream.linear.scatter [tilespmem:s2], [sflag:$0x5], $0x6400, $0x38;
	[tilespmem:$0x19000] =	vst v63  }
0x2a2: {  	_ =	swait.ge [sflag:s3], $0x6400  }
0x2a3: {  	[sflag:s3] =	ssyncset.done $0x0  }
0x2a4: {  	s0 =	rddreg [dreg:$0x1f];
	[sflag:s3] =	ssyncadd.s32 $0xFFFF9C00  }
0x2a5: {  	[tilespmem:s2], [sflag:$0x1] =	stream.linear.gather [hbm4b:s0+s2], $0x6400, $0x38;
	[tilespmem:$0x19000] =	vst v63  }
0x2a6: {  	_ =	swait.ge [sflag:s13], $0x6400  }
0x2a7: {  	s0 =	sld [smem:$0x7C9]  }
0x2a8: {  	[sflag:s13] =	ssyncset.done $0x0  }
0x2a9: {  	[sflag:s13] =	ssyncadd.s32 $0xFFFF9C00  }
0x2aa: {  	[hbm4b:s0+s2] =	stream.linear.scatter [tilespmem:s6], [sflag:$0x6], $0x6400, $0x38;
	[tilespmem:$0x19000] =	vst v63  }
0x2ab: {  	_ =	swait.ge [sflag:s4], $0x6400  }
0x2ac: {  	s0 =	sld [smem:$0x7CA]  }
0x2ad: {  	[sflag:s4] =	ssyncset.done $0x0  }
0x2ae: {  	[sflag:s4] =	ssyncadd.s32 $0xFFFF9C00  }
0x2af: {  	[tilespmem:s6], [sflag:$0x2] =	stream.linear.gather [hbm4b:s0+s2], $0x6400, $0x38;
	[tilespmem:$0x19000] =	vst v63  }
0x2b0: {  	_ =	swait.ge [sflag:s23], $0x6400  }
0x2b1: {  	s0 =	sld [smem:$0x7CB]  }
0x2b2: {  	[sflag:s23] =	ssyncset.done $0x0  }
0x2b3: {  	[sflag:s23] =	ssyncadd.s32 $0xFFFF9C00  }
0x2b4: {  	[hbm4b:s0+s2] =	stream.linear.scatter [tilespmem:s17], [sflag:$0x7], $0x6400, $0x38;
	[tilespmem:$0x19000] =	vst v63  }
0x2b5: {  	_ =	swait.ge [sflag:s12], $0x6400  }
0x2b6: {  	s0 =	sld [smem:$0x7CC]  }
0x2b7: {  	[sflag:s12] =	ssyncset.done $0x0  }
0x2b8: {  	[sflag:s12] =	ssyncadd.s32 $0xFFFF9C00  }
0x2b9: {  	[tilespmem:s17], [sflag:$0x3] =	stream.linear.gather [hbm4b:s0+s2], $0x6400, $0x38;
	[tilespmem:$0x19000] =	vst v63  }
0x2ba: {  	_ =	swait.ge [sflag:s21], $0x6400  }
0x2bb: {  	s0 =	sld [smem:$0x7CD]  }
0x2bc: {  	[sflag:s21] =	ssyncset.done $0x0  }
0x2bd: {  	[sflag:s21] =	ssyncadd.s32 $0xFFFF9C00  }
0x2be: {  	[hbm4b:s0+s2] =	stream.linear.scatter [tilespmem:s15], [sflag:$0x8], $0x6400, $0x38;
	[tilespmem:$0x19000] =	vst v63  }
0x2bf: {  	_ =	swait.ge [sflag:s10], $0x6400  }
0x2c0: {  	s0 =	sld [smem:$0x7CE]  }
0x2c1: {  	[sflag:s10] =	ssyncset.done $0x0  }
0x2c2: {  	[sflag:s10] =	ssyncadd.s32 $0xFFFF9C00  }
0x2c3: {  	[tilespmem:s15], [sflag:$0x4] =	stream.linear.gather [hbm4b:s0+s2], $0x6400, $0x38;
	[tilespmem:$0x19000] =	vst v63  }
0x2c4: {  	_ =	swait.ge [sflag:s11], $0x6400  }
0x2c5: {  	s0 =	sld [smem:$0x7CF]  }
0x2c6: {  	[sflag:s11] =	ssyncset.done $0x0  }
0x2c7: {  	[sflag:s11] =	ssyncadd.s32 $0xFFFF9C00  }
0x2c8: {  	[hbm4b:s0+s2] =	stream.linear.scatter [tilespmem:s2], [sflag:$0x5], $0x6400, $0x38;
	[tilespmem:$0x19000] =	vst v63  }
0x2c9: {  	_ =	swait.ge [sflag:s3], $0x6400  }
0x2ca: {  	s0 =	sld [smem:$0x7D0]  }
0x2cb: {  	[sflag:s3] =	ssyncset.done $0x0  }
0x2cc: {  	[sflag:s3] =	ssyncadd.s32 $0xFFFF9C00  }
0x2cd: {  	[tilespmem:s2], [sflag:$0x1] =	stream.linear.gather [hbm4b:s0+s2], $0x6400, $0x38;
	[tilespmem:$0x19000] =	vst v63  }
0x2ce: {  	_ =	swait.ge [sflag:s13], $0x6400  }
0x2cf: {  	s0 =	sld [smem:$0x7D1]  }
0x2d0: {  	[sflag:s13] =	ssyncset.done $0x0  }
0x2d1: {  	[sflag:s13] =	ssyncadd.s32 $0xFFFF9C00  }
0x2d2: {  	[hbm4b:s0+s2] =	stream.linear.scatter [tilespmem:s6], [sflag:$0x6], $0x6400, $0x38;
	[tilespmem:$0x19000] =	vst v63  }
0x2d3: {  	_ =	swait.ge [sflag:s4], $0x6400  }
0x2d4: {  	s0 =	sld [smem:$0x7D2]  }
0x2d5: {  	[sflag:s4] =	ssyncset.done $0x0  }
0x2d6: {  	[sflag:s4] =	ssyncadd.s32 $0xFFFF9C00  }
0x2d7: {  	[tilespmem:s6], [sflag:$0x2] =	stream.linear.gather [hbm4b:s0+s2], $0x6400, $0x38;
	[tilespmem:$0x19000] =	vst v63  }
0x2d8: {  	_ =	swait.ge [sflag:s23], $0x6400  }
0x2d9: {  	s0 =	sld [smem:$0x7D3]  }
0x2da: {  	[sflag:s23] =	ssyncset.done $0x0  }
0x2db: {  	[sflag:s23] =	ssyncadd.s32 $0xFFFF9C00  }
0x2dc: {  	[hbm4b:s0+s2] =	stream.linear.scatter [tilespmem:s17], [sflag:$0x7], $0x6400, $0x38;
	[tilespmem:$0x19000] =	vst v63  }
0x2dd: {  	_ =	swait.ge [sflag:s12], $0x6400  }
0x2de: {  	s0 =	sld [smem:$0x7D4]  }
0x2df: {  	[sflag:s12] =	ssyncset.done $0x0  }
0x2e0: {  	[sflag:s12] =	ssyncadd.s32 $0xFFFF9C00  }
0x2e1: {  	[tilespmem:s17], [sflag:$0x3] =	stream.linear.gather [hbm4b:s0+s2], $0x6400, $0x38;
	[tilespmem:$0x19000] =	vst v63  }
0x2e2: {  	_ =	swait.ge [sflag:s21], $0x6400  }
0x2e3: {  	s0 =	sld [smem:$0x7D5]  }
0x2e4: {  	[sflag:s21] =	ssyncset.done $0x0  }
0x2e5: {  	[sflag:s21] =	ssyncadd.s32 $0xFFFF9C00  }
0x2e6: {  	[hbm4b:s0+s2] =	stream.linear.scatter [tilespmem:s15], [sflag:$0x8], $0x6400, $0x38;
	[tilespmem:$0x19000] =	vst v63  }
0x2e7: {  	_ =	swait.ge [sflag:s10], $0x6400  }
0x2e8: {  	s0 =	sld [smem:$0x7D6]  }
0x2e9: {  	[sflag:s10] =	ssyncset.done $0x0  }
0x2ea: {  	[sflag:s10] =	ssyncadd.s32 $0xFFFF9C00  }
0x2eb: {  	[tilespmem:s15], [sflag:$0x4] =	stream.linear.gather [hbm4b:s0+s2], $0x6400, $0x38;
	[tilespmem:$0x19000] =	vst v63  }
0x2ec: {  	_ =	swait.ge [sflag:s11], $0x6400  }
0x2ed: {  	s0 =	sld [smem:$0x7D7]  }
0x2ee: {  	[sflag:s11] =	ssyncset.done $0x0  }
0x2ef: {  	[sflag:s11] =	ssyncadd.s32 $0xFFFF9C00  }
0x2f0: {  	[hbm4b:s0+s2] =	stream.linear.scatter [tilespmem:s2], [sflag:$0x5], $0x6400, $0x38;
	[tilespmem:$0x19000] =	vst v63  }
0x2f1: {  	_ =	swait.ge [sflag:s3], $0x6400  }
0x2f2: {  	s0 =	sld [smem:$0x7D8]  }
0x2f3: {  	[sflag:s3] =	ssyncset.done $0x0  }
0x2f4: {  	[sflag:s3] =	ssyncadd.s32 $0xFFFF9C00  }
0x2f5: {  	[tilespmem:s2], [sflag:$0x1] =	stream.linear.gather [hbm4b:s0+s2], $0x6400, $0x38;
	[tilespmem:$0x19000] =	vst v63  }
0x2f6: {  	_ =	swait.ge [sflag:s13], $0x6400  }
0x2f7: {  	s0 =	sld [smem:$0x7D9]  }
0x2f8: {  	[sflag:s13] =	ssyncset.done $0x0  }
0x2f9: {  	[sflag:s13] =	ssyncadd.s32 $0xFFFF9C00  }
0x2fa: {  	[hbm4b:s0+s2] =	stream.linear.scatter [tilespmem:s6], [sflag:$0x6], $0x6400, $0x38;
	[tilespmem:$0x19000] =	vst v63  }
0x2fb: {  	_ =	swait.ge [sflag:s4], $0x6400  }
0x2fc: {  	s0 =	sld [smem:$0x7DA]  }
0x2fd: {  	[sflag:s4] =	ssyncset.done $0x0  }
0x2fe: {  	[sflag:s4] =	ssyncadd.s32 $0xFFFF9C00  }
0x2ff: {  	[tilespmem:s6], [sflag:$0x2] =	stream.linear.gather [hbm4b:s0+s2], $0x6400, $0x38;
	[tilespmem:$0x19000] =	vst v63  }
0x300: {  	_ =	swait.ge [sflag:s23], $0x6400  }
0x301: {  	s0 =	sld [smem:$0x7DB]  }
0x302: {  	[sflag:s23] =	ssyncset.done $0x0  }
0x303: {  	[sflag:s23] =	ssyncadd.s32 $0xFFFF9C00  }
0x304: {  	[hbm4b:s0+s2] =	stream.linear.scatter [tilespmem:s17], [sflag:$0x7], $0x6400, $0x38;
	[tilespmem:$0x19000] =	vst v63  }
0x305: {  	_ =	swait.ge [sflag:s12], $0x6400  }
0x306: {  	s0 =	sld [smem:$0x7DC]  }
0x307: {  	[sflag:s12] =	ssyncset.done $0x0  }
0x308: {  	[sflag:s12] =	ssyncadd.s32 $0xFFFF9C00  }
0x309: {  	[tilespmem:s17], [sflag:$0x3] =	stream.linear.gather [hbm4b:s0+s2], $0x6400, $0x38;
	[tilespmem:$0x19000] =	vst v63  }
0x30a: {  	_ =	swait.ge [sflag:s21], $0x6400  }
0x30b: {  	s0 =	sld [smem:$0x7DD]  }
0x30c: {  	[sflag:s21] =	ssyncset.done $0x0  }
0x30d: {  	[sflag:s21] =	ssyncadd.s32 $0xFFFF9C00  }
0x30e: {  	[hbm4b:s0+s2] =	stream.linear.scatter [tilespmem:s15], [sflag:$0x8], $0x6400, $0x38;
	[tilespmem:$0x19000] =	vst v63  }
0x30f: {  	_ =	swait.ge [sflag:s10], $0x6400  }
0x310: {  	s0 =	sld [smem:$0x7DE]  }
0x311: {  	[sflag:s10] =	ssyncset.done $0x0  }
0x312: {  	[sflag:s10] =	ssyncadd.s32 $0xFFFF9C00  }
0x313: {  	[tilespmem:s15], [sflag:$0x4] =	stream.linear.gather [hbm4b:s0+s2], $0x6400, $0x38;
	[tilespmem:$0x19000] =	vst v63  }
0x314: {  	_ =	swait.ge [sflag:s11], $0x6400  }
0x315: {  	s0 =	sld [smem:$0x7DF]  }
0x316: {  	[sflag:s11] =	ssyncset.done $0x0  }
0x317: {  	[sflag:s11] =	ssyncadd.s32 $0xFFFF9C00  }
0x318: {  	[hbm4b:s0+s2] =	stream.linear.scatter [tilespmem:s2], [sflag:$0x5], $0x6400, $0x38;
	[tilespmem:$0x19000] =	vst v63  }
0x319: {  	_ =	swait.ge [sflag:s3], $0x6400  }
0x31a: {  	s0 =	sld [smem:$0x7E0]  }
0x31b: {  	[sflag:s3] =	ssyncset.done $0x0  }
0x31c: {  	[sflag:s3] =	ssyncadd.s32 $0xFFFF9C00  }
0x31d: {  	[tilespmem:s2], [sflag:$0x1] =	stream.linear.gather [hbm4b:s0+s2], $0x6400, $0x38;
	[tilespmem:$0x19000] =	vst v63  }
0x31e: {  	_ =	swait.ge [sflag:s13], $0x6400  }
0x31f: {  	s0 =	sld [smem:$0x7E1]  }
0x320: {  	[sflag:s13] =	ssyncset.done $0x0  }
0x321: {  	[sflag:s13] =	ssyncadd.s32 $0xFFFF9C00  }
0x322: {  	[hbm4b:s0+s2] =	stream.linear.scatter [tilespmem:s6], [sflag:$0x6], $0x6400, $0x38;
	[tilespmem:$0x19000] =	vst v63  }
0x323: {  	_ =	swait.ge [sflag:s4], $0x6400  }
0x324: {  	s0 =	sld [smem:$0x7E2]  }
0x325: {  	[sflag:s4] =	ssyncset.done $0x0  }
0x326: {  	[sflag:s4] =	ssyncadd.s32 $0xFFFF9C00  }
0x327: {  	[tilespmem:s6], [sflag:$0x2] =	stream.linear.gather [hbm4b:s0+s2], $0x6400, $0x38;
	[tilespmem:$0x19000] =	vst v63  }
0x328: {  	_ =	swait.ge [sflag:s23], $0x6400  }
0x329: {  	s0 =	sld [smem:$0x7E3]  }
0x32a: {  	[sflag:s23] =	ssyncset.done $0x0  }
0x32b: {  	[sflag:s23] =	ssyncadd.s32 $0xFFFF9C00  }
0x32c: {  	[hbm4b:s0+s2] =	stream.linear.scatter [tilespmem:s17], [sflag:$0x7], $0x6400, $0x38;
	[tilespmem:$0x19000] =	vst v63  }
0x32d: {  	_ =	swait.ge [sflag:s12], $0x6400  }
0x32e: {  	s0 =	sld [smem:$0x7E4]  }
0x32f: {  	[sflag:s12] =	ssyncset.done $0x0  }
0x330: {  	[sflag:s12] =	ssyncadd.s32 $0xFFFF9C00  }
0x331: {  	[tilespmem:s17], [sflag:$0x3] =	stream.linear.gather [hbm4b:s0+s2], $0x6400, $0x38;
	[tilespmem:$0x19000] =	vst v63  }
0x332: {  	_ =	swait.ge [sflag:s21], $0x6400  }
0x333: {  	s0 =	sld [smem:$0x7E5]  }
0x334: {  	[sflag:s21] =	ssyncset.done $0x0  }
0x335: {  	[sflag:s21] =	ssyncadd.s32 $0xFFFF9C00  }
0x336: {  	[hbm4b:s0+s2] =	stream.linear.scatter [tilespmem:s15], [sflag:$0x8], $0x6400, $0x38;
	[tilespmem:$0x19000] =	vst v63  }
0x337: {  	_ =	swait.ge [sflag:s10], $0x6400  }
0x338: {  	s0 =	sld [smem:$0x7E6]  }
0x339: {  	[sflag:s10] =	ssyncset.done $0x0  }
0x33a: {  	[sflag:s10] =	ssyncadd.s32 $0xFFFF9C00  }
0x33b: {  	[tilespmem:s15], [sflag:$0x4] =	stream.linear.gather [hbm4b:s0+s2], $0x6400, $0x38;
	[tilespmem:$0x19000] =	vst v63  }
0x33c: {  	_ =	swait.ge [sflag:s11], $0x6400  }
0x33d: {  	s0 =	sld [smem:$0x7E7]  }
0x33e: {  	[sflag:s11] =	ssyncset.done $0x0  }
0x33f: {  	[sflag:s11] =	ssyncadd.s32 $0xFFFF9C00  }
0x340: {  	[hbm4b:s0+s2] =	stream.linear.scatter [tilespmem:s2], [sflag:$0x5], $0x6400, $0x38;
	[tilespmem:$0x19000] =	vst v63  }
0x341: {  	_ =	swait.ge [sflag:s3], $0x6400  }
0x342: {  	s0 =	sld [smem:$0x7E8]  }
0x343: {  	[sflag:s3] =	ssyncset.done $0x0  }
0x344: {  	[sflag:s3] =	ssyncadd.s32 $0xFFFF9C00  }
0x345: {  	[tilespmem:s2], [sflag:$0x1] =	stream.linear.gather [hbm4b:s0+s2], $0x6400, $0x38;
	[tilespmem:$0x19000] =	vst v63  }
0x346: {  	_ =	swait.ge [sflag:s13], $0x6400  }
0x347: {  	s0 =	sld [smem:$0x7E9]  }
0x348: {  	[sflag:s13] =	ssyncset.done $0x0  }
0x349: {  	[sflag:s13] =	ssyncadd.s32 $0xFFFF9C00  }
0x34a: {  	[hbm4b:s0+s2] =	stream.linear.scatter [tilespmem:s6], [sflag:$0x6], $0x6400, $0x38;
	[tilespmem:$0x19000] =	vst v63  }
0x34b: {  	_ =	swait.ge [sflag:s4], $0x6400  }
0x34c: {  	s0 =	sld [smem:$0x7EA]  }
0x34d: {  	[sflag:s4] =	ssyncset.done $0x0  }
0x34e: {  	[sflag:s4] =	ssyncadd.s32 $0xFFFF9C00  }
0x34f: {  	[tilespmem:s6], [sflag:$0x2] =	stream.linear.gather [hbm4b:s0+s2], $0x6400, $0x38;
	[tilespmem:$0x19000] =	vst v63  }
0x350: {  	_ =	swait.ge [sflag:s23], $0x6400  }
0x351: {  	s0 =	sld [smem:$0x7EB]  }
0x352: {  	[sflag:s23] =	ssyncset.done $0x0  }
0x353: {  	[sflag:s23] =	ssyncadd.s32 $0xFFFF9C00  }
0x354: {  	[hbm4b:s0+s2] =	stream.linear.scatter [tilespmem:s17], [sflag:$0x7], $0x6400, $0x38;
	[tilespmem:$0x19000] =	vst v63  }
0x355: {  	_ =	swait.ge [sflag:s12], $0x6400  }
0x356: {  	s0 =	sld [smem:$0x7EC]  }
0x357: {  	[sflag:s12] =	ssyncset.done $0x0  }
0x358: {  	[sflag:s12] =	ssyncadd.s32 $0xFFFF9C00  }
0x359: {  	[tilespmem:s17], [sflag:$0x3] =	stream.linear.gather [hbm4b:s0+s2], $0x6400, $0x38;
	[tilespmem:$0x19000] =	vst v63  }
0x35a: {  	_ =	swait.ge [sflag:s21], $0x6400  }
0x35b: {  	s0 =	sld [smem:$0x7ED]  }
0x35c: {  	[sflag:s21] =	ssyncset.done $0x0  }
0x35d: {  	[sflag:s21] =	ssyncadd.s32 $0xFFFF9C00  }
0x35e: {  	[hbm4b:s0+s2] =	stream.linear.scatter [tilespmem:s15], [sflag:$0x8], $0x6400, $0x38;
	[tilespmem:$0x19000] =	vst v63  }
0x35f: {  	_ =	swait.ge [sflag:s10], $0x6400  }
0x360: {  	s0 =	sld [smem:$0x7EE]  }
0x361: {  	[sflag:s10] =	ssyncset.done $0x0  }
0x362: {  	[sflag:s10] =	ssyncadd.s32 $0xFFFF9C00  }
0x363: {  	[tilespmem:s15], [sflag:$0x4] =	stream.linear.gather [hbm4b:s0+s2], $0x6400, $0x38;
	[tilespmem:$0x19000] =	vst v63  }
0x364: {  	_ =	swait.ge [sflag:s11], $0x6400  }
0x365: {  	s0 =	sld [smem:$0x7EF]  }
0x366: {  	[sflag:s11] =	ssyncset.done $0x0  }
0x367: {  	[sflag:s11] =	ssyncadd.s32 $0xFFFF9C00  }
0x368: {  	[hbm4b:s0+s2] =	stream.linear.scatter [tilespmem:s2], [sflag:$0x5], $0x6400, $0x38;
	[tilespmem:$0x19000] =	vst v63  }
0x369: {  	_ =	swait.ge [sflag:s3], $0x6400  }
0x36a: {  	s0 =	sld [smem:$0x7F0]  }
0x36b: {  	[sflag:s3] =	ssyncset.done $0x0  }
0x36c: {  	[sflag:s3] =	ssyncadd.s32 $0xFFFF9C00  }
0x36d: {  	[tilespmem:s2], [sflag:$0x1] =	stream.linear.gather [hbm4b:s0+s2], $0x6400, $0x38;
	[tilespmem:$0x19000] =	vst v63  }
0x36e: {  	_ =	swait.ge [sflag:s13], $0x6400  }
0x36f: {  	s0 =	sld [smem:$0x7F1]  }
0x370: {  	[sflag:s13] =	ssyncset.done $0x0  }
0x371: {  	[sflag:s13] =	ssyncadd.s32 $0xFFFF9C00  }
0x372: {  	[hbm4b:s0+s2] =	stream.linear.scatter [tilespmem:s6], [sflag:$0x6], $0x6400, $0x38;
	[tilespmem:$0x19000] =	vst v63  }
0x373: {  	_ =	swait.ge [sflag:s4], $0x6400  }
0x374: {  	s0 =	sld [smem:$0x7F2]  }
0x375: {  	[sflag:s4] =	ssyncset.done $0x0  }
0x376: {  	[sflag:s4] =	ssyncadd.s32 $0xFFFF9C00  }
0x377: {  	[tilespmem:s6], [sflag:$0x2] =	stream.linear.gather [hbm4b:s0+s2], $0x6400, $0x38;
	[tilespmem:$0x19000] =	vst v63  }
0x378: {  	_ =	swait.ge [sflag:s23], $0x6400  }
0x379: {  	s0 =	sld [smem:$0x7F3]  }
0x37a: {  	[sflag:s23] =	ssyncset.done $0x0  }
0x37b: {  	[sflag:s23] =	ssyncadd.s32 $0xFFFF9C00  }
0x37c: {  	[hbm4b:s0+s2] =	stream.linear.scatter [tilespmem:s17], [sflag:$0x7], $0x6400, $0x38;
	[tilespmem:$0x19000] =	vst v63  }
0x37d: {  	_ =	swait.ge [sflag:s12], $0x6400  }
0x37e: {  	s0 =	sld [smem:$0x7F4]  }
0x37f: {  	[sflag:s12] =	ssyncset.done $0x0  }
0x380: {  	[sflag:s12] =	ssyncadd.s32 $0xFFFF9C00  }
0x381: {  	[tilespmem:s17], [sflag:$0x3] =	stream.linear.gather [hbm4b:s0+s2], $0x6400, $0x38;
	[tilespmem:$0x19000] =	vst v63  }
0x382: {  	_ =	swait.ge [sflag:s21], $0x6400  }
0x383: {  	s0 =	sld [smem:$0x7F5]  }
0x384: {  	[sflag:s21] =	ssyncset.done $0x0  }
0x385: {  	[sflag:s21] =	ssyncadd.s32 $0xFFFF9C00  }
0x386: {  	[hbm4b:s0+s2] =	stream.linear.scatter [tilespmem:s15], [sflag:$0x8], $0x6400, $0x38;
	[tilespmem:$0x19000] =	vst v63  }
0x387: {  	_ =	swait.ge [sflag:s10], $0x6400  }
0x388: {  	s0 =	sld [smem:$0x7F6]  }
0x389: {  	[sflag:s10] =	ssyncset.done $0x0  }
0x38a: {  	[sflag:s10] =	ssyncadd.s32 $0xFFFF9C00  }
0x38b: {  	[tilespmem:s15], [sflag:$0x4] =	stream.linear.gather [hbm4b:s0+s2], $0x6400, $0x38;
	[tilespmem:$0x19000] =	vst v63  }
0x38c: {  	_ =	swait.ge [sflag:s11], $0x6400  }
0x38d: {  	s0 =	sld [smem:$0x7F7]  }
0x38e: {  	[sflag:s11] =	ssyncset.done $0x0  }
0x38f: {  	[sflag:s11] =	ssyncadd.s32 $0xFFFF9C00  }
0x390: {  	[hbm4b:s0+s2] =	stream.linear.scatter [tilespmem:s2], [sflag:$0x5], $0x6400, $0x38;
	[tilespmem:$0x19000] =	vst v63  }
0x391: {  	_ =	swait.ge [sflag:s3], $0x6400  }
0x392: {  	s0 =	sld [smem:$0x7F8]  }
0x393: {  	[sflag:s3] =	ssyncset.done $0x0  }
0x394: {  	[sflag:s3] =	ssyncadd.s32 $0xFFFF9C00  }
0x395: {  	[tilespmem:s2], [sflag:$0x1] =	stream.linear.gather [hbm4b:s0+s2], $0x6400, $0x38;
	[tilespmem:$0x19000] =	vst v63  }
0x396: {  	_ =	swait.ge [sflag:s13], $0x6400  }
0x397: {  	s0 =	sld [smem:$0x7F9]  }
0x398: {  	[sflag:s13] =	ssyncset.done $0x0  }
0x399: {  	[sflag:s13] =	ssyncadd.s32 $0xFFFF9C00  }
0x39a: {  	[hbm4b:s0+s2] =	stream.linear.scatter [tilespmem:s6], [sflag:$0x6], $0x6400, $0x38;
	[tilespmem:$0x19000] =	vst v63  }
0x39b: {  	_ =	swait.ge [sflag:s4], $0x6400  }
0x39c: {  	s0 =	sld [smem:$0x7FA]  }
0x39d: {  	[sflag:s4] =	ssyncset.done $0x0  }
0x39e: {  	[sflag:s4] =	ssyncadd.s32 $0xFFFF9C00  }
0x39f: {  	[tilespmem:s6], [sflag:$0x2] =	stream.linear.gather [hbm4b:s0+s2], $0x6400, $0x38;
	[tilespmem:$0x19000] =	vst v63  }
0x3a0: {  	_ =	swait.ge [sflag:s23], $0x6400  }
0x3a1: {  	s0 =	sld [smem:$0x7FB]  }
0x3a2: {  	[sflag:s23] =	ssyncset.done $0x0  }
0x3a3: {  	[sflag:s23] =	ssyncadd.s32 $0xFFFF9C00  }
0x3a4: {  	[hbm4b:s0+s2] =	stream.linear.scatter [tilespmem:s17], [sflag:$0x7], $0x6400, $0x38;
	[tilespmem:$0x19000] =	vst v63  }
0x3a5: {  	_ =	swait.ge [sflag:s12], $0x6400  }
0x3a6: {  	s0 =	sld [smem:$0x7FC]  }
0x3a7: {  	[sflag:s12] =	ssyncset.done $0x0  }
0x3a8: {  	[sflag:s12] =	ssyncadd.s32 $0xFFFF9C00  }
0x3a9: {  	[tilespmem:s17], [sflag:$0x3] =	stream.linear.gather [hbm4b:s0+s2], $0x6400, $0x38;
	[tilespmem:$0x19000] =	vst v63  }
0x3aa: {  	_ =	swait.ge [sflag:s21], $0x6400  }
0x3ab: {  	s0 =	sld [smem:$0x7FD]  }
0x3ac: {  	[sflag:s21] =	ssyncset.done $0x0  }
0x3ad: {  	[sflag:s21] =	ssyncadd.s32 $0xFFFF9C00  }
0x3ae: {  	[hbm4b:s0+s2] =	stream.linear.scatter [tilespmem:s15], [sflag:$0x8], $0x6400, $0x38;
	[tilespmem:$0x19000] =	vst v63  }
0x3af: {  	_ =	swait.ge [sflag:s10], $0x6400  }
0x3b0: {  	[sflag:s10] =	ssyncset.done $0x0  }
0x3b1: {  	[sflag:s10] =	ssyncadd.s32 $0xFFFF9C00  }
0x3b2: {  	[tilespmem:s15], [sflag:$0x4] =	stream.linear.gather [hbm4b:s31+s2], $0x6400, $0x38;
	[tilespmem:$0x19000] =	vst v63  }
0x3b3: {  	_ =	swait.ge [sflag:s11], $0x6400  }
0x3b4: {  	[sflag:s11] =	ssyncset.done $0x0  }
0x3b5: {  	[sflag:s11] =	ssyncadd.s32 $0xFFFF9C00  }
0x3b6: {  	[hbm4b:s30+s2] =	stream.linear.scatter [tilespmem:s2], [sflag:$0x5], $0x6400, $0x38;
	[tilespmem:$0x19000] =	vst v63  }
0x3b7: {  	_ =	swait.ge [sflag:s3], $0x6400  }
0x3b8: {  	[sflag:s3] =	ssyncset.done $0x0  }
0x3b9: {  	[sflag:s3] =	ssyncadd.s32 $0xFFFF9C00  }
0x3ba: {  	[tilespmem:s2], [sflag:$0x1] =	stream.linear.gather [hbm4b:s29+s2], $0x6400, $0x38;
	[tilespmem:$0x19000] =	vst v63  }
0x3bb: {  	_ =	swait.ge [sflag:s13], $0x6400  }
0x3bc: {  	[sflag:s13] =	ssyncset.done $0x0  }
0x3bd: {  	[sflag:s13] =	ssyncadd.s32 $0xFFFF9C00  }
0x3be: {  	[hbm4b:s28+s2] =	stream.linear.scatter [tilespmem:s6], [sflag:$0x6], $0x6400, $0x38;
	[tilespmem:$0x19000] =	vst v63  }
0x3bf: {  	_ =	swait.ge [sflag:s4], $0x6400  }
0x3c0: {  	[sflag:s4] =	ssyncset.done $0x0  }
0x3c1: {  	[sflag:s4] =	ssyncadd.s32 $0xFFFF9C00  }
0x3c2: {  	[tilespmem:s6], [sflag:$0x2] =	stream.linear.gather [hbm4b:s26+s2], $0x6400, $0x38;
	[tilespmem:$0x19000] =	vst v63  }
0x3c3: {  	_ =	swait.ge [sflag:s23], $0x6400  }
0x3c4: {  	[sflag:s23] =	ssyncset.done $0x0  }
0x3c5: {  	[sflag:s23] =	ssyncadd.s32 $0xFFFF9C00  }
0x3c6: {  	[hbm4b:s25+s2] =	stream.linear.scatter [tilespmem:s17], [sflag:$0x7], $0x6400, $0x38;
	[tilespmem:$0x19000] =	vst v63  }
0x3c7: {  	_ =	swait.ge [sflag:s12], $0x6400  }
0x3c8: {  	[sflag:s12] =	ssyncset.done $0x0  }
0x3c9: {  	[sflag:s12] =	ssyncadd.s32 $0xFFFF9C00  }
0x3ca: {  	[tilespmem:s17], [sflag:$0x3] =	stream.linear.gather [hbm4b:s24+s2], $0x6400, $0x38;
	[tilespmem:$0x19000] =	vst v63  }
0x3cb: {  	_ =	swait.ge [sflag:s21], $0x6400  }
0x3cc: {  	[sflag:s21] =	ssyncset.done $0x0  }
0x3cd: {  	[sflag:s21] =	ssyncadd.s32 $0xFFFF9C00  }
0x3ce: {  	[hbm4b:s22+s2] =	stream.linear.scatter [tilespmem:s15], [sflag:$0x8], $0x6400, $0x38;
	[tilespmem:$0x19000] =	vst v63  }
0x3cf: {  	_ =	swait.ge [sflag:s10], $0x6400  }
0x3d0: {  	[sflag:s10] =	ssyncset.done $0x0  }
0x3d1: {  	[sflag:s10] =	ssyncadd.s32 $0xFFFF9C00  }
0x3d2: {  	[tilespmem:s15], [sflag:$0x4] =	stream.linear.gather [hbm4b:s20+s2], $0x6400, $0x38;
	[tilespmem:$0x19000] =	vst v63  }
0x3d3: {  	_ =	swait.ge [sflag:s11], $0x6400  }
0x3d4: {  	[sflag:s11] =	ssyncset.done $0x0  }
0x3d5: {  	[sflag:s11] =	ssyncadd.s32 $0xFFFF9C00  }
0x3d6: {  	[hbm4b:s19+s2] =	stream.linear.scatter [tilespmem:s2], [sflag:$0x5], $0x6400, $0x38;
	[tilespmem:$0x19000] =	vst v63  }
0x3d7: {  	_ =	swait.ge [sflag:s3], $0x6400  }
0x3d8: {  	[sflag:s3] =	ssyncset.done $0x0  }
0x3d9: {  	[sflag:s3] =	ssyncadd.s32 $0xFFFF9C00  }
0x3da: {  	[tilespmem:s2], [sflag:$0x1] =	stream.linear.gather [hbm4b:s18+s2], $0x6400, $0x38;
	[tilespmem:$0x19000] =	vst v63  }
0x3db: {  	_ =	swait.ge [sflag:s13], $0x6400  }
0x3dc: {  	[sflag:s13] =	ssyncset.done $0x0  }
0x3dd: {  	[sflag:s13] =	ssyncadd.s32 $0xFFFF9C00  }
0x3de: {  	[hbm4b:s16+s2] =	stream.linear.scatter [tilespmem:s6], [sflag:$0x6], $0x6400, $0x38;
	[tilespmem:$0x19000] =	vst v63  }
0x3df: {  	_ =	swait.ge [sflag:s4], $0x6400  }
0x3e0: {  	[sflag:s4] =	ssyncset.done $0x0  }
0x3e1: {  	[sflag:s4] =	ssyncadd.s32 $0xFFFF9C00  }
0x3e2: {  	[tilespmem:s6], [sflag:$0x2] =	stream.linear.gather [hbm4b:s14+s2], $0x6400, $0x38;
	[tilespmem:$0x19000] =	vst v63  }
0x3e3: {  	_ =	swait.ge [sflag:s23], $0x6400  }
0x3e4: {  	[sflag:s23] =	ssyncset.done $0x0  }
0x3e5: {  	[sflag:s23] =	ssyncadd.s32 $0xFFFF9C00  }
0x3e6: {  	[hbm4b:s9+s2] =	stream.linear.scatter [tilespmem:s17], [sflag:$0x7], $0x6400, $0x38;
	[tilespmem:$0x19000] =	vst v63  }
0x3e7: {  	_ =	swait.ge [sflag:s21], $0x6400  }
0x3e8: {  	[sflag:s21] =	ssyncset.done $0x0  }
0x3e9: {  	[sflag:s21] =	ssyncadd.s32 $0xFFFF9C00  }
0x3ea: {  	[hbm4b:s8+s2] =	stream.linear.scatter [tilespmem:s15], [sflag:$0x8], $0x6400, $0x38;
	[tilespmem:$0x19000] =	vst v63  }
0x3eb: {  	_ =	swait.ge [sflag:s11], $0x6400  }
0x3ec: {  	[sflag:s11] =	ssyncset.done $0x0  }
0x3ed: {  	[sflag:s11] =	ssyncadd.s32 $0xFFFF9C00  }
0x3ee: {  	[hbm4b:s7+s2] =	stream.linear.scatter [tilespmem:s2], [sflag:$0x5], $0x6400, $0x38;
	[tilespmem:$0x19000] =	vst v63  }
0x3ef: {  	_ =	swait.ge [sflag:s13], $0x6400  }
0x3f0: {  	[sflag:s13] =	ssyncset.done $0x0  }
0x3f1: {  	[sflag:s13] =	ssyncadd.s32 $0xFFFF9C00  }
0x3f2: {  	[hbm4b:s5+s2] =	stream.linear.scatter [tilespmem:s6], [sflag:$0x6], $0x6400, $0x38;
	[tilespmem:$0x19000] =	vst v63  }
0x3f3: {  	_ =	swait.ge [sflag:s12], $0x6400  }
0x3f4: {  	[sflag:s12] =	ssyncset.done $0x0  }
0x3f5: {  	[sflag:s12] =	ssyncadd.s32 $0xFFFF9C00  }
0x3f6: {  	_ =	swait.ge [sflag:s10], $0x6400  }
0x3f7: {  	[sflag:s10] =	ssyncset.done $0x0  }
0x3f8: {  	p1 =	sne.s32 s1, $0x1;
	[sflag:s10] =	ssyncadd.s32 $0xFFFF9C00  }
.Ltmp2:
0x3f9: {  	_ =	swait.ge [sflag:s3], $0x6400;
	(pc) =	sbr.rel @p1 .LBB2_2-.Ltmp2, $4  }
0x3fa: {  	[sflag:s3] =	ssyncset.done $0x0  }
0x3fb: {  	[sflag:s3] =	ssyncadd.s32 $0xFFFF9C00  }
0x3fc: {  	_ =	swait.ge [sflag:s4], $0x6400  }
0x3fd: {  	s1 =	sadd.s32 $0xFFFFFFFF, s1;
	s0 =	rddreg [dreg:$0x2];
	[sflag:s4] =	ssyncset.done $0x0  }
.LBB2_3:
0x3fe: {  	[sflag:s4] =	ssyncadd.s32 @p0 $0xFFFF9C00  }
0x3ff: {  	[tilespmem:s2], [sflag:$0x1] =	stream.linear.gather [hbm4b:s0+s2], $0x6400, $0x38;
	[tilespmem:$0x19000] =	vst v63  }
0x400: {  	s1 =	rddreg [dreg:$0x3]  }
0x401: {  	[tilespmem:s6], [sflag:$0x2] =	stream.linear.gather [hbm4b:s1+s2], $0x6400, $0x38;
	[tilespmem:$0x19000] =	vst v63  }
0x402: {  	s0 =	rddreg [dreg:$0x4]  }
0x403: {  	[tilespmem:s17], [sflag:$0x3] =	stream.linear.gather [hbm4b:s0+s2], $0x6400, $0x38;
	[tilespmem:$0x19000] =	vst v63  }
0x404: {  	s1 =	rddreg [dreg:$0x5]  }
0x405: {  	[tilespmem:s15], [sflag:$0x4] =	stream.linear.gather [hbm4b:s1+s2], $0x6400, $0x38;
	[tilespmem:$0x19000] =	vst v63  }
0x406: {  	_ =	swait.ge [sflag:s11], $0x6400  }
0x407: {  	[sflag:s11] =	ssyncset.done $0x0  }
0x408: {  	s1 =	rddreg [dreg:$0x6];
	[sflag:s11] =	ssyncadd.s32 $0xFFFF9C00  }
0x409: {  	[hbm4b:s1+s2] =	stream.linear.scatter [tilespmem:s2], [sflag:$0x5], $0x6400, $0x38;
	[tilespmem:$0x19000] =	vst v63  }
0x40a: {  	_ =	swait.ge [sflag:s3], $0x6400  }
0x40b: {  	[sflag:s3] =	ssyncset.done $0x0  }
0x40c: {  	s1 =	rddreg [dreg:$0x7];
	[sflag:s3] =	ssyncadd.s32 $0xFFFF9C00  }
0x40d: {  	[tilespmem:s2], [sflag:$0x1] =	stream.linear.gather [hbm4b:s1+s2], $0x6400, $0x38;
	[tilespmem:$0x19000] =	vst v63  }
0x40e: {  	_ =	swait.ge [sflag:s13], $0x6400  }
0x40f: {  	[sflag:s13] =	ssyncset.done $0x0  }
0x410: {  	s1 =	rddreg [dreg:$0x8];
	[sflag:s13] =	ssyncadd.s32 $0xFFFF9C00  }
0x411: {  	[hbm4b:s1+s2] =	stream.linear.scatter [tilespmem:s6], [sflag:$0x6], $0x6400, $0x38;
	[tilespmem:$0x19000] =	vst v63  }
0x412: {  	_ =	swait.ge [sflag:s4], $0x6400  }
0x413: {  	[sflag:s4] =	ssyncset.done $0x0  }
0x414: {  	s1 =	rddreg [dreg:$0x9];
	[sflag:s4] =	ssyncadd.s32 $0xFFFF9C00  }
0x415: {  	[tilespmem:s6], [sflag:$0x2] =	stream.linear.gather [hbm4b:s1+s2], $0x6400, $0x38;
	[tilespmem:$0x19000] =	vst v63  }
0x416: {  	_ =	swait.ge [sflag:s23], $0x6400  }
0x417: {  	[sflag:s23] =	ssyncset.done $0x0  }
0x418: {  	s1 =	rddreg [dreg:$0xa];
	[sflag:s23] =	ssyncadd.s32 $0xFFFF9C00  }
0x419: {  	[hbm4b:s1+s2] =	stream.linear.scatter [tilespmem:s17], [sflag:$0x7], $0x6400, $0x38;
	[tilespmem:$0x19000] =	vst v63  }
0x41a: {  	_ =	swait.ge [sflag:s12], $0x6400  }
0x41b: {  	[sflag:s12] =	ssyncset.done $0x0  }
0x41c: {  	s1 =	rddreg [dreg:$0xb];
	[sflag:s12] =	ssyncadd.s32 $0xFFFF9C00  }
0x41d: {  	[tilespmem:s17], [sflag:$0x3] =	stream.linear.gather [hbm4b:s1+s2], $0x6400, $0x38;
	[tilespmem:$0x19000] =	vst v63  }
0x41e: {  	_ =	swait.ge [sflag:s21], $0x6400  }
0x41f: {  	[sflag:s21] =	ssyncset.done $0x0  }
0x420: {  	s1 =	rddreg [dreg:$0xc];
	[sflag:s21] =	ssyncadd.s32 $0xFFFF9C00  }
0x421: {  	[hbm4b:s1+s2] =	stream.linear.scatter [tilespmem:s15], [sflag:$0x8], $0x6400, $0x38;
	[tilespmem:$0x19000] =	vst v63  }
0x422: {  	_ =	swait.ge [sflag:s10], $0x6400  }
0x423: {  	[sflag:s10] =	ssyncset.done $0x0  }
0x424: {  	s1 =	rddreg [dreg:$0xd];
	[sflag:s10] =	ssyncadd.s32 $0xFFFF9C00  }
0x425: {  	[tilespmem:s15], [sflag:$0x4] =	stream.linear.gather [hbm4b:s1+s2], $0x6400, $0x38;
	[tilespmem:$0x19000] =	vst v63  }
0x426: {  	_ =	swait.ge [sflag:s11], $0x6400  }
0x427: {  	[sflag:s11] =	ssyncset.done $0x0  }
0x428: {  	s1 =	rddreg [dreg:$0xe];
	[sflag:s11] =	ssyncadd.s32 $0xFFFF9C00  }
0x429: {  	[hbm4b:s1+s2] =	stream.linear.scatter [tilespmem:s2], [sflag:$0x5], $0x6400, $0x38;
	[tilespmem:$0x19000] =	vst v63  }
0x42a: {  	_ =	swait.ge [sflag:s3], $0x6400  }
0x42b: {  	[sflag:s3] =	ssyncset.done $0x0  }
0x42c: {  	s1 =	rddreg [dreg:$0xf];
	[sflag:s3] =	ssyncadd.s32 $0xFFFF9C00  }
0x42d: {  	[tilespmem:s2], [sflag:$0x1] =	stream.linear.gather [hbm4b:s1+s2], $0x6400, $0x38;
	[tilespmem:$0x19000] =	vst v63  }
0x42e: {  	_ =	swait.ge [sflag:s13], $0x6400  }
0x42f: {  	[sflag:s13] =	ssyncset.done $0x0  }
0x430: {  	s1 =	rddreg [dreg:$0x10];
	[sflag:s13] =	ssyncadd.s32 $0xFFFF9C00  }
0x431: {  	[hbm4b:s1+s2] =	stream.linear.scatter [tilespmem:s6], [sflag:$0x6], $0x6400, $0x38;
	[tilespmem:$0x19000] =	vst v63  }
0x432: {  	_ =	swait.ge [sflag:s4], $0x6400  }
0x433: {  	[sflag:s4] =	ssyncset.done $0x0  }
0x434: {  	s1 =	rddreg [dreg:$0x11];
	[sflag:s4] =	ssyncadd.s32 $0xFFFF9C00  }
0x435: {  	[tilespmem:s6], [sflag:$0x2] =	stream.linear.gather [hbm4b:s1+s2], $0x6400, $0x38;
	[tilespmem:$0x19000] =	vst v63  }
0x436: {  	_ =	swait.ge [sflag:s23], $0x6400  }
0x437: {  	[sflag:s23] =	ssyncset.done $0x0  }
0x438: {  	s1 =	rddreg [dreg:$0x12];
	[sflag:s23] =	ssyncadd.s32 $0xFFFF9C00  }
0x439: {  	[hbm4b:s1+s2] =	stream.linear.scatter [tilespmem:s17], [sflag:$0x7], $0x6400, $0x38;
	[tilespmem:$0x19000] =	vst v63  }
0x43a: {  	_ =	swait.ge [sflag:s12], $0x6400  }
0x43b: {  	[sflag:s12] =	ssyncset.done $0x0  }
0x43c: {  	s1 =	rddreg [dreg:$0x13];
	[sflag:s12] =	ssyncadd.s32 $0xFFFF9C00  }
0x43d: {  	[tilespmem:s17], [sflag:$0x3] =	stream.linear.gather [hbm4b:s1+s2], $0x6400, $0x38;
	[tilespmem:$0x19000] =	vst v63  }
0x43e: {  	_ =	swait.ge [sflag:s21], $0x6400  }
0x43f: {  	[sflag:s21] =	ssyncset.done $0x0  }
0x440: {  	s1 =	rddreg [dreg:$0x14];
	[sflag:s21] =	ssyncadd.s32 $0xFFFF9C00  }
0x441: {  	[hbm4b:s1+s2] =	stream.linear.scatter [tilespmem:s15], [sflag:$0x8], $0x6400, $0x38;
	[tilespmem:$0x19000] =	vst v63  }
0x442: {  	_ =	swait.ge [sflag:s10], $0x6400  }
0x443: {  	[sflag:s10] =	ssyncset.done $0x0  }
0x444: {  	s1 =	rddreg [dreg:$0x15];
	[sflag:s10] =	ssyncadd.s32 $0xFFFF9C00  }
0x445: {  	[tilespmem:s15], [sflag:$0x4] =	stream.linear.gather [hbm4b:s1+s2], $0x6400, $0x38;
	[tilespmem:$0x19000] =	vst v63  }
0x446: {  	_ =	swait.ge [sflag:s11], $0x6400  }
0x447: {  	[sflag:s11] =	ssyncset.done $0x0  }
0x448: {  	s1 =	rddreg [dreg:$0x16];
	[sflag:s11] =	ssyncadd.s32 $0xFFFF9C00  }
0x449: {  	[hbm4b:s1+s2] =	stream.linear.scatter [tilespmem:s2], [sflag:$0x5], $0x6400, $0x38;
	[tilespmem:$0x19000] =	vst v63  }
0x44a: {  	_ =	swait.ge [sflag:s3], $0x6400  }
0x44b: {  	[sflag:s3] =	ssyncset.done $0x0  }
0x44c: {  	s1 =	rddreg [dreg:$0x17];
	[sflag:s3] =	ssyncadd.s32 $0xFFFF9C00  }
0x44d: {  	[tilespmem:s2], [sflag:$0x1] =	stream.linear.gather [hbm4b:s1+s2], $0x6400, $0x38;
	[tilespmem:$0x19000] =	vst v63  }
0x44e: {  	_ =	swait.ge [sflag:s13], $0x6400  }
0x44f: {  	[sflag:s13] =	ssyncset.done $0x0  }
0x450: {  	s1 =	rddreg [dreg:$0x18];
	[sflag:s13] =	ssyncadd.s32 $0xFFFF9C00  }
0x451: {  	[hbm4b:s1+s2] =	stream.linear.scatter [tilespmem:s6], [sflag:$0x6], $0x6400, $0x38;
	[tilespmem:$0x19000] =	vst v63  }
0x452: {  	_ =	swait.ge [sflag:s4], $0x6400  }
0x453: {  	[sflag:s4] =	ssyncset.done $0x0  }
0x454: {  	s1 =	rddreg [dreg:$0x19];
	[sflag:s4] =	ssyncadd.s32 $0xFFFF9C00  }
0x455: {  	[tilespmem:s6], [sflag:$0x2] =	stream.linear.gather [hbm4b:s1+s2], $0x6400, $0x38;
	[tilespmem:$0x19000] =	vst v63  }
0x456: {  	_ =	swait.ge [sflag:s23], $0x6400  }
0x457: {  	[sflag:s23] =	ssyncset.done $0x0  }
0x458: {  	s1 =	rddreg [dreg:$0x1a];
	[sflag:s23] =	ssyncadd.s32 $0xFFFF9C00  }
0x459: {  	[hbm4b:s1+s2] =	stream.linear.scatter [tilespmem:s17], [sflag:$0x7], $0x6400, $0x38;
	[tilespmem:$0x19000] =	vst v63  }
0x45a: {  	_ =	swait.ge [sflag:s12], $0x6400  }
0x45b: {  	[sflag:s12] =	ssyncset.done $0x0  }
0x45c: {  	s1 =	rddreg [dreg:$0x1b];
	[sflag:s12] =	ssyncadd.s32 $0xFFFF9C00  }
0x45d: {  	[tilespmem:s17], [sflag:$0x3] =	stream.linear.gather [hbm4b:s1+s2], $0x6400, $0x38;
	[tilespmem:$0x19000] =	vst v63  }
0x45e: {  	_ =	swait.ge [sflag:s21], $0x6400  }
0x45f: {  	[sflag:s21] =	ssyncset.done $0x0  }
0x460: {  	s1 =	rddreg [dreg:$0x1c];
	[sflag:s21] =	ssyncadd.s32 $0xFFFF9C00  }
0x461: {  	[hbm4b:s1+s2] =	stream.linear.scatter [tilespmem:s15], [sflag:$0x8], $0x6400, $0x38;
	[tilespmem:$0x19000] =	vst v63  }
0x462: {  	_ =	swait.ge [sflag:s10], $0x6400  }
0x463: {  	[sflag:s10] =	ssyncset.done $0x0  }
0x464: {  	s1 =	rddreg [dreg:$0x1d];
	[sflag:s10] =	ssyncadd.s32 $0xFFFF9C00  }
0x465: {  	[tilespmem:s15], [sflag:$0x4] =	stream.linear.gather [hbm4b:s1+s2], $0x6400, $0x38;
	[tilespmem:$0x19000] =	vst v63  }
0x466: {  	_ =	swait.ge [sflag:s11], $0x6400  }
0x467: {  	[sflag:s11] =	ssyncset.done $0x0  }
0x468: {  	s1 =	rddreg [dreg:$0x1e];
	[sflag:s11] =	ssyncadd.s32 $0xFFFF9C00  }
0x469: {  	[hbm4b:s1+s2] =	stream.linear.scatter [tilespmem:s2], [sflag:$0x5], $0x6400, $0x38;
	[tilespmem:$0x19000] =	vst v63  }
0x46a: {  	_ =	swait.ge [sflag:s3], $0x6400  }
0x46b: {  	[sflag:s3] =	ssyncset.done $0x0  }
0x46c: {  	s1 =	rddreg [dreg:$0x1f];
	[sflag:s3] =	ssyncadd.s32 $0xFFFF9C00  }
0x46d: {  	[tilespmem:s2], [sflag:$0x1] =	stream.linear.gather [hbm4b:s1+s2], $0x6400, $0x38;
	[tilespmem:$0x19000] =	vst v63  }
0x46e: {  	_ =	swait.ge [sflag:s13], $0x6400  }
0x46f: {  	s1 =	sld [smem:$0x7C9]  }
0x470: {  	[sflag:s13] =	ssyncset.done $0x0  }
0x471: {  	[sflag:s13] =	ssyncadd.s32 $0xFFFF9C00  }
0x472: {  	[hbm4b:s1+s2] =	stream.linear.scatter [tilespmem:s6], [sflag:$0x6], $0x6400, $0x38;
	[tilespmem:$0x19000] =	vst v63  }
0x473: {  	_ =	swait.ge [sflag:s4], $0x6400  }
0x474: {  	s1 =	sld [smem:$0x7CA]  }
0x475: {  	[sflag:s4] =	ssyncset.done $0x0  }
0x476: {  	[sflag:s4] =	ssyncadd.s32 $0xFFFF9C00  }
0x477: {  	[tilespmem:s6], [sflag:$0x2] =	stream.linear.gather [hbm4b:s1+s2], $0x6400, $0x38;
	[tilespmem:$0x19000] =	vst v63  }
0x478: {  	_ =	swait.ge [sflag:s23], $0x6400  }
0x479: {  	s1 =	sld [smem:$0x7CB]  }
0x47a: {  	[sflag:s23] =	ssyncset.done $0x0  }
0x47b: {  	[sflag:s23] =	ssyncadd.s32 $0xFFFF9C00  }
0x47c: {  	[hbm4b:s1+s2] =	stream.linear.scatter [tilespmem:s17], [sflag:$0x7], $0x6400, $0x38;
	[tilespmem:$0x19000] =	vst v63  }
0x47d: {  	_ =	swait.ge [sflag:s12], $0x6400  }
0x47e: {  	s1 =	sld [smem:$0x7CC]  }
0x47f: {  	[sflag:s12] =	ssyncset.done $0x0  }
0x480: {  	[sflag:s12] =	ssyncadd.s32 $0xFFFF9C00  }
0x481: {  	[tilespmem:s17], [sflag:$0x3] =	stream.linear.gather [hbm4b:s1+s2], $0x6400, $0x38;
	[tilespmem:$0x19000] =	vst v63  }
0x482: {  	_ =	swait.ge [sflag:s21], $0x6400  }
0x483: {  	s1 =	sld [smem:$0x7CD]  }
0x484: {  	[sflag:s21] =	ssyncset.done $0x0  }
0x485: {  	[sflag:s21] =	ssyncadd.s32 $0xFFFF9C00  }
0x486: {  	[hbm4b:s1+s2] =	stream.linear.scatter [tilespmem:s15], [sflag:$0x8], $0x6400, $0x38;
	[tilespmem:$0x19000] =	vst v63  }
0x487: {  	_ =	swait.ge [sflag:s10], $0x6400  }
0x488: {  	s1 =	sld [smem:$0x7CE]  }
0x489: {  	[sflag:s10] =	ssyncset.done $0x0  }
0x48a: {  	[sflag:s10] =	ssyncadd.s32 $0xFFFF9C00  }
0x48b: {  	[tilespmem:s15], [sflag:$0x4] =	stream.linear.gather [hbm4b:s1+s2], $0x6400, $0x38;
	[tilespmem:$0x19000] =	vst v63  }
0x48c: {  	_ =	swait.ge [sflag:s11], $0x6400  }
0x48d: {  	s1 =	sld [smem:$0x7CF]  }
0x48e: {  	[sflag:s11] =	ssyncset.done $0x0  }
0x48f: {  	[sflag:s11] =	ssyncadd.s32 $0xFFFF9C00  }
0x490: {  	[hbm4b:s1+s2] =	stream.linear.scatter [tilespmem:s2], [sflag:$0x5], $0x6400, $0x38;
	[tilespmem:$0x19000] =	vst v63  }
0x491: {  	_ =	swait.ge [sflag:s3], $0x6400  }
0x492: {  	s1 =	sld [smem:$0x7D0]  }
0x493: {  	[sflag:s3] =	ssyncset.done $0x0  }
0x494: {  	[sflag:s3] =	ssyncadd.s32 $0xFFFF9C00  }
0x495: {  	[tilespmem:s2], [sflag:$0x1] =	stream.linear.gather [hbm4b:s1+s2], $0x6400, $0x38;
	[tilespmem:$0x19000] =	vst v63  }
0x496: {  	_ =	swait.ge [sflag:s13], $0x6400  }
0x497: {  	s1 =	sld [smem:$0x7D1]  }
0x498: {  	[sflag:s13] =	ssyncset.done $0x0  }
0x499: {  	[sflag:s13] =	ssyncadd.s32 $0xFFFF9C00  }
0x49a: {  	[hbm4b:s1+s2] =	stream.linear.scatter [tilespmem:s6], [sflag:$0x6], $0x6400, $0x38;
	[tilespmem:$0x19000] =	vst v63  }
0x49b: {  	_ =	swait.ge [sflag:s4], $0x6400  }
0x49c: {  	s1 =	sld [smem:$0x7D2]  }
0x49d: {  	[sflag:s4] =	ssyncset.done $0x0  }
0x49e: {  	[sflag:s4] =	ssyncadd.s32 $0xFFFF9C00  }
0x49f: {  	[tilespmem:s6], [sflag:$0x2] =	stream.linear.gather [hbm4b:s1+s2], $0x6400, $0x38;
	[tilespmem:$0x19000] =	vst v63  }
0x4a0: {  	_ =	swait.ge [sflag:s23], $0x6400  }
0x4a1: {  	s1 =	sld [smem:$0x7D3]  }
0x4a2: {  	[sflag:s23] =	ssyncset.done $0x0  }
0x4a3: {  	[sflag:s23] =	ssyncadd.s32 $0xFFFF9C00  }
0x4a4: {  	[hbm4b:s1+s2] =	stream.linear.scatter [tilespmem:s17], [sflag:$0x7], $0x6400, $0x38;
	[tilespmem:$0x19000] =	vst v63  }
0x4a5: {  	_ =	swait.ge [sflag:s12], $0x6400  }
0x4a6: {  	s1 =	sld [smem:$0x7D4]  }
0x4a7: {  	[sflag:s12] =	ssyncset.done $0x0  }
0x4a8: {  	[sflag:s12] =	ssyncadd.s32 $0xFFFF9C00  }
0x4a9: {  	[tilespmem:s17], [sflag:$0x3] =	stream.linear.gather [hbm4b:s1+s2], $0x6400, $0x38;
	[tilespmem:$0x19000] =	vst v63  }
0x4aa: {  	_ =	swait.ge [sflag:s21], $0x6400  }
0x4ab: {  	s1 =	sld [smem:$0x7D5]  }
0x4ac: {  	[sflag:s21] =	ssyncset.done $0x0  }
0x4ad: {  	[sflag:s21] =	ssyncadd.s32 $0xFFFF9C00  }
0x4ae: {  	[hbm4b:s1+s2] =	stream.linear.scatter [tilespmem:s15], [sflag:$0x8], $0x6400, $0x38;
	[tilespmem:$0x19000] =	vst v63  }
0x4af: {  	_ =	swait.ge [sflag:s10], $0x6400  }
0x4b0: {  	s1 =	sld [smem:$0x7D6]  }
0x4b1: {  	[sflag:s10] =	ssyncset.done $0x0  }
0x4b2: {  	[sflag:s10] =	ssyncadd.s32 $0xFFFF9C00  }
0x4b3: {  	[tilespmem:s15], [sflag:$0x4] =	stream.linear.gather [hbm4b:s1+s2], $0x6400, $0x38;
	[tilespmem:$0x19000] =	vst v63  }
0x4b4: {  	_ =	swait.ge [sflag:s11], $0x6400  }
0x4b5: {  	s1 =	sld [smem:$0x7D7]  }
0x4b6: {  	[sflag:s11] =	ssyncset.done $0x0  }
0x4b7: {  	[sflag:s11] =	ssyncadd.s32 $0xFFFF9C00  }
0x4b8: {  	[hbm4b:s1+s2] =	stream.linear.scatter [tilespmem:s2], [sflag:$0x5], $0x6400, $0x38;
	[tilespmem:$0x19000] =	vst v63  }
0x4b9: {  	_ =	swait.ge [sflag:s3], $0x6400  }
0x4ba: {  	s1 =	sld [smem:$0x7D8]  }
0x4bb: {  	[sflag:s3] =	ssyncset.done $0x0  }
0x4bc: {  	[sflag:s3] =	ssyncadd.s32 $0xFFFF9C00  }
0x4bd: {  	[tilespmem:s2], [sflag:$0x1] =	stream.linear.gather [hbm4b:s1+s2], $0x6400, $0x38;
	[tilespmem:$0x19000] =	vst v63  }
0x4be: {  	_ =	swait.ge [sflag:s13], $0x6400  }
0x4bf: {  	s1 =	sld [smem:$0x7D9]  }
0x4c0: {  	[sflag:s13] =	ssyncset.done $0x0  }
0x4c1: {  	[sflag:s13] =	ssyncadd.s32 $0xFFFF9C00  }
0x4c2: {  	[hbm4b:s1+s2] =	stream.linear.scatter [tilespmem:s6], [sflag:$0x6], $0x6400, $0x38;
	[tilespmem:$0x19000] =	vst v63  }
0x4c3: {  	_ =	swait.ge [sflag:s4], $0x6400  }
0x4c4: {  	s1 =	sld [smem:$0x7DA]  }
0x4c5: {  	[sflag:s4] =	ssyncset.done $0x0  }
0x4c6: {  	[sflag:s4] =	ssyncadd.s32 $0xFFFF9C00  }
0x4c7: {  	[tilespmem:s6], [sflag:$0x2] =	stream.linear.gather [hbm4b:s1+s2], $0x6400, $0x38;
	[tilespmem:$0x19000] =	vst v63  }
0x4c8: {  	_ =	swait.ge [sflag:s23], $0x6400  }
0x4c9: {  	s1 =	sld [smem:$0x7DB]  }
0x4ca: {  	[sflag:s23] =	ssyncset.done $0x0  }
0x4cb: {  	[sflag:s23] =	ssyncadd.s32 $0xFFFF9C00  }
0x4cc: {  	[hbm4b:s1+s2] =	stream.linear.scatter [tilespmem:s17], [sflag:$0x7], $0x6400, $0x38;
	[tilespmem:$0x19000] =	vst v63  }
0x4cd: {  	_ =	swait.ge [sflag:s12], $0x6400  }
0x4ce: {  	s1 =	sld [smem:$0x7DC]  }
0x4cf: {  	[sflag:s12] =	ssyncset.done $0x0  }
0x4d0: {  	[sflag:s12] =	ssyncadd.s32 $0xFFFF9C00  }
0x4d1: {  	[tilespmem:s17], [sflag:$0x3] =	stream.linear.gather [hbm4b:s1+s2], $0x6400, $0x38;
	[tilespmem:$0x19000] =	vst v63  }
0x4d2: {  	_ =	swait.ge [sflag:s21], $0x6400  }
0x4d3: {  	s1 =	sld [smem:$0x7DD]  }
0x4d4: {  	[sflag:s21] =	ssyncset.done $0x0  }
0x4d5: {  	[sflag:s21] =	ssyncadd.s32 $0xFFFF9C00  }
0x4d6: {  	[hbm4b:s1+s2] =	stream.linear.scatter [tilespmem:s15], [sflag:$0x8], $0x6400, $0x38;
	[tilespmem:$0x19000] =	vst v63  }
0x4d7: {  	_ =	swait.ge [sflag:s10], $0x6400  }
0x4d8: {  	s1 =	sld [smem:$0x7DE]  }
0x4d9: {  	[sflag:s10] =	ssyncset.done $0x0  }
0x4da: {  	[sflag:s10] =	ssyncadd.s32 $0xFFFF9C00  }
0x4db: {  	[tilespmem:s15], [sflag:$0x4] =	stream.linear.gather [hbm4b:s1+s2], $0x6400, $0x38;
	[tilespmem:$0x19000] =	vst v63  }
0x4dc: {  	_ =	swait.ge [sflag:s11], $0x6400  }
0x4dd: {  	s1 =	sld [smem:$0x7DF]  }
0x4de: {  	[sflag:s11] =	ssyncset.done $0x0  }
0x4df: {  	[sflag:s11] =	ssyncadd.s32 $0xFFFF9C00  }
0x4e0: {  	[hbm4b:s1+s2] =	stream.linear.scatter [tilespmem:s2], [sflag:$0x5], $0x6400, $0x38;
	[tilespmem:$0x19000] =	vst v63  }
0x4e1: {  	_ =	swait.ge [sflag:s3], $0x6400  }
0x4e2: {  	s1 =	sld [smem:$0x7E0]  }
0x4e3: {  	[sflag:s3] =	ssyncset.done $0x0  }
0x4e4: {  	[sflag:s3] =	ssyncadd.s32 $0xFFFF9C00  }
0x4e5: {  	[tilespmem:s2], [sflag:$0x1] =	stream.linear.gather [hbm4b:s1+s2], $0x6400, $0x38;
	[tilespmem:$0x19000] =	vst v63  }
0x4e6: {  	_ =	swait.ge [sflag:s13], $0x6400  }
0x4e7: {  	s1 =	sld [smem:$0x7E1]  }
0x4e8: {  	[sflag:s13] =	ssyncset.done $0x0  }
0x4e9: {  	[sflag:s13] =	ssyncadd.s32 $0xFFFF9C00  }
0x4ea: {  	[hbm4b:s1+s2] =	stream.linear.scatter [tilespmem:s6], [sflag:$0x6], $0x6400, $0x38;
	[tilespmem:$0x19000] =	vst v63  }
0x4eb: {  	_ =	swait.ge [sflag:s4], $0x6400  }
0x4ec: {  	s1 =	sld [smem:$0x7E2]  }
0x4ed: {  	[sflag:s4] =	ssyncset.done $0x0  }
0x4ee: {  	[sflag:s4] =	ssyncadd.s32 $0xFFFF9C00  }
0x4ef: {  	[tilespmem:s6], [sflag:$0x2] =	stream.linear.gather [hbm4b:s1+s2], $0x6400, $0x38;
	[tilespmem:$0x19000] =	vst v63  }
0x4f0: {  	_ =	swait.ge [sflag:s23], $0x6400  }
0x4f1: {  	s1 =	sld [smem:$0x7E3]  }
0x4f2: {  	[sflag:s23] =	ssyncset.done $0x0  }
0x4f3: {  	[sflag:s23] =	ssyncadd.s32 $0xFFFF9C00  }
0x4f4: {  	[hbm4b:s1+s2] =	stream.linear.scatter [tilespmem:s17], [sflag:$0x7], $0x6400, $0x38;
	[tilespmem:$0x19000] =	vst v63  }
0x4f5: {  	_ =	swait.ge [sflag:s12], $0x6400  }
0x4f6: {  	s1 =	sld [smem:$0x7E4]  }
0x4f7: {  	[sflag:s12] =	ssyncset.done $0x0  }
0x4f8: {  	[sflag:s12] =	ssyncadd.s32 $0xFFFF9C00  }
0x4f9: {  	[tilespmem:s17], [sflag:$0x3] =	stream.linear.gather [hbm4b:s1+s2], $0x6400, $0x38;
	[tilespmem:$0x19000] =	vst v63  }
0x4fa: {  	_ =	swait.ge [sflag:s21], $0x6400  }
0x4fb: {  	s1 =	sld [smem:$0x7E5]  }
0x4fc: {  	[sflag:s21] =	ssyncset.done $0x0  }
0x4fd: {  	[sflag:s21] =	ssyncadd.s32 $0xFFFF9C00  }
0x4fe: {  	[hbm4b:s1+s2] =	stream.linear.scatter [tilespmem:s15], [sflag:$0x8], $0x6400, $0x38;
	[tilespmem:$0x19000] =	vst v63  }
0x4ff: {  	_ =	swait.ge [sflag:s10], $0x6400  }
0x500: {  	s1 =	sld [smem:$0x7E6]  }
0x501: {  	[sflag:s10] =	ssyncset.done $0x0  }
0x502: {  	[sflag:s10] =	ssyncadd.s32 $0xFFFF9C00  }
0x503: {  	[tilespmem:s15], [sflag:$0x4] =	stream.linear.gather [hbm4b:s1+s2], $0x6400, $0x38;
	[tilespmem:$0x19000] =	vst v63  }
0x504: {  	_ =	swait.ge [sflag:s11], $0x6400  }
0x505: {  	s1 =	sld [smem:$0x7E7]  }
0x506: {  	[sflag:s11] =	ssyncset.done $0x0  }
0x507: {  	[sflag:s11] =	ssyncadd.s32 $0xFFFF9C00  }
0x508: {  	[hbm4b:s1+s2] =	stream.linear.scatter [tilespmem:s2], [sflag:$0x5], $0x6400, $0x38;
	[tilespmem:$0x19000] =	vst v63  }
0x509: {  	_ =	swait.ge [sflag:s3], $0x6400  }
0x50a: {  	s1 =	sld [smem:$0x7E8]  }
0x50b: {  	[sflag:s3] =	ssyncset.done $0x0  }
0x50c: {  	[sflag:s3] =	ssyncadd.s32 $0xFFFF9C00  }
0x50d: {  	[tilespmem:s2], [sflag:$0x1] =	stream.linear.gather [hbm4b:s1+s2], $0x6400, $0x38;
	[tilespmem:$0x19000] =	vst v63  }
0x50e: {  	_ =	swait.ge [sflag:s13], $0x6400  }
0x50f: {  	s1 =	sld [smem:$0x7E9]  }
0x510: {  	[sflag:s13] =	ssyncset.done $0x0  }
0x511: {  	[sflag:s13] =	ssyncadd.s32 $0xFFFF9C00  }
0x512: {  	[hbm4b:s1+s2] =	stream.linear.scatter [tilespmem:s6], [sflag:$0x6], $0x6400, $0x38;
	[tilespmem:$0x19000] =	vst v63  }
0x513: {  	_ =	swait.ge [sflag:s4], $0x6400  }
0x514: {  	s1 =	sld [smem:$0x7EA]  }
0x515: {  	[sflag:s4] =	ssyncset.done $0x0  }
0x516: {  	[sflag:s4] =	ssyncadd.s32 $0xFFFF9C00  }
0x517: {  	[tilespmem:s6], [sflag:$0x2] =	stream.linear.gather [hbm4b:s1+s2], $0x6400, $0x38;
	[tilespmem:$0x19000] =	vst v63  }
0x518: {  	_ =	swait.ge [sflag:s23], $0x6400  }
0x519: {  	s1 =	sld [smem:$0x7EB]  }
0x51a: {  	[sflag:s23] =	ssyncset.done $0x0  }
0x51b: {  	[sflag:s23] =	ssyncadd.s32 $0xFFFF9C00  }
0x51c: {  	[hbm4b:s1+s2] =	stream.linear.scatter [tilespmem:s17], [sflag:$0x7], $0x6400, $0x38;
	[tilespmem:$0x19000] =	vst v63  }
0x51d: {  	_ =	swait.ge [sflag:s12], $0x6400  }
0x51e: {  	s1 =	sld [smem:$0x7EC]  }
0x51f: {  	[sflag:s12] =	ssyncset.done $0x0  }
0x520: {  	[sflag:s12] =	ssyncadd.s32 $0xFFFF9C00  }
0x521: {  	[tilespmem:s17], [sflag:$0x3] =	stream.linear.gather [hbm4b:s1+s2], $0x6400, $0x38;
	[tilespmem:$0x19000] =	vst v63  }
0x522: {  	_ =	swait.ge [sflag:s21], $0x6400  }
0x523: {  	s1 =	sld [smem:$0x7ED]  }
0x524: {  	[sflag:s21] =	ssyncset.done $0x0  }
0x525: {  	[sflag:s21] =	ssyncadd.s32 $0xFFFF9C00  }
0x526: {  	[hbm4b:s1+s2] =	stream.linear.scatter [tilespmem:s15], [sflag:$0x8], $0x6400, $0x38;
	[tilespmem:$0x19000] =	vst v63  }
0x527: {  	_ =	swait.ge [sflag:s10], $0x6400  }
0x528: {  	s1 =	sld [smem:$0x7EE]  }
0x529: {  	[sflag:s10] =	ssyncset.done $0x0  }
0x52a: {  	[sflag:s10] =	ssyncadd.s32 $0xFFFF9C00  }
0x52b: {  	[tilespmem:s15], [sflag:$0x4] =	stream.linear.gather [hbm4b:s1+s2], $0x6400, $0x38;
	[tilespmem:$0x19000] =	vst v63  }
0x52c: {  	_ =	swait.ge [sflag:s11], $0x6400  }
0x52d: {  	s1 =	sld [smem:$0x7EF]  }
0x52e: {  	[sflag:s11] =	ssyncset.done $0x0  }
0x52f: {  	[sflag:s11] =	ssyncadd.s32 $0xFFFF9C00  }
0x530: {  	[hbm4b:s1+s2] =	stream.linear.scatter [tilespmem:s2], [sflag:$0x5], $0x6400, $0x38;
	[tilespmem:$0x19000] =	vst v63  }
0x531: {  	_ =	swait.ge [sflag:s3], $0x6400  }
0x532: {  	s1 =	sld [smem:$0x7F0]  }
0x533: {  	[sflag:s3] =	ssyncset.done $0x0  }
0x534: {  	[sflag:s3] =	ssyncadd.s32 $0xFFFF9C00  }
0x535: {  	[tilespmem:s2], [sflag:$0x1] =	stream.linear.gather [hbm4b:s1+s2], $0x6400, $0x38;
	[tilespmem:$0x19000] =	vst v63  }
0x536: {  	_ =	swait.ge [sflag:s13], $0x6400  }
0x537: {  	s1 =	sld [smem:$0x7F1]  }
0x538: {  	[sflag:s13] =	ssyncset.done $0x0  }
0x539: {  	[sflag:s13] =	ssyncadd.s32 $0xFFFF9C00  }
0x53a: {  	[hbm4b:s1+s2] =	stream.linear.scatter [tilespmem:s6], [sflag:$0x6], $0x6400, $0x38;
	[tilespmem:$0x19000] =	vst v63  }
0x53b: {  	_ =	swait.ge [sflag:s4], $0x6400  }
0x53c: {  	s1 =	sld [smem:$0x7F2]  }
0x53d: {  	[sflag:s4] =	ssyncset.done $0x0  }
0x53e: {  	[sflag:s4] =	ssyncadd.s32 $0xFFFF9C00  }
0x53f: {  	[tilespmem:s6], [sflag:$0x2] =	stream.linear.gather [hbm4b:s1+s2], $0x6400, $0x38;
	[tilespmem:$0x19000] =	vst v63  }
0x540: {  	_ =	swait.ge [sflag:s23], $0x6400  }
0x541: {  	s1 =	sld [smem:$0x7F3]  }
0x542: {  	[sflag:s23] =	ssyncset.done $0x0  }
0x543: {  	[sflag:s23] =	ssyncadd.s32 $0xFFFF9C00  }
0x544: {  	[hbm4b:s1+s2] =	stream.linear.scatter [tilespmem:s17], [sflag:$0x7], $0x6400, $0x38;
	[tilespmem:$0x19000] =	vst v63  }
0x545: {  	_ =	swait.ge [sflag:s12], $0x6400  }
0x546: {  	s1 =	sld [smem:$0x7F4]  }
0x547: {  	[sflag:s12] =	ssyncset.done $0x0  }
0x548: {  	[sflag:s12] =	ssyncadd.s32 $0xFFFF9C00  }
0x549: {  	[tilespmem:s17], [sflag:$0x3] =	stream.linear.gather [hbm4b:s1+s2], $0x6400, $0x38;
	[tilespmem:$0x19000] =	vst v63  }
0x54a: {  	_ =	swait.ge [sflag:s21], $0x6400  }
0x54b: {  	s1 =	sld [smem:$0x7F5]  }
0x54c: {  	[sflag:s21] =	ssyncset.done $0x0  }
0x54d: {  	[sflag:s21] =	ssyncadd.s32 $0xFFFF9C00  }
0x54e: {  	[hbm4b:s1+s2] =	stream.linear.scatter [tilespmem:s15], [sflag:$0x8], $0x6400, $0x38;
	[tilespmem:$0x19000] =	vst v63  }
0x54f: {  	_ =	swait.ge [sflag:s10], $0x6400  }
0x550: {  	s1 =	sld [smem:$0x7F6]  }
0x551: {  	[sflag:s10] =	ssyncset.done $0x0  }
0x552: {  	[sflag:s10] =	ssyncadd.s32 $0xFFFF9C00  }
0x553: {  	[tilespmem:s15], [sflag:$0x4] =	stream.linear.gather [hbm4b:s1+s2], $0x6400, $0x38;
	[tilespmem:$0x19000] =	vst v63  }
0x554: {  	_ =	swait.ge [sflag:s11], $0x6400  }
0x555: {  	s1 =	sld [smem:$0x7F7]  }
0x556: {  	[sflag:s11] =	ssyncset.done $0x0  }
0x557: {  	[sflag:s11] =	ssyncadd.s32 $0xFFFF9C00  }
0x558: {  	[hbm4b:s1+s2] =	stream.linear.scatter [tilespmem:s2], [sflag:$0x5], $0x6400, $0x38;
	[tilespmem:$0x19000] =	vst v63  }
0x559: {  	_ =	swait.ge [sflag:s3], $0x6400  }
0x55a: {  	s1 =	sld [smem:$0x7F8]  }
0x55b: {  	[sflag:s3] =	ssyncset.done $0x0  }
0x55c: {  	[sflag:s3] =	ssyncadd.s32 $0xFFFF9C00  }
0x55d: {  	[tilespmem:s2], [sflag:$0x1] =	stream.linear.gather [hbm4b:s1+s2], $0x6400, $0x38;
	[tilespmem:$0x19000] =	vst v63  }
0x55e: {  	_ =	swait.ge [sflag:s13], $0x6400  }
0x55f: {  	s1 =	sld [smem:$0x7F9]  }
0x560: {  	[sflag:s13] =	ssyncset.done $0x0  }
0x561: {  	[sflag:s13] =	ssyncadd.s32 $0xFFFF9C00  }
0x562: {  	[hbm4b:s1+s2] =	stream.linear.scatter [tilespmem:s6], [sflag:$0x6], $0x6400, $0x38;
	[tilespmem:$0x19000] =	vst v63  }
0x563: {  	_ =	swait.ge [sflag:s4], $0x6400  }
0x564: {  	s1 =	sld [smem:$0x7FA]  }
0x565: {  	[sflag:s4] =	ssyncset.done $0x0  }
0x566: {  	[sflag:s4] =	ssyncadd.s32 $0xFFFF9C00  }
0x567: {  	[tilespmem:s6], [sflag:$0x2] =	stream.linear.gather [hbm4b:s1+s2], $0x6400, $0x38;
	[tilespmem:$0x19000] =	vst v63  }
0x568: {  	_ =	swait.ge [sflag:s23], $0x6400  }
0x569: {  	s1 =	sld [smem:$0x7FB]  }
0x56a: {  	[sflag:s23] =	ssyncset.done $0x0  }
0x56b: {  	[sflag:s23] =	ssyncadd.s32 $0xFFFF9C00  }
0x56c: {  	[hbm4b:s1+s2] =	stream.linear.scatter [tilespmem:s17], [sflag:$0x7], $0x6400, $0x38;
	[tilespmem:$0x19000] =	vst v63  }
0x56d: {  	_ =	swait.ge [sflag:s12], $0x6400  }
0x56e: {  	s1 =	sld [smem:$0x7FC]  }
0x56f: {  	[sflag:s12] =	ssyncset.done $0x0  }
0x570: {  	[sflag:s12] =	ssyncadd.s32 $0xFFFF9C00  }
0x571: {  	[tilespmem:s17], [sflag:$0x3] =	stream.linear.gather [hbm4b:s1+s2], $0x6400, $0x38;
	[tilespmem:$0x19000] =	vst v63  }
0x572: {  	_ =	swait.ge [sflag:s21], $0x6400  }
0x573: {  	s1 =	sld [smem:$0x7FD]  }
0x574: {  	[sflag:s21] =	ssyncset.done $0x0  }
0x575: {  	[sflag:s21] =	ssyncadd.s32 $0xFFFF9C00  }
0x576: {  	[hbm4b:s1+s2] =	stream.linear.scatter [tilespmem:s15], [sflag:$0x8], $0x6400, $0x38;
	[tilespmem:$0x19000] =	vst v63  }
0x577: {  	_ =	swait.ge [sflag:s10], $0x6400  }
0x578: {  	[sflag:s10] =	ssyncset.done $0x0  }
0x579: {  	[sflag:s10] =	ssyncadd.s32 $0xFFFF9C00  }
0x57a: {  	[tilespmem:s15], [sflag:$0x4] =	stream.linear.gather [hbm4b:s31+s2], $0x6400, $0x38;
	[tilespmem:$0x19000] =	vst v63  }
0x57b: {  	_ =	swait.ge [sflag:s11], $0x6400  }
0x57c: {  	[sflag:s11] =	ssyncset.done $0x0  }
0x57d: {  	[sflag:s11] =	ssyncadd.s32 $0xFFFF9C00  }
0x57e: {  	[hbm4b:s30+s2] =	stream.linear.scatter [tilespmem:s2], [sflag:$0x5], $0x6400, $0x38;
	[tilespmem:$0x19000] =	vst v63  }
0x57f: {  	_ =	swait.ge [sflag:s3], $0x6400  }
0x580: {  	[sflag:s3] =	ssyncset.done $0x0  }
0x581: {  	[sflag:s3] =	ssyncadd.s32 $0xFFFF9C00  }
0x582: {  	[tilespmem:s2], [sflag:$0x1] =	stream.linear.gather [hbm4b:s29+s2], $0x6400, $0x38;
	[tilespmem:$0x19000] =	vst v63  }
0x583: {  	_ =	swait.ge [sflag:s13], $0x6400  }
0x584: {  	[sflag:s13] =	ssyncset.done $0x0  }
0x585: {  	[sflag:s13] =	ssyncadd.s32 $0xFFFF9C00  }
0x586: {  	[hbm4b:s28+s2] =	stream.linear.scatter [tilespmem:s6], [sflag:$0x6], $0x6400, $0x38;
	[tilespmem:$0x19000] =	vst v63  }
0x587: {  	_ =	swait.ge [sflag:s4], $0x6400  }
0x588: {  	[sflag:s4] =	ssyncset.done $0x0  }
0x589: {  	[sflag:s4] =	ssyncadd.s32 $0xFFFF9C00  }
0x58a: {  	[tilespmem:s6], [sflag:$0x2] =	stream.linear.gather [hbm4b:s26+s2], $0x6400, $0x38;
	[tilespmem:$0x19000] =	vst v63  }
0x58b: {  	_ =	swait.ge [sflag:s23], $0x6400  }
0x58c: {  	[sflag:s23] =	ssyncset.done $0x0  }
0x58d: {  	[sflag:s23] =	ssyncadd.s32 $0xFFFF9C00  }
0x58e: {  	[hbm4b:s25+s2] =	stream.linear.scatter [tilespmem:s17], [sflag:$0x7], $0x6400, $0x38;
	[tilespmem:$0x19000] =	vst v63  }
0x58f: {  	_ =	swait.ge [sflag:s12], $0x6400  }
0x590: {  	[sflag:s12] =	ssyncset.done $0x0  }
0x591: {  	[sflag:s12] =	ssyncadd.s32 $0xFFFF9C00  }
0x592: {  	[tilespmem:s17], [sflag:$0x3] =	stream.linear.gather [hbm4b:s24+s2], $0x6400, $0x38;
	[tilespmem:$0x19000] =	vst v63  }
0x593: {  	_ =	swait.ge [sflag:s21], $0x6400  }
0x594: {  	[sflag:s21] =	ssyncset.done $0x0  }
0x595: {  	[sflag:s21] =	ssyncadd.s32 $0xFFFF9C00  }
0x596: {  	[hbm4b:s22+s2] =	stream.linear.scatter [tilespmem:s15], [sflag:$0x8], $0x6400, $0x38;
	[tilespmem:$0x19000] =	vst v63  }
0x597: {  	_ =	swait.ge [sflag:s10], $0x6400  }
0x598: {  	[sflag:s10] =	ssyncset.done $0x0  }
0x599: {  	[sflag:s10] =	ssyncadd.s32 $0xFFFF9C00  }
0x59a: {  	[tilespmem:s15], [sflag:$0x4] =	stream.linear.gather [hbm4b:s20+s2], $0x6400, $0x38;
	[tilespmem:$0x19000] =	vst v63  }
0x59b: {  	_ =	swait.ge [sflag:s11], $0x6400  }
0x59c: {  	[sflag:s11] =	ssyncset.done $0x0  }
0x59d: {  	[sflag:s11] =	ssyncadd.s32 $0xFFFF9C00  }
0x59e: {  	[hbm4b:s19+s2] =	stream.linear.scatter [tilespmem:s2], [sflag:$0x5], $0x6400, $0x38;
	[tilespmem:$0x19000] =	vst v63  }
0x59f: {  	_ =	swait.ge [sflag:s3], $0x6400  }
0x5a0: {  	[sflag:s3] =	ssyncset.done $0x0  }
0x5a1: {  	[sflag:s3] =	ssyncadd.s32 $0xFFFF9C00  }
0x5a2: {  	[tilespmem:s2], [sflag:$0x1] =	stream.linear.gather [hbm4b:s18+s2], $0x6400, $0x38;
	[tilespmem:$0x19000] =	vst v63  }
0x5a3: {  	_ =	swait.ge [sflag:s13], $0x6400  }
0x5a4: {  	[sflag:s13] =	ssyncset.done $0x0  }
0x5a5: {  	[sflag:s13] =	ssyncadd.s32 $0xFFFF9C00  }
0x5a6: {  	[hbm4b:s16+s2] =	stream.linear.scatter [tilespmem:s6], [sflag:$0x6], $0x6400, $0x38;
	[tilespmem:$0x19000] =	vst v63  }
0x5a7: {  	_ =	swait.ge [sflag:s4], $0x6400  }
0x5a8: {  	[sflag:s4] =	ssyncset.done $0x0  }
0x5a9: {  	[sflag:s4] =	ssyncadd.s32 $0xFFFF9C00  }
0x5aa: {  	[tilespmem:s6], [sflag:$0x2] =	stream.linear.gather [hbm4b:s14+s2], $0x6400, $0x38;
	[tilespmem:$0x19000] =	vst v63  }
0x5ab: {  	_ =	swait.ge [sflag:s23], $0x6400  }
0x5ac: {  	[sflag:s23] =	ssyncset.done $0x0  }
0x5ad: {  	[sflag:s23] =	ssyncadd.s32 $0xFFFF9C00  }
0x5ae: {  	[hbm4b:s9+s2] =	stream.linear.scatter [tilespmem:s17], [sflag:$0x7], $0x6400, $0x38;
	[tilespmem:$0x19000] =	vst v63  }
0x5af: {  	_ =	swait.ge [sflag:s21], $0x6400  }
0x5b0: {  	[sflag:s21] =	ssyncset.done $0x0  }
0x5b1: {  	[sflag:s21] =	ssyncadd.s32 $0xFFFF9C00  }
0x5b2: {  	[hbm4b:s8+s2] =	stream.linear.scatter [tilespmem:s15], [sflag:$0x8], $0x6400, $0x38;
	[tilespmem:$0x19000] =	vst v63  }
0x5b3: {  	_ =	swait.ge [sflag:s11], $0x6400  }
0x5b4: {  	[sflag:s11] =	ssyncset.done $0x0  }
0x5b5: {  	[sflag:s11] =	ssyncadd.s32 $0xFFFF9C00  }
0x5b6: {  	[hbm4b:s7+s2] =	stream.linear.scatter [tilespmem:s2], [sflag:$0x5], $0x6400, $0x38;
	[tilespmem:$0x19000] =	vst v63  }
0x5b7: {  	_ =	swait.ge [sflag:s13], $0x6400  }
0x5b8: {  	[sflag:s13] =	ssyncset.done $0x0  }
0x5b9: {  	[sflag:s13] =	ssyncadd.s32 $0xFFFF9C00  }
0x5ba: {  	[hbm4b:s5+s2] =	stream.linear.scatter [tilespmem:s6], [sflag:$0x6], $0x6400, $0x38;
	[tilespmem:$0x19000] =	vst v63  }
0x5bb: {  	_ =	swait.ge [sflag:s12], $0x6400  }
0x5bc: {  	[sflag:s12] =	ssyncset.done $0x0  }
0x5bd: {  	[sflag:s12] =	ssyncadd.s32 $0xFFFF9C00  }
0x5be: {  	_ =	swait.ge [sflag:s10], $0x6400  }
0x5bf: {  	[sflag:s10] =	ssyncset.done $0x0  }
0x5c0: {  	[sflag:s10] =	ssyncadd.s32 $0xFFFF9C00  }
0x5c1: {  	_ =	swait.ge [sflag:s3], $0x6400  }
0x5c2: {  	[sflag:s3] =	ssyncset.done $0x0  }
0x5c3: {  	[sflag:s3] =	ssyncadd.s32 $0xFFFF9C00  }
0x5c4: {  	_ =	swait.ge [sflag:s4], $0x6400  }
0x5c5: {  	[sflag:s4] =	ssyncset.done $0x0  }
0x5c6: {  	[sflag:s4] =	ssyncadd.s32 $0xFFFF9C00  }
0x5c7: {  	_ =	sfence.sel $0x180000  }
0x5c8: {  	[bflag:$0x0] =	sbarrier.arrive $0xFFFF  }
0x5c9: {  	_ =	strace $0x90000047  }
0x5ca: {  	s31 =	stileid.u32;
	[bflag:$0x2] =	sbarrier.arrive $0xFFFF  }
0x5cb: {  	p0 =	sne.s32 s31, $0x0;
	s0 =	rddreg [dreg:$0x1]  }
0x5cc: {  	s0 =	sadd.s32 @!p0 $0x100000, s0  }
0x5cd: {  	[sflag:s0] =	ssyncadd.tile.s32 @!p0 $0x1;
	_ =	shalt  }
.Lfunc_end2:
_tile_overlayer_lowered:
.L_overlay_start_2:
0x5ce: {  	(tag) =	ssettag $0x2  }
0x5cf: {  	s0 =	rddreg [dreg:$0x0];
	s2 =	stileid.u32  }
0x5d0: {  	s1 =	rddreg [dreg:$0x1];
	p0 =	sne.s32 s2, $0x0  }
0x5d1: {  	s3 =	rddreg [dreg:$0x2];
	[bflag:$0x3] =	sbarrier.arrive $0xFFFF;
	s2 =	simm.s32 @!p0 $0x1C09  }
0x5d2: {  	[timem:s3], [sflag:s2] =	dma.local @!p0 [hbm:s0], s1  }
0x5d3: {  	s0 =	simm.s32 @!p0 $0x9  }
0x5d4: {  	_ =	swait.ge @!p0 [sflag:s0], s1  }
0x5d5: {  	s1 =	ssub.s32 @!p0 $0x0, s1;
	[sflag:s0] =	ssyncset.done @!p0 $0x0  }
0x5d6: {  	[sflag:s0] =	ssyncadd.s32 @!p0 s1  }
0x5d7: {  	[bflag:$0x3] =	sbarrier.arrive $0xFFFF  }
0x5d8: {  	_ =	shalt  }

</sc_bundles>
